<compile_context>
chip_gen: v7x
topology: tpu7x:2x2x1
jax: 0.10.2.dev20260603
libtpu: 0.0.44.dev20260713+nightly
codegen_flags: <defaults>
</compile_context>

<pallas_src>
import jax
import jax.numpy as jnp
from jax import lax
from jax.experimental import pallas as pl
from jax.experimental.pallas import tpu as pltpu
from jax.experimental.pallas import tpu_sc as plsc

N_HEADS = 12
MAX_DIST = 128
L = 2 * MAX_DIST + 1
S = 2048
N_WORKERS = 32
RB = 8
TCB = 128
NB = S // TCB
WB = 384
CT_MAX = S - WB
W0BASE = 1664
W0N = 784
GROUP_WORDS = RB * WB
SRC_PAD = GROUP_WORDS + 32
BLK_SUBS = 4




def _sc_band_kernel(h0, nh, table_hbm, band_hbm, tbl_v, w0, src_a, src_b, sem_a, sem_b):
    slots = nh * RB
    cid = lax.axis_index("c")
    sid = lax.axis_index("s")
    wid = sid * 2 + cid

    pltpu.sync_copy(table_hbm, tbl_v)
    lanes0 = lax.iota(jnp.int32, 16)

    def build_w0(h):
        tbase = h * L

        def chunk(k, c):
            idx = (
                jnp.clip(W0BASE + k * 16 + lanes0 - (S - 1), -MAX_DIST, MAX_DIST)
                + MAX_DIST
                + tbase
            )
            w0[pl.ds(k * 16, 16)] = plsc.load_gather(tbl_v, [idx])
            return c

        lax.fori_loop(0, W0N // 16, chunk, 0)

    def slot_geom(s):
        gi = s & 7
        i0 = 8 * (wid + N_WORKERS * gi)
        b = i0 >> 7
        cT = jnp.clip((i0 & ~(TCB - 1)) - TCB, 0, CT_MAX)
        return i0, b, cT

    def build_src(src, s):
        i0, _, cT = slot_geom(s)
        for r in range(RB):
            m_lo = i0 + r - (MAX_DIST - 1) - cT
            mc = jnp.clip(m_lo & -16, 0, WB - 272)
            base_w = (S - 1) + cT - i0 - r - W0BASE + mc

            def chunk(k, c):
                src[pl.ds(r * WB + mc + k * 16, 16)] = w0[
                    pl.ds(base_w + k * 16, 16)
                ]
                return c

            lax.fori_loop(0, 17, chunk, 0)

    def issue(src, s, sem):
        h = s >> 3
        i0, b, _ = slot_geom(s)
        i_loc0 = i0 & (TCB - 1)
        dst = ((h * NB + b) * TCB + i_loc0) * WB
        pltpu.async_copy(
            src.at[pl.ds(0, GROUP_WORDS)], band_hbm.at[pl.ds(dst, GROUP_WORDS)], sem
        )

    def wait1(sem):
        pltpu.make_async_copy(
            src_a.at[pl.ds(0, GROUP_WORDS)],
            band_hbm.at[pl.ds(0, GROUP_WORDS)],
            sem,
        ).wait()

    build_w0(h0)
    build_src(src_a, 0)
    issue(src_a, 0, sem_a)

    def body(g, c):
        s1 = 2 * g + 1
        s2 = jnp.minimum(2 * g + 2, slots - 1)

        @pl.when(g > 0)
        def _():
            wait1(sem_b)

        build_src(src_b, s1)
        issue(src_b, s1, sem_b)

        @pl.when((2 * g + 2) % 8 == 0)
        def _():
            build_w0(h0 + jnp.minimum((2 * g + 2) >> 3, nh - 1))

        wait1(sem_a)
        build_src(src_a, s2)
        issue(src_a, s2, sem_a)
        return c

    lax.fori_loop(0, slots // 2, body, 0)
    wait1(sem_a)
    wait1(sem_b)


def _sc_band(table_flat, h0, nh):
    mesh = plsc.VectorSubcoreMesh(core_axis_name="c", subcore_axis_name="s")
    return pl.kernel(
        lambda *refs: _sc_band_kernel(h0, nh, *refs),
        out_type=jax.ShapeDtypeStruct((nh * NB * TCB * WB,), jnp.float32),
        mesh=mesh,
        compiler_params=pltpu.CompilerParams(
            needs_layout_passes=False, use_tc_tiling_on_sc=False
        ),
        scratch_types=[
            pltpu.VMEM((N_HEADS * L,), jnp.float32),
            pltpu.VMEM((W0N,), jnp.float32),
            pltpu.VMEM((SRC_PAD,), jnp.float32),
            pltpu.VMEM((SRC_PAD,), jnp.float32),
            pltpu.SemaphoreType.DMA,
            pltpu.SemaphoreType.DMA,
        ],
    )(table_flat)




def _tc_merge_body(h0, t0_ref, t256_ref, band_ref, out_ref):
    h = pl.program_id(0)
    b = pl.program_id(1)

    t0 = t0_ref[h0 + h]
    t256 = t256_ref[h0 + h]
    rows = BLK_SUBS * TCB
    i = b * rows + lax.broadcasted_iota(jnp.int32, (rows, S), 0)
    j = lax.broadcasted_iota(jnp.int32, (rows, S), 1)
    out_ref[...] = jnp.where(j < i, t0, t256)

    for half in range(BLK_SUBS):
        sub = BLK_SUBS * b + half
        step = h * NB + sub
        cT = jnp.clip(sub * TCB - TCB, 0, CT_MAX)
        i_s = sub * TCB + lax.broadcasted_iota(jnp.int32, (TCB, WB), 0)
        d_s = cT + lax.broadcasted_iota(jnp.int32, (TCB, WB), 1) - i_s
        band = band_ref[pl.ds(pl.multiple_of(step * TCB, TCB), TCB), :]
        merged = jnp.where(
            d_s <= -MAX_DIST, t0, jnp.where(d_s >= MAX_DIST, t256, band)
        )
        r0 = half * TCB
        for bb in range(NB // BLK_SUBS):
            cT_s = min(max((BLK_SUBS * bb + half) * TCB - TCB, 0), CT_MAX)

            @pl.when(b == bb)
            def _():
                out_ref[pl.ds(r0, TCB), pl.ds(cT_s, WB)] = merged


def _tc_merge(t0s, t256s, band2, h0, nh, prev=None):
    nrows = nh * NB * TCB
    in_specs = [
        pl.BlockSpec(memory_space=pltpu.SMEM),
        pl.BlockSpec(memory_space=pltpu.SMEM),
        pl.BlockSpec((nrows, WB), lambda h, b: (0, 0)),
    ]
    args = (t0s, t256s, band2)
    kwargs = {}
    if prev is None:
        body = lambda a, c, d, o: _tc_merge_body(h0, a, c, d, o)
    else:
        body = lambda a, c, d, p, o: _tc_merge_body(h0, a, c, d, o)
        in_specs.append(pl.BlockSpec(memory_space=pl.ANY))
        args = args + (prev,)
        kwargs["input_output_aliases"] = {3: 0}
    return pl.pallas_call(
        body,
        grid=(nh, NB // BLK_SUBS),
        in_specs=in_specs,
        out_specs=pl.BlockSpec(
            (BLK_SUBS * TCB, S), lambda h, b: ((h0 + h) * (NB // BLK_SUBS) + b, 0)
        ),
        out_shape=jax.ShapeDtypeStruct((N_HEADS * S, S), jnp.float32),
        **kwargs,
    )(*args)


@jax.jit
def _run(bias2d):
    flat = bias2d.reshape(-1)
    t0s, t256s = bias2d[:, 0], bias2d[:, L - 1]
    phases = [(0, 6), (6, 6)]
    bands = [_sc_band(flat, h0, nh) for h0, nh in phases]
    out = None
    for (h0, nh), band in zip(phases, bands):
        out = _tc_merge(
            t0s, t256s, band.reshape(nh * NB * TCB, WB), h0, nh, prev=out
        )
    return out.reshape(N_HEADS, S, S)


def kernel(seq_len, relative_bias):
    del seq_len
    return _run(relative_bias)

# --- scband reference (transcript-rebuilt; emitter-appended) ---
"""Pipeline reference for scband-relative-position-bias-33861522162378 (READ-ONLY COPY).

The authoritative reference and input builder live on the scoring server;
editing this copy changes nothing except your own understanding.
"""

import jax, jax.numpy as jnp
import numpy as np

N_HEADS = 12
MAX_DIST = 128
L = 2 * MAX_DIST + 1
SEQ_LEN = 2048


def setup_inputs(seed: int = 0) -> dict:
    key = jax.random.key(seed)
    relative_bias = jax.random.normal(key, (N_HEADS, L), dtype=jnp.float32) * 0.02
    return {"seq_len": 2048, "relative_bias": relative_bias}


def reference(seq_len, relative_bias):
    positions = jnp.arange(SEQ_LEN) + (seq_len - SEQ_LEN)
    rel = positions[None, :] - positions[:, None]
    clipped = jnp.clip(rel, -MAX_DIST, MAX_DIST) + MAX_DIST  # [S, S] in [0, L)
    # gather along last axis of the table: [H, L] indexed by [S, S] -> [H, S, S]
    bias = jnp.take(relative_bias, clipped, axis=1)
    return bias

if __name__ == "__main__":
    import jax
    _d = setup_inputs()
    print(jax.jit(kernel)(*tuple(_d.values())))

</pallas_src>

<mosaic_0001>
#map = affine_map<(d0, d1) -> (0)>
module attributes {stable_mosaic.version = 14 : i64} {
  func.func @_lambda_(%arg0: i32, %arg1: i32, %arg2: memref<3084xf32, #tpu.memory_space<hbm>>, %arg3: memref<4718592xf32, #tpu.memory_space<hbm>>, %arg4: memref<3084xf32, #tpu.memory_space<vmem>>, %arg5: memref<784xf32, #tpu.memory_space<vmem>>, %arg6: memref<3104xf32, #tpu.memory_space<vmem>>, %arg7: memref<3104xf32, #tpu.memory_space<vmem>>, %arg8: memref<!tpu.dma_semaphore, #tpu.memory_space<semaphore_mem>>, %arg9: memref<!tpu.dma_semaphore, #tpu.memory_space<semaphore_mem>>) attributes {dimension_semantics = [#tpu.dimension_semantics<core_parallel>, #tpu.dimension_semantics<subcore_parallel>], iteration_bounds = array<i64: 2, 16>, scalar_prefetch = 0 : i64, scratch_operands = 6 : i64, tpu.core_type = #tpu.core_type<sc_vector_subcore>, window_params = [{transform_indices = #map}, {transform_indices = #map}]} {
    %mul3A = arith.constant 2 : i32
    %mul3A_0 = arith.muli %arg1, %mul3A : i32
    %add3A = arith.addi %mul3A_0, %arg0 : i32
    "tpu.region"() ({
      %run_scoped3A = tpu.sem_alloc : memref<!tpu.dma_semaphore, #tpu.memory_space<semaphore_mem>>
      tpu.enqueue_dma source(%arg2 : memref<3084xf32, #tpu.memory_space<hbm>>) target(%arg4 : memref<3084xf32, #tpu.memory_space<vmem>>) target_semaphore(%run_scoped3A : memref<!tpu.dma_semaphore, #tpu.memory_space<semaphore_mem>>)
      tpu.wait_dma2 semaphore(%run_scoped3A : memref<!tpu.dma_semaphore, #tpu.memory_space<semaphore_mem>>) src(%arg2 : memref<3084xf32, #tpu.memory_space<hbm>>) dst(%arg4 : memref<3084xf32, #tpu.memory_space<vmem>>)
      tpu.yield
    }) : () -> ()
    %iota3A = tpu.iota {dimensions = array<i32: 0>} : vector<16xi32>
    %scan3A = arith.constant 0 : i32
    %scan3A_1 = arith.constant 0 : i32
    %scan3A_2 = arith.constant 49 : i32
    %scan3A_3 = arith.addi %scan3A_1, %scan3A_2 : i32
    %scan3A_4 = arith.constant 1 : i32
    scf.for %scan3A_263 = %scan3A_1 to %scan3A_3 step %scan3A_4  : i32 {
      %mul3A_264 = arith.constant 16 : i32
      %mul3A_265 = arith.muli %scan3A_263, %mul3A_264 : i32
      %add3A_266 = arith.constant 1664 : i32
      %add3A_267 = arith.addi %add3A_266, %mul3A_265 : i32
      %add3A_268 = vector.broadcast %add3A_267 : i32 to vector<16xi32>
      %add3A_269 = arith.addi %add3A_268, %iota3A : vector<16xi32>
      %sub3A_270 = arith.constant 2047 : i32
      %sub3A_271 = vector.broadcast %sub3A_270 : i32 to vector<16xi32>
      %sub3A_272 = arith.subi %add3A_269, %sub3A_271 : vector<16xi32>
      %jit3A_273 = arith.constant -128 : i32
      %jit3A_274 = arith.constant 128 : i32
      %max3A_275 = vector.broadcast %jit3A_273 : i32 to vector<16xi32>
      %max3A_276 = arith.maxsi %max3A_275, %sub3A_272 : vector<16xi32>
      %min3A_277 = vector.broadcast %jit3A_274 : i32 to vector<16xi32>
      %min3A_278 = arith.minsi %min3A_277, %max3A_276 : vector<16xi32>
      %add3A_279 = arith.constant 128 : i32
      %add3A_280 = vector.broadcast %add3A_279 : i32 to vector<16xi32>
      %add3A_281 = arith.addi %min3A_278, %add3A_280 : vector<16xi32>
      %add3A_282 = arith.constant 0 : i32
      %add3A_283 = vector.broadcast %add3A_282 : i32 to vector<16xi32>
      %add3A_284 = arith.addi %add3A_281, %add3A_283 : vector<16xi32>
      %gather3A = tpu.vector_load_idx %arg4[%add3A_284] : memref<3084xf32, #tpu.memory_space<vmem>>[vector<16xi32>], vector<16xf32>,
      %mul3A_285 = arith.constant 16 : i32
      %mul3A_286 = arith.muli %scan3A_263, %mul3A_285 : i32
      %swap3A = arith.index_cast %mul3A_286 : i32 to index
      %swap3A_287 = tpu.vector_load %arg5[%swap3A] {strides = array<i32>} : memref<784xf32, #tpu.memory_space<vmem>>, vector<16xf32>,
      tpu.vector_store %arg5[%swap3A], %gather3A {strides = array<i32>} : memref<784xf32, #tpu.memory_space<vmem>>, vector<16xf32>,
    }
    %scan3A_5 = arith.constant 49 : i32
    %add3A_6 = arith.constant 0 : i32
    %add3A_7 = arith.addi %add3A, %add3A_6 : i32
    %mul3A_8 = arith.constant 8 : i32
    %mul3A_9 = arith.muli %mul3A_8, %add3A_7 : i32
    %shift_right_arithmetic3A = arith.constant 7 : i32
    %shift_right_arithmetic3A_10 = arith.shrsi %mul3A_9, %shift_right_arithmetic3A : i32
    %and3A = arith.constant -128 : i32
    %and3A_11 = arith.andi %mul3A_9, %and3A : i32
    %sub3A = arith.constant 128 : i32
    %sub3A_12 = arith.subi %and3A_11, %sub3A : i32
    %jit3A = arith.constant 0 : i32
    %jit3A_13 = arith.constant 1664 : i32
    %max3A = arith.maxsi %jit3A, %sub3A_12 : i32
    %min3A = arith.minsi %jit3A_13, %max3A : i32
    %add3A_14 = arith.constant 0 : i32
    %add3A_15 = arith.addi %mul3A_9, %add3A_14 : i32
    %sub3A_16 = arith.constant 127 : i32
    %sub3A_17 = arith.subi %add3A_15, %sub3A_16 : i32
    %sub3A_18 = arith.subi %sub3A_17, %min3A : i32
    %and3A_19 = arith.constant -16 : i32
    %and3A_20 = arith.andi %sub3A_18, %and3A_19 : i32
    %jit3A_21 = arith.constant 0 : i32
    %jit3A_22 = arith.constant 112 : i32
    %max3A_23 = arith.maxsi %jit3A_21, %and3A_20 : i32
    %min3A_24 = arith.minsi %jit3A_22, %max3A_23 : i32
    %add3A_25 = arith.constant 2047 : i32
    %add3A_26 = arith.addi %add3A_25, %min3A : i32
    %sub3A_27 = arith.subi %add3A_26, %mul3A_9 : i32
    %sub3A_28 = arith.constant 0 : i32
    %sub3A_29 = arith.subi %sub3A_27, %sub3A_28 : i32
    %sub3A_30 = arith.constant 1664 : i32
    %sub3A_31 = arith.subi %sub3A_29, %sub3A_30 : i32
    %add3A_32 = arith.addi %sub3A_31, %min3A_24 : i32
    %scan3A_33 = arith.constant 0 : i32
    %scan3A_34 = arith.constant 0 : i32
    %scan3A_35 = arith.constant 17 : i32
    %scan3A_36 = arith.addi %scan3A_34, %scan3A_35 : i32
    %scan3A_37 = arith.constant 1 : i32
    scf.for %scan3A_263 = %scan3A_34 to %scan3A_36 step %scan3A_37  : i32 {
      %mul3A_264 = arith.constant 16 : i32
      %mul3A_265 = arith.muli %scan3A_263, %mul3A_264 : i32
      %add3A_266 = arith.addi %add3A_32, %mul3A_265 : i32
      %get3A = arith.index_cast %add3A_266 : i32 to index
      %get3A_267 = tpu.vector_load %arg5[%get3A] {strides = array<i32>} : memref<784xf32, #tpu.memory_space<vmem>>, vector<16xf32>,
      %add3A_268 = arith.constant 0 : i32
      %add3A_269 = arith.addi %add3A_268, %min3A_24 : i32
      %mul3A_270 = arith.constant 16 : i32
      %mul3A_271 = arith.muli %scan3A_263, %mul3A_270 : i32
      %add3A_272 = arith.addi %add3A_269, %mul3A_271 : i32
      %swap3A = arith.index_cast %add3A_272 : i32 to index
      %swap3A_273 = tpu.vector_load %arg6[%swap3A] {strides = array<i32>} : memref<3104xf32, #tpu.memory_space<vmem>>, vector<16xf32>,
      tpu.vector_store %arg6[%swap3A], %get3A_267 {strides = array<i32>} : memref<3104xf32, #tpu.memory_space<vmem>>, vector<16xf32>,
    }
    %scan3A_38 = arith.constant 17 : i32
    %add3A_39 = arith.constant 1 : i32
    %add3A_40 = arith.addi %mul3A_9, %add3A_39 : i32
    %sub3A_41 = arith.constant 127 : i32
    %sub3A_42 = arith.subi %add3A_40, %sub3A_41 : i32
    %sub3A_43 = arith.subi %sub3A_42, %min3A : i32
    %and3A_44 = arith.constant -16 : i32
    %and3A_45 = arith.andi %sub3A_43, %and3A_44 : i32
    %jit3A_46 = arith.constant 0 : i32
    %jit3A_47 = arith.constant 112 : i32
    %max3A_48 = arith.maxsi %jit3A_46, %and3A_45 : i32
    %min3A_49 = arith.minsi %jit3A_47, %max3A_48 : i32
    %add3A_50 = arith.constant 2047 : i32
    %add3A_51 = arith.addi %add3A_50, %min3A : i32
    %sub3A_52 = arith.subi %add3A_51, %mul3A_9 : i32
    %sub3A_53 = arith.constant 1 : i32
    %sub3A_54 = arith.subi %sub3A_52, %sub3A_53 : i32
    %sub3A_55 = arith.constant 1664 : i32
    %sub3A_56 = arith.subi %sub3A_54, %sub3A_55 : i32
    %add3A_57 = arith.addi %sub3A_56, %min3A_49 : i32
    %scan3A_58 = arith.constant 0 : i32
    %scan3A_59 = arith.constant 0 : i32
    %scan3A_60 = arith.constant 17 : i32
    %scan3A_61 = arith.addi %scan3A_59, %scan3A_60 : i32
    %scan3A_62 = arith.constant 1 : i32
    scf.for %scan3A_263 = %scan3A_59 to %scan3A_61 step %scan3A_62  : i32 {
      %mul3A_264 = arith.constant 16 : i32
      %mul3A_265 = arith.muli %scan3A_263, %mul3A_264 : i32
      %add3A_266 = arith.addi %add3A_57, %mul3A_265 : i32
      %get3A = arith.index_cast %add3A_266 : i32 to index
      %get3A_267 = tpu.vector_load %arg5[%get3A] {strides = array<i32>} : memref<784xf32, #tpu.memory_space<vmem>>, vector<16xf32>,
      %add3A_268 = arith.constant 384 : i32
      %add3A_269 = arith.addi %add3A_268, %min3A_49 : i32
      %mul3A_270 = arith.constant 16 : i32
      %mul3A_271 = arith.muli %scan3A_263, %mul3A_270 : i32
      %add3A_272 = arith.addi %add3A_269, %mul3A_271 : i32
      %swap3A = arith.index_cast %add3A_272 : i32 to index
      %swap3A_273 = tpu.vector_load %arg6[%swap3A] {strides = array<i32>} : memref<3104xf32, #tpu.memory_space<vmem>>, vector<16xf32>,
      tpu.vector_store %arg6[%swap3A], %get3A_267 {strides = array<i32>} : memref<3104xf32, #tpu.memory_space<vmem>>, vector<16xf32>,
    }
    %scan3A_63 = arith.constant 17 : i32
    %add3A_64 = arith.constant 2 : i32
    %add3A_65 = arith.addi %mul3A_9, %add3A_64 : i32
    %sub3A_66 = arith.constant 127 : i32
    %sub3A_67 = arith.subi %add3A_65, %sub3A_66 : i32
    %sub3A_68 = arith.subi %sub3A_67, %min3A : i32
    %and3A_69 = arith.constant -16 : i32
    %and3A_70 = arith.andi %sub3A_68, %and3A_69 : i32
    %jit3A_71 = arith.constant 0 : i32
    %jit3A_72 = arith.constant 112 : i32
    %max3A_73 = arith.maxsi %jit3A_71, %and3A_70 : i32
    %min3A_74 = arith.minsi %jit3A_72, %max3A_73 : i32
    %add3A_75 = arith.constant 2047 : i32
    %add3A_76 = arith.addi %add3A_75, %min3A : i32
    %sub3A_77 = arith.subi %add3A_76, %mul3A_9 : i32
    %sub3A_78 = arith.constant 2 : i32
    %sub3A_79 = arith.subi %sub3A_77, %sub3A_78 : i32
    %sub3A_80 = arith.constant 1664 : i32
    %sub3A_81 = arith.subi %sub3A_79, %sub3A_80 : i32
    %add3A_82 = arith.addi %sub3A_81, %min3A_74 : i32
    %scan3A_83 = arith.constant 0 : i32
    %scan3A_84 = arith.constant 0 : i32
    %scan3A_85 = arith.constant 17 : i32
    %scan3A_86 = arith.addi %scan3A_84, %scan3A_85 : i32
    %scan3A_87 = arith.constant 1 : i32
    scf.for %scan3A_263 = %scan3A_84 to %scan3A_86 step %scan3A_87  : i32 {
      %mul3A_264 = arith.constant 16 : i32
      %mul3A_265 = arith.muli %scan3A_263, %mul3A_264 : i32
      %add3A_266 = arith.addi %add3A_82, %mul3A_265 : i32
      %get3A = arith.index_cast %add3A_266 : i32 to index
      %get3A_267 = tpu.vector_load %arg5[%get3A] {strides = array<i32>} : memref<784xf32, #tpu.memory_space<vmem>>, vector<16xf32>,
      %add3A_268 = arith.constant 768 : i32
      %add3A_269 = arith.addi %add3A_268, %min3A_74 : i32
      %mul3A_270 = arith.constant 16 : i32
      %mul3A_271 = arith.muli %scan3A_263, %mul3A_270 : i32
      %add3A_272 = arith.addi %add3A_269, %mul3A_271 : i32
      %swap3A = arith.index_cast %add3A_272 : i32 to index
      %swap3A_273 = tpu.vector_load %arg6[%swap3A] {strides = array<i32>} : memref<3104xf32, #tpu.memory_space<vmem>>, vector<16xf32>,
      tpu.vector_store %arg6[%swap3A], %get3A_267 {strides = array<i32>} : memref<3104xf32, #tpu.memory_space<vmem>>, vector<16xf32>,
    }
    %scan3A_88 = arith.constant 17 : i32
    %add3A_89 = arith.constant 3 : i32
    %add3A_90 = arith.addi %mul3A_9, %add3A_89 : i32
    %sub3A_91 = arith.constant 127 : i32
    %sub3A_92 = arith.subi %add3A_90, %sub3A_91 : i32
    %sub3A_93 = arith.subi %sub3A_92, %min3A : i32
    %and3A_94 = arith.constant -16 : i32
    %and3A_95 = arith.andi %sub3A_93, %and3A_94 : i32
    %jit3A_96 = arith.constant 0 : i32
    %jit3A_97 = arith.constant 112 : i32
    %max3A_98 = arith.maxsi %jit3A_96, %and3A_95 : i32
    %min3A_99 = arith.minsi %jit3A_97, %max3A_98 : i32
    %add3A_100 = arith.constant 2047 : i32
    %add3A_101 = arith.addi %add3A_100, %min3A : i32
    %sub3A_102 = arith.subi %add3A_101, %mul3A_9 : i32
    %sub3A_103 = arith.constant 3 : i32
    %sub3A_104 = arith.subi %sub3A_102, %sub3A_103 : i32
    %sub3A_105 = arith.constant 1664 : i32
    %sub3A_106 = arith.subi %sub3A_104, %sub3A_105 : i32
    %add3A_107 = arith.addi %sub3A_106, %min3A_99 : i32
    %scan3A_108 = arith.constant 0 : i32
    %scan3A_109 = arith.constant 0 : i32
    %scan3A_110 = arith.constant 17 : i32
    %scan3A_111 = arith.addi %scan3A_109, %scan3A_110 : i32
    %scan3A_112 = arith.constant 1 : i32
    scf.for %scan3A_263 = %scan3A_109 to %scan3A_111 step %scan3A_112  : i32 {
      %mul3A_264 = arith.constant 16 : i32
      %mul3A_265 = arith.muli %scan3A_263, %mul3A_264 : i32
      %add3A_266 = arith.addi %add3A_107, %mul3A_265 : i32
      %get3A = arith.index_cast %add3A_266 : i32 to index
      %get3A_267 = tpu.vector_load %arg5[%get3A] {strides = array<i32>} : memref<784xf32, #tpu.memory_space<vmem>>, vector<16xf32>,
      %add3A_268 = arith.constant 1152 : i32
      %add3A_269 = arith.addi %add3A_268, %min3A_99 : i32
      %mul3A_270 = arith.constant 16 : i32
      %mul3A_271 = arith.muli %scan3A_263, %mul3A_270 : i32
      %add3A_272 = arith.addi %add3A_269, %mul3A_271 : i32
      %swap3A = arith.index_cast %add3A_272 : i32 to index
      %swap3A_273 = tpu.vector_load %arg6[%swap3A] {strides = array<i32>} : memref<3104xf32, #tpu.memory_space<vmem>>, vector<16xf32>,
      tpu.vector_store %arg6[%swap3A], %get3A_267 {strides = array<i32>} : memref<3104xf32, #tpu.memory_space<vmem>>, vector<16xf32>,
    }
    %scan3A_113 = arith.constant 17 : i32
    %add3A_114 = arith.constant 4 : i32
    %add3A_115 = arith.addi %mul3A_9, %add3A_114 : i32
    %sub3A_116 = arith.constant 127 : i32
    %sub3A_117 = arith.subi %add3A_115, %sub3A_116 : i32
    %sub3A_118 = arith.subi %sub3A_117, %min3A : i32
    %and3A_119 = arith.constant -16 : i32
    %and3A_120 = arith.andi %sub3A_118, %and3A_119 : i32
    %jit3A_121 = arith.constant 0 : i32
    %jit3A_122 = arith.constant 112 : i32
    %max3A_123 = arith.maxsi %jit3A_121, %and3A_120 : i32
    %min3A_124 = arith.minsi %jit3A_122, %max3A_123 : i32
    %add3A_125 = arith.constant 2047 : i32
    %add3A_126 = arith.addi %add3A_125, %min3A : i32
    %sub3A_127 = arith.subi %add3A_126, %mul3A_9 : i32
    %sub3A_128 = arith.constant 4 : i32
    %sub3A_129 = arith.subi %sub3A_127, %sub3A_128 : i32
    %sub3A_130 = arith.constant 1664 : i32
    %sub3A_131 = arith.subi %sub3A_129, %sub3A_130 : i32
    %add3A_132 = arith.addi %sub3A_131, %min3A_124 : i32
    %scan3A_133 = arith.constant 0 : i32
    %scan3A_134 = arith.constant 0 : i32
    %scan3A_135 = arith.constant 17 : i32
    %scan3A_136 = arith.addi %scan3A_134, %scan3A_135 : i32
    %scan3A_137 = arith.constant 1 : i32
    scf.for %scan3A_263 = %scan3A_134 to %scan3A_136 step %scan3A_137  : i32 {
      %mul3A_264 = arith.constant 16 : i32
      %mul3A_265 = arith.muli %scan3A_263, %mul3A_264 : i32
      %add3A_266 = arith.addi %add3A_132, %mul3A_265 : i32
      %get3A = arith.index_cast %add3A_266 : i32 to index
      %get3A_267 = tpu.vector_load %arg5[%get3A] {strides = array<i32>} : memref<784xf32, #tpu.memory_space<vmem>>, vector<16xf32>,
      %add3A_268 = arith.constant 1536 : i32
      %add3A_269 = arith.addi %add3A_268, %min3A_124 : i32
      %mul3A_270 = arith.constant 16 : i32
      %mul3A_271 = arith.muli %scan3A_263, %mul3A_270 : i32
      %add3A_272 = arith.addi %add3A_269, %mul3A_271 : i32
      %swap3A = arith.index_cast %add3A_272 : i32 to index
      %swap3A_273 = tpu.vector_load %arg6[%swap3A] {strides = array<i32>} : memref<3104xf32, #tpu.memory_space<vmem>>, vector<16xf32>,
      tpu.vector_store %arg6[%swap3A], %get3A_267 {strides = array<i32>} : memref<3104xf32, #tpu.memory_space<vmem>>, vector<16xf32>,
    }
    %scan3A_138 = arith.constant 17 : i32
    %add3A_139 = arith.constant 5 : i32
    %add3A_140 = arith.addi %mul3A_9, %add3A_139 : i32
    %sub3A_141 = arith.constant 127 : i32
    %sub3A_142 = arith.subi %add3A_140, %sub3A_141 : i32
    %sub3A_143 = arith.subi %sub3A_142, %min3A : i32
    %and3A_144 = arith.constant -16 : i32
    %and3A_145 = arith.andi %sub3A_143, %and3A_144 : i32
    %jit3A_146 = arith.constant 0 : i32
    %jit3A_147 = arith.constant 112 : i32
    %max3A_148 = arith.maxsi %jit3A_146, %and3A_145 : i32
    %min3A_149 = arith.minsi %jit3A_147, %max3A_148 : i32
    %add3A_150 = arith.constant 2047 : i32
    %add3A_151 = arith.addi %add3A_150, %min3A : i32
    %sub3A_152 = arith.subi %add3A_151, %mul3A_9 : i32
    %sub3A_153 = arith.constant 5 : i32
    %sub3A_154 = arith.subi %sub3A_152, %sub3A_153 : i32
    %sub3A_155 = arith.constant 1664 : i32
    %sub3A_156 = arith.subi %sub3A_154, %sub3A_155 : i32
    %add3A_157 = arith.addi %sub3A_156, %min3A_149 : i32
    %scan3A_158 = arith.constant 0 : i32
    %scan3A_159 = arith.constant 0 : i32
    %scan3A_160 = arith.constant 17 : i32
    %scan3A_161 = arith.addi %scan3A_159, %scan3A_160 : i32
    %scan3A_162 = arith.constant 1 : i32
    scf.for %scan3A_263 = %scan3A_159 to %scan3A_161 step %scan3A_162  : i32 {
      %mul3A_264 = arith.constant 16 : i32
      %mul3A_265 = arith.muli %scan3A_263, %mul3A_264 : i32
      %add3A_266 = arith.addi %add3A_157, %mul3A_265 : i32
      %get3A = arith.index_cast %add3A_266 : i32 to index
      %get3A_267 = tpu.vector_load %arg5[%get3A] {strides = array<i32>} : memref<784xf32, #tpu.memory_space<vmem>>, vector<16xf32>,
      %add3A_268 = arith.constant 1920 : i32
      %add3A_269 = arith.addi %add3A_268, %min3A_149 : i32
      %mul3A_270 = arith.constant 16 : i32
      %mul3A_271 = arith.muli %scan3A_263, %mul3A_270 : i32
      %add3A_272 = arith.addi %add3A_269, %mul3A_271 : i32
      %swap3A = arith.index_cast %add3A_272 : i32 to index
      %swap3A_273 = tpu.vector_load %arg6[%swap3A] {strides = array<i32>} : memref<3104xf32, #tpu.memory_space<vmem>>, vector<16xf32>,
      tpu.vector_store %arg6[%swap3A], %get3A_267 {strides = array<i32>} : memref<3104xf32, #tpu.memory_space<vmem>>, vector<16xf32>,
    }
    %scan3A_163 = arith.constant 17 : i32
    %add3A_164 = arith.constant 6 : i32
    %add3A_165 = arith.addi %mul3A_9, %add3A_164 : i32
    %sub3A_166 = arith.constant 127 : i32
    %sub3A_167 = arith.subi %add3A_165, %sub3A_166 : i32
    %sub3A_168 = arith.subi %sub3A_167, %min3A : i32
    %and3A_169 = arith.constant -16 : i32
    %and3A_170 = arith.andi %sub3A_168, %and3A_169 : i32
    %jit3A_171 = arith.constant 0 : i32
    %jit3A_172 = arith.constant 112 : i32
    %max3A_173 = arith.maxsi %jit3A_171, %and3A_170 : i32
    %min3A_174 = arith.minsi %jit3A_172, %max3A_173 : i32
    %add3A_175 = arith.constant 2047 : i32
    %add3A_176 = arith.addi %add3A_175, %min3A : i32
    %sub3A_177 = arith.subi %add3A_176, %mul3A_9 : i32
    %sub3A_178 = arith.constant 6 : i32
    %sub3A_179 = arith.subi %sub3A_177, %sub3A_178 : i32
    %sub3A_180 = arith.constant 1664 : i32
    %sub3A_181 = arith.subi %sub3A_179, %sub3A_180 : i32
    %add3A_182 = arith.addi %sub3A_181, %min3A_174 : i32
    %scan3A_183 = arith.constant 0 : i32
    %scan3A_184 = arith.constant 0 : i32
    %scan3A_185 = arith.constant 17 : i32
    %scan3A_186 = arith.addi %scan3A_184, %scan3A_185 : i32
    %scan3A_187 = arith.constant 1 : i32
    scf.for %scan3A_263 = %scan3A_184 to %scan3A_186 step %scan3A_187  : i32 {
      %mul3A_264 = arith.constant 16 : i32
      %mul3A_265 = arith.muli %scan3A_263, %mul3A_264 : i32
      %add3A_266 = arith.addi %add3A_182, %mul3A_265 : i32
      %get3A = arith.index_cast %add3A_266 : i32 to index
      %get3A_267 = tpu.vector_load %arg5[%get3A] {strides = array<i32>} : memref<784xf32, #tpu.memory_space<vmem>>, vector<16xf32>,
      %add3A_268 = arith.constant 2304 : i32
      %add3A_269 = arith.addi %add3A_268, %min3A_174 : i32
      %mul3A_270 = arith.constant 16 : i32
      %mul3A_271 = arith.muli %scan3A_263, %mul3A_270 : i32
      %add3A_272 = arith.addi %add3A_269, %mul3A_271 : i32
      %swap3A = arith.index_cast %add3A_272 : i32 to index
      %swap3A_273 = tpu.vector_load %arg6[%swap3A] {strides = array<i32>} : memref<3104xf32, #tpu.memory_space<vmem>>, vector<16xf32>,
      tpu.vector_store %arg6[%swap3A], %get3A_267 {strides = array<i32>} : memref<3104xf32, #tpu.memory_space<vmem>>, vector<16xf32>,
    }
    %scan3A_188 = arith.constant 17 : i32
    %add3A_189 = arith.constant 7 : i32
    %add3A_190 = arith.addi %mul3A_9, %add3A_189 : i32
    %sub3A_191 = arith.constant 127 : i32
    %sub3A_192 = arith.subi %add3A_190, %sub3A_191 : i32
    %sub3A_193 = arith.subi %sub3A_192, %min3A : i32
    %and3A_194 = arith.constant -16 : i32
    %and3A_195 = arith.andi %sub3A_193, %and3A_194 : i32
    %jit3A_196 = arith.constant 0 : i32
    %jit3A_197 = arith.constant 112 : i32
    %max3A_198 = arith.maxsi %jit3A_196, %and3A_195 : i32
    %min3A_199 = arith.minsi %jit3A_197, %max3A_198 : i32
    %add3A_200 = arith.constant 2047 : i32
    %add3A_201 = arith.addi %add3A_200, %min3A : i32
    %sub3A_202 = arith.subi %add3A_201, %mul3A_9 : i32
    %sub3A_203 = arith.constant 7 : i32
    %sub3A_204 = arith.subi %sub3A_202, %sub3A_203 : i32
    %sub3A_205 = arith.constant 1664 : i32
    %sub3A_206 = arith.subi %sub3A_204, %sub3A_205 : i32
    %add3A_207 = arith.addi %sub3A_206, %min3A_199 : i32
    %scan3A_208 = arith.constant 0 : i32
    %scan3A_209 = arith.constant 0 : i32
    %scan3A_210 = arith.constant 17 : i32
    %scan3A_211 = arith.addi %scan3A_209, %scan3A_210 : i32
    %scan3A_212 = arith.constant 1 : i32
    scf.for %scan3A_263 = %scan3A_209 to %scan3A_211 step %scan3A_212  : i32 {
      %mul3A_264 = arith.constant 16 : i32
      %mul3A_265 = arith.muli %scan3A_263, %mul3A_264 : i32
      %add3A_266 = arith.addi %add3A_207, %mul3A_265 : i32
      %get3A = arith.index_cast %add3A_266 : i32 to index
      %get3A_267 = tpu.vector_load %arg5[%get3A] {strides = array<i32>} : memref<784xf32, #tpu.memory_space<vmem>>, vector<16xf32>,
      %add3A_268 = arith.constant 2688 : i32
      %add3A_269 = arith.addi %add3A_268, %min3A_199 : i32
      %mul3A_270 = arith.constant 16 : i32
      %mul3A_271 = arith.muli %scan3A_263, %mul3A_270 : i32
      %add3A_272 = arith.addi %add3A_269, %mul3A_271 : i32
      %swap3A = arith.index_cast %add3A_272 : i32 to index
      %swap3A_273 = tpu.vector_load %arg6[%swap3A] {strides = array<i32>} : memref<3104xf32, #tpu.memory_space<vmem>>, vector<16xf32>,
      tpu.vector_store %arg6[%swap3A], %get3A_267 {strides = array<i32>} : memref<3104xf32, #tpu.memory_space<vmem>>, vector<16xf32>,
    }
    %scan3A_213 = arith.constant 17 : i32
    %add3A_214 = arith.constant 0 : i32
    %add3A_215 = arith.addi %add3A, %add3A_214 : i32
    %mul3A_216 = arith.constant 8 : i32
    %mul3A_217 = arith.muli %mul3A_216, %add3A_215 : i32
    %shift_right_arithmetic3A_218 = arith.constant 7 : i32
    %shift_right_arithmetic3A_219 = arith.shrsi %mul3A_217, %shift_right_arithmetic3A_218 : i32
    %and3A_220 = arith.constant -128 : i32
    %and3A_221 = arith.andi %mul3A_217, %and3A_220 : i32
    %sub3A_222 = arith.constant 128 : i32
    %sub3A_223 = arith.subi %and3A_221, %sub3A_222 : i32
    %jit3A_224 = arith.constant 0 : i32
    %jit3A_225 = arith.constant 1664 : i32
    %max3A_226 = arith.maxsi %jit3A_224, %sub3A_223 : i32
    %min3A_227 = arith.minsi %jit3A_225, %max3A_226 : i32
    %and3A_228 = arith.constant 127 : i32
    %and3A_229 = arith.andi %mul3A_217, %and3A_228 : i32
    %add3A_230 = arith.constant 0 : i32
    %add3A_231 = arith.addi %add3A_230, %shift_right_arithmetic3A_219 : i32
    %mul3A_232 = arith.constant 128 : i32
    %mul3A_233 = arith.muli %add3A_231, %mul3A_232 : i32
    %add3A_234 = arith.addi %mul3A_233, %and3A_229 : i32
    %mul3A_235 = arith.constant 384 : i32
    %mul3A_236 = arith.muli %add3A_234, %mul3A_235 : i32
    %dma_start3A = arith.constant 0 : i32
    %dma_start3A_237 = tpu.memref_slice %arg6[%dma_start3A] : memref<3104xf32, #tpu.memory_space<vmem>> -> memref<3072xf32, #tpu.memory_space<vmem>>
    %dma_start3A_238 = tpu.memref_slice %arg3[%mul3A_236] : memref<4718592xf32, #tpu.memory_space<hbm>> -> memref<3072xf32, #tpu.memory_space<hbm>>
    %dma_start3A_239 = tpu.memref_slice %arg3[%mul3A_236] : memref<4718592xf32, #tpu.memory_space<hbm>> -> memref<3072xf32, #tpu.memory_space<hbm>>
    %dma_start3A_240 = arith.constant 0 : i32
    %dma_start3A_241 = tpu.memref_slice %arg6[%dma_start3A_240] : memref<3104xf32, #tpu.memory_space<vmem>> -> memref<3072xf32, #tpu.memory_space<vmem>>
    tpu.enqueue_dma source(%dma_start3A_241 : memref<3072xf32, #tpu.memory_space<vmem>>) target(%dma_start3A_239 : memref<3072xf32, #tpu.memory_space<hbm>>) target_semaphore(%arg8 : memref<!tpu.dma_semaphore, #tpu.memory_space<semaphore_mem>>)
    %scan3A_242 = arith.constant 0 : i32
    %scan3A_243 = arith.constant 0 : i32
    %scan3A_244 = arith.constant 24 : i32
    %scan3A_245 = arith.addi %scan3A_243, %scan3A_244 : i32
    %scan3A_246 = arith.constant 1 : i32
    scf.for %scan3A_263 = %scan3A_243 to %scan3A_245 step %scan3A_246  : i32 {
      %mul3A_264 = arith.constant 2 : i32
      %mul3A_265 = arith.muli %mul3A_264, %scan3A_263 : i32
      %add3A_266 = arith.constant 1 : i32
      %add3A_267 = arith.addi %mul3A_265, %add3A_266 : i32
      %mul3A_268 = arith.constant 2 : i32
      %mul3A_269 = arith.muli %mul3A_268, %scan3A_263 : i32
      %add3A_270 = arith.constant 2 : i32
      %add3A_271 = arith.addi %mul3A_269, %add3A_270 : i32
      %min3A_272 = arith.constant 47 : i32
      %min3A_273 = arith.minsi %add3A_271, %min3A_272 : i32
      %gt3A = arith.constant 0 : i32
      %gt3A_274 = arith.cmpi sgt, %scan3A_263, %gt3A : i32
      %convert_element_type3A = arith.extui %gt3A_274 : i1 to i32
      %cond3A = arith.constant 0 : i32
      %cond3A_275 = arith.cmpi ne, %convert_element_type3A, %cond3A : i32
      scf.if %cond3A_275 {
        %dma_wait3A_808 = arith.constant 0 : i32
        %dma_wait3A_809 = tpu.memref_slice %arg6[%dma_wait3A_808] : memref<3104xf32, #tpu.memory_space<vmem>> -> memref<3072xf32, #tpu.memory_space<vmem>>
        %dma_wait3A_810 = arith.constant 0 : i32
        %dma_wait3A_811 = tpu.memref_slice %arg3[%dma_wait3A_810] : memref<4718592xf32, #tpu.memory_space<hbm>> -> memref<3072xf32, #tpu.memory_space<hbm>>
        %dma_wait3A_812 = arith.constant 0 : i32
        %dma_wait3A_813 = tpu.memref_slice %arg3[%dma_wait3A_812] : memref<4718592xf32, #tpu.memory_space<hbm>> -> memref<3072xf32, #tpu.memory_space<hbm>>
        %dma_wait3A_814 = arith.constant 0 : i32
        %dma_wait3A_815 = tpu.memref_slice %arg6[%dma_wait3A_814] : memref<3104xf32, #tpu.memory_space<vmem>> -> memref<3072xf32, #tpu.memory_space<vmem>>
        tpu.wait_dma2 semaphore(%arg9 : memref<!tpu.dma_semaphore, #tpu.memory_space<semaphore_mem>>) src(%dma_wait3A_815 : memref<3072xf32, #tpu.memory_space<vmem>>) dst(%dma_wait3A_813 : memref<3072xf32, #tpu.memory_space<hbm>>)
      } else {
      }
      %and3A_276 = arith.constant 7 : i32
      %and3A_277 = arith.andi %add3A_267, %and3A_276 : i32
      %mul3A_278 = arith.constant 32 : i32
      %mul3A_279 = arith.muli %mul3A_278, %and3A_277 : i32
      %add3A_280 = arith.addi %add3A, %mul3A_279 : i32
      %mul3A_281 = arith.constant 8 : i32
      %mul3A_282 = arith.muli %mul3A_281, %add3A_280 : i32
      %shift_right_arithmetic3A_283 = arith.constant 7 : i32
      %shift_right_arithmetic3A_284 = arith.shrsi %mul3A_282, %shift_right_arithmetic3A_283 : i32
      %and3A_285 = arith.constant -128 : i32
      %and3A_286 = arith.andi %mul3A_282, %and3A_285 : i32
      %sub3A_287 = arith.constant 128 : i32
      %sub3A_288 = arith.subi %and3A_286, %sub3A_287 : i32
      %jit3A_289 = arith.constant 0 : i32
      %jit3A_290 = arith.constant 1664 : i32
      %max3A_291 = arith.maxsi %jit3A_289, %sub3A_288 : i32
      %min3A_292 = arith.minsi %jit3A_290, %max3A_291 : i32
      %add3A_293 = arith.constant 0 : i32
      %add3A_294 = arith.addi %mul3A_282, %add3A_293 : i32
      %sub3A_295 = arith.constant 127 : i32
      %sub3A_296 = arith.subi %add3A_294, %sub3A_295 : i32
      %sub3A_297 = arith.subi %sub3A_296, %min3A_292 : i32
      %and3A_298 = arith.constant -16 : i32
      %and3A_299 = arith.andi %sub3A_297, %and3A_298 : i32
      %jit3A_300 = arith.constant 0 : i32
      %jit3A_301 = arith.constant 112 : i32
      %max3A_302 = arith.maxsi %jit3A_300, %and3A_299 : i32
      %min3A_303 = arith.minsi %jit3A_301, %max3A_302 : i32
      %add3A_304 = arith.constant 2047 : i32
      %add3A_305 = arith.addi %add3A_304, %min3A_292 : i32
      %sub3A_306 = arith.subi %add3A_305, %mul3A_282 : i32
      %sub3A_307 = arith.constant 0 : i32
      %sub3A_308 = arith.subi %sub3A_306, %sub3A_307 : i32
      %sub3A_309 = arith.constant 1664 : i32
      %sub3A_310 = arith.subi %sub3A_308, %sub3A_309 : i32
      %add3A_311 = arith.addi %sub3A_310, %min3A_303 : i32
      %scan3A_312 = arith.constant 0 : i32
      %scan3A_313 = arith.constant 0 : i32
      %scan3A_314 = arith.constant 17 : i32
      %scan3A_315 = arith.addi %scan3A_313, %scan3A_314 : i32
      %scan3A_316 = arith.constant 1 : i32
      scf.for %scan3A_808 = %scan3A_313 to %scan3A_315 step %scan3A_316  : i32 {
        %mul3A_809 = arith.constant 16 : i32
        %mul3A_810 = arith.muli %scan3A_808, %mul3A_809 : i32
        %add3A_811 = arith.addi %add3A_311, %mul3A_810 : i32
        %get3A = arith.index_cast %add3A_811 : i32 to index
        %get3A_812 = tpu.vector_load %arg5[%get3A] {strides = array<i32>} : memref<784xf32, #tpu.memory_space<vmem>>, vector<16xf32>,
        %add3A_813 = arith.constant 0 : i32
        %add3A_814 = arith.addi %add3A_813, %min3A_303 : i32
        %mul3A_815 = arith.constant 16 : i32
        %mul3A_816 = arith.muli %scan3A_808, %mul3A_815 : i32
        %add3A_817 = arith.addi %add3A_814, %mul3A_816 : i32
        %swap3A = arith.index_cast %add3A_817 : i32 to index
        %swap3A_818 = tpu.vector_load %arg7[%swap3A] {strides = array<i32>} : memref<3104xf32, #tpu.memory_space<vmem>>, vector<16xf32>,
        tpu.vector_store %arg7[%swap3A], %get3A_812 {strides = array<i32>} : memref<3104xf32, #tpu.memory_space<vmem>>, vector<16xf32>,
      }
      %scan3A_317 = arith.constant 17 : i32
      %add3A_318 = arith.constant 1 : i32
      %add3A_319 = arith.addi %mul3A_282, %add3A_318 : i32
      %sub3A_320 = arith.constant 127 : i32
      %sub3A_321 = arith.subi %add3A_319, %sub3A_320 : i32
      %sub3A_322 = arith.subi %sub3A_321, %min3A_292 : i32
      %and3A_323 = arith.constant -16 : i32
      %and3A_324 = arith.andi %sub3A_322, %and3A_323 : i32
      %jit3A_325 = arith.constant 0 : i32
      %jit3A_326 = arith.constant 112 : i32
      %max3A_327 = arith.maxsi %jit3A_325, %and3A_324 : i32
      %min3A_328 = arith.minsi %jit3A_326, %max3A_327 : i32
      %add3A_329 = arith.constant 2047 : i32
      %add3A_330 = arith.addi %add3A_329, %min3A_292 : i32
      %sub3A_331 = arith.subi %add3A_330, %mul3A_282 : i32
      %sub3A_332 = arith.constant 1 : i32
      %sub3A_333 = arith.subi %sub3A_331, %sub3A_332 : i32
      %sub3A_334 = arith.constant 1664 : i32
      %sub3A_335 = arith.subi %sub3A_333, %sub3A_334 : i32
      %add3A_336 = arith.addi %sub3A_335, %min3A_328 : i32
      %scan3A_337 = arith.constant 0 : i32
      %scan3A_338 = arith.constant 0 : i32
      %scan3A_339 = arith.constant 17 : i32
      %scan3A_340 = arith.addi %scan3A_338, %scan3A_339 : i32
      %scan3A_341 = arith.constant 1 : i32
      scf.for %scan3A_808 = %scan3A_338 to %scan3A_340 step %scan3A_341  : i32 {
        %mul3A_809 = arith.constant 16 : i32
        %mul3A_810 = arith.muli %scan3A_808, %mul3A_809 : i32
        %add3A_811 = arith.addi %add3A_336, %mul3A_810 : i32
        %get3A = arith.index_cast %add3A_811 : i32 to index
        %get3A_812 = tpu.vector_load %arg5[%get3A] {strides = array<i32>} : memref<784xf32, #tpu.memory_space<vmem>>, vector<16xf32>,
        %add3A_813 = arith.constant 384 : i32
        %add3A_814 = arith.addi %add3A_813, %min3A_328 : i32
        %mul3A_815 = arith.constant 16 : i32
        %mul3A_816 = arith.muli %scan3A_808, %mul3A_815 : i32
        %add3A_817 = arith.addi %add3A_814, %mul3A_816 : i32
        %swap3A = arith.index_cast %add3A_817 : i32 to index
        %swap3A_818 = tpu.vector_load %arg7[%swap3A] {strides = array<i32>} : memref<3104xf32, #tpu.memory_space<vmem>>, vector<16xf32>,
        tpu.vector_store %arg7[%swap3A], %get3A_812 {strides = array<i32>} : memref<3104xf32, #tpu.memory_space<vmem>>, vector<16xf32>,
      }
      %scan3A_342 = arith.constant 17 : i32
      %add3A_343 = arith.constant 2 : i32
      %add3A_344 = arith.addi %mul3A_282, %add3A_343 : i32
      %sub3A_345 = arith.constant 127 : i32
      %sub3A_346 = arith.subi %add3A_344, %sub3A_345 : i32
      %sub3A_347 = arith.subi %sub3A_346, %min3A_292 : i32
      %and3A_348 = arith.constant -16 : i32
      %and3A_349 = arith.andi %sub3A_347, %and3A_348 : i32
      %jit3A_350 = arith.constant 0 : i32
      %jit3A_351 = arith.constant 112 : i32
      %max3A_352 = arith.maxsi %jit3A_350, %and3A_349 : i32
      %min3A_353 = arith.minsi %jit3A_351, %max3A_352 : i32
      %add3A_354 = arith.constant 2047 : i32
      %add3A_355 = arith.addi %add3A_354, %min3A_292 : i32
      %sub3A_356 = arith.subi %add3A_355, %mul3A_282 : i32
      %sub3A_357 = arith.constant 2 : i32
      %sub3A_358 = arith.subi %sub3A_356, %sub3A_357 : i32
      %sub3A_359 = arith.constant 1664 : i32
      %sub3A_360 = arith.subi %sub3A_358, %sub3A_359 : i32
      %add3A_361 = arith.addi %sub3A_360, %min3A_353 : i32
      %scan3A_362 = arith.constant 0 : i32
      %scan3A_363 = arith.constant 0 : i32
      %scan3A_364 = arith.constant 17 : i32
      %scan3A_365 = arith.addi %scan3A_363, %scan3A_364 : i32
      %scan3A_366 = arith.constant 1 : i32
      scf.for %scan3A_808 = %scan3A_363 to %scan3A_365 step %scan3A_366  : i32 {
        %mul3A_809 = arith.constant 16 : i32
        %mul3A_810 = arith.muli %scan3A_808, %mul3A_809 : i32
        %add3A_811 = arith.addi %add3A_361, %mul3A_810 : i32
        %get3A = arith.index_cast %add3A_811 : i32 to index
        %get3A_812 = tpu.vector_load %arg5[%get3A] {strides = array<i32>} : memref<784xf32, #tpu.memory_space<vmem>>, vector<16xf32>,
        %add3A_813 = arith.constant 768 : i32
        %add3A_814 = arith.addi %add3A_813, %min3A_353 : i32
        %mul3A_815 = arith.constant 16 : i32
        %mul3A_816 = arith.muli %scan3A_808, %mul3A_815 : i32
        %add3A_817 = arith.addi %add3A_814, %mul3A_816 : i32
        %swap3A = arith.index_cast %add3A_817 : i32 to index
        %swap3A_818 = tpu.vector_load %arg7[%swap3A] {strides = array<i32>} : memref<3104xf32, #tpu.memory_space<vmem>>, vector<16xf32>,
        tpu.vector_store %arg7[%swap3A], %get3A_812 {strides = array<i32>} : memref<3104xf32, #tpu.memory_space<vmem>>, vector<16xf32>,
      }
      %scan3A_367 = arith.constant 17 : i32
      %add3A_368 = arith.constant 3 : i32
      %add3A_369 = arith.addi %mul3A_282, %add3A_368 : i32
      %sub3A_370 = arith.constant 127 : i32
      %sub3A_371 = arith.subi %add3A_369, %sub3A_370 : i32
      %sub3A_372 = arith.subi %sub3A_371, %min3A_292 : i32
      %and3A_373 = arith.constant -16 : i32
      %and3A_374 = arith.andi %sub3A_372, %and3A_373 : i32
      %jit3A_375 = arith.constant 0 : i32
      %jit3A_376 = arith.constant 112 : i32
      %max3A_377 = arith.maxsi %jit3A_375, %and3A_374 : i32
      %min3A_378 = arith.minsi %jit3A_376, %max3A_377 : i32
      %add3A_379 = arith.constant 2047 : i32
      %add3A_380 = arith.addi %add3A_379, %min3A_292 : i32
      %sub3A_381 = arith.subi %add3A_380, %mul3A_282 : i32
      %sub3A_382 = arith.constant 3 : i32
      %sub3A_383 = arith.subi %sub3A_381, %sub3A_382 : i32
      %sub3A_384 = arith.constant 1664 : i32
      %sub3A_385 = arith.subi %sub3A_383, %sub3A_384 : i32
      %add3A_386 = arith.addi %sub3A_385, %min3A_378 : i32
      %scan3A_387 = arith.constant 0 : i32
      %scan3A_388 = arith.constant 0 : i32
      %scan3A_389 = arith.constant 17 : i32
      %scan3A_390 = arith.addi %scan3A_388, %scan3A_389 : i32
      %scan3A_391 = arith.constant 1 : i32
      scf.for %scan3A_808 = %scan3A_388 to %scan3A_390 step %scan3A_391  : i32 {
        %mul3A_809 = arith.constant 16 : i32
        %mul3A_810 = arith.muli %scan3A_808, %mul3A_809 : i32
        %add3A_811 = arith.addi %add3A_386, %mul3A_810 : i32
        %get3A = arith.index_cast %add3A_811 : i32 to index
        %get3A_812 = tpu.vector_load %arg5[%get3A] {strides = array<i32>} : memref<784xf32, #tpu.memory_space<vmem>>, vector<16xf32>,
        %add3A_813 = arith.constant 1152 : i32
        %add3A_814 = arith.addi %add3A_813, %min3A_378 : i32
        %mul3A_815 = arith.constant 16 : i32
        %mul3A_816 = arith.muli %scan3A_808, %mul3A_815 : i32
        %add3A_817 = arith.addi %add3A_814, %mul3A_816 : i32
        %swap3A = arith.index_cast %add3A_817 : i32 to index
        %swap3A_818 = tpu.vector_load %arg7[%swap3A] {strides = array<i32>} : memref<3104xf32, #tpu.memory_space<vmem>>, vector<16xf32>,
        tpu.vector_store %arg7[%swap3A], %get3A_812 {strides = array<i32>} : memref<3104xf32, #tpu.memory_space<vmem>>, vector<16xf32>,
      }
      %scan3A_392 = arith.constant 17 : i32
      %add3A_393 = arith.constant 4 : i32
      %add3A_394 = arith.addi %mul3A_282, %add3A_393 : i32
      %sub3A_395 = arith.constant 127 : i32
      %sub3A_396 = arith.subi %add3A_394, %sub3A_395 : i32
      %sub3A_397 = arith.subi %sub3A_396, %min3A_292 : i32
      %and3A_398 = arith.constant -16 : i32
      %and3A_399 = arith.andi %sub3A_397, %and3A_398 : i32
      %jit3A_400 = arith.constant 0 : i32
      %jit3A_401 = arith.constant 112 : i32
      %max3A_402 = arith.maxsi %jit3A_400, %and3A_399 : i32
      %min3A_403 = arith.minsi %jit3A_401, %max3A_402 : i32
      %add3A_404 = arith.constant 2047 : i32
      %add3A_405 = arith.addi %add3A_404, %min3A_292 : i32
      %sub3A_406 = arith.subi %add3A_405, %mul3A_282 : i32
      %sub3A_407 = arith.constant 4 : i32
      %sub3A_408 = arith.subi %sub3A_406, %sub3A_407 : i32
      %sub3A_409 = arith.constant 1664 : i32
      %sub3A_410 = arith.subi %sub3A_408, %sub3A_409 : i32
      %add3A_411 = arith.addi %sub3A_410, %min3A_403 : i32
      %scan3A_412 = arith.constant 0 : i32
      %scan3A_413 = arith.constant 0 : i32
      %scan3A_414 = arith.constant 17 : i32
      %scan3A_415 = arith.addi %scan3A_413, %scan3A_414 : i32
      %scan3A_416 = arith.constant 1 : i32
      scf.for %scan3A_808 = %scan3A_413 to %scan3A_415 step %scan3A_416  : i32 {
        %mul3A_809 = arith.constant 16 : i32
        %mul3A_810 = arith.muli %scan3A_808, %mul3A_809 : i32
        %add3A_811 = arith.addi %add3A_411, %mul3A_810 : i32
        %get3A = arith.index_cast %add3A_811 : i32 to index
        %get3A_812 = tpu.vector_load %arg5[%get3A] {strides = array<i32>} : memref<784xf32, #tpu.memory_space<vmem>>, vector<16xf32>,
        %add3A_813 = arith.constant 1536 : i32
        %add3A_814 = arith.addi %add3A_813, %min3A_403 : i32
        %mul3A_815 = arith.constant 16 : i32
        %mul3A_816 = arith.muli %scan3A_808, %mul3A_815 : i32
        %add3A_817 = arith.addi %add3A_814, %mul3A_816 : i32
        %swap3A = arith.index_cast %add3A_817 : i32 to index
        %swap3A_818 = tpu.vector_load %arg7[%swap3A] {strides = array<i32>} : memref<3104xf32, #tpu.memory_space<vmem>>, vector<16xf32>,
        tpu.vector_store %arg7[%swap3A], %get3A_812 {strides = array<i32>} : memref<3104xf32, #tpu.memory_space<vmem>>, vector<16xf32>,
      }
      %scan3A_417 = arith.constant 17 : i32
      %add3A_418 = arith.constant 5 : i32
      %add3A_419 = arith.addi %mul3A_282, %add3A_418 : i32
      %sub3A_420 = arith.constant 127 : i32
      %sub3A_421 = arith.subi %add3A_419, %sub3A_420 : i32
      %sub3A_422 = arith.subi %sub3A_421, %min3A_292 : i32
      %and3A_423 = arith.constant -16 : i32
      %and3A_424 = arith.andi %sub3A_422, %and3A_423 : i32
      %jit3A_425 = arith.constant 0 : i32
      %jit3A_426 = arith.constant 112 : i32
      %max3A_427 = arith.maxsi %jit3A_425, %and3A_424 : i32
      %min3A_428 = arith.minsi %jit3A_426, %max3A_427 : i32
      %add3A_429 = arith.constant 2047 : i32
      %add3A_430 = arith.addi %add3A_429, %min3A_292 : i32
      %sub3A_431 = arith.subi %add3A_430, %mul3A_282 : i32
      %sub3A_432 = arith.constant 5 : i32
      %sub3A_433 = arith.subi %sub3A_431, %sub3A_432 : i32
      %sub3A_434 = arith.constant 1664 : i32
      %sub3A_435 = arith.subi %sub3A_433, %sub3A_434 : i32
      %add3A_436 = arith.addi %sub3A_435, %min3A_428 : i32
      %scan3A_437 = arith.constant 0 : i32
      %scan3A_438 = arith.constant 0 : i32
      %scan3A_439 = arith.constant 17 : i32
      %scan3A_440 = arith.addi %scan3A_438, %scan3A_439 : i32
      %scan3A_441 = arith.constant 1 : i32
      scf.for %scan3A_808 = %scan3A_438 to %scan3A_440 step %scan3A_441  : i32 {
        %mul3A_809 = arith.constant 16 : i32
        %mul3A_810 = arith.muli %scan3A_808, %mul3A_809 : i32
        %add3A_811 = arith.addi %add3A_436, %mul3A_810 : i32
        %get3A = arith.index_cast %add3A_811 : i32 to index
        %get3A_812 = tpu.vector_load %arg5[%get3A] {strides = array<i32>} : memref<784xf32, #tpu.memory_space<vmem>>, vector<16xf32>,
        %add3A_813 = arith.constant 1920 : i32
        %add3A_814 = arith.addi %add3A_813, %min3A_428 : i32
        %mul3A_815 = arith.constant 16 : i32
        %mul3A_816 = arith.muli %scan3A_808, %mul3A_815 : i32
        %add3A_817 = arith.addi %add3A_814, %mul3A_816 : i32
        %swap3A = arith.index_cast %add3A_817 : i32 to index
        %swap3A_818 = tpu.vector_load %arg7[%swap3A] {strides = array<i32>} : memref<3104xf32, #tpu.memory_space<vmem>>, vector<16xf32>,
        tpu.vector_store %arg7[%swap3A], %get3A_812 {strides = array<i32>} : memref<3104xf32, #tpu.memory_space<vmem>>, vector<16xf32>,
      }
      %scan3A_442 = arith.constant 17 : i32
      %add3A_443 = arith.constant 6 : i32
      %add3A_444 = arith.addi %mul3A_282, %add3A_443 : i32
      %sub3A_445 = arith.constant 127 : i32
      %sub3A_446 = arith.subi %add3A_444, %sub3A_445 : i32
      %sub3A_447 = arith.subi %sub3A_446, %min3A_292 : i32
      %and3A_448 = arith.constant -16 : i32
      %and3A_449 = arith.andi %sub3A_447, %and3A_448 : i32
      %jit3A_450 = arith.constant 0 : i32
      %jit3A_451 = arith.constant 112 : i32
      %max3A_452 = arith.maxsi %jit3A_450, %and3A_449 : i32
      %min3A_453 = arith.minsi %jit3A_451, %max3A_452 : i32
      %add3A_454 = arith.constant 2047 : i32
      %add3A_455 = arith.addi %add3A_454, %min3A_292 : i32
      %sub3A_456 = arith.subi %add3A_455, %mul3A_282 : i32
      %sub3A_457 = arith.constant 6 : i32
      %sub3A_458 = arith.subi %sub3A_456, %sub3A_457 : i32
      %sub3A_459 = arith.constant 1664 : i32
      %sub3A_460 = arith.subi %sub3A_458, %sub3A_459 : i32
      %add3A_461 = arith.addi %sub3A_460, %min3A_453 : i32
      %scan3A_462 = arith.constant 0 : i32
      %scan3A_463 = arith.constant 0 : i32
      %scan3A_464 = arith.constant 17 : i32
      %scan3A_465 = arith.addi %scan3A_463, %scan3A_464 : i32
      %scan3A_466 = arith.constant 1 : i32
      scf.for %scan3A_808 = %scan3A_463 to %scan3A_465 step %scan3A_466  : i32 {
        %mul3A_809 = arith.constant 16 : i32
        %mul3A_810 = arith.muli %scan3A_808, %mul3A_809 : i32
        %add3A_811 = arith.addi %add3A_461, %mul3A_810 : i32
        %get3A = arith.index_cast %add3A_811 : i32 to index
        %get3A_812 = tpu.vector_load %arg5[%get3A] {strides = array<i32>} : memref<784xf32, #tpu.memory_space<vmem>>, vector<16xf32>,
        %add3A_813 = arith.constant 2304 : i32
        %add3A_814 = arith.addi %add3A_813, %min3A_453 : i32
        %mul3A_815 = arith.constant 16 : i32
        %mul3A_816 = arith.muli %scan3A_808, %mul3A_815 : i32
        %add3A_817 = arith.addi %add3A_814, %mul3A_816 : i32
        %swap3A = arith.index_cast %add3A_817 : i32 to index
        %swap3A_818 = tpu.vector_load %arg7[%swap3A] {strides = array<i32>} : memref<3104xf32, #tpu.memory_space<vmem>>, vector<16xf32>,
        tpu.vector_store %arg7[%swap3A], %get3A_812 {strides = array<i32>} : memref<3104xf32, #tpu.memory_space<vmem>>, vector<16xf32>,
      }
      %scan3A_467 = arith.constant 17 : i32
      %add3A_468 = arith.constant 7 : i32
      %add3A_469 = arith.addi %mul3A_282, %add3A_468 : i32
      %sub3A_470 = arith.constant 127 : i32
      %sub3A_471 = arith.subi %add3A_469, %sub3A_470 : i32
      %sub3A_472 = arith.subi %sub3A_471, %min3A_292 : i32
      %and3A_473 = arith.constant -16 : i32
      %and3A_474 = arith.andi %sub3A_472, %and3A_473 : i32
      %jit3A_475 = arith.constant 0 : i32
      %jit3A_476 = arith.constant 112 : i32
      %max3A_477 = arith.maxsi %jit3A_475, %and3A_474 : i32
      %min3A_478 = arith.minsi %jit3A_476, %max3A_477 : i32
      %add3A_479 = arith.constant 2047 : i32
      %add3A_480 = arith.addi %add3A_479, %min3A_292 : i32
      %sub3A_481 = arith.subi %add3A_480, %mul3A_282 : i32
      %sub3A_482 = arith.constant 7 : i32
      %sub3A_483 = arith.subi %sub3A_481, %sub3A_482 : i32
      %sub3A_484 = arith.constant 1664 : i32
      %sub3A_485 = arith.subi %sub3A_483, %sub3A_484 : i32
      %add3A_486 = arith.addi %sub3A_485, %min3A_478 : i32
      %scan3A_487 = arith.constant 0 : i32
      %scan3A_488 = arith.constant 0 : i32
      %scan3A_489 = arith.constant 17 : i32
      %scan3A_490 = arith.addi %scan3A_488, %scan3A_489 : i32
      %scan3A_491 = arith.constant 1 : i32
      scf.for %scan3A_808 = %scan3A_488 to %scan3A_490 step %scan3A_491  : i32 {
        %mul3A_809 = arith.constant 16 : i32
        %mul3A_810 = arith.muli %scan3A_808, %mul3A_809 : i32
        %add3A_811 = arith.addi %add3A_486, %mul3A_810 : i32
        %get3A = arith.index_cast %add3A_811 : i32 to index
        %get3A_812 = tpu.vector_load %arg5[%get3A] {strides = array<i32>} : memref<784xf32, #tpu.memory_space<vmem>>, vector<16xf32>,
        %add3A_813 = arith.constant 2688 : i32
        %add3A_814 = arith.addi %add3A_813, %min3A_478 : i32
        %mul3A_815 = arith.constant 16 : i32
        %mul3A_816 = arith.muli %scan3A_808, %mul3A_815 : i32
        %add3A_817 = arith.addi %add3A_814, %mul3A_816 : i32
        %swap3A = arith.index_cast %add3A_817 : i32 to index
        %swap3A_818 = tpu.vector_load %arg7[%swap3A] {strides = array<i32>} : memref<3104xf32, #tpu.memory_space<vmem>>, vector<16xf32>,
        tpu.vector_store %arg7[%swap3A], %get3A_812 {strides = array<i32>} : memref<3104xf32, #tpu.memory_space<vmem>>, vector<16xf32>,
      }
      %scan3A_492 = arith.constant 17 : i32
      %shift_right_arithmetic3A_493 = arith.constant 3 : i32
      %shift_right_arithmetic3A_494 = arith.shrsi %add3A_267, %shift_right_arithmetic3A_493 : i32
      %and3A_495 = arith.constant 7 : i32
      %and3A_496 = arith.andi %add3A_267, %and3A_495 : i32
      %mul3A_497 = arith.constant 32 : i32
      %mul3A_498 = arith.muli %mul3A_497, %and3A_496 : i32
      %add3A_499 = arith.addi %add3A, %mul3A_498 : i32
      %mul3A_500 = arith.constant 8 : i32
      %mul3A_501 = arith.muli %mul3A_500, %add3A_499 : i32
      %shift_right_arithmetic3A_502 = arith.constant 7 : i32
      %shift_right_arithmetic3A_503 = arith.shrsi %mul3A_501, %shift_right_arithmetic3A_502 : i32
      %and3A_504 = arith.constant -128 : i32
      %and3A_505 = arith.andi %mul3A_501, %and3A_504 : i32
      %sub3A_506 = arith.constant 128 : i32
      %sub3A_507 = arith.subi %and3A_505, %sub3A_506 : i32
      %jit3A_508 = arith.constant 0 : i32
      %jit3A_509 = arith.constant 1664 : i32
      %max3A_510 = arith.maxsi %jit3A_508, %sub3A_507 : i32
      %min3A_511 = arith.minsi %jit3A_509, %max3A_510 : i32
      %and3A_512 = arith.constant 127 : i32
      %and3A_513 = arith.andi %mul3A_501, %and3A_512 : i32
      %mul3A_514 = arith.constant 16 : i32
      %mul3A_515 = arith.muli %shift_right_arithmetic3A_494, %mul3A_514 : i32
      %add3A_516 = arith.addi %mul3A_515, %shift_right_arithmetic3A_503 : i32
      %mul3A_517 = arith.constant 128 : i32
      %mul3A_518 = arith.muli %add3A_516, %mul3A_517 : i32
      %add3A_519 = arith.addi %mul3A_518, %and3A_513 : i32
      %mul3A_520 = arith.constant 384 : i32
      %mul3A_521 = arith.muli %add3A_519, %mul3A_520 : i32
      %dma_start3A_522 = arith.constant 0 : i32
      %dma_start3A_523 = tpu.memref_slice %arg7[%dma_start3A_522] : memref<3104xf32, #tpu.memory_space<vmem>> -> memref<3072xf32, #tpu.memory_space<vmem>>
      %dma_start3A_524 = tpu.memref_slice %arg3[%mul3A_521] : memref<4718592xf32, #tpu.memory_space<hbm>> -> memref<3072xf32, #tpu.memory_space<hbm>>
      %dma_start3A_525 = tpu.memref_slice %arg3[%mul3A_521] : memref<4718592xf32, #tpu.memory_space<hbm>> -> memref<3072xf32, #tpu.memory_space<hbm>>
      %dma_start3A_526 = arith.constant 0 : i32
      %dma_start3A_527 = tpu.memref_slice %arg7[%dma_start3A_526] : memref<3104xf32, #tpu.memory_space<vmem>> -> memref<3072xf32, #tpu.memory_space<vmem>>
      tpu.enqueue_dma source(%dma_start3A_527 : memref<3072xf32, #tpu.memory_space<vmem>>) target(%dma_start3A_525 : memref<3072xf32, #tpu.memory_space<hbm>>) target_semaphore(%arg9 : memref<!tpu.dma_semaphore, #tpu.memory_space<semaphore_mem>>)
      %mul3A_528 = arith.constant 2 : i32
      %mul3A_529 = arith.muli %mul3A_528, %scan3A_263 : i32
      %add3A_530 = arith.constant 2 : i32
      %add3A_531 = arith.addi %mul3A_529, %add3A_530 : i32
      %jit3A_532 = arith.constant 8 : i32
      %eq3A = arith.constant 0 : i32
      %eq3A_533 = arith.cmpi eq, %jit3A_532, %eq3A : i32
      %jit3A_534 = arith.constant 1 : i32
      %select_n3A = arith.select %eq3A_533, %jit3A_534, %jit3A_532 : i32
      %rem3A = arith.remsi %add3A_531, %select_n3A : i32
      %ne3A = arith.constant 0 : i32
      %ne3A_535 = arith.cmpi ne, %rem3A, %ne3A : i32
      %lt3A = arith.constant 0 : i32
      %lt3A_536 = arith.cmpi slt, %rem3A, %lt3A : i32
      %lt3A_537 = arith.constant 0 : i32
      %lt3A_538 = arith.cmpi slt, %select_n3A, %lt3A_537 : i32
      %ne3A_539 = arith.xori %lt3A_536, %lt3A_538 : i1
      %and3A_540 = arith.andi %ne3A_539, %ne3A_535 : i1
      %add3A_541 = arith.addi %rem3A, %select_n3A : i32
      %select_n3A_542 = arith.select %and3A_540, %add3A_541, %rem3A : i32
      %eq3A_543 = arith.constant 0 : i32
      %eq3A_544 = arith.cmpi eq, %select_n3A_542, %eq3A_543 : i32
      %convert_element_type3A_545 = arith.extui %eq3A_544 : i1 to i32
      %cond3A_546 = arith.constant 0 : i32
      %cond3A_547 = arith.cmpi ne, %convert_element_type3A_545, %cond3A_546 : i32
      scf.if %cond3A_547 {
        %mul3A_808 = arith.constant 2 : i32
        %mul3A_809 = arith.muli %mul3A_808, %scan3A_263 : i32
        %add3A_810 = arith.constant 2 : i32
        %add3A_811 = arith.addi %mul3A_809, %add3A_810 : i32
        %shift_right_arithmetic3A_812 = arith.constant 3 : i32
        %shift_right_arithmetic3A_813 = arith.shrsi %add3A_811, %shift_right_arithmetic3A_812 : i32
        %min3A_814 = arith.constant 5 : i32
        %min3A_815 = arith.minsi %shift_right_arithmetic3A_813, %min3A_814 : i32
        %add3A_816 = arith.constant 0 : i32
        %add3A_817 = arith.addi %add3A_816, %min3A_815 : i32
        %mul3A_818 = arith.constant 257 : i32
        %mul3A_819 = arith.muli %add3A_817, %mul3A_818 : i32
        %scan3A_820 = arith.constant 0 : i32
        %scan3A_821 = arith.constant 0 : i32
        %scan3A_822 = arith.constant 49 : i32
        %scan3A_823 = arith.addi %scan3A_821, %scan3A_822 : i32
        %scan3A_824 = arith.constant 1 : i32
        scf.for %scan3A_826 = %scan3A_821 to %scan3A_823 step %scan3A_824  : i32 {
          %mul3A_827 = arith.constant 16 : i32
          %mul3A_828 = arith.muli %scan3A_826, %mul3A_827 : i32
          %add3A_829 = arith.constant 1664 : i32
          %add3A_830 = arith.addi %add3A_829, %mul3A_828 : i32
          %add3A_831 = vector.broadcast %add3A_830 : i32 to vector<16xi32>
          %add3A_832 = arith.addi %add3A_831, %iota3A : vector<16xi32>
          %sub3A_833 = arith.constant 2047 : i32
          %sub3A_834 = vector.broadcast %sub3A_833 : i32 to vector<16xi32>
          %sub3A_835 = arith.subi %add3A_832, %sub3A_834 : vector<16xi32>
          %jit3A_836 = arith.constant -128 : i32
          %jit3A_837 = arith.constant 128 : i32
          %max3A_838 = vector.broadcast %jit3A_836 : i32 to vector<16xi32>
          %max3A_839 = arith.maxsi %max3A_838, %sub3A_835 : vector<16xi32>
          %min3A_840 = vector.broadcast %jit3A_837 : i32 to vector<16xi32>
          %min3A_841 = arith.minsi %min3A_840, %max3A_839 : vector<16xi32>
          %add3A_842 = arith.constant 128 : i32
          %add3A_843 = vector.broadcast %add3A_842 : i32 to vector<16xi32>
          %add3A_844 = arith.addi %min3A_841, %add3A_843 : vector<16xi32>
          %add3A_845 = vector.broadcast %mul3A_819 : i32 to vector<16xi32>
          %add3A_846 = arith.addi %add3A_844, %add3A_845 : vector<16xi32>
          %gather3A = tpu.vector_load_idx %arg4[%add3A_846] : memref<3084xf32, #tpu.memory_space<vmem>>[vector<16xi32>], vector<16xf32>,
          %mul3A_847 = arith.constant 16 : i32
          %mul3A_848 = arith.muli %scan3A_826, %mul3A_847 : i32
          %swap3A = arith.index_cast %mul3A_848 : i32 to index
          %swap3A_849 = tpu.vector_load %arg5[%swap3A] {strides = array<i32>} : memref<784xf32, #tpu.memory_space<vmem>>, vector<16xf32>,
          tpu.vector_store %arg5[%swap3A], %gather3A {strides = array<i32>} : memref<784xf32, #tpu.memory_space<vmem>>, vector<16xf32>,
        }
        %scan3A_825 = arith.constant 49 : i32
      } else {
      }
      %dma_wait3A_548 = arith.constant 0 : i32
      %dma_wait3A_549 = tpu.memref_slice %arg6[%dma_wait3A_548] : memref<3104xf32, #tpu.memory_space<vmem>> -> memref<3072xf32, #tpu.memory_space<vmem>>
      %dma_wait3A_550 = arith.constant 0 : i32
      %dma_wait3A_551 = tpu.memref_slice %arg3[%dma_wait3A_550] : memref<4718592xf32, #tpu.memory_space<hbm>> -> memref<3072xf32, #tpu.memory_space<hbm>>
      %dma_wait3A_552 = arith.constant 0 : i32
      %dma_wait3A_553 = tpu.memref_slice %arg3[%dma_wait3A_552] : memref<4718592xf32, #tpu.memory_space<hbm>> -> memref<3072xf32, #tpu.memory_space<hbm>>
      %dma_wait3A_554 = arith.constant 0 : i32
      %dma_wait3A_555 = tpu.memref_slice %arg6[%dma_wait3A_554] : memref<3104xf32, #tpu.memory_space<vmem>> -> memref<3072xf32, #tpu.memory_space<vmem>>
      tpu.wait_dma2 semaphore(%arg8 : memref<!tpu.dma_semaphore, #tpu.memory_space<semaphore_mem>>) src(%dma_wait3A_555 : memref<3072xf32, #tpu.memory_space<vmem>>) dst(%dma_wait3A_553 : memref<3072xf32, #tpu.memory_space<hbm>>)
      %and3A_556 = arith.constant 7 : i32
      %and3A_557 = arith.andi %min3A_273, %and3A_556 : i32
      %mul3A_558 = arith.constant 32 : i32
      %mul3A_559 = arith.muli %mul3A_558, %and3A_557 : i32
      %add3A_560 = arith.addi %add3A, %mul3A_559 : i32
      %mul3A_561 = arith.constant 8 : i32
      %mul3A_562 = arith.muli %mul3A_561, %add3A_560 : i32
      %shift_right_arithmetic3A_563 = arith.constant 7 : i32
      %shift_right_arithmetic3A_564 = arith.shrsi %mul3A_562, %shift_right_arithmetic3A_563 : i32
      %and3A_565 = arith.constant -128 : i32
      %and3A_566 = arith.andi %mul3A_562, %and3A_565 : i32
      %sub3A_567 = arith.constant 128 : i32
      %sub3A_568 = arith.subi %and3A_566, %sub3A_567 : i32
      %jit3A_569 = arith.constant 0 : i32
      %jit3A_570 = arith.constant 1664 : i32
      %max3A_571 = arith.maxsi %jit3A_569, %sub3A_568 : i32
      %min3A_572 = arith.minsi %jit3A_570, %max3A_571 : i32
      %add3A_573 = arith.constant 0 : i32
      %add3A_574 = arith.addi %mul3A_562, %add3A_573 : i32
      %sub3A_575 = arith.constant 127 : i32
      %sub3A_576 = arith.subi %add3A_574, %sub3A_575 : i32
      %sub3A_577 = arith.subi %sub3A_576, %min3A_572 : i32
      %and3A_578 = arith.constant -16 : i32
      %and3A_579 = arith.andi %sub3A_577, %and3A_578 : i32
      %jit3A_580 = arith.constant 0 : i32
      %jit3A_581 = arith.constant 112 : i32
      %max3A_582 = arith.maxsi %jit3A_580, %and3A_579 : i32
      %min3A_583 = arith.minsi %jit3A_581, %max3A_582 : i32
      %add3A_584 = arith.constant 2047 : i32
      %add3A_585 = arith.addi %add3A_584, %min3A_572 : i32
      %sub3A_586 = arith.subi %add3A_585, %mul3A_562 : i32
      %sub3A_587 = arith.constant 0 : i32
      %sub3A_588 = arith.subi %sub3A_586, %sub3A_587 : i32
      %sub3A_589 = arith.constant 1664 : i32
      %sub3A_590 = arith.subi %sub3A_588, %sub3A_589 : i32
      %add3A_591 = arith.addi %sub3A_590, %min3A_583 : i32
      %scan3A_592 = arith.constant 0 : i32
      %scan3A_593 = arith.constant 0 : i32
      %scan3A_594 = arith.constant 17 : i32
      %scan3A_595 = arith.addi %scan3A_593, %scan3A_594 : i32
      %scan3A_596 = arith.constant 1 : i32
      scf.for %scan3A_808 = %scan3A_593 to %scan3A_595 step %scan3A_596  : i32 {
        %mul3A_809 = arith.constant 16 : i32
        %mul3A_810 = arith.muli %scan3A_808, %mul3A_809 : i32
        %add3A_811 = arith.addi %add3A_591, %mul3A_810 : i32
        %get3A = arith.index_cast %add3A_811 : i32 to index
        %get3A_812 = tpu.vector_load %arg5[%get3A] {strides = array<i32>} : memref<784xf32, #tpu.memory_space<vmem>>, vector<16xf32>,
        %add3A_813 = arith.constant 0 : i32
        %add3A_814 = arith.addi %add3A_813, %min3A_583 : i32
        %mul3A_815 = arith.constant 16 : i32
        %mul3A_816 = arith.muli %scan3A_808, %mul3A_815 : i32
        %add3A_817 = arith.addi %add3A_814, %mul3A_816 : i32
        %swap3A = arith.index_cast %add3A_817 : i32 to index
        %swap3A_818 = tpu.vector_load %arg6[%swap3A] {strides = array<i32>} : memref<3104xf32, #tpu.memory_space<vmem>>, vector<16xf32>,
        tpu.vector_store %arg6[%swap3A], %get3A_812 {strides = array<i32>} : memref<3104xf32, #tpu.memory_space<vmem>>, vector<16xf32>,
      }
      %scan3A_597 = arith.constant 17 : i32
      %add3A_598 = arith.constant 1 : i32
      %add3A_599 = arith.addi %mul3A_562, %add3A_598 : i32
      %sub3A_600 = arith.constant 127 : i32
      %sub3A_601 = arith.subi %add3A_599, %sub3A_600 : i32
      %sub3A_602 = arith.subi %sub3A_601, %min3A_572 : i32
      %and3A_603 = arith.constant -16 : i32
      %and3A_604 = arith.andi %sub3A_602, %and3A_603 : i32
      %jit3A_605 = arith.constant 0 : i32
      %jit3A_606 = arith.constant 112 : i32
      %max3A_607 = arith.maxsi %jit3A_605, %and3A_604 : i32
      %min3A_608 = arith.minsi %jit3A_606, %max3A_607 : i32
      %add3A_609 = arith.constant 2047 : i32
      %add3A_610 = arith.addi %add3A_609, %min3A_572 : i32
      %sub3A_611 = arith.subi %add3A_610, %mul3A_562 : i32
      %sub3A_612 = arith.constant 1 : i32
      %sub3A_613 = arith.subi %sub3A_611, %sub3A_612 : i32
      %sub3A_614 = arith.constant 1664 : i32
      %sub3A_615 = arith.subi %sub3A_613, %sub3A_614 : i32
      %add3A_616 = arith.addi %sub3A_615, %min3A_608 : i32
      %scan3A_617 = arith.constant 0 : i32
      %scan3A_618 = arith.constant 0 : i32
      %scan3A_619 = arith.constant 17 : i32
      %scan3A_620 = arith.addi %scan3A_618, %scan3A_619 : i32
      %scan3A_621 = arith.constant 1 : i32
      scf.for %scan3A_808 = %scan3A_618 to %scan3A_620 step %scan3A_621  : i32 {
        %mul3A_809 = arith.constant 16 : i32
        %mul3A_810 = arith.muli %scan3A_808, %mul3A_809 : i32
        %add3A_811 = arith.addi %add3A_616, %mul3A_810 : i32
        %get3A = arith.index_cast %add3A_811 : i32 to index
        %get3A_812 = tpu.vector_load %arg5[%get3A] {strides = array<i32>} : memref<784xf32, #tpu.memory_space<vmem>>, vector<16xf32>,
        %add3A_813 = arith.constant 384 : i32
        %add3A_814 = arith.addi %add3A_813, %min3A_608 : i32
        %mul3A_815 = arith.constant 16 : i32
        %mul3A_816 = arith.muli %scan3A_808, %mul3A_815 : i32
        %add3A_817 = arith.addi %add3A_814, %mul3A_816 : i32
        %swap3A = arith.index_cast %add3A_817 : i32 to index
        %swap3A_818 = tpu.vector_load %arg6[%swap3A] {strides = array<i32>} : memref<3104xf32, #tpu.memory_space<vmem>>, vector<16xf32>,
        tpu.vector_store %arg6[%swap3A], %get3A_812 {strides = array<i32>} : memref<3104xf32, #tpu.memory_space<vmem>>, vector<16xf32>,
      }
      %scan3A_622 = arith.constant 17 : i32
      %add3A_623 = arith.constant 2 : i32
      %add3A_624 = arith.addi %mul3A_562, %add3A_623 : i32
      %sub3A_625 = arith.constant 127 : i32
      %sub3A_626 = arith.subi %add3A_624, %sub3A_625 : i32
      %sub3A_627 = arith.subi %sub3A_626, %min3A_572 : i32
      %and3A_628 = arith.constant -16 : i32
      %and3A_629 = arith.andi %sub3A_627, %and3A_628 : i32
      %jit3A_630 = arith.constant 0 : i32
      %jit3A_631 = arith.constant 112 : i32
      %max3A_632 = arith.maxsi %jit3A_630, %and3A_629 : i32
      %min3A_633 = arith.minsi %jit3A_631, %max3A_632 : i32
      %add3A_634 = arith.constant 2047 : i32
      %add3A_635 = arith.addi %add3A_634, %min3A_572 : i32
      %sub3A_636 = arith.subi %add3A_635, %mul3A_562 : i32
      %sub3A_637 = arith.constant 2 : i32
      %sub3A_638 = arith.subi %sub3A_636, %sub3A_637 : i32
      %sub3A_639 = arith.constant 1664 : i32
      %sub3A_640 = arith.subi %sub3A_638, %sub3A_639 : i32
      %add3A_641 = arith.addi %sub3A_640, %min3A_633 : i32
      %scan3A_642 = arith.constant 0 : i32
      %scan3A_643 = arith.constant 0 : i32
      %scan3A_644 = arith.constant 17 : i32
      %scan3A_645 = arith.addi %scan3A_643, %scan3A_644 : i32
      %scan3A_646 = arith.constant 1 : i32
      scf.for %scan3A_808 = %scan3A_643 to %scan3A_645 step %scan3A_646  : i32 {
        %mul3A_809 = arith.constant 16 : i32
        %mul3A_810 = arith.muli %scan3A_808, %mul3A_809 : i32
        %add3A_811 = arith.addi %add3A_641, %mul3A_810 : i32
        %get3A = arith.index_cast %add3A_811 : i32 to index
        %get3A_812 = tpu.vector_load %arg5[%get3A] {strides = array<i32>} : memref<784xf32, #tpu.memory_space<vmem>>, vector<16xf32>,
        %add3A_813 = arith.constant 768 : i32
        %add3A_814 = arith.addi %add3A_813, %min3A_633 : i32
        %mul3A_815 = arith.constant 16 : i32
        %mul3A_816 = arith.muli %scan3A_808, %mul3A_815 : i32
        %add3A_817 = arith.addi %add3A_814, %mul3A_816 : i32
        %swap3A = arith.index_cast %add3A_817 : i32 to index
        %swap3A_818 = tpu.vector_load %arg6[%swap3A] {strides = array<i32>} : memref<3104xf32, #tpu.memory_space<vmem>>, vector<16xf32>,
        tpu.vector_store %arg6[%swap3A], %get3A_812 {strides = array<i32>} : memref<3104xf32, #tpu.memory_space<vmem>>, vector<16xf32>,
      }
      %scan3A_647 = arith.constant 17 : i32
      %add3A_648 = arith.constant 3 : i32
      %add3A_649 = arith.addi %mul3A_562, %add3A_648 : i32
      %sub3A_650 = arith.constant 127 : i32
      %sub3A_651 = arith.subi %add3A_649, %sub3A_650 : i32
      %sub3A_652 = arith.subi %sub3A_651, %min3A_572 : i32
      %and3A_653 = arith.constant -16 : i32
      %and3A_654 = arith.andi %sub3A_652, %and3A_653 : i32
      %jit3A_655 = arith.constant 0 : i32
      %jit3A_656 = arith.constant 112 : i32
      %max3A_657 = arith.maxsi %jit3A_655, %and3A_654 : i32
      %min3A_658 = arith.minsi %jit3A_656, %max3A_657 : i32
      %add3A_659 = arith.constant 2047 : i32
      %add3A_660 = arith.addi %add3A_659, %min3A_572 : i32
      %sub3A_661 = arith.subi %add3A_660, %mul3A_562 : i32
      %sub3A_662 = arith.constant 3 : i32
      %sub3A_663 = arith.subi %sub3A_661, %sub3A_662 : i32
      %sub3A_664 = arith.constant 1664 : i32
      %sub3A_665 = arith.subi %sub3A_663, %sub3A_664 : i32
      %add3A_666 = arith.addi %sub3A_665, %min3A_658 : i32
      %scan3A_667 = arith.constant 0 : i32
      %scan3A_668 = arith.constant 0 : i32
      %scan3A_669 = arith.constant 17 : i32
      %scan3A_670 = arith.addi %scan3A_668, %scan3A_669 : i32
      %scan3A_671 = arith.constant 1 : i32
      scf.for %scan3A_808 = %scan3A_668 to %scan3A_670 step %scan3A_671  : i32 {
        %mul3A_809 = arith.constant 16 : i32
        %mul3A_810 = arith.muli %scan3A_808, %mul3A_809 : i32
        %add3A_811 = arith.addi %add3A_666, %mul3A_810 : i32
        %get3A = arith.index_cast %add3A_811 : i32 to index
        %get3A_812 = tpu.vector_load %arg5[%get3A] {strides = array<i32>} : memref<784xf32, #tpu.memory_space<vmem>>, vector<16xf32>,
        %add3A_813 = arith.constant 1152 : i32
        %add3A_814 = arith.addi %add3A_813, %min3A_658 : i32
        %mul3A_815 = arith.constant 16 : i32
        %mul3A_816 = arith.muli %scan3A_808, %mul3A_815 : i32
        %add3A_817 = arith.addi %add3A_814, %mul3A_816 : i32
        %swap3A = arith.index_cast %add3A_817 : i32 to index
        %swap3A_818 = tpu.vector_load %arg6[%swap3A] {strides = array<i32>} : memref<3104xf32, #tpu.memory_space<vmem>>, vector<16xf32>,
        tpu.vector_store %arg6[%swap3A], %get3A_812 {strides = array<i32>} : memref<3104xf32, #tpu.memory_space<vmem>>, vector<16xf32>,
      }
      %scan3A_672 = arith.constant 17 : i32
      %add3A_673 = arith.constant 4 : i32
      %add3A_674 = arith.addi %mul3A_562, %add3A_673 : i32
      %sub3A_675 = arith.constant 127 : i32
      %sub3A_676 = arith.subi %add3A_674, %sub3A_675 : i32
      %sub3A_677 = arith.subi %sub3A_676, %min3A_572 : i32
      %and3A_678 = arith.constant -16 : i32
      %and3A_679 = arith.andi %sub3A_677, %and3A_678 : i32
      %jit3A_680 = arith.constant 0 : i32
      %jit3A_681 = arith.constant 112 : i32
      %max3A_682 = arith.maxsi %jit3A_680, %and3A_679 : i32
      %min3A_683 = arith.minsi %jit3A_681, %max3A_682 : i32
      %add3A_684 = arith.constant 2047 : i32
      %add3A_685 = arith.addi %add3A_684, %min3A_572 : i32
      %sub3A_686 = arith.subi %add3A_685, %mul3A_562 : i32
      %sub3A_687 = arith.constant 4 : i32
      %sub3A_688 = arith.subi %sub3A_686, %sub3A_687 : i32
      %sub3A_689 = arith.constant 1664 : i32
      %sub3A_690 = arith.subi %sub3A_688, %sub3A_689 : i32
      %add3A_691 = arith.addi %sub3A_690, %min3A_683 : i32
      %scan3A_692 = arith.constant 0 : i32
      %scan3A_693 = arith.constant 0 : i32
      %scan3A_694 = arith.constant 17 : i32
      %scan3A_695 = arith.addi %scan3A_693, %scan3A_694 : i32
      %scan3A_696 = arith.constant 1 : i32
      scf.for %scan3A_808 = %scan3A_693 to %scan3A_695 step %scan3A_696  : i32 {
        %mul3A_809 = arith.constant 16 : i32
        %mul3A_810 = arith.muli %scan3A_808, %mul3A_809 : i32
        %add3A_811 = arith.addi %add3A_691, %mul3A_810 : i32
        %get3A = arith.index_cast %add3A_811 : i32 to index
        %get3A_812 = tpu.vector_load %arg5[%get3A] {strides = array<i32>} : memref<784xf32, #tpu.memory_space<vmem>>, vector<16xf32>,
        %add3A_813 = arith.constant 1536 : i32
        %add3A_814 = arith.addi %add3A_813, %min3A_683 : i32
        %mul3A_815 = arith.constant 16 : i32
        %mul3A_816 = arith.muli %scan3A_808, %mul3A_815 : i32
        %add3A_817 = arith.addi %add3A_814, %mul3A_816 : i32
        %swap3A = arith.index_cast %add3A_817 : i32 to index
        %swap3A_818 = tpu.vector_load %arg6[%swap3A] {strides = array<i32>} : memref<3104xf32, #tpu.memory_space<vmem>>, vector<16xf32>,
        tpu.vector_store %arg6[%swap3A], %get3A_812 {strides = array<i32>} : memref<3104xf32, #tpu.memory_space<vmem>>, vector<16xf32>,
      }
      %scan3A_697 = arith.constant 17 : i32
      %add3A_698 = arith.constant 5 : i32
      %add3A_699 = arith.addi %mul3A_562, %add3A_698 : i32
      %sub3A_700 = arith.constant 127 : i32
      %sub3A_701 = arith.subi %add3A_699, %sub3A_700 : i32
      %sub3A_702 = arith.subi %sub3A_701, %min3A_572 : i32
      %and3A_703 = arith.constant -16 : i32
      %and3A_704 = arith.andi %sub3A_702, %and3A_703 : i32
      %jit3A_705 = arith.constant 0 : i32
      %jit3A_706 = arith.constant 112 : i32
      %max3A_707 = arith.maxsi %jit3A_705, %and3A_704 : i32
      %min3A_708 = arith.minsi %jit3A_706, %max3A_707 : i32
      %add3A_709 = arith.constant 2047 : i32
      %add3A_710 = arith.addi %add3A_709, %min3A_572 : i32
      %sub3A_711 = arith.subi %add3A_710, %mul3A_562 : i32
      %sub3A_712 = arith.constant 5 : i32
      %sub3A_713 = arith.subi %sub3A_711, %sub3A_712 : i32
      %sub3A_714 = arith.constant 1664 : i32
      %sub3A_715 = arith.subi %sub3A_713, %sub3A_714 : i32
      %add3A_716 = arith.addi %sub3A_715, %min3A_708 : i32
      %scan3A_717 = arith.constant 0 : i32
      %scan3A_718 = arith.constant 0 : i32
      %scan3A_719 = arith.constant 17 : i32
      %scan3A_720 = arith.addi %scan3A_718, %scan3A_719 : i32
      %scan3A_721 = arith.constant 1 : i32
      scf.for %scan3A_808 = %scan3A_718 to %scan3A_720 step %scan3A_721  : i32 {
        %mul3A_809 = arith.constant 16 : i32
        %mul3A_810 = arith.muli %scan3A_808, %mul3A_809 : i32
        %add3A_811 = arith.addi %add3A_716, %mul3A_810 : i32
        %get3A = arith.index_cast %add3A_811 : i32 to index
        %get3A_812 = tpu.vector_load %arg5[%get3A] {strides = array<i32>} : memref<784xf32, #tpu.memory_space<vmem>>, vector<16xf32>,
        %add3A_813 = arith.constant 1920 : i32
        %add3A_814 = arith.addi %add3A_813, %min3A_708 : i32
        %mul3A_815 = arith.constant 16 : i32
        %mul3A_816 = arith.muli %scan3A_808, %mul3A_815 : i32
        %add3A_817 = arith.addi %add3A_814, %mul3A_816 : i32
        %swap3A = arith.index_cast %add3A_817 : i32 to index
        %swap3A_818 = tpu.vector_load %arg6[%swap3A] {strides = array<i32>} : memref<3104xf32, #tpu.memory_space<vmem>>, vector<16xf32>,
        tpu.vector_store %arg6[%swap3A], %get3A_812 {strides = array<i32>} : memref<3104xf32, #tpu.memory_space<vmem>>, vector<16xf32>,
      }
      %scan3A_722 = arith.constant 17 : i32
      %add3A_723 = arith.constant 6 : i32
      %add3A_724 = arith.addi %mul3A_562, %add3A_723 : i32
      %sub3A_725 = arith.constant 127 : i32
      %sub3A_726 = arith.subi %add3A_724, %sub3A_725 : i32
      %sub3A_727 = arith.subi %sub3A_726, %min3A_572 : i32
      %and3A_728 = arith.constant -16 : i32
      %and3A_729 = arith.andi %sub3A_727, %and3A_728 : i32
      %jit3A_730 = arith.constant 0 : i32
      %jit3A_731 = arith.constant 112 : i32
      %max3A_732 = arith.maxsi %jit3A_730, %and3A_729 : i32
      %min3A_733 = arith.minsi %jit3A_731, %max3A_732 : i32
      %add3A_734 = arith.constant 2047 : i32
      %add3A_735 = arith.addi %add3A_734, %min3A_572 : i32
      %sub3A_736 = arith.subi %add3A_735, %mul3A_562 : i32
      %sub3A_737 = arith.constant 6 : i32
      %sub3A_738 = arith.subi %sub3A_736, %sub3A_737 : i32
      %sub3A_739 = arith.constant 1664 : i32
      %sub3A_740 = arith.subi %sub3A_738, %sub3A_739 : i32
      %add3A_741 = arith.addi %sub3A_740, %min3A_733 : i32
      %scan3A_742 = arith.constant 0 : i32
      %scan3A_743 = arith.constant 0 : i32
      %scan3A_744 = arith.constant 17 : i32
      %scan3A_745 = arith.addi %scan3A_743, %scan3A_744 : i32
      %scan3A_746 = arith.constant 1 : i32
      scf.for %scan3A_808 = %scan3A_743 to %scan3A_745 step %scan3A_746  : i32 {
        %mul3A_809 = arith.constant 16 : i32
        %mul3A_810 = arith.muli %scan3A_808, %mul3A_809 : i32
        %add3A_811 = arith.addi %add3A_741, %mul3A_810 : i32
        %get3A = arith.index_cast %add3A_811 : i32 to index
        %get3A_812 = tpu.vector_load %arg5[%get3A] {strides = array<i32>} : memref<784xf32, #tpu.memory_space<vmem>>, vector<16xf32>,
        %add3A_813 = arith.constant 2304 : i32
        %add3A_814 = arith.addi %add3A_813, %min3A_733 : i32
        %mul3A_815 = arith.constant 16 : i32
        %mul3A_816 = arith.muli %scan3A_808, %mul3A_815 : i32
        %add3A_817 = arith.addi %add3A_814, %mul3A_816 : i32
        %swap3A = arith.index_cast %add3A_817 : i32 to index
        %swap3A_818 = tpu.vector_load %arg6[%swap3A] {strides = array<i32>} : memref<3104xf32, #tpu.memory_space<vmem>>, vector<16xf32>,
        tpu.vector_store %arg6[%swap3A], %get3A_812 {strides = array<i32>} : memref<3104xf32, #tpu.memory_space<vmem>>, vector<16xf32>,
      }
      %scan3A_747 = arith.constant 17 : i32
      %add3A_748 = arith.constant 7 : i32
      %add3A_749 = arith.addi %mul3A_562, %add3A_748 : i32
      %sub3A_750 = arith.constant 127 : i32
      %sub3A_751 = arith.subi %add3A_749, %sub3A_750 : i32
      %sub3A_752 = arith.subi %sub3A_751, %min3A_572 : i32
      %and3A_753 = arith.constant -16 : i32
      %and3A_754 = arith.andi %sub3A_752, %and3A_753 : i32
      %jit3A_755 = arith.constant 0 : i32
      %jit3A_756 = arith.constant 112 : i32
      %max3A_757 = arith.maxsi %jit3A_755, %and3A_754 : i32
      %min3A_758 = arith.minsi %jit3A_756, %max3A_757 : i32
      %add3A_759 = arith.constant 2047 : i32
      %add3A_760 = arith.addi %add3A_759, %min3A_572 : i32
      %sub3A_761 = arith.subi %add3A_760, %mul3A_562 : i32
      %sub3A_762 = arith.constant 7 : i32
      %sub3A_763 = arith.subi %sub3A_761, %sub3A_762 : i32
      %sub3A_764 = arith.constant 1664 : i32
      %sub3A_765 = arith.subi %sub3A_763, %sub3A_764 : i32
      %add3A_766 = arith.addi %sub3A_765, %min3A_758 : i32
      %scan3A_767 = arith.constant 0 : i32
      %scan3A_768 = arith.constant 0 : i32
      %scan3A_769 = arith.constant 17 : i32
      %scan3A_770 = arith.addi %scan3A_768, %scan3A_769 : i32
      %scan3A_771 = arith.constant 1 : i32
      scf.for %scan3A_808 = %scan3A_768 to %scan3A_770 step %scan3A_771  : i32 {
        %mul3A_809 = arith.constant 16 : i32
        %mul3A_810 = arith.muli %scan3A_808, %mul3A_809 : i32
        %add3A_811 = arith.addi %add3A_766, %mul3A_810 : i32
        %get3A = arith.index_cast %add3A_811 : i32 to index
        %get3A_812 = tpu.vector_load %arg5[%get3A] {strides = array<i32>} : memref<784xf32, #tpu.memory_space<vmem>>, vector<16xf32>,
        %add3A_813 = arith.constant 2688 : i32
        %add3A_814 = arith.addi %add3A_813, %min3A_758 : i32
        %mul3A_815 = arith.constant 16 : i32
        %mul3A_816 = arith.muli %scan3A_808, %mul3A_815 : i32
        %add3A_817 = arith.addi %add3A_814, %mul3A_816 : i32
        %swap3A = arith.index_cast %add3A_817 : i32 to index
        %swap3A_818 = tpu.vector_load %arg6[%swap3A] {strides = array<i32>} : memref<3104xf32, #tpu.memory_space<vmem>>, vector<16xf32>,
        tpu.vector_store %arg6[%swap3A], %get3A_812 {strides = array<i32>} : memref<3104xf32, #tpu.memory_space<vmem>>, vector<16xf32>,
      }
      %scan3A_772 = arith.constant 17 : i32
      %shift_right_arithmetic3A_773 = arith.constant 3 : i32
      %shift_right_arithmetic3A_774 = arith.shrsi %min3A_273, %shift_right_arithmetic3A_773 : i32
      %and3A_775 = arith.constant 7 : i32
      %and3A_776 = arith.andi %min3A_273, %and3A_775 : i32
      %mul3A_777 = arith.constant 32 : i32
      %mul3A_778 = arith.muli %mul3A_777, %and3A_776 : i32
      %add3A_779 = arith.addi %add3A, %mul3A_778 : i32
      %mul3A_780 = arith.constant 8 : i32
      %mul3A_781 = arith.muli %mul3A_780, %add3A_779 : i32
      %shift_right_arithmetic3A_782 = arith.constant 7 : i32
      %shift_right_arithmetic3A_783 = arith.shrsi %mul3A_781, %shift_right_arithmetic3A_782 : i32
      %and3A_784 = arith.constant -128 : i32
      %and3A_785 = arith.andi %mul3A_781, %and3A_784 : i32
      %sub3A_786 = arith.constant 128 : i32
      %sub3A_787 = arith.subi %and3A_785, %sub3A_786 : i32
      %jit3A_788 = arith.constant 0 : i32
      %jit3A_789 = arith.constant 1664 : i32
      %max3A_790 = arith.maxsi %jit3A_788, %sub3A_787 : i32
      %min3A_791 = arith.minsi %jit3A_789, %max3A_790 : i32
      %and3A_792 = arith.constant 127 : i32
      %and3A_793 = arith.andi %mul3A_781, %and3A_792 : i32
      %mul3A_794 = arith.constant 16 : i32
      %mul3A_795 = arith.muli %shift_right_arithmetic3A_774, %mul3A_794 : i32
      %add3A_796 = arith.addi %mul3A_795, %shift_right_arithmetic3A_783 : i32
      %mul3A_797 = arith.constant 128 : i32
      %mul3A_798 = arith.muli %add3A_796, %mul3A_797 : i32
      %add3A_799 = arith.addi %mul3A_798, %and3A_793 : i32
      %mul3A_800 = arith.constant 384 : i32
      %mul3A_801 = arith.muli %add3A_799, %mul3A_800 : i32
      %dma_start3A_802 = arith.constant 0 : i32
      %dma_start3A_803 = tpu.memref_slice %arg6[%dma_start3A_802] : memref<3104xf32, #tpu.memory_space<vmem>> -> memref<3072xf32, #tpu.memory_space<vmem>>
      %dma_start3A_804 = tpu.memref_slice %arg3[%mul3A_801] : memref<4718592xf32, #tpu.memory_space<hbm>> -> memref<3072xf32, #tpu.memory_space<hbm>>
      %dma_start3A_805 = tpu.memref_slice %arg3[%mul3A_801] : memref<4718592xf32, #tpu.memory_space<hbm>> -> memref<3072xf32, #tpu.memory_space<hbm>>
      %dma_start3A_806 = arith.constant 0 : i32
      %dma_start3A_807 = tpu.memref_slice %arg6[%dma_start3A_806] : memref<3104xf32, #tpu.memory_space<vmem>> -> memref<3072xf32, #tpu.memory_space<vmem>>
      tpu.enqueue_dma source(%dma_start3A_807 : memref<3072xf32, #tpu.memory_space<vmem>>) target(%dma_start3A_805 : memref<3072xf32, #tpu.memory_space<hbm>>) target_semaphore(%arg8 : memref<!tpu.dma_semaphore, #tpu.memory_space<semaphore_mem>>)
    }
    %scan3A_247 = arith.constant 24 : i32
    %dma_wait3A = arith.constant 0 : i32
    %dma_wait3A_248 = tpu.memref_slice %arg6[%dma_wait3A] : memref<3104xf32, #tpu.memory_space<vmem>> -> memref<3072xf32, #tpu.memory_space<vmem>>
    %dma_wait3A_249 = arith.constant 0 : i32
    %dma_wait3A_250 = tpu.memref_slice %arg3[%dma_wait3A_249] : memref<4718592xf32, #tpu.memory_space<hbm>> -> memref<3072xf32, #tpu.memory_space<hbm>>
    %dma_wait3A_251 = arith.constant 0 : i32
    %dma_wait3A_252 = tpu.memref_slice %arg3[%dma_wait3A_251] : memref<4718592xf32, #tpu.memory_space<hbm>> -> memref<3072xf32, #tpu.memory_space<hbm>>
    %dma_wait3A_253 = arith.constant 0 : i32
    %dma_wait3A_254 = tpu.memref_slice %arg6[%dma_wait3A_253] : memref<3104xf32, #tpu.memory_space<vmem>> -> memref<3072xf32, #tpu.memory_space<vmem>>
    tpu.wait_dma2 semaphore(%arg8 : memref<!tpu.dma_semaphore, #tpu.memory_space<semaphore_mem>>) src(%dma_wait3A_254 : memref<3072xf32, #tpu.memory_space<vmem>>) dst(%dma_wait3A_252 : memref<3072xf32, #tpu.memory_space<hbm>>)
    %dma_wait3A_255 = arith.constant 0 : i32
    %dma_wait3A_256 = tpu.memref_slice %arg6[%dma_wait3A_255] : memref<3104xf32, #tpu.memory_space<vmem>> -> memref<3072xf32, #tpu.memory_space<vmem>>
    %dma_wait3A_257 = arith.constant 0 : i32
    %dma_wait3A_258 = tpu.memref_slice %arg3[%dma_wait3A_257] : memref<4718592xf32, #tpu.memory_space<hbm>> -> memref<3072xf32, #tpu.memory_space<hbm>>
    %dma_wait3A_259 = arith.constant 0 : i32
    %dma_wait3A_260 = tpu.memref_slice %arg3[%dma_wait3A_259] : memref<4718592xf32, #tpu.memory_space<hbm>> -> memref<3072xf32, #tpu.memory_space<hbm>>
    %dma_wait3A_261 = arith.constant 0 : i32
    %dma_wait3A_262 = tpu.memref_slice %arg6[%dma_wait3A_261] : memref<3104xf32, #tpu.memory_space<vmem>> -> memref<3072xf32, #tpu.memory_space<vmem>>
    tpu.wait_dma2 semaphore(%arg9 : memref<!tpu.dma_semaphore, #tpu.memory_space<semaphore_mem>>) src(%dma_wait3A_262 : memref<3072xf32, #tpu.memory_space<vmem>>) dst(%dma_wait3A_260 : memref<3072xf32, #tpu.memory_space<hbm>>)
    return
  }
}

#map = affine_map<(d0, d1) -> (0)>
module attributes {stable_mosaic.version = 14 : i64} {
  func.func @_lambda_(%arg0: i32, %arg1: i32, %arg2: memref<3084xf32, #tpu.memory_space<hbm>>, %arg3: memref<4718592xf32, #tpu.memory_space<hbm>>, %arg4: memref<3084xf32, #tpu.memory_space<vmem>>, %arg5: memref<784xf32, #tpu.memory_space<vmem>>, %arg6: memref<3104xf32, #tpu.memory_space<vmem>>, %arg7: memref<3104xf32, #tpu.memory_space<vmem>>, %arg8: memref<!tpu.dma_semaphore, #tpu.memory_space<semaphore_mem>>, %arg9: memref<!tpu.dma_semaphore, #tpu.memory_space<semaphore_mem>>) attributes {dimension_semantics = [#tpu.dimension_semantics<core_parallel>, #tpu.dimension_semantics<subcore_parallel>], iteration_bounds = array<i64: 2, 16>, scalar_prefetch = 0 : i64, scratch_operands = 6 : i64, tpu.core_type = #tpu.core_type<sc_vector_subcore>, window_params = [{transform_indices = #map}, {transform_indices = #map}]} {
    %mul3A = arith.constant 2 : i32
    %mul3A_0 = arith.muli %arg1, %mul3A : i32
    %add3A = arith.addi %mul3A_0, %arg0 : i32
    "tpu.region"() ({
      %run_scoped3A = tpu.sem_alloc : memref<!tpu.dma_semaphore, #tpu.memory_space<semaphore_mem>>
      tpu.enqueue_dma source(%arg2 : memref<3084xf32, #tpu.memory_space<hbm>>) target(%arg4 : memref<3084xf32, #tpu.memory_space<vmem>>) target_semaphore(%run_scoped3A : memref<!tpu.dma_semaphore, #tpu.memory_space<semaphore_mem>>)
      tpu.wait_dma2 semaphore(%run_scoped3A : memref<!tpu.dma_semaphore, #tpu.memory_space<semaphore_mem>>) src(%arg2 : memref<3084xf32, #tpu.memory_space<hbm>>) dst(%arg4 : memref<3084xf32, #tpu.memory_space<vmem>>)
      tpu.yield
    }) : () -> ()
    %iota3A = tpu.iota {dimensions = array<i32: 0>} : vector<16xi32>
    %scan3A = arith.constant 0 : i32
    %scan3A_1 = arith.constant 0 : i32
    %scan3A_2 = arith.constant 49 : i32
    %scan3A_3 = arith.addi %scan3A_1, %scan3A_2 : i32
    %scan3A_4 = arith.constant 1 : i32
    scf.for %scan3A_263 = %scan3A_1 to %scan3A_3 step %scan3A_4  : i32 {
      %mul3A_264 = arith.constant 16 : i32
      %mul3A_265 = arith.muli %scan3A_263, %mul3A_264 : i32
      %add3A_266 = arith.constant 1664 : i32
      %add3A_267 = arith.addi %add3A_266, %mul3A_265 : i32
      %add3A_268 = vector.broadcast %add3A_267 : i32 to vector<16xi32>
      %add3A_269 = arith.addi %add3A_268, %iota3A : vector<16xi32>
      %sub3A_270 = arith.constant 2047 : i32
      %sub3A_271 = vector.broadcast %sub3A_270 : i32 to vector<16xi32>
      %sub3A_272 = arith.subi %add3A_269, %sub3A_271 : vector<16xi32>
      %jit3A_273 = arith.constant -128 : i32
      %jit3A_274 = arith.constant 128 : i32
      %max3A_275 = vector.broadcast %jit3A_273 : i32 to vector<16xi32>
      %max3A_276 = arith.maxsi %max3A_275, %sub3A_272 : vector<16xi32>
      %min3A_277 = vector.broadcast %jit3A_274 : i32 to vector<16xi32>
      %min3A_278 = arith.minsi %min3A_277, %max3A_276 : vector<16xi32>
      %add3A_279 = arith.constant 128 : i32
      %add3A_280 = vector.broadcast %add3A_279 : i32 to vector<16xi32>
      %add3A_281 = arith.addi %min3A_278, %add3A_280 : vector<16xi32>
      %add3A_282 = arith.constant 1542 : i32
      %add3A_283 = vector.broadcast %add3A_282 : i32 to vector<16xi32>
      %add3A_284 = arith.addi %add3A_281, %add3A_283 : vector<16xi32>
      %gather3A = tpu.vector_load_idx %arg4[%add3A_284] : memref<3084xf32, #tpu.memory_space<vmem>>[vector<16xi32>], vector<16xf32>,
      %mul3A_285 = arith.constant 16 : i32
      %mul3A_286 = arith.muli %scan3A_263, %mul3A_285 : i32
      %swap3A = arith.index_cast %mul3A_286 : i32 to index
      %swap3A_287 = tpu.vector_load %arg5[%swap3A] {strides = array<i32>} : memref<784xf32, #tpu.memory_space<vmem>>, vector<16xf32>,
      tpu.vector_store %arg5[%swap3A], %gather3A {strides = array<i32>} : memref<784xf32, #tpu.memory_space<vmem>>, vector<16xf32>,
    }
    %scan3A_5 = arith.constant 49 : i32
    %add3A_6 = arith.constant 0 : i32
    %add3A_7 = arith.addi %add3A, %add3A_6 : i32
    %mul3A_8 = arith.constant 8 : i32
    %mul3A_9 = arith.muli %mul3A_8, %add3A_7 : i32
    %shift_right_arithmetic3A = arith.constant 7 : i32
    %shift_right_arithmetic3A_10 = arith.shrsi %mul3A_9, %shift_right_arithmetic3A : i32
    %and3A = arith.constant -128 : i32
    %and3A_11 = arith.andi %mul3A_9, %and3A : i32
    %sub3A = arith.constant 128 : i32
    %sub3A_12 = arith.subi %and3A_11, %sub3A : i32
    %jit3A = arith.constant 0 : i32
    %jit3A_13 = arith.constant 1664 : i32
    %max3A = arith.maxsi %jit3A, %sub3A_12 : i32
    %min3A = arith.minsi %jit3A_13, %max3A : i32
    %add3A_14 = arith.constant 0 : i32
    %add3A_15 = arith.addi %mul3A_9, %add3A_14 : i32
    %sub3A_16 = arith.constant 127 : i32
    %sub3A_17 = arith.subi %add3A_15, %sub3A_16 : i32
    %sub3A_18 = arith.subi %sub3A_17, %min3A : i32
    %and3A_19 = arith.constant -16 : i32
    %and3A_20 = arith.andi %sub3A_18, %and3A_19 : i32
    %jit3A_21 = arith.constant 0 : i32
    %jit3A_22 = arith.constant 112 : i32
    %max3A_23 = arith.maxsi %jit3A_21, %and3A_20 : i32
    %min3A_24 = arith.minsi %jit3A_22, %max3A_23 : i32
    %add3A_25 = arith.constant 2047 : i32
    %add3A_26 = arith.addi %add3A_25, %min3A : i32
    %sub3A_27 = arith.subi %add3A_26, %mul3A_9 : i32
    %sub3A_28 = arith.constant 0 : i32
    %sub3A_29 = arith.subi %sub3A_27, %sub3A_28 : i32
    %sub3A_30 = arith.constant 1664 : i32
    %sub3A_31 = arith.subi %sub3A_29, %sub3A_30 : i32
    %add3A_32 = arith.addi %sub3A_31, %min3A_24 : i32
    %scan3A_33 = arith.constant 0 : i32
    %scan3A_34 = arith.constant 0 : i32
    %scan3A_35 = arith.constant 17 : i32
    %scan3A_36 = arith.addi %scan3A_34, %scan3A_35 : i32
    %scan3A_37 = arith.constant 1 : i32
    scf.for %scan3A_263 = %scan3A_34 to %scan3A_36 step %scan3A_37  : i32 {
      %mul3A_264 = arith.constant 16 : i32
      %mul3A_265 = arith.muli %scan3A_263, %mul3A_264 : i32
      %add3A_266 = arith.addi %add3A_32, %mul3A_265 : i32
      %get3A = arith.index_cast %add3A_266 : i32 to index
      %get3A_267 = tpu.vector_load %arg5[%get3A] {strides = array<i32>} : memref<784xf32, #tpu.memory_space<vmem>>, vector<16xf32>,
      %add3A_268 = arith.constant 0 : i32
      %add3A_269 = arith.addi %add3A_268, %min3A_24 : i32
      %mul3A_270 = arith.constant 16 : i32
      %mul3A_271 = arith.muli %scan3A_263, %mul3A_270 : i32
      %add3A_272 = arith.addi %add3A_269, %mul3A_271 : i32
      %swap3A = arith.index_cast %add3A_272 : i32 to index
      %swap3A_273 = tpu.vector_load %arg6[%swap3A] {strides = array<i32>} : memref<3104xf32, #tpu.memory_space<vmem>>, vector<16xf32>,
      tpu.vector_store %arg6[%swap3A], %get3A_267 {strides = array<i32>} : memref<3104xf32, #tpu.memory_space<vmem>>, vector<16xf32>,
    }
    %scan3A_38 = arith.constant 17 : i32
    %add3A_39 = arith.constant 1 : i32
    %add3A_40 = arith.addi %mul3A_9, %add3A_39 : i32
    %sub3A_41 = arith.constant 127 : i32
    %sub3A_42 = arith.subi %add3A_40, %sub3A_41 : i32
    %sub3A_43 = arith.subi %sub3A_42, %min3A : i32
    %and3A_44 = arith.constant -16 : i32
    %and3A_45 = arith.andi %sub3A_43, %and3A_44 : i32
    %jit3A_46 = arith.constant 0 : i32
    %jit3A_47 = arith.constant 112 : i32
    %max3A_48 = arith.maxsi %jit3A_46, %and3A_45 : i32
    %min3A_49 = arith.minsi %jit3A_47, %max3A_48 : i32
    %add3A_50 = arith.constant 2047 : i32
    %add3A_51 = arith.addi %add3A_50, %min3A : i32
    %sub3A_52 = arith.subi %add3A_51, %mul3A_9 : i32
    %sub3A_53 = arith.constant 1 : i32
    %sub3A_54 = arith.subi %sub3A_52, %sub3A_53 : i32
    %sub3A_55 = arith.constant 1664 : i32
    %sub3A_56 = arith.subi %sub3A_54, %sub3A_55 : i32
    %add3A_57 = arith.addi %sub3A_56, %min3A_49 : i32
    %scan3A_58 = arith.constant 0 : i32
    %scan3A_59 = arith.constant 0 : i32
    %scan3A_60 = arith.constant 17 : i32
    %scan3A_61 = arith.addi %scan3A_59, %scan3A_60 : i32
    %scan3A_62 = arith.constant 1 : i32
    scf.for %scan3A_263 = %scan3A_59 to %scan3A_61 step %scan3A_62  : i32 {
      %mul3A_264 = arith.constant 16 : i32
      %mul3A_265 = arith.muli %scan3A_263, %mul3A_264 : i32
      %add3A_266 = arith.addi %add3A_57, %mul3A_265 : i32
      %get3A = arith.index_cast %add3A_266 : i32 to index
      %get3A_267 = tpu.vector_load %arg5[%get3A] {strides = array<i32>} : memref<784xf32, #tpu.memory_space<vmem>>, vector<16xf32>,
      %add3A_268 = arith.constant 384 : i32
      %add3A_269 = arith.addi %add3A_268, %min3A_49 : i32
      %mul3A_270 = arith.constant 16 : i32
      %mul3A_271 = arith.muli %scan3A_263, %mul3A_270 : i32
      %add3A_272 = arith.addi %add3A_269, %mul3A_271 : i32
      %swap3A = arith.index_cast %add3A_272 : i32 to index
      %swap3A_273 = tpu.vector_load %arg6[%swap3A] {strides = array<i32>} : memref<3104xf32, #tpu.memory_space<vmem>>, vector<16xf32>,
      tpu.vector_store %arg6[%swap3A], %get3A_267 {strides = array<i32>} : memref<3104xf32, #tpu.memory_space<vmem>>, vector<16xf32>,
    }
    %scan3A_63 = arith.constant 17 : i32
    %add3A_64 = arith.constant 2 : i32
    %add3A_65 = arith.addi %mul3A_9, %add3A_64 : i32
    %sub3A_66 = arith.constant 127 : i32
    %sub3A_67 = arith.subi %add3A_65, %sub3A_66 : i32
    %sub3A_68 = arith.subi %sub3A_67, %min3A : i32
    %and3A_69 = arith.constant -16 : i32
    %and3A_70 = arith.andi %sub3A_68, %and3A_69 : i32
    %jit3A_71 = arith.constant 0 : i32
    %jit3A_72 = arith.constant 112 : i32
    %max3A_73 = arith.maxsi %jit3A_71, %and3A_70 : i32
    %min3A_74 = arith.minsi %jit3A_72, %max3A_73 : i32
    %add3A_75 = arith.constant 2047 : i32
    %add3A_76 = arith.addi %add3A_75, %min3A : i32
    %sub3A_77 = arith.subi %add3A_76, %mul3A_9 : i32
    %sub3A_78 = arith.constant 2 : i32
    %sub3A_79 = arith.subi %sub3A_77, %sub3A_78 : i32
    %sub3A_80 = arith.constant 1664 : i32
    %sub3A_81 = arith.subi %sub3A_79, %sub3A_80 : i32
    %add3A_82 = arith.addi %sub3A_81, %min3A_74 : i32
    %scan3A_83 = arith.constant 0 : i32
    %scan3A_84 = arith.constant 0 : i32
    %scan3A_85 = arith.constant 17 : i32
    %scan3A_86 = arith.addi %scan3A_84, %scan3A_85 : i32
    %scan3A_87 = arith.constant 1 : i32
    scf.for %scan3A_263 = %scan3A_84 to %scan3A_86 step %scan3A_87  : i32 {
      %mul3A_264 = arith.constant 16 : i32
      %mul3A_265 = arith.muli %scan3A_263, %mul3A_264 : i32
      %add3A_266 = arith.addi %add3A_82, %mul3A_265 : i32
      %get3A = arith.index_cast %add3A_266 : i32 to index
      %get3A_267 = tpu.vector_load %arg5[%get3A] {strides = array<i32>} : memref<784xf32, #tpu.memory_space<vmem>>, vector<16xf32>,
      %add3A_268 = arith.constant 768 : i32
      %add3A_269 = arith.addi %add3A_268, %min3A_74 : i32
      %mul3A_270 = arith.constant 16 : i32
      %mul3A_271 = arith.muli %scan3A_263, %mul3A_270 : i32
      %add3A_272 = arith.addi %add3A_269, %mul3A_271 : i32
      %swap3A = arith.index_cast %add3A_272 : i32 to index
      %swap3A_273 = tpu.vector_load %arg6[%swap3A] {strides = array<i32>} : memref<3104xf32, #tpu.memory_space<vmem>>, vector<16xf32>,
      tpu.vector_store %arg6[%swap3A], %get3A_267 {strides = array<i32>} : memref<3104xf32, #tpu.memory_space<vmem>>, vector<16xf32>,
    }
    %scan3A_88 = arith.constant 17 : i32
    %add3A_89 = arith.constant 3 : i32
    %add3A_90 = arith.addi %mul3A_9, %add3A_89 : i32
    %sub3A_91 = arith.constant 127 : i32
    %sub3A_92 = arith.subi %add3A_90, %sub3A_91 : i32
    %sub3A_93 = arith.subi %sub3A_92, %min3A : i32
    %and3A_94 = arith.constant -16 : i32
    %and3A_95 = arith.andi %sub3A_93, %and3A_94 : i32
    %jit3A_96 = arith.constant 0 : i32
    %jit3A_97 = arith.constant 112 : i32
    %max3A_98 = arith.maxsi %jit3A_96, %and3A_95 : i32
    %min3A_99 = arith.minsi %jit3A_97, %max3A_98 : i32
    %add3A_100 = arith.constant 2047 : i32
    %add3A_101 = arith.addi %add3A_100, %min3A : i32
    %sub3A_102 = arith.subi %add3A_101, %mul3A_9 : i32
    %sub3A_103 = arith.constant 3 : i32
    %sub3A_104 = arith.subi %sub3A_102, %sub3A_103 : i32
    %sub3A_105 = arith.constant 1664 : i32
    %sub3A_106 = arith.subi %sub3A_104, %sub3A_105 : i32
    %add3A_107 = arith.addi %sub3A_106, %min3A_99 : i32
    %scan3A_108 = arith.constant 0 : i32
    %scan3A_109 = arith.constant 0 : i32
    %scan3A_110 = arith.constant 17 : i32
    %scan3A_111 = arith.addi %scan3A_109, %scan3A_110 : i32
    %scan3A_112 = arith.constant 1 : i32
    scf.for %scan3A_263 = %scan3A_109 to %scan3A_111 step %scan3A_112  : i32 {
      %mul3A_264 = arith.constant 16 : i32
      %mul3A_265 = arith.muli %scan3A_263, %mul3A_264 : i32
      %add3A_266 = arith.addi %add3A_107, %mul3A_265 : i32
      %get3A = arith.index_cast %add3A_266 : i32 to index
      %get3A_267 = tpu.vector_load %arg5[%get3A] {strides = array<i32>} : memref<784xf32, #tpu.memory_space<vmem>>, vector<16xf32>,
      %add3A_268 = arith.constant 1152 : i32
      %add3A_269 = arith.addi %add3A_268, %min3A_99 : i32
      %mul3A_270 = arith.constant 16 : i32
      %mul3A_271 = arith.muli %scan3A_263, %mul3A_270 : i32
      %add3A_272 = arith.addi %add3A_269, %mul3A_271 : i32
      %swap3A = arith.index_cast %add3A_272 : i32 to index
      %swap3A_273 = tpu.vector_load %arg6[%swap3A] {strides = array<i32>} : memref<3104xf32, #tpu.memory_space<vmem>>, vector<16xf32>,
      tpu.vector_store %arg6[%swap3A], %get3A_267 {strides = array<i32>} : memref<3104xf32, #tpu.memory_space<vmem>>, vector<16xf32>,
    }
    %scan3A_113 = arith.constant 17 : i32
    %add3A_114 = arith.constant 4 : i32
    %add3A_115 = arith.addi %mul3A_9, %add3A_114 : i32
    %sub3A_116 = arith.constant 127 : i32
    %sub3A_117 = arith.subi %add3A_115, %sub3A_116 : i32
    %sub3A_118 = arith.subi %sub3A_117, %min3A : i32
    %and3A_119 = arith.constant -16 : i32
    %and3A_120 = arith.andi %sub3A_118, %and3A_119 : i32
    %jit3A_121 = arith.constant 0 : i32
    %jit3A_122 = arith.constant 112 : i32
    %max3A_123 = arith.maxsi %jit3A_121, %and3A_120 : i32
    %min3A_124 = arith.minsi %jit3A_122, %max3A_123 : i32
    %add3A_125 = arith.constant 2047 : i32
    %add3A_126 = arith.addi %add3A_125, %min3A : i32
    %sub3A_127 = arith.subi %add3A_126, %mul3A_9 : i32
    %sub3A_128 = arith.constant 4 : i32
    %sub3A_129 = arith.subi %sub3A_127, %sub3A_128 : i32
    %sub3A_130 = arith.constant 1664 : i32
    %sub3A_131 = arith.subi %sub3A_129, %sub3A_130 : i32
    %add3A_132 = arith.addi %sub3A_131, %min3A_124 : i32
    %scan3A_133 = arith.constant 0 : i32
    %scan3A_134 = arith.constant 0 : i32
    %scan3A_135 = arith.constant 17 : i32
    %scan3A_136 = arith.addi %scan3A_134, %scan3A_135 : i32
    %scan3A_137 = arith.constant 1 : i32
    scf.for %scan3A_263 = %scan3A_134 to %scan3A_136 step %scan3A_137  : i32 {
      %mul3A_264 = arith.constant 16 : i32
      %mul3A_265 = arith.muli %scan3A_263, %mul3A_264 : i32
      %add3A_266 = arith.addi %add3A_132, %mul3A_265 : i32
      %get3A = arith.index_cast %add3A_266 : i32 to index
      %get3A_267 = tpu.vector_load %arg5[%get3A] {strides = array<i32>} : memref<784xf32, #tpu.memory_space<vmem>>, vector<16xf32>,
      %add3A_268 = arith.constant 1536 : i32
      %add3A_269 = arith.addi %add3A_268, %min3A_124 : i32
      %mul3A_270 = arith.constant 16 : i32
      %mul3A_271 = arith.muli %scan3A_263, %mul3A_270 : i32
      %add3A_272 = arith.addi %add3A_269, %mul3A_271 : i32
      %swap3A = arith.index_cast %add3A_272 : i32 to index
      %swap3A_273 = tpu.vector_load %arg6[%swap3A] {strides = array<i32>} : memref<3104xf32, #tpu.memory_space<vmem>>, vector<16xf32>,
      tpu.vector_store %arg6[%swap3A], %get3A_267 {strides = array<i32>} : memref<3104xf32, #tpu.memory_space<vmem>>, vector<16xf32>,
    }
    %scan3A_138 = arith.constant 17 : i32
    %add3A_139 = arith.constant 5 : i32
    %add3A_140 = arith.addi %mul3A_9, %add3A_139 : i32
    %sub3A_141 = arith.constant 127 : i32
    %sub3A_142 = arith.subi %add3A_140, %sub3A_141 : i32
    %sub3A_143 = arith.subi %sub3A_142, %min3A : i32
    %and3A_144 = arith.constant -16 : i32
    %and3A_145 = arith.andi %sub3A_143, %and3A_144 : i32
    %jit3A_146 = arith.constant 0 : i32
    %jit3A_147 = arith.constant 112 : i32
    %max3A_148 = arith.maxsi %jit3A_146, %and3A_145 : i32
    %min3A_149 = arith.minsi %jit3A_147, %max3A_148 : i32
    %add3A_150 = arith.constant 2047 : i32
    %add3A_151 = arith.addi %add3A_150, %min3A : i32
    %sub3A_152 = arith.subi %add3A_151, %mul3A_9 : i32
    %sub3A_153 = arith.constant 5 : i32
    %sub3A_154 = arith.subi %sub3A_152, %sub3A_153 : i32
    %sub3A_155 = arith.constant 1664 : i32
    %sub3A_156 = arith.subi %sub3A_154, %sub3A_155 : i32
    %add3A_157 = arith.addi %sub3A_156, %min3A_149 : i32
    %scan3A_158 = arith.constant 0 : i32
    %scan3A_159 = arith.constant 0 : i32
    %scan3A_160 = arith.constant 17 : i32
    %scan3A_161 = arith.addi %scan3A_159, %scan3A_160 : i32
    %scan3A_162 = arith.constant 1 : i32
    scf.for %scan3A_263 = %scan3A_159 to %scan3A_161 step %scan3A_162  : i32 {
      %mul3A_264 = arith.constant 16 : i32
      %mul3A_265 = arith.muli %scan3A_263, %mul3A_264 : i32
      %add3A_266 = arith.addi %add3A_157, %mul3A_265 : i32
      %get3A = arith.index_cast %add3A_266 : i32 to index
      %get3A_267 = tpu.vector_load %arg5[%get3A] {strides = array<i32>} : memref<784xf32, #tpu.memory_space<vmem>>, vector<16xf32>,
      %add3A_268 = arith.constant 1920 : i32
      %add3A_269 = arith.addi %add3A_268, %min3A_149 : i32
      %mul3A_270 = arith.constant 16 : i32
      %mul3A_271 = arith.muli %scan3A_263, %mul3A_270 : i32
      %add3A_272 = arith.addi %add3A_269, %mul3A_271 : i32
      %swap3A = arith.index_cast %add3A_272 : i32 to index
      %swap3A_273 = tpu.vector_load %arg6[%swap3A] {strides = array<i32>} : memref<3104xf32, #tpu.memory_space<vmem>>, vector<16xf32>,
      tpu.vector_store %arg6[%swap3A], %get3A_267 {strides = array<i32>} : memref<3104xf32, #tpu.memory_space<vmem>>, vector<16xf32>,
    }
    %scan3A_163 = arith.constant 17 : i32
    %add3A_164 = arith.constant 6 : i32
    %add3A_165 = arith.addi %mul3A_9, %add3A_164 : i32
    %sub3A_166 = arith.constant 127 : i32
    %sub3A_167 = arith.subi %add3A_165, %sub3A_166 : i32
    %sub3A_168 = arith.subi %sub3A_167, %min3A : i32
    %and3A_169 = arith.constant -16 : i32
    %and3A_170 = arith.andi %sub3A_168, %and3A_169 : i32
    %jit3A_171 = arith.constant 0 : i32
    %jit3A_172 = arith.constant 112 : i32
    %max3A_173 = arith.maxsi %jit3A_171, %and3A_170 : i32
    %min3A_174 = arith.minsi %jit3A_172, %max3A_173 : i32
    %add3A_175 = arith.constant 2047 : i32
    %add3A_176 = arith.addi %add3A_175, %min3A : i32
    %sub3A_177 = arith.subi %add3A_176, %mul3A_9 : i32
    %sub3A_178 = arith.constant 6 : i32
    %sub3A_179 = arith.subi %sub3A_177, %sub3A_178 : i32
    %sub3A_180 = arith.constant 1664 : i32
    %sub3A_181 = arith.subi %sub3A_179, %sub3A_180 : i32
    %add3A_182 = arith.addi %sub3A_181, %min3A_174 : i32
    %scan3A_183 = arith.constant 0 : i32
    %scan3A_184 = arith.constant 0 : i32
    %scan3A_185 = arith.constant 17 : i32
    %scan3A_186 = arith.addi %scan3A_184, %scan3A_185 : i32
    %scan3A_187 = arith.constant 1 : i32
    scf.for %scan3A_263 = %scan3A_184 to %scan3A_186 step %scan3A_187  : i32 {
      %mul3A_264 = arith.constant 16 : i32
      %mul3A_265 = arith.muli %scan3A_263, %mul3A_264 : i32
      %add3A_266 = arith.addi %add3A_182, %mul3A_265 : i32
      %get3A = arith.index_cast %add3A_266 : i32 to index
      %get3A_267 = tpu.vector_load %arg5[%get3A] {strides = array<i32>} : memref<784xf32, #tpu.memory_space<vmem>>, vector<16xf32>,
      %add3A_268 = arith.constant 2304 : i32
      %add3A_269 = arith.addi %add3A_268, %min3A_174 : i32
      %mul3A_270 = arith.constant 16 : i32
      %mul3A_271 = arith.muli %scan3A_263, %mul3A_270 : i32
      %add3A_272 = arith.addi %add3A_269, %mul3A_271 : i32
      %swap3A = arith.index_cast %add3A_272 : i32 to index
      %swap3A_273 = tpu.vector_load %arg6[%swap3A] {strides = array<i32>} : memref<3104xf32, #tpu.memory_space<vmem>>, vector<16xf32>,
      tpu.vector_store %arg6[%swap3A], %get3A_267 {strides = array<i32>} : memref<3104xf32, #tpu.memory_space<vmem>>, vector<16xf32>,
    }
    %scan3A_188 = arith.constant 17 : i32
    %add3A_189 = arith.constant 7 : i32
    %add3A_190 = arith.addi %mul3A_9, %add3A_189 : i32
    %sub3A_191 = arith.constant 127 : i32
    %sub3A_192 = arith.subi %add3A_190, %sub3A_191 : i32
    %sub3A_193 = arith.subi %sub3A_192, %min3A : i32
    %and3A_194 = arith.constant -16 : i32
    %and3A_195 = arith.andi %sub3A_193, %and3A_194 : i32
    %jit3A_196 = arith.constant 0 : i32
    %jit3A_197 = arith.constant 112 : i32
    %max3A_198 = arith.maxsi %jit3A_196, %and3A_195 : i32
    %min3A_199 = arith.minsi %jit3A_197, %max3A_198 : i32
    %add3A_200 = arith.constant 2047 : i32
    %add3A_201 = arith.addi %add3A_200, %min3A : i32
    %sub3A_202 = arith.subi %add3A_201, %mul3A_9 : i32
    %sub3A_203 = arith.constant 7 : i32
    %sub3A_204 = arith.subi %sub3A_202, %sub3A_203 : i32
    %sub3A_205 = arith.constant 1664 : i32
    %sub3A_206 = arith.subi %sub3A_204, %sub3A_205 : i32
    %add3A_207 = arith.addi %sub3A_206, %min3A_199 : i32
    %scan3A_208 = arith.constant 0 : i32
    %scan3A_209 = arith.constant 0 : i32
    %scan3A_210 = arith.constant 17 : i32
    %scan3A_211 = arith.addi %scan3A_209, %scan3A_210 : i32
    %scan3A_212 = arith.constant 1 : i32
    scf.for %scan3A_263 = %scan3A_209 to %scan3A_211 step %scan3A_212  : i32 {
      %mul3A_264 = arith.constant 16 : i32
      %mul3A_265 = arith.muli %scan3A_263, %mul3A_264 : i32
      %add3A_266 = arith.addi %add3A_207, %mul3A_265 : i32
      %get3A = arith.index_cast %add3A_266 : i32 to index
      %get3A_267 = tpu.vector_load %arg5[%get3A] {strides = array<i32>} : memref<784xf32, #tpu.memory_space<vmem>>, vector<16xf32>,
      %add3A_268 = arith.constant 2688 : i32
      %add3A_269 = arith.addi %add3A_268, %min3A_199 : i32
      %mul3A_270 = arith.constant 16 : i32
      %mul3A_271 = arith.muli %scan3A_263, %mul3A_270 : i32
      %add3A_272 = arith.addi %add3A_269, %mul3A_271 : i32
      %swap3A = arith.index_cast %add3A_272 : i32 to index
      %swap3A_273 = tpu.vector_load %arg6[%swap3A] {strides = array<i32>} : memref<3104xf32, #tpu.memory_space<vmem>>, vector<16xf32>,
      tpu.vector_store %arg6[%swap3A], %get3A_267 {strides = array<i32>} : memref<3104xf32, #tpu.memory_space<vmem>>, vector<16xf32>,
    }
    %scan3A_213 = arith.constant 17 : i32
    %add3A_214 = arith.constant 0 : i32
    %add3A_215 = arith.addi %add3A, %add3A_214 : i32
    %mul3A_216 = arith.constant 8 : i32
    %mul3A_217 = arith.muli %mul3A_216, %add3A_215 : i32
    %shift_right_arithmetic3A_218 = arith.constant 7 : i32
    %shift_right_arithmetic3A_219 = arith.shrsi %mul3A_217, %shift_right_arithmetic3A_218 : i32
    %and3A_220 = arith.constant -128 : i32
    %and3A_221 = arith.andi %mul3A_217, %and3A_220 : i32
    %sub3A_222 = arith.constant 128 : i32
    %sub3A_223 = arith.subi %and3A_221, %sub3A_222 : i32
    %jit3A_224 = arith.constant 0 : i32
    %jit3A_225 = arith.constant 1664 : i32
    %max3A_226 = arith.maxsi %jit3A_224, %sub3A_223 : i32
    %min3A_227 = arith.minsi %jit3A_225, %max3A_226 : i32
    %and3A_228 = arith.constant 127 : i32
    %and3A_229 = arith.andi %mul3A_217, %and3A_228 : i32
    %add3A_230 = arith.constant 0 : i32
    %add3A_231 = arith.addi %add3A_230, %shift_right_arithmetic3A_219 : i32
    %mul3A_232 = arith.constant 128 : i32
    %mul3A_233 = arith.muli %add3A_231, %mul3A_232 : i32
    %add3A_234 = arith.addi %mul3A_233, %and3A_229 : i32
    %mul3A_235 = arith.constant 384 : i32
    %mul3A_236 = arith.muli %add3A_234, %mul3A_235 : i32
    %dma_start3A = arith.constant 0 : i32
    %dma_start3A_237 = tpu.memref_slice %arg6[%dma_start3A] : memref<3104xf32, #tpu.memory_space<vmem>> -> memref<3072xf32, #tpu.memory_space<vmem>>
    %dma_start3A_238 = tpu.memref_slice %arg3[%mul3A_236] : memref<4718592xf32, #tpu.memory_space<hbm>> -> memref<3072xf32, #tpu.memory_space<hbm>>
    %dma_start3A_239 = tpu.memref_slice %arg3[%mul3A_236] : memref<4718592xf32, #tpu.memory_space<hbm>> -> memref<3072xf32, #tpu.memory_space<hbm>>
    %dma_start3A_240 = arith.constant 0 : i32
    %dma_start3A_241 = tpu.memref_slice %arg6[%dma_start3A_240] : memref<3104xf32, #tpu.memory_space<vmem>> -> memref<3072xf32, #tpu.memory_space<vmem>>
    tpu.enqueue_dma source(%dma_start3A_241 : memref<3072xf32, #tpu.memory_space<vmem>>) target(%dma_start3A_239 : memref<3072xf32, #tpu.memory_space<hbm>>) target_semaphore(%arg8 : memref<!tpu.dma_semaphore, #tpu.memory_space<semaphore_mem>>)
    %scan3A_242 = arith.constant 0 : i32
    %scan3A_243 = arith.constant 0 : i32
    %scan3A_244 = arith.constant 24 : i32
    %scan3A_245 = arith.addi %scan3A_243, %scan3A_244 : i32
    %scan3A_246 = arith.constant 1 : i32
    scf.for %scan3A_263 = %scan3A_243 to %scan3A_245 step %scan3A_246  : i32 {
      %mul3A_264 = arith.constant 2 : i32
      %mul3A_265 = arith.muli %mul3A_264, %scan3A_263 : i32
      %add3A_266 = arith.constant 1 : i32
      %add3A_267 = arith.addi %mul3A_265, %add3A_266 : i32
      %mul3A_268 = arith.constant 2 : i32
      %mul3A_269 = arith.muli %mul3A_268, %scan3A_263 : i32
      %add3A_270 = arith.constant 2 : i32
      %add3A_271 = arith.addi %mul3A_269, %add3A_270 : i32
      %min3A_272 = arith.constant 47 : i32
      %min3A_273 = arith.minsi %add3A_271, %min3A_272 : i32
      %gt3A = arith.constant 0 : i32
      %gt3A_274 = arith.cmpi sgt, %scan3A_263, %gt3A : i32
      %convert_element_type3A = arith.extui %gt3A_274 : i1 to i32
      %cond3A = arith.constant 0 : i32
      %cond3A_275 = arith.cmpi ne, %convert_element_type3A, %cond3A : i32
      scf.if %cond3A_275 {
        %dma_wait3A_808 = arith.constant 0 : i32
        %dma_wait3A_809 = tpu.memref_slice %arg6[%dma_wait3A_808] : memref<3104xf32, #tpu.memory_space<vmem>> -> memref<3072xf32, #tpu.memory_space<vmem>>
        %dma_wait3A_810 = arith.constant 0 : i32
        %dma_wait3A_811 = tpu.memref_slice %arg3[%dma_wait3A_810] : memref<4718592xf32, #tpu.memory_space<hbm>> -> memref<3072xf32, #tpu.memory_space<hbm>>
        %dma_wait3A_812 = arith.constant 0 : i32
        %dma_wait3A_813 = tpu.memref_slice %arg3[%dma_wait3A_812] : memref<4718592xf32, #tpu.memory_space<hbm>> -> memref<3072xf32, #tpu.memory_space<hbm>>
        %dma_wait3A_814 = arith.constant 0 : i32
        %dma_wait3A_815 = tpu.memref_slice %arg6[%dma_wait3A_814] : memref<3104xf32, #tpu.memory_space<vmem>> -> memref<3072xf32, #tpu.memory_space<vmem>>
        tpu.wait_dma2 semaphore(%arg9 : memref<!tpu.dma_semaphore, #tpu.memory_space<semaphore_mem>>) src(%dma_wait3A_815 : memref<3072xf32, #tpu.memory_space<vmem>>) dst(%dma_wait3A_813 : memref<3072xf32, #tpu.memory_space<hbm>>)
      } else {
      }
      %and3A_276 = arith.constant 7 : i32
      %and3A_277 = arith.andi %add3A_267, %and3A_276 : i32
      %mul3A_278 = arith.constant 32 : i32
      %mul3A_279 = arith.muli %mul3A_278, %and3A_277 : i32
      %add3A_280 = arith.addi %add3A, %mul3A_279 : i32
      %mul3A_281 = arith.constant 8 : i32
      %mul3A_282 = arith.muli %mul3A_281, %add3A_280 : i32
      %shift_right_arithmetic3A_283 = arith.constant 7 : i32
      %shift_right_arithmetic3A_284 = arith.shrsi %mul3A_282, %shift_right_arithmetic3A_283 : i32
      %and3A_285 = arith.constant -128 : i32
      %and3A_286 = arith.andi %mul3A_282, %and3A_285 : i32
      %sub3A_287 = arith.constant 128 : i32
      %sub3A_288 = arith.subi %and3A_286, %sub3A_287 : i32
      %jit3A_289 = arith.constant 0 : i32
      %jit3A_290 = arith.constant 1664 : i32
      %max3A_291 = arith.maxsi %jit3A_289, %sub3A_288 : i32
      %min3A_292 = arith.minsi %jit3A_290, %max3A_291 : i32
      %add3A_293 = arith.constant 0 : i32
      %add3A_294 = arith.addi %mul3A_282, %add3A_293 : i32
      %sub3A_295 = arith.constant 127 : i32
      %sub3A_296 = arith.subi %add3A_294, %sub3A_295 : i32
      %sub3A_297 = arith.subi %sub3A_296, %min3A_292 : i32
      %and3A_298 = arith.constant -16 : i32
      %and3A_299 = arith.andi %sub3A_297, %and3A_298 : i32
      %jit3A_300 = arith.constant 0 : i32
      %jit3A_301 = arith.constant 112 : i32
      %max3A_302 = arith.maxsi %jit3A_300, %and3A_299 : i32
      %min3A_303 = arith.minsi %jit3A_301, %max3A_302 : i32
      %add3A_304 = arith.constant 2047 : i32
      %add3A_305 = arith.addi %add3A_304, %min3A_292 : i32
      %sub3A_306 = arith.subi %add3A_305, %mul3A_282 : i32
      %sub3A_307 = arith.constant 0 : i32
      %sub3A_308 = arith.subi %sub3A_306, %sub3A_307 : i32
      %sub3A_309 = arith.constant 1664 : i32
      %sub3A_310 = arith.subi %sub3A_308, %sub3A_309 : i32
      %add3A_311 = arith.addi %sub3A_310, %min3A_303 : i32
      %scan3A_312 = arith.constant 0 : i32
      %scan3A_313 = arith.constant 0 : i32
      %scan3A_314 = arith.constant 17 : i32
      %scan3A_315 = arith.addi %scan3A_313, %scan3A_314 : i32
      %scan3A_316 = arith.constant 1 : i32
      scf.for %scan3A_808 = %scan3A_313 to %scan3A_315 step %scan3A_316  : i32 {
        %mul3A_809 = arith.constant 16 : i32
        %mul3A_810 = arith.muli %scan3A_808, %mul3A_809 : i32
        %add3A_811 = arith.addi %add3A_311, %mul3A_810 : i32
        %get3A = arith.index_cast %add3A_811 : i32 to index
        %get3A_812 = tpu.vector_load %arg5[%get3A] {strides = array<i32>} : memref<784xf32, #tpu.memory_space<vmem>>, vector<16xf32>,
        %add3A_813 = arith.constant 0 : i32
        %add3A_814 = arith.addi %add3A_813, %min3A_303 : i32
        %mul3A_815 = arith.constant 16 : i32
        %mul3A_816 = arith.muli %scan3A_808, %mul3A_815 : i32
        %add3A_817 = arith.addi %add3A_814, %mul3A_816 : i32
        %swap3A = arith.index_cast %add3A_817 : i32 to index
        %swap3A_818 = tpu.vector_load %arg7[%swap3A] {strides = array<i32>} : memref<3104xf32, #tpu.memory_space<vmem>>, vector<16xf32>,
        tpu.vector_store %arg7[%swap3A], %get3A_812 {strides = array<i32>} : memref<3104xf32, #tpu.memory_space<vmem>>, vector<16xf32>,
      }
      %scan3A_317 = arith.constant 17 : i32
      %add3A_318 = arith.constant 1 : i32
      %add3A_319 = arith.addi %mul3A_282, %add3A_318 : i32
      %sub3A_320 = arith.constant 127 : i32
      %sub3A_321 = arith.subi %add3A_319, %sub3A_320 : i32
      %sub3A_322 = arith.subi %sub3A_321, %min3A_292 : i32
      %and3A_323 = arith.constant -16 : i32
      %and3A_324 = arith.andi %sub3A_322, %and3A_323 : i32
      %jit3A_325 = arith.constant 0 : i32
      %jit3A_326 = arith.constant 112 : i32
      %max3A_327 = arith.maxsi %jit3A_325, %and3A_324 : i32
      %min3A_328 = arith.minsi %jit3A_326, %max3A_327 : i32
      %add3A_329 = arith.constant 2047 : i32
      %add3A_330 = arith.addi %add3A_329, %min3A_292 : i32
      %sub3A_331 = arith.subi %add3A_330, %mul3A_282 : i32
      %sub3A_332 = arith.constant 1 : i32
      %sub3A_333 = arith.subi %sub3A_331, %sub3A_332 : i32
      %sub3A_334 = arith.constant 1664 : i32
      %sub3A_335 = arith.subi %sub3A_333, %sub3A_334 : i32
      %add3A_336 = arith.addi %sub3A_335, %min3A_328 : i32
      %scan3A_337 = arith.constant 0 : i32
      %scan3A_338 = arith.constant 0 : i32
      %scan3A_339 = arith.constant 17 : i32
      %scan3A_340 = arith.addi %scan3A_338, %scan3A_339 : i32
      %scan3A_341 = arith.constant 1 : i32
      scf.for %scan3A_808 = %scan3A_338 to %scan3A_340 step %scan3A_341  : i32 {
        %mul3A_809 = arith.constant 16 : i32
        %mul3A_810 = arith.muli %scan3A_808, %mul3A_809 : i32
        %add3A_811 = arith.addi %add3A_336, %mul3A_810 : i32
        %get3A = arith.index_cast %add3A_811 : i32 to index
        %get3A_812 = tpu.vector_load %arg5[%get3A] {strides = array<i32>} : memref<784xf32, #tpu.memory_space<vmem>>, vector<16xf32>,
        %add3A_813 = arith.constant 384 : i32
        %add3A_814 = arith.addi %add3A_813, %min3A_328 : i32
        %mul3A_815 = arith.constant 16 : i32
        %mul3A_816 = arith.muli %scan3A_808, %mul3A_815 : i32
        %add3A_817 = arith.addi %add3A_814, %mul3A_816 : i32
        %swap3A = arith.index_cast %add3A_817 : i32 to index
        %swap3A_818 = tpu.vector_load %arg7[%swap3A] {strides = array<i32>} : memref<3104xf32, #tpu.memory_space<vmem>>, vector<16xf32>,
        tpu.vector_store %arg7[%swap3A], %get3A_812 {strides = array<i32>} : memref<3104xf32, #tpu.memory_space<vmem>>, vector<16xf32>,
      }
      %scan3A_342 = arith.constant 17 : i32
      %add3A_343 = arith.constant 2 : i32
      %add3A_344 = arith.addi %mul3A_282, %add3A_343 : i32
      %sub3A_345 = arith.constant 127 : i32
      %sub3A_346 = arith.subi %add3A_344, %sub3A_345 : i32
      %sub3A_347 = arith.subi %sub3A_346, %min3A_292 : i32
      %and3A_348 = arith.constant -16 : i32
      %and3A_349 = arith.andi %sub3A_347, %and3A_348 : i32
      %jit3A_350 = arith.constant 0 : i32
      %jit3A_351 = arith.constant 112 : i32
      %max3A_352 = arith.maxsi %jit3A_350, %and3A_349 : i32
      %min3A_353 = arith.minsi %jit3A_351, %max3A_352 : i32
      %add3A_354 = arith.constant 2047 : i32
      %add3A_355 = arith.addi %add3A_354, %min3A_292 : i32
      %sub3A_356 = arith.subi %add3A_355, %mul3A_282 : i32
      %sub3A_357 = arith.constant 2 : i32
      %sub3A_358 = arith.subi %sub3A_356, %sub3A_357 : i32
      %sub3A_359 = arith.constant 1664 : i32
      %sub3A_360 = arith.subi %sub3A_358, %sub3A_359 : i32
      %add3A_361 = arith.addi %sub3A_360, %min3A_353 : i32
      %scan3A_362 = arith.constant 0 : i32
      %scan3A_363 = arith.constant 0 : i32
      %scan3A_364 = arith.constant 17 : i32
      %scan3A_365 = arith.addi %scan3A_363, %scan3A_364 : i32
      %scan3A_366 = arith.constant 1 : i32
      scf.for %scan3A_808 = %scan3A_363 to %scan3A_365 step %scan3A_366  : i32 {
        %mul3A_809 = arith.constant 16 : i32
        %mul3A_810 = arith.muli %scan3A_808, %mul3A_809 : i32
        %add3A_811 = arith.addi %add3A_361, %mul3A_810 : i32
        %get3A = arith.index_cast %add3A_811 : i32 to index
        %get3A_812 = tpu.vector_load %arg5[%get3A] {strides = array<i32>} : memref<784xf32, #tpu.memory_space<vmem>>, vector<16xf32>,
        %add3A_813 = arith.constant 768 : i32
        %add3A_814 = arith.addi %add3A_813, %min3A_353 : i32
        %mul3A_815 = arith.constant 16 : i32
        %mul3A_816 = arith.muli %scan3A_808, %mul3A_815 : i32
        %add3A_817 = arith.addi %add3A_814, %mul3A_816 : i32
        %swap3A = arith.index_cast %add3A_817 : i32 to index
        %swap3A_818 = tpu.vector_load %arg7[%swap3A] {strides = array<i32>} : memref<3104xf32, #tpu.memory_space<vmem>>, vector<16xf32>,
        tpu.vector_store %arg7[%swap3A], %get3A_812 {strides = array<i32>} : memref<3104xf32, #tpu.memory_space<vmem>>, vector<16xf32>,
      }
      %scan3A_367 = arith.constant 17 : i32
      %add3A_368 = arith.constant 3 : i32
      %add3A_369 = arith.addi %mul3A_282, %add3A_368 : i32
      %sub3A_370 = arith.constant 127 : i32
      %sub3A_371 = arith.subi %add3A_369, %sub3A_370 : i32
      %sub3A_372 = arith.subi %sub3A_371, %min3A_292 : i32
      %and3A_373 = arith.constant -16 : i32
      %and3A_374 = arith.andi %sub3A_372, %and3A_373 : i32
      %jit3A_375 = arith.constant 0 : i32
      %jit3A_376 = arith.constant 112 : i32
      %max3A_377 = arith.maxsi %jit3A_375, %and3A_374 : i32
      %min3A_378 = arith.minsi %jit3A_376, %max3A_377 : i32
      %add3A_379 = arith.constant 2047 : i32
      %add3A_380 = arith.addi %add3A_379, %min3A_292 : i32
      %sub3A_381 = arith.subi %add3A_380, %mul3A_282 : i32
      %sub3A_382 = arith.constant 3 : i32
      %sub3A_383 = arith.subi %sub3A_381, %sub3A_382 : i32
      %sub3A_384 = arith.constant 1664 : i32
      %sub3A_385 = arith.subi %sub3A_383, %sub3A_384 : i32
      %add3A_386 = arith.addi %sub3A_385, %min3A_378 : i32
      %scan3A_387 = arith.constant 0 : i32
      %scan3A_388 = arith.constant 0 : i32
      %scan3A_389 = arith.constant 17 : i32
      %scan3A_390 = arith.addi %scan3A_388, %scan3A_389 : i32
      %scan3A_391 = arith.constant 1 : i32
      scf.for %scan3A_808 = %scan3A_388 to %scan3A_390 step %scan3A_391  : i32 {
        %mul3A_809 = arith.constant 16 : i32
        %mul3A_810 = arith.muli %scan3A_808, %mul3A_809 : i32
        %add3A_811 = arith.addi %add3A_386, %mul3A_810 : i32
        %get3A = arith.index_cast %add3A_811 : i32 to index
        %get3A_812 = tpu.vector_load %arg5[%get3A] {strides = array<i32>} : memref<784xf32, #tpu.memory_space<vmem>>, vector<16xf32>,
        %add3A_813 = arith.constant 1152 : i32
        %add3A_814 = arith.addi %add3A_813, %min3A_378 : i32
        %mul3A_815 = arith.constant 16 : i32
        %mul3A_816 = arith.muli %scan3A_808, %mul3A_815 : i32
        %add3A_817 = arith.addi %add3A_814, %mul3A_816 : i32
        %swap3A = arith.index_cast %add3A_817 : i32 to index
        %swap3A_818 = tpu.vector_load %arg7[%swap3A] {strides = array<i32>} : memref<3104xf32, #tpu.memory_space<vmem>>, vector<16xf32>,
        tpu.vector_store %arg7[%swap3A], %get3A_812 {strides = array<i32>} : memref<3104xf32, #tpu.memory_space<vmem>>, vector<16xf32>,
      }
      %scan3A_392 = arith.constant 17 : i32
      %add3A_393 = arith.constant 4 : i32
      %add3A_394 = arith.addi %mul3A_282, %add3A_393 : i32
      %sub3A_395 = arith.constant 127 : i32
      %sub3A_396 = arith.subi %add3A_394, %sub3A_395 : i32
      %sub3A_397 = arith.subi %sub3A_396, %min3A_292 : i32
      %and3A_398 = arith.constant -16 : i32
      %and3A_399 = arith.andi %sub3A_397, %and3A_398 : i32
      %jit3A_400 = arith.constant 0 : i32
      %jit3A_401 = arith.constant 112 : i32
      %max3A_402 = arith.maxsi %jit3A_400, %and3A_399 : i32
      %min3A_403 = arith.minsi %jit3A_401, %max3A_402 : i32
      %add3A_404 = arith.constant 2047 : i32
      %add3A_405 = arith.addi %add3A_404, %min3A_292 : i32
      %sub3A_406 = arith.subi %add3A_405, %mul3A_282 : i32
      %sub3A_407 = arith.constant 4 : i32
      %sub3A_408 = arith.subi %sub3A_406, %sub3A_407 : i32
      %sub3A_409 = arith.constant 1664 : i32
      %sub3A_410 = arith.subi %sub3A_408, %sub3A_409 : i32
      %add3A_411 = arith.addi %sub3A_410, %min3A_403 : i32
      %scan3A_412 = arith.constant 0 : i32
      %scan3A_413 = arith.constant 0 : i32
      %scan3A_414 = arith.constant 17 : i32
      %scan3A_415 = arith.addi %scan3A_413, %scan3A_414 : i32
      %scan3A_416 = arith.constant 1 : i32
      scf.for %scan3A_808 = %scan3A_413 to %scan3A_415 step %scan3A_416  : i32 {
        %mul3A_809 = arith.constant 16 : i32
        %mul3A_810 = arith.muli %scan3A_808, %mul3A_809 : i32
        %add3A_811 = arith.addi %add3A_411, %mul3A_810 : i32
        %get3A = arith.index_cast %add3A_811 : i32 to index
        %get3A_812 = tpu.vector_load %arg5[%get3A] {strides = array<i32>} : memref<784xf32, #tpu.memory_space<vmem>>, vector<16xf32>,
        %add3A_813 = arith.constant 1536 : i32
        %add3A_814 = arith.addi %add3A_813, %min3A_403 : i32
        %mul3A_815 = arith.constant 16 : i32
        %mul3A_816 = arith.muli %scan3A_808, %mul3A_815 : i32
        %add3A_817 = arith.addi %add3A_814, %mul3A_816 : i32
        %swap3A = arith.index_cast %add3A_817 : i32 to index
        %swap3A_818 = tpu.vector_load %arg7[%swap3A] {strides = array<i32>} : memref<3104xf32, #tpu.memory_space<vmem>>, vector<16xf32>,
        tpu.vector_store %arg7[%swap3A], %get3A_812 {strides = array<i32>} : memref<3104xf32, #tpu.memory_space<vmem>>, vector<16xf32>,
      }
      %scan3A_417 = arith.constant 17 : i32
      %add3A_418 = arith.constant 5 : i32
      %add3A_419 = arith.addi %mul3A_282, %add3A_418 : i32
      %sub3A_420 = arith.constant 127 : i32
      %sub3A_421 = arith.subi %add3A_419, %sub3A_420 : i32
      %sub3A_422 = arith.subi %sub3A_421, %min3A_292 : i32
      %and3A_423 = arith.constant -16 : i32
      %and3A_424 = arith.andi %sub3A_422, %and3A_423 : i32
      %jit3A_425 = arith.constant 0 : i32
      %jit3A_426 = arith.constant 112 : i32
      %max3A_427 = arith.maxsi %jit3A_425, %and3A_424 : i32
      %min3A_428 = arith.minsi %jit3A_426, %max3A_427 : i32
      %add3A_429 = arith.constant 2047 : i32
      %add3A_430 = arith.addi %add3A_429, %min3A_292 : i32
      %sub3A_431 = arith.subi %add3A_430, %mul3A_282 : i32
      %sub3A_432 = arith.constant 5 : i32
      %sub3A_433 = arith.subi %sub3A_431, %sub3A_432 : i32
      %sub3A_434 = arith.constant 1664 : i32
      %sub3A_435 = arith.subi %sub3A_433, %sub3A_434 : i32
      %add3A_436 = arith.addi %sub3A_435, %min3A_428 : i32
      %scan3A_437 = arith.constant 0 : i32
      %scan3A_438 = arith.constant 0 : i32
      %scan3A_439 = arith.constant 17 : i32
      %scan3A_440 = arith.addi %scan3A_438, %scan3A_439 : i32
      %scan3A_441 = arith.constant 1 : i32
      scf.for %scan3A_808 = %scan3A_438 to %scan3A_440 step %scan3A_441  : i32 {
        %mul3A_809 = arith.constant 16 : i32
        %mul3A_810 = arith.muli %scan3A_808, %mul3A_809 : i32
        %add3A_811 = arith.addi %add3A_436, %mul3A_810 : i32
        %get3A = arith.index_cast %add3A_811 : i32 to index
        %get3A_812 = tpu.vector_load %arg5[%get3A] {strides = array<i32>} : memref<784xf32, #tpu.memory_space<vmem>>, vector<16xf32>,
        %add3A_813 = arith.constant 1920 : i32
        %add3A_814 = arith.addi %add3A_813, %min3A_428 : i32
        %mul3A_815 = arith.constant 16 : i32
        %mul3A_816 = arith.muli %scan3A_808, %mul3A_815 : i32
        %add3A_817 = arith.addi %add3A_814, %mul3A_816 : i32
        %swap3A = arith.index_cast %add3A_817 : i32 to index
        %swap3A_818 = tpu.vector_load %arg7[%swap3A] {strides = array<i32>} : memref<3104xf32, #tpu.memory_space<vmem>>, vector<16xf32>,
        tpu.vector_store %arg7[%swap3A], %get3A_812 {strides = array<i32>} : memref<3104xf32, #tpu.memory_space<vmem>>, vector<16xf32>,
      }
      %scan3A_442 = arith.constant 17 : i32
      %add3A_443 = arith.constant 6 : i32
      %add3A_444 = arith.addi %mul3A_282, %add3A_443 : i32
      %sub3A_445 = arith.constant 127 : i32
      %sub3A_446 = arith.subi %add3A_444, %sub3A_445 : i32
      %sub3A_447 = arith.subi %sub3A_446, %min3A_292 : i32
      %and3A_448 = arith.constant -16 : i32
      %and3A_449 = arith.andi %sub3A_447, %and3A_448 : i32
      %jit3A_450 = arith.constant 0 : i32
      %jit3A_451 = arith.constant 112 : i32
      %max3A_452 = arith.maxsi %jit3A_450, %and3A_449 : i32
      %min3A_453 = arith.minsi %jit3A_451, %max3A_452 : i32
      %add3A_454 = arith.constant 2047 : i32
      %add3A_455 = arith.addi %add3A_454, %min3A_292 : i32
      %sub3A_456 = arith.subi %add3A_455, %mul3A_282 : i32
      %sub3A_457 = arith.constant 6 : i32
      %sub3A_458 = arith.subi %sub3A_456, %sub3A_457 : i32
      %sub3A_459 = arith.constant 1664 : i32
      %sub3A_460 = arith.subi %sub3A_458, %sub3A_459 : i32
      %add3A_461 = arith.addi %sub3A_460, %min3A_453 : i32
      %scan3A_462 = arith.constant 0 : i32
      %scan3A_463 = arith.constant 0 : i32
      %scan3A_464 = arith.constant 17 : i32
      %scan3A_465 = arith.addi %scan3A_463, %scan3A_464 : i32
      %scan3A_466 = arith.constant 1 : i32
      scf.for %scan3A_808 = %scan3A_463 to %scan3A_465 step %scan3A_466  : i32 {
        %mul3A_809 = arith.constant 16 : i32
        %mul3A_810 = arith.muli %scan3A_808, %mul3A_809 : i32
        %add3A_811 = arith.addi %add3A_461, %mul3A_810 : i32
        %get3A = arith.index_cast %add3A_811 : i32 to index
        %get3A_812 = tpu.vector_load %arg5[%get3A] {strides = array<i32>} : memref<784xf32, #tpu.memory_space<vmem>>, vector<16xf32>,
        %add3A_813 = arith.constant 2304 : i32
        %add3A_814 = arith.addi %add3A_813, %min3A_453 : i32
        %mul3A_815 = arith.constant 16 : i32
        %mul3A_816 = arith.muli %scan3A_808, %mul3A_815 : i32
        %add3A_817 = arith.addi %add3A_814, %mul3A_816 : i32
        %swap3A = arith.index_cast %add3A_817 : i32 to index
        %swap3A_818 = tpu.vector_load %arg7[%swap3A] {strides = array<i32>} : memref<3104xf32, #tpu.memory_space<vmem>>, vector<16xf32>,
        tpu.vector_store %arg7[%swap3A], %get3A_812 {strides = array<i32>} : memref<3104xf32, #tpu.memory_space<vmem>>, vector<16xf32>,
      }
      %scan3A_467 = arith.constant 17 : i32
      %add3A_468 = arith.constant 7 : i32
      %add3A_469 = arith.addi %mul3A_282, %add3A_468 : i32
      %sub3A_470 = arith.constant 127 : i32
      %sub3A_471 = arith.subi %add3A_469, %sub3A_470 : i32
      %sub3A_472 = arith.subi %sub3A_471, %min3A_292 : i32
      %and3A_473 = arith.constant -16 : i32
      %and3A_474 = arith.andi %sub3A_472, %and3A_473 : i32
      %jit3A_475 = arith.constant 0 : i32
      %jit3A_476 = arith.constant 112 : i32
      %max3A_477 = arith.maxsi %jit3A_475, %and3A_474 : i32
      %min3A_478 = arith.minsi %jit3A_476, %max3A_477 : i32
      %add3A_479 = arith.constant 2047 : i32
      %add3A_480 = arith.addi %add3A_479, %min3A_292 : i32
      %sub3A_481 = arith.subi %add3A_480, %mul3A_282 : i32
      %sub3A_482 = arith.constant 7 : i32
      %sub3A_483 = arith.subi %sub3A_481, %sub3A_482 : i32
      %sub3A_484 = arith.constant 1664 : i32
      %sub3A_485 = arith.subi %sub3A_483, %sub3A_484 : i32
      %add3A_486 = arith.addi %sub3A_485, %min3A_478 : i32
      %scan3A_487 = arith.constant 0 : i32
      %scan3A_488 = arith.constant 0 : i32
      %scan3A_489 = arith.constant 17 : i32
      %scan3A_490 = arith.addi %scan3A_488, %scan3A_489 : i32
      %scan3A_491 = arith.constant 1 : i32
      scf.for %scan3A_808 = %scan3A_488 to %scan3A_490 step %scan3A_491  : i32 {
        %mul3A_809 = arith.constant 16 : i32
        %mul3A_810 = arith.muli %scan3A_808, %mul3A_809 : i32
        %add3A_811 = arith.addi %add3A_486, %mul3A_810 : i32
        %get3A = arith.index_cast %add3A_811 : i32 to index
        %get3A_812 = tpu.vector_load %arg5[%get3A] {strides = array<i32>} : memref<784xf32, #tpu.memory_space<vmem>>, vector<16xf32>,
        %add3A_813 = arith.constant 2688 : i32
        %add3A_814 = arith.addi %add3A_813, %min3A_478 : i32
        %mul3A_815 = arith.constant 16 : i32
        %mul3A_816 = arith.muli %scan3A_808, %mul3A_815 : i32
        %add3A_817 = arith.addi %add3A_814, %mul3A_816 : i32
        %swap3A = arith.index_cast %add3A_817 : i32 to index
        %swap3A_818 = tpu.vector_load %arg7[%swap3A] {strides = array<i32>} : memref<3104xf32, #tpu.memory_space<vmem>>, vector<16xf32>,
        tpu.vector_store %arg7[%swap3A], %get3A_812 {strides = array<i32>} : memref<3104xf32, #tpu.memory_space<vmem>>, vector<16xf32>,
      }
      %scan3A_492 = arith.constant 17 : i32
      %shift_right_arithmetic3A_493 = arith.constant 3 : i32
      %shift_right_arithmetic3A_494 = arith.shrsi %add3A_267, %shift_right_arithmetic3A_493 : i32
      %and3A_495 = arith.constant 7 : i32
      %and3A_496 = arith.andi %add3A_267, %and3A_495 : i32
      %mul3A_497 = arith.constant 32 : i32
      %mul3A_498 = arith.muli %mul3A_497, %and3A_496 : i32
      %add3A_499 = arith.addi %add3A, %mul3A_498 : i32
      %mul3A_500 = arith.constant 8 : i32
      %mul3A_501 = arith.muli %mul3A_500, %add3A_499 : i32
      %shift_right_arithmetic3A_502 = arith.constant 7 : i32
      %shift_right_arithmetic3A_503 = arith.shrsi %mul3A_501, %shift_right_arithmetic3A_502 : i32
      %and3A_504 = arith.constant -128 : i32
      %and3A_505 = arith.andi %mul3A_501, %and3A_504 : i32
      %sub3A_506 = arith.constant 128 : i32
      %sub3A_507 = arith.subi %and3A_505, %sub3A_506 : i32
      %jit3A_508 = arith.constant 0 : i32
      %jit3A_509 = arith.constant 1664 : i32
      %max3A_510 = arith.maxsi %jit3A_508, %sub3A_507 : i32
      %min3A_511 = arith.minsi %jit3A_509, %max3A_510 : i32
      %and3A_512 = arith.constant 127 : i32
      %and3A_513 = arith.andi %mul3A_501, %and3A_512 : i32
      %mul3A_514 = arith.constant 16 : i32
      %mul3A_515 = arith.muli %shift_right_arithmetic3A_494, %mul3A_514 : i32
      %add3A_516 = arith.addi %mul3A_515, %shift_right_arithmetic3A_503 : i32
      %mul3A_517 = arith.constant 128 : i32
      %mul3A_518 = arith.muli %add3A_516, %mul3A_517 : i32
      %add3A_519 = arith.addi %mul3A_518, %and3A_513 : i32
      %mul3A_520 = arith.constant 384 : i32
      %mul3A_521 = arith.muli %add3A_519, %mul3A_520 : i32
      %dma_start3A_522 = arith.constant 0 : i32
      %dma_start3A_523 = tpu.memref_slice %arg7[%dma_start3A_522] : memref<3104xf32, #tpu.memory_space<vmem>> -> memref<3072xf32, #tpu.memory_space<vmem>>
      %dma_start3A_524 = tpu.memref_slice %arg3[%mul3A_521] : memref<4718592xf32, #tpu.memory_space<hbm>> -> memref<3072xf32, #tpu.memory_space<hbm>>
      %dma_start3A_525 = tpu.memref_slice %arg3[%mul3A_521] : memref<4718592xf32, #tpu.memory_space<hbm>> -> memref<3072xf32, #tpu.memory_space<hbm>>
      %dma_start3A_526 = arith.constant 0 : i32
      %dma_start3A_527 = tpu.memref_slice %arg7[%dma_start3A_526] : memref<3104xf32, #tpu.memory_space<vmem>> -> memref<3072xf32, #tpu.memory_space<vmem>>
      tpu.enqueue_dma source(%dma_start3A_527 : memref<3072xf32, #tpu.memory_space<vmem>>) target(%dma_start3A_525 : memref<3072xf32, #tpu.memory_space<hbm>>) target_semaphore(%arg9 : memref<!tpu.dma_semaphore, #tpu.memory_space<semaphore_mem>>)
      %mul3A_528 = arith.constant 2 : i32
      %mul3A_529 = arith.muli %mul3A_528, %scan3A_263 : i32
      %add3A_530 = arith.constant 2 : i32
      %add3A_531 = arith.addi %mul3A_529, %add3A_530 : i32
      %jit3A_532 = arith.constant 8 : i32
      %eq3A = arith.constant 0 : i32
      %eq3A_533 = arith.cmpi eq, %jit3A_532, %eq3A : i32
      %jit3A_534 = arith.constant 1 : i32
      %select_n3A = arith.select %eq3A_533, %jit3A_534, %jit3A_532 : i32
      %rem3A = arith.remsi %add3A_531, %select_n3A : i32
      %ne3A = arith.constant 0 : i32
      %ne3A_535 = arith.cmpi ne, %rem3A, %ne3A : i32
      %lt3A = arith.constant 0 : i32
      %lt3A_536 = arith.cmpi slt, %rem3A, %lt3A : i32
      %lt3A_537 = arith.constant 0 : i32
      %lt3A_538 = arith.cmpi slt, %select_n3A, %lt3A_537 : i32
      %ne3A_539 = arith.xori %lt3A_536, %lt3A_538 : i1
      %and3A_540 = arith.andi %ne3A_539, %ne3A_535 : i1
      %add3A_541 = arith.addi %rem3A, %select_n3A : i32
      %select_n3A_542 = arith.select %and3A_540, %add3A_541, %rem3A : i32
      %eq3A_543 = arith.constant 0 : i32
      %eq3A_544 = arith.cmpi eq, %select_n3A_542, %eq3A_543 : i32
      %convert_element_type3A_545 = arith.extui %eq3A_544 : i1 to i32
      %cond3A_546 = arith.constant 0 : i32
      %cond3A_547 = arith.cmpi ne, %convert_element_type3A_545, %cond3A_546 : i32
      scf.if %cond3A_547 {
        %mul3A_808 = arith.constant 2 : i32
        %mul3A_809 = arith.muli %mul3A_808, %scan3A_263 : i32
        %add3A_810 = arith.constant 2 : i32
        %add3A_811 = arith.addi %mul3A_809, %add3A_810 : i32
        %shift_right_arithmetic3A_812 = arith.constant 3 : i32
        %shift_right_arithmetic3A_813 = arith.shrsi %add3A_811, %shift_right_arithmetic3A_812 : i32
        %min3A_814 = arith.constant 5 : i32
        %min3A_815 = arith.minsi %shift_right_arithmetic3A_813, %min3A_814 : i32
        %add3A_816 = arith.constant 6 : i32
        %add3A_817 = arith.addi %add3A_816, %min3A_815 : i32
        %mul3A_818 = arith.constant 257 : i32
        %mul3A_819 = arith.muli %add3A_817, %mul3A_818 : i32
        %scan3A_820 = arith.constant 0 : i32
        %scan3A_821 = arith.constant 0 : i32
        %scan3A_822 = arith.constant 49 : i32
        %scan3A_823 = arith.addi %scan3A_821, %scan3A_822 : i32
        %scan3A_824 = arith.constant 1 : i32
        scf.for %scan3A_826 = %scan3A_821 to %scan3A_823 step %scan3A_824  : i32 {
          %mul3A_827 = arith.constant 16 : i32
          %mul3A_828 = arith.muli %scan3A_826, %mul3A_827 : i32
          %add3A_829 = arith.constant 1664 : i32
          %add3A_830 = arith.addi %add3A_829, %mul3A_828 : i32
          %add3A_831 = vector.broadcast %add3A_830 : i32 to vector<16xi32>
          %add3A_832 = arith.addi %add3A_831, %iota3A : vector<16xi32>
          %sub3A_833 = arith.constant 2047 : i32
          %sub3A_834 = vector.broadcast %sub3A_833 : i32 to vector<16xi32>
          %sub3A_835 = arith.subi %add3A_832, %sub3A_834 : vector<16xi32>
          %jit3A_836 = arith.constant -128 : i32
          %jit3A_837 = arith.constant 128 : i32
          %max3A_838 = vector.broadcast %jit3A_836 : i32 to vector<16xi32>
          %max3A_839 = arith.maxsi %max3A_838, %sub3A_835 : vector<16xi32>
          %min3A_840 = vector.broadcast %jit3A_837 : i32 to vector<16xi32>
          %min3A_841 = arith.minsi %min3A_840, %max3A_839 : vector<16xi32>
          %add3A_842 = arith.constant 128 : i32
          %add3A_843 = vector.broadcast %add3A_842 : i32 to vector<16xi32>
          %add3A_844 = arith.addi %min3A_841, %add3A_843 : vector<16xi32>
          %add3A_845 = vector.broadcast %mul3A_819 : i32 to vector<16xi32>
          %add3A_846 = arith.addi %add3A_844, %add3A_845 : vector<16xi32>
          %gather3A = tpu.vector_load_idx %arg4[%add3A_846] : memref<3084xf32, #tpu.memory_space<vmem>>[vector<16xi32>], vector<16xf32>,
          %mul3A_847 = arith.constant 16 : i32
          %mul3A_848 = arith.muli %scan3A_826, %mul3A_847 : i32
          %swap3A = arith.index_cast %mul3A_848 : i32 to index
          %swap3A_849 = tpu.vector_load %arg5[%swap3A] {strides = array<i32>} : memref<784xf32, #tpu.memory_space<vmem>>, vector<16xf32>,
          tpu.vector_store %arg5[%swap3A], %gather3A {strides = array<i32>} : memref<784xf32, #tpu.memory_space<vmem>>, vector<16xf32>,
        }
        %scan3A_825 = arith.constant 49 : i32
      } else {
      }
      %dma_wait3A_548 = arith.constant 0 : i32
      %dma_wait3A_549 = tpu.memref_slice %arg6[%dma_wait3A_548] : memref<3104xf32, #tpu.memory_space<vmem>> -> memref<3072xf32, #tpu.memory_space<vmem>>
      %dma_wait3A_550 = arith.constant 0 : i32
      %dma_wait3A_551 = tpu.memref_slice %arg3[%dma_wait3A_550] : memref<4718592xf32, #tpu.memory_space<hbm>> -> memref<3072xf32, #tpu.memory_space<hbm>>
      %dma_wait3A_552 = arith.constant 0 : i32
      %dma_wait3A_553 = tpu.memref_slice %arg3[%dma_wait3A_552] : memref<4718592xf32, #tpu.memory_space<hbm>> -> memref<3072xf32, #tpu.memory_space<hbm>>
      %dma_wait3A_554 = arith.constant 0 : i32
      %dma_wait3A_555 = tpu.memref_slice %arg6[%dma_wait3A_554] : memref<3104xf32, #tpu.memory_space<vmem>> -> memref<3072xf32, #tpu.memory_space<vmem>>
      tpu.wait_dma2 semaphore(%arg8 : memref<!tpu.dma_semaphore, #tpu.memory_space<semaphore_mem>>) src(%dma_wait3A_555 : memref<3072xf32, #tpu.memory_space<vmem>>) dst(%dma_wait3A_553 : memref<3072xf32, #tpu.memory_space<hbm>>)
      %and3A_556 = arith.constant 7 : i32
      %and3A_557 = arith.andi %min3A_273, %and3A_556 : i32
      %mul3A_558 = arith.constant 32 : i32
      %mul3A_559 = arith.muli %mul3A_558, %and3A_557 : i32
      %add3A_560 = arith.addi %add3A, %mul3A_559 : i32
      %mul3A_561 = arith.constant 8 : i32
      %mul3A_562 = arith.muli %mul3A_561, %add3A_560 : i32
      %shift_right_arithmetic3A_563 = arith.constant 7 : i32
      %shift_right_arithmetic3A_564 = arith.shrsi %mul3A_562, %shift_right_arithmetic3A_563 : i32
      %and3A_565 = arith.constant -128 : i32
      %and3A_566 = arith.andi %mul3A_562, %and3A_565 : i32
      %sub3A_567 = arith.constant 128 : i32
      %sub3A_568 = arith.subi %and3A_566, %sub3A_567 : i32
      %jit3A_569 = arith.constant 0 : i32
      %jit3A_570 = arith.constant 1664 : i32
      %max3A_571 = arith.maxsi %jit3A_569, %sub3A_568 : i32
      %min3A_572 = arith.minsi %jit3A_570, %max3A_571 : i32
      %add3A_573 = arith.constant 0 : i32
      %add3A_574 = arith.addi %mul3A_562, %add3A_573 : i32
      %sub3A_575 = arith.constant 127 : i32
      %sub3A_576 = arith.subi %add3A_574, %sub3A_575 : i32
      %sub3A_577 = arith.subi %sub3A_576, %min3A_572 : i32
      %and3A_578 = arith.constant -16 : i32
      %and3A_579 = arith.andi %sub3A_577, %and3A_578 : i32
      %jit3A_580 = arith.constant 0 : i32
      %jit3A_581 = arith.constant 112 : i32
      %max3A_582 = arith.maxsi %jit3A_580, %and3A_579 : i32
      %min3A_583 = arith.minsi %jit3A_581, %max3A_582 : i32
      %add3A_584 = arith.constant 2047 : i32
      %add3A_585 = arith.addi %add3A_584, %min3A_572 : i32
      %sub3A_586 = arith.subi %add3A_585, %mul3A_562 : i32
      %sub3A_587 = arith.constant 0 : i32
      %sub3A_588 = arith.subi %sub3A_586, %sub3A_587 : i32
      %sub3A_589 = arith.constant 1664 : i32
      %sub3A_590 = arith.subi %sub3A_588, %sub3A_589 : i32
      %add3A_591 = arith.addi %sub3A_590, %min3A_583 : i32
      %scan3A_592 = arith.constant 0 : i32
      %scan3A_593 = arith.constant 0 : i32
      %scan3A_594 = arith.constant 17 : i32
      %scan3A_595 = arith.addi %scan3A_593, %scan3A_594 : i32
      %scan3A_596 = arith.constant 1 : i32
      scf.for %scan3A_808 = %scan3A_593 to %scan3A_595 step %scan3A_596  : i32 {
        %mul3A_809 = arith.constant 16 : i32
        %mul3A_810 = arith.muli %scan3A_808, %mul3A_809 : i32
        %add3A_811 = arith.addi %add3A_591, %mul3A_810 : i32
        %get3A = arith.index_cast %add3A_811 : i32 to index
        %get3A_812 = tpu.vector_load %arg5[%get3A] {strides = array<i32>} : memref<784xf32, #tpu.memory_space<vmem>>, vector<16xf32>,
        %add3A_813 = arith.constant 0 : i32
        %add3A_814 = arith.addi %add3A_813, %min3A_583 : i32
        %mul3A_815 = arith.constant 16 : i32
        %mul3A_816 = arith.muli %scan3A_808, %mul3A_815 : i32
        %add3A_817 = arith.addi %add3A_814, %mul3A_816 : i32
        %swap3A = arith.index_cast %add3A_817 : i32 to index
        %swap3A_818 = tpu.vector_load %arg6[%swap3A] {strides = array<i32>} : memref<3104xf32, #tpu.memory_space<vmem>>, vector<16xf32>,
        tpu.vector_store %arg6[%swap3A], %get3A_812 {strides = array<i32>} : memref<3104xf32, #tpu.memory_space<vmem>>, vector<16xf32>,
      }
      %scan3A_597 = arith.constant 17 : i32
      %add3A_598 = arith.constant 1 : i32
      %add3A_599 = arith.addi %mul3A_562, %add3A_598 : i32
      %sub3A_600 = arith.constant 127 : i32
      %sub3A_601 = arith.subi %add3A_599, %sub3A_600 : i32
      %sub3A_602 = arith.subi %sub3A_601, %min3A_572 : i32
      %and3A_603 = arith.constant -16 : i32
      %and3A_604 = arith.andi %sub3A_602, %and3A_603 : i32
      %jit3A_605 = arith.constant 0 : i32
      %jit3A_606 = arith.constant 112 : i32
      %max3A_607 = arith.maxsi %jit3A_605, %and3A_604 : i32
      %min3A_608 = arith.minsi %jit3A_606, %max3A_607 : i32
      %add3A_609 = arith.constant 2047 : i32
      %add3A_610 = arith.addi %add3A_609, %min3A_572 : i32
      %sub3A_611 = arith.subi %add3A_610, %mul3A_562 : i32
      %sub3A_612 = arith.constant 1 : i32
      %sub3A_613 = arith.subi %sub3A_611, %sub3A_612 : i32
      %sub3A_614 = arith.constant 1664 : i32
      %sub3A_615 = arith.subi %sub3A_613, %sub3A_614 : i32
      %add3A_616 = arith.addi %sub3A_615, %min3A_608 : i32
      %scan3A_617 = arith.constant 0 : i32
      %scan3A_618 = arith.constant 0 : i32
      %scan3A_619 = arith.constant 17 : i32
      %scan3A_620 = arith.addi %scan3A_618, %scan3A_619 : i32
      %scan3A_621 = arith.constant 1 : i32
      scf.for %scan3A_808 = %scan3A_618 to %scan3A_620 step %scan3A_621  : i32 {
        %mul3A_809 = arith.constant 16 : i32
        %mul3A_810 = arith.muli %scan3A_808, %mul3A_809 : i32
        %add3A_811 = arith.addi %add3A_616, %mul3A_810 : i32
        %get3A = arith.index_cast %add3A_811 : i32 to index
        %get3A_812 = tpu.vector_load %arg5[%get3A] {strides = array<i32>} : memref<784xf32, #tpu.memory_space<vmem>>, vector<16xf32>,
        %add3A_813 = arith.constant 384 : i32
        %add3A_814 = arith.addi %add3A_813, %min3A_608 : i32
        %mul3A_815 = arith.constant 16 : i32
        %mul3A_816 = arith.muli %scan3A_808, %mul3A_815 : i32
        %add3A_817 = arith.addi %add3A_814, %mul3A_816 : i32
        %swap3A = arith.index_cast %add3A_817 : i32 to index
        %swap3A_818 = tpu.vector_load %arg6[%swap3A] {strides = array<i32>} : memref<3104xf32, #tpu.memory_space<vmem>>, vector<16xf32>,
        tpu.vector_store %arg6[%swap3A], %get3A_812 {strides = array<i32>} : memref<3104xf32, #tpu.memory_space<vmem>>, vector<16xf32>,
      }
      %scan3A_622 = arith.constant 17 : i32
      %add3A_623 = arith.constant 2 : i32
      %add3A_624 = arith.addi %mul3A_562, %add3A_623 : i32
      %sub3A_625 = arith.constant 127 : i32
      %sub3A_626 = arith.subi %add3A_624, %sub3A_625 : i32
      %sub3A_627 = arith.subi %sub3A_626, %min3A_572 : i32
      %and3A_628 = arith.constant -16 : i32
      %and3A_629 = arith.andi %sub3A_627, %and3A_628 : i32
      %jit3A_630 = arith.constant 0 : i32
      %jit3A_631 = arith.constant 112 : i32
      %max3A_632 = arith.maxsi %jit3A_630, %and3A_629 : i32
      %min3A_633 = arith.minsi %jit3A_631, %max3A_632 : i32
      %add3A_634 = arith.constant 2047 : i32
      %add3A_635 = arith.addi %add3A_634, %min3A_572 : i32
      %sub3A_636 = arith.subi %add3A_635, %mul3A_562 : i32
      %sub3A_637 = arith.constant 2 : i32
      %sub3A_638 = arith.subi %sub3A_636, %sub3A_637 : i32
      %sub3A_639 = arith.constant 1664 : i32
      %sub3A_640 = arith.subi %sub3A_638, %sub3A_639 : i32
      %add3A_641 = arith.addi %sub3A_640, %min3A_633 : i32
      %scan3A_642 = arith.constant 0 : i32
      %scan3A_643 = arith.constant 0 : i32
      %scan3A_644 = arith.constant 17 : i32
      %scan3A_645 = arith.addi %scan3A_643, %scan3A_644 : i32
      %scan3A_646 = arith.constant 1 : i32
      scf.for %scan3A_808 = %scan3A_643 to %scan3A_645 step %scan3A_646  : i32 {
        %mul3A_809 = arith.constant 16 : i32
        %mul3A_810 = arith.muli %scan3A_808, %mul3A_809 : i32
        %add3A_811 = arith.addi %add3A_641, %mul3A_810 : i32
        %get3A = arith.index_cast %add3A_811 : i32 to index
        %get3A_812 = tpu.vector_load %arg5[%get3A] {strides = array<i32>} : memref<784xf32, #tpu.memory_space<vmem>>, vector<16xf32>,
        %add3A_813 = arith.constant 768 : i32
        %add3A_814 = arith.addi %add3A_813, %min3A_633 : i32
        %mul3A_815 = arith.constant 16 : i32
        %mul3A_816 = arith.muli %scan3A_808, %mul3A_815 : i32
        %add3A_817 = arith.addi %add3A_814, %mul3A_816 : i32
        %swap3A = arith.index_cast %add3A_817 : i32 to index
        %swap3A_818 = tpu.vector_load %arg6[%swap3A] {strides = array<i32>} : memref<3104xf32, #tpu.memory_space<vmem>>, vector<16xf32>,
        tpu.vector_store %arg6[%swap3A], %get3A_812 {strides = array<i32>} : memref<3104xf32, #tpu.memory_space<vmem>>, vector<16xf32>,
      }
      %scan3A_647 = arith.constant 17 : i32
      %add3A_648 = arith.constant 3 : i32
      %add3A_649 = arith.addi %mul3A_562, %add3A_648 : i32
      %sub3A_650 = arith.constant 127 : i32
      %sub3A_651 = arith.subi %add3A_649, %sub3A_650 : i32
      %sub3A_652 = arith.subi %sub3A_651, %min3A_572 : i32
      %and3A_653 = arith.constant -16 : i32
      %and3A_654 = arith.andi %sub3A_652, %and3A_653 : i32
      %jit3A_655 = arith.constant 0 : i32
      %jit3A_656 = arith.constant 112 : i32
      %max3A_657 = arith.maxsi %jit3A_655, %and3A_654 : i32
      %min3A_658 = arith.minsi %jit3A_656, %max3A_657 : i32
      %add3A_659 = arith.constant 2047 : i32
      %add3A_660 = arith.addi %add3A_659, %min3A_572 : i32
      %sub3A_661 = arith.subi %add3A_660, %mul3A_562 : i32
      %sub3A_662 = arith.constant 3 : i32
      %sub3A_663 = arith.subi %sub3A_661, %sub3A_662 : i32
      %sub3A_664 = arith.constant 1664 : i32
      %sub3A_665 = arith.subi %sub3A_663, %sub3A_664 : i32
      %add3A_666 = arith.addi %sub3A_665, %min3A_658 : i32
      %scan3A_667 = arith.constant 0 : i32
      %scan3A_668 = arith.constant 0 : i32
      %scan3A_669 = arith.constant 17 : i32
      %scan3A_670 = arith.addi %scan3A_668, %scan3A_669 : i32
      %scan3A_671 = arith.constant 1 : i32
      scf.for %scan3A_808 = %scan3A_668 to %scan3A_670 step %scan3A_671  : i32 {
        %mul3A_809 = arith.constant 16 : i32
        %mul3A_810 = arith.muli %scan3A_808, %mul3A_809 : i32
        %add3A_811 = arith.addi %add3A_666, %mul3A_810 : i32
        %get3A = arith.index_cast %add3A_811 : i32 to index
        %get3A_812 = tpu.vector_load %arg5[%get3A] {strides = array<i32>} : memref<784xf32, #tpu.memory_space<vmem>>, vector<16xf32>,
        %add3A_813 = arith.constant 1152 : i32
        %add3A_814 = arith.addi %add3A_813, %min3A_658 : i32
        %mul3A_815 = arith.constant 16 : i32
        %mul3A_816 = arith.muli %scan3A_808, %mul3A_815 : i32
        %add3A_817 = arith.addi %add3A_814, %mul3A_816 : i32
        %swap3A = arith.index_cast %add3A_817 : i32 to index
        %swap3A_818 = tpu.vector_load %arg6[%swap3A] {strides = array<i32>} : memref<3104xf32, #tpu.memory_space<vmem>>, vector<16xf32>,
        tpu.vector_store %arg6[%swap3A], %get3A_812 {strides = array<i32>} : memref<3104xf32, #tpu.memory_space<vmem>>, vector<16xf32>,
      }
      %scan3A_672 = arith.constant 17 : i32
      %add3A_673 = arith.constant 4 : i32
      %add3A_674 = arith.addi %mul3A_562, %add3A_673 : i32
      %sub3A_675 = arith.constant 127 : i32
      %sub3A_676 = arith.subi %add3A_674, %sub3A_675 : i32
      %sub3A_677 = arith.subi %sub3A_676, %min3A_572 : i32
      %and3A_678 = arith.constant -16 : i32
      %and3A_679 = arith.andi %sub3A_677, %and3A_678 : i32
      %jit3A_680 = arith.constant 0 : i32
      %jit3A_681 = arith.constant 112 : i32
      %max3A_682 = arith.maxsi %jit3A_680, %and3A_679 : i32
      %min3A_683 = arith.minsi %jit3A_681, %max3A_682 : i32
      %add3A_684 = arith.constant 2047 : i32
      %add3A_685 = arith.addi %add3A_684, %min3A_572 : i32
      %sub3A_686 = arith.subi %add3A_685, %mul3A_562 : i32
      %sub3A_687 = arith.constant 4 : i32
      %sub3A_688 = arith.subi %sub3A_686, %sub3A_687 : i32
      %sub3A_689 = arith.constant 1664 : i32
      %sub3A_690 = arith.subi %sub3A_688, %sub3A_689 : i32
      %add3A_691 = arith.addi %sub3A_690, %min3A_683 : i32
      %scan3A_692 = arith.constant 0 : i32
      %scan3A_693 = arith.constant 0 : i32
      %scan3A_694 = arith.constant 17 : i32
      %scan3A_695 = arith.addi %scan3A_693, %scan3A_694 : i32
      %scan3A_696 = arith.constant 1 : i32
      scf.for %scan3A_808 = %scan3A_693 to %scan3A_695 step %scan3A_696  : i32 {
        %mul3A_809 = arith.constant 16 : i32
        %mul3A_810 = arith.muli %scan3A_808, %mul3A_809 : i32
        %add3A_811 = arith.addi %add3A_691, %mul3A_810 : i32
        %get3A = arith.index_cast %add3A_811 : i32 to index
        %get3A_812 = tpu.vector_load %arg5[%get3A] {strides = array<i32>} : memref<784xf32, #tpu.memory_space<vmem>>, vector<16xf32>,
        %add3A_813 = arith.constant 1536 : i32
        %add3A_814 = arith.addi %add3A_813, %min3A_683 : i32
        %mul3A_815 = arith.constant 16 : i32
        %mul3A_816 = arith.muli %scan3A_808, %mul3A_815 : i32
        %add3A_817 = arith.addi %add3A_814, %mul3A_816 : i32
        %swap3A = arith.index_cast %add3A_817 : i32 to index
        %swap3A_818 = tpu.vector_load %arg6[%swap3A] {strides = array<i32>} : memref<3104xf32, #tpu.memory_space<vmem>>, vector<16xf32>,
        tpu.vector_store %arg6[%swap3A], %get3A_812 {strides = array<i32>} : memref<3104xf32, #tpu.memory_space<vmem>>, vector<16xf32>,
      }
      %scan3A_697 = arith.constant 17 : i32
      %add3A_698 = arith.constant 5 : i32
      %add3A_699 = arith.addi %mul3A_562, %add3A_698 : i32
      %sub3A_700 = arith.constant 127 : i32
      %sub3A_701 = arith.subi %add3A_699, %sub3A_700 : i32
      %sub3A_702 = arith.subi %sub3A_701, %min3A_572 : i32
      %and3A_703 = arith.constant -16 : i32
      %and3A_704 = arith.andi %sub3A_702, %and3A_703 : i32
      %jit3A_705 = arith.constant 0 : i32
      %jit3A_706 = arith.constant 112 : i32
      %max3A_707 = arith.maxsi %jit3A_705, %and3A_704 : i32
      %min3A_708 = arith.minsi %jit3A_706, %max3A_707 : i32
      %add3A_709 = arith.constant 2047 : i32
      %add3A_710 = arith.addi %add3A_709, %min3A_572 : i32
      %sub3A_711 = arith.subi %add3A_710, %mul3A_562 : i32
      %sub3A_712 = arith.constant 5 : i32
      %sub3A_713 = arith.subi %sub3A_711, %sub3A_712 : i32
      %sub3A_714 = arith.constant 1664 : i32
      %sub3A_715 = arith.subi %sub3A_713, %sub3A_714 : i32
      %add3A_716 = arith.addi %sub3A_715, %min3A_708 : i32
      %scan3A_717 = arith.constant 0 : i32
      %scan3A_718 = arith.constant 0 : i32
      %scan3A_719 = arith.constant 17 : i32
      %scan3A_720 = arith.addi %scan3A_718, %scan3A_719 : i32
      %scan3A_721 = arith.constant 1 : i32
      scf.for %scan3A_808 = %scan3A_718 to %scan3A_720 step %scan3A_721  : i32 {
        %mul3A_809 = arith.constant 16 : i32
        %mul3A_810 = arith.muli %scan3A_808, %mul3A_809 : i32
        %add3A_811 = arith.addi %add3A_716, %mul3A_810 : i32
        %get3A = arith.index_cast %add3A_811 : i32 to index
        %get3A_812 = tpu.vector_load %arg5[%get3A] {strides = array<i32>} : memref<784xf32, #tpu.memory_space<vmem>>, vector<16xf32>,
        %add3A_813 = arith.constant 1920 : i32
        %add3A_814 = arith.addi %add3A_813, %min3A_708 : i32
        %mul3A_815 = arith.constant 16 : i32
        %mul3A_816 = arith.muli %scan3A_808, %mul3A_815 : i32
        %add3A_817 = arith.addi %add3A_814, %mul3A_816 : i32
        %swap3A = arith.index_cast %add3A_817 : i32 to index
        %swap3A_818 = tpu.vector_load %arg6[%swap3A] {strides = array<i32>} : memref<3104xf32, #tpu.memory_space<vmem>>, vector<16xf32>,
        tpu.vector_store %arg6[%swap3A], %get3A_812 {strides = array<i32>} : memref<3104xf32, #tpu.memory_space<vmem>>, vector<16xf32>,
      }
      %scan3A_722 = arith.constant 17 : i32
      %add3A_723 = arith.constant 6 : i32
      %add3A_724 = arith.addi %mul3A_562, %add3A_723 : i32
      %sub3A_725 = arith.constant 127 : i32
      %sub3A_726 = arith.subi %add3A_724, %sub3A_725 : i32
      %sub3A_727 = arith.subi %sub3A_726, %min3A_572 : i32
      %and3A_728 = arith.constant -16 : i32
      %and3A_729 = arith.andi %sub3A_727, %and3A_728 : i32
      %jit3A_730 = arith.constant 0 : i32
      %jit3A_731 = arith.constant 112 : i32
      %max3A_732 = arith.maxsi %jit3A_730, %and3A_729 : i32
      %min3A_733 = arith.minsi %jit3A_731, %max3A_732 : i32
      %add3A_734 = arith.constant 2047 : i32
      %add3A_735 = arith.addi %add3A_734, %min3A_572 : i32
      %sub3A_736 = arith.subi %add3A_735, %mul3A_562 : i32
      %sub3A_737 = arith.constant 6 : i32
      %sub3A_738 = arith.subi %sub3A_736, %sub3A_737 : i32
      %sub3A_739 = arith.constant 1664 : i32
      %sub3A_740 = arith.subi %sub3A_738, %sub3A_739 : i32
      %add3A_741 = arith.addi %sub3A_740, %min3A_733 : i32
      %scan3A_742 = arith.constant 0 : i32
      %scan3A_743 = arith.constant 0 : i32
      %scan3A_744 = arith.constant 17 : i32
      %scan3A_745 = arith.addi %scan3A_743, %scan3A_744 : i32
      %scan3A_746 = arith.constant 1 : i32
      scf.for %scan3A_808 = %scan3A_743 to %scan3A_745 step %scan3A_746  : i32 {
        %mul3A_809 = arith.constant 16 : i32
        %mul3A_810 = arith.muli %scan3A_808, %mul3A_809 : i32
        %add3A_811 = arith.addi %add3A_741, %mul3A_810 : i32
        %get3A = arith.index_cast %add3A_811 : i32 to index
        %get3A_812 = tpu.vector_load %arg5[%get3A] {strides = array<i32>} : memref<784xf32, #tpu.memory_space<vmem>>, vector<16xf32>,
        %add3A_813 = arith.constant 2304 : i32
        %add3A_814 = arith.addi %add3A_813, %min3A_733 : i32
        %mul3A_815 = arith.constant 16 : i32
        %mul3A_816 = arith.muli %scan3A_808, %mul3A_815 : i32
        %add3A_817 = arith.addi %add3A_814, %mul3A_816 : i32
        %swap3A = arith.index_cast %add3A_817 : i32 to index
        %swap3A_818 = tpu.vector_load %arg6[%swap3A] {strides = array<i32>} : memref<3104xf32, #tpu.memory_space<vmem>>, vector<16xf32>,
        tpu.vector_store %arg6[%swap3A], %get3A_812 {strides = array<i32>} : memref<3104xf32, #tpu.memory_space<vmem>>, vector<16xf32>,
      }
      %scan3A_747 = arith.constant 17 : i32
      %add3A_748 = arith.constant 7 : i32
      %add3A_749 = arith.addi %mul3A_562, %add3A_748 : i32
      %sub3A_750 = arith.constant 127 : i32
      %sub3A_751 = arith.subi %add3A_749, %sub3A_750 : i32
      %sub3A_752 = arith.subi %sub3A_751, %min3A_572 : i32
      %and3A_753 = arith.constant -16 : i32
      %and3A_754 = arith.andi %sub3A_752, %and3A_753 : i32
      %jit3A_755 = arith.constant 0 : i32
      %jit3A_756 = arith.constant 112 : i32
      %max3A_757 = arith.maxsi %jit3A_755, %and3A_754 : i32
      %min3A_758 = arith.minsi %jit3A_756, %max3A_757 : i32
      %add3A_759 = arith.constant 2047 : i32
      %add3A_760 = arith.addi %add3A_759, %min3A_572 : i32
      %sub3A_761 = arith.subi %add3A_760, %mul3A_562 : i32
      %sub3A_762 = arith.constant 7 : i32
      %sub3A_763 = arith.subi %sub3A_761, %sub3A_762 : i32
      %sub3A_764 = arith.constant 1664 : i32
      %sub3A_765 = arith.subi %sub3A_763, %sub3A_764 : i32
      %add3A_766 = arith.addi %sub3A_765, %min3A_758 : i32
      %scan3A_767 = arith.constant 0 : i32
      %scan3A_768 = arith.constant 0 : i32
      %scan3A_769 = arith.constant 17 : i32
      %scan3A_770 = arith.addi %scan3A_768, %scan3A_769 : i32
      %scan3A_771 = arith.constant 1 : i32
      scf.for %scan3A_808 = %scan3A_768 to %scan3A_770 step %scan3A_771  : i32 {
        %mul3A_809 = arith.constant 16 : i32
        %mul3A_810 = arith.muli %scan3A_808, %mul3A_809 : i32
        %add3A_811 = arith.addi %add3A_766, %mul3A_810 : i32
        %get3A = arith.index_cast %add3A_811 : i32 to index
        %get3A_812 = tpu.vector_load %arg5[%get3A] {strides = array<i32>} : memref<784xf32, #tpu.memory_space<vmem>>, vector<16xf32>,
        %add3A_813 = arith.constant 2688 : i32
        %add3A_814 = arith.addi %add3A_813, %min3A_758 : i32
        %mul3A_815 = arith.constant 16 : i32
        %mul3A_816 = arith.muli %scan3A_808, %mul3A_815 : i32
        %add3A_817 = arith.addi %add3A_814, %mul3A_816 : i32
        %swap3A = arith.index_cast %add3A_817 : i32 to index
        %swap3A_818 = tpu.vector_load %arg6[%swap3A] {strides = array<i32>} : memref<3104xf32, #tpu.memory_space<vmem>>, vector<16xf32>,
        tpu.vector_store %arg6[%swap3A], %get3A_812 {strides = array<i32>} : memref<3104xf32, #tpu.memory_space<vmem>>, vector<16xf32>,
      }
      %scan3A_772 = arith.constant 17 : i32
      %shift_right_arithmetic3A_773 = arith.constant 3 : i32
      %shift_right_arithmetic3A_774 = arith.shrsi %min3A_273, %shift_right_arithmetic3A_773 : i32
      %and3A_775 = arith.constant 7 : i32
      %and3A_776 = arith.andi %min3A_273, %and3A_775 : i32
      %mul3A_777 = arith.constant 32 : i32
      %mul3A_778 = arith.muli %mul3A_777, %and3A_776 : i32
      %add3A_779 = arith.addi %add3A, %mul3A_778 : i32
      %mul3A_780 = arith.constant 8 : i32
      %mul3A_781 = arith.muli %mul3A_780, %add3A_779 : i32
      %shift_right_arithmetic3A_782 = arith.constant 7 : i32
      %shift_right_arithmetic3A_783 = arith.shrsi %mul3A_781, %shift_right_arithmetic3A_782 : i32
      %and3A_784 = arith.constant -128 : i32
      %and3A_785 = arith.andi %mul3A_781, %and3A_784 : i32
      %sub3A_786 = arith.constant 128 : i32
      %sub3A_787 = arith.subi %and3A_785, %sub3A_786 : i32
      %jit3A_788 = arith.constant 0 : i32
      %jit3A_789 = arith.constant 1664 : i32
      %max3A_790 = arith.maxsi %jit3A_788, %sub3A_787 : i32
      %min3A_791 = arith.minsi %jit3A_789, %max3A_790 : i32
      %and3A_792 = arith.constant 127 : i32
      %and3A_793 = arith.andi %mul3A_781, %and3A_792 : i32
      %mul3A_794 = arith.constant 16 : i32
      %mul3A_795 = arith.muli %shift_right_arithmetic3A_774, %mul3A_794 : i32
      %add3A_796 = arith.addi %mul3A_795, %shift_right_arithmetic3A_783 : i32
      %mul3A_797 = arith.constant 128 : i32
      %mul3A_798 = arith.muli %add3A_796, %mul3A_797 : i32
      %add3A_799 = arith.addi %mul3A_798, %and3A_793 : i32
      %mul3A_800 = arith.constant 384 : i32
      %mul3A_801 = arith.muli %add3A_799, %mul3A_800 : i32
      %dma_start3A_802 = arith.constant 0 : i32
      %dma_start3A_803 = tpu.memref_slice %arg6[%dma_start3A_802] : memref<3104xf32, #tpu.memory_space<vmem>> -> memref<3072xf32, #tpu.memory_space<vmem>>
      %dma_start3A_804 = tpu.memref_slice %arg3[%mul3A_801] : memref<4718592xf32, #tpu.memory_space<hbm>> -> memref<3072xf32, #tpu.memory_space<hbm>>
      %dma_start3A_805 = tpu.memref_slice %arg3[%mul3A_801] : memref<4718592xf32, #tpu.memory_space<hbm>> -> memref<3072xf32, #tpu.memory_space<hbm>>
      %dma_start3A_806 = arith.constant 0 : i32
      %dma_start3A_807 = tpu.memref_slice %arg6[%dma_start3A_806] : memref<3104xf32, #tpu.memory_space<vmem>> -> memref<3072xf32, #tpu.memory_space<vmem>>
      tpu.enqueue_dma source(%dma_start3A_807 : memref<3072xf32, #tpu.memory_space<vmem>>) target(%dma_start3A_805 : memref<3072xf32, #tpu.memory_space<hbm>>) target_semaphore(%arg8 : memref<!tpu.dma_semaphore, #tpu.memory_space<semaphore_mem>>)
    }
    %scan3A_247 = arith.constant 24 : i32
    %dma_wait3A = arith.constant 0 : i32
    %dma_wait3A_248 = tpu.memref_slice %arg6[%dma_wait3A] : memref<3104xf32, #tpu.memory_space<vmem>> -> memref<3072xf32, #tpu.memory_space<vmem>>
    %dma_wait3A_249 = arith.constant 0 : i32
    %dma_wait3A_250 = tpu.memref_slice %arg3[%dma_wait3A_249] : memref<4718592xf32, #tpu.memory_space<hbm>> -> memref<3072xf32, #tpu.memory_space<hbm>>
    %dma_wait3A_251 = arith.constant 0 : i32
    %dma_wait3A_252 = tpu.memref_slice %arg3[%dma_wait3A_251] : memref<4718592xf32, #tpu.memory_space<hbm>> -> memref<3072xf32, #tpu.memory_space<hbm>>
    %dma_wait3A_253 = arith.constant 0 : i32
    %dma_wait3A_254 = tpu.memref_slice %arg6[%dma_wait3A_253] : memref<3104xf32, #tpu.memory_space<vmem>> -> memref<3072xf32, #tpu.memory_space<vmem>>
    tpu.wait_dma2 semaphore(%arg8 : memref<!tpu.dma_semaphore, #tpu.memory_space<semaphore_mem>>) src(%dma_wait3A_254 : memref<3072xf32, #tpu.memory_space<vmem>>) dst(%dma_wait3A_252 : memref<3072xf32, #tpu.memory_space<hbm>>)
    %dma_wait3A_255 = arith.constant 0 : i32
    %dma_wait3A_256 = tpu.memref_slice %arg6[%dma_wait3A_255] : memref<3104xf32, #tpu.memory_space<vmem>> -> memref<3072xf32, #tpu.memory_space<vmem>>
    %dma_wait3A_257 = arith.constant 0 : i32
    %dma_wait3A_258 = tpu.memref_slice %arg3[%dma_wait3A_257] : memref<4718592xf32, #tpu.memory_space<hbm>> -> memref<3072xf32, #tpu.memory_space<hbm>>
    %dma_wait3A_259 = arith.constant 0 : i32
    %dma_wait3A_260 = tpu.memref_slice %arg3[%dma_wait3A_259] : memref<4718592xf32, #tpu.memory_space<hbm>> -> memref<3072xf32, #tpu.memory_space<hbm>>
    %dma_wait3A_261 = arith.constant 0 : i32
    %dma_wait3A_262 = tpu.memref_slice %arg6[%dma_wait3A_261] : memref<3104xf32, #tpu.memory_space<vmem>> -> memref<3072xf32, #tpu.memory_space<vmem>>
    tpu.wait_dma2 semaphore(%arg9 : memref<!tpu.dma_semaphore, #tpu.memory_space<semaphore_mem>>) src(%dma_wait3A_262 : memref<3072xf32, #tpu.memory_space<vmem>>) dst(%dma_wait3A_260 : memref<3072xf32, #tpu.memory_space<hbm>>)
    return
  }
}

module attributes {stable_mosaic.version = 14 : i64} {
  func.func @_lambda_(%arg0: i32, %arg1: i32, %arg2: memref<12xf32, #tpu.memory_space<smem>>, %arg3: memref<12xf32, #tpu.memory_space<smem>>, %arg4: memref<12288x384xf32, #tpu.memory_space<vmem>>, %arg5: memref<512x2048xf32, #tpu.memory_space<vmem>>) attributes {dimension_semantics = [#tpu.dimension_semantics<arbitrary>, #tpu.dimension_semantics<arbitrary>], iteration_bounds = array<i64: 6, 4>, scalar_prefetch = 0 : i64, scratch_operands = 0 : i64, tpu.core_type = #tpu.core_type<tc>, window_params = [{transform_indices = @transform_0, window_bounds = array<i64: 12>}, {transform_indices = @transform_1, window_bounds = array<i64: 12>}, {pipeline_mode = #tpu.pipeline_mode<synchronous>, transform_indices = @transform_2, window_bounds = array<i64: 12288, 384>}, {transform_indices = @transform_3, window_bounds = array<i64: 512, 2048>}]} {
    %add3A = arith.constant 0 : i32
    %add3A_0 = arith.addi %add3A, %arg0 : i32
    %get3A = arith.index_cast %add3A_0 : i32 to index
    %get3A_1 = memref.load %arg2[%get3A] : memref<12xf32, #tpu.memory_space<smem>>
    %add3A_2 = arith.constant 0 : i32
    %add3A_3 = arith.addi %add3A_2, %arg0 : i32
    %get3A_4 = arith.index_cast %add3A_3 : i32 to index
    %get3A_5 = memref.load %arg3[%get3A_4] : memref<12xf32, #tpu.memory_space<smem>>
    %mul3A = arith.constant 512 : i32
    %mul3A_6 = arith.muli %arg1, %mul3A : i32
    %iota3A = tpu.iota {dimensions = array<i32: 0>} : vector<512x2048xi32>
    %add3A_7 = vector.broadcast %mul3A_6 : i32 to vector<512x2048xi32>
    %add3A_8 = arith.addi %add3A_7, %iota3A : vector<512x2048xi32>
    %iota3A_9 = tpu.iota {dimensions = array<i32: 1>} : vector<512x2048xi32>
    %lt3A = arith.cmpi slt, %iota3A_9, %add3A_8 : vector<512x2048xi32>
    %broadcast_in_dim3A = vector.broadcast %get3A_1 : f32 to vector<512x2048xf32>
    %broadcast_in_dim3A_10 = vector.broadcast %get3A_5 : f32 to vector<512x2048xf32>
    %select_n3A = arith.select %lt3A, %broadcast_in_dim3A, %broadcast_in_dim3A_10 : vector<512x2048xi1>, vector<512x2048xf32>
    %swap3A = arith.constant 0 : index
    %swap3A_11 = arith.constant 0 : index
    %swap3A_12 = vector.load %arg5[%swap3A, %swap3A_11] : memref<512x2048xf32, #tpu.memory_space<vmem>>, vector<512x2048xf32>
    tpu.vector_store %arg5[%swap3A, %swap3A_11], %select_n3A {strides = array<i32>} : memref<512x2048xf32, #tpu.memory_space<vmem>>, vector<512x2048xf32>,
    %mul3A_13 = arith.constant 4 : i32
    %mul3A_14 = arith.muli %mul3A_13, %arg1 : i32
    %add3A_15 = arith.constant 0 : i32
    %add3A_16 = arith.addi %mul3A_14, %add3A_15 : i32
    %mul3A_17 = arith.constant 16 : i32
    %mul3A_18 = arith.muli %arg0, %mul3A_17 : i32
    %add3A_19 = arith.addi %mul3A_18, %add3A_16 : i32
    %mul3A_20 = arith.constant 128 : i32
    %mul3A_21 = arith.muli %add3A_16, %mul3A_20 : i32
    %sub3A = arith.constant 128 : i32
    %sub3A_22 = arith.subi %mul3A_21, %sub3A : i32
    %jit3A = arith.constant 0 : i32
    %jit3A_23 = arith.constant 1664 : i32
    %max3A = arith.maxsi %jit3A, %sub3A_22 : i32
    %min3A = arith.minsi %jit3A_23, %max3A : i32
    %mul3A_24 = arith.constant 128 : i32
    %mul3A_25 = arith.muli %add3A_16, %mul3A_24 : i32
    %iota3A_26 = tpu.iota {dimensions = array<i32: 0>} : vector<128x384xi32>
    %add3A_27 = vector.broadcast %mul3A_25 : i32 to vector<128x384xi32>
    %add3A_28 = arith.addi %add3A_27, %iota3A_26 : vector<128x384xi32>
    %iota3A_29 = tpu.iota {dimensions = array<i32: 1>} : vector<128x384xi32>
    %add3A_30 = vector.broadcast %min3A : i32 to vector<128x384xi32>
    %add3A_31 = arith.addi %add3A_30, %iota3A_29 : vector<128x384xi32>
    %sub3A_32 = arith.subi %add3A_31, %add3A_28 : vector<128x384xi32>
    %mul3A_33 = arith.constant 128 : i32
    %mul3A_34 = arith.muli %add3A_19, %mul3A_33 : i32
    %multiple_of3A = tpu.assume_multiple %mul3A_34, 128 : i32
    %get3A_35 = arith.index_cast %multiple_of3A : i32 to index
    %get3A_36 = arith.constant 0 : index
    %get3A_37 = vector.load %arg4[%get3A_35, %get3A_36] : memref<12288x384xf32, #tpu.memory_space<vmem>>, vector<128x384xf32>
    %le3A = arith.constant -128 : i32
    %le3A_38 = vector.broadcast %le3A : i32 to vector<128x384xi32>
    %le3A_39 = arith.cmpi sle, %sub3A_32, %le3A_38 : vector<128x384xi32>
    %ge3A = arith.constant 128 : i32
    %ge3A_40 = vector.broadcast %ge3A : i32 to vector<128x384xi32>
    %ge3A_41 = arith.cmpi sge, %sub3A_32, %ge3A_40 : vector<128x384xi32>
    %broadcast_in_dim3A_42 = vector.broadcast %get3A_5 : f32 to vector<128x384xf32>
    %select_n3A_43 = arith.select %ge3A_41, %broadcast_in_dim3A_42, %get3A_37 : vector<128x384xi1>, vector<128x384xf32>
    %broadcast_in_dim3A_44 = vector.broadcast %get3A_1 : f32 to vector<128x384xf32>
    %select_n3A_45 = arith.select %le3A_39, %broadcast_in_dim3A_44, %select_n3A_43 : vector<128x384xi1>, vector<128x384xf32>
    %eq3A = arith.constant 0 : i32
    %eq3A_46 = arith.cmpi eq, %arg1, %eq3A : i32
    %convert_element_type3A = arith.extui %eq3A_46 : i1 to i32
    %cond3A = arith.constant 0 : i32
    %cond3A_47 = arith.cmpi ne, %convert_element_type3A, %cond3A : i32
    scf.if %cond3A_47 {
      %swap3A_243 = arith.constant 0 : index
      %swap3A_244 = arith.constant 0 : index
      %swap3A_245 = vector.load %arg5[%swap3A_243, %swap3A_244] : memref<512x2048xf32, #tpu.memory_space<vmem>>, vector<128x384xf32>
      tpu.vector_store %arg5[%swap3A_243, %swap3A_244], %select_n3A_45 {strides = array<i32>} : memref<512x2048xf32, #tpu.memory_space<vmem>>, vector<128x384xf32>,
    } else {
    }
    %eq3A_48 = arith.constant 1 : i32
    %eq3A_49 = arith.cmpi eq, %arg1, %eq3A_48 : i32
    %convert_element_type3A_50 = arith.extui %eq3A_49 : i1 to i32
    %cond3A_51 = arith.constant 0 : i32
    %cond3A_52 = arith.cmpi ne, %convert_element_type3A_50, %cond3A_51 : i32
    scf.if %cond3A_52 {
      %swap3A_243 = arith.constant 0 : index
      %swap3A_244 = arith.constant 384 : index
      %swap3A_245 = vector.load %arg5[%swap3A_243, %swap3A_244] : memref<512x2048xf32, #tpu.memory_space<vmem>>, vector<128x384xf32>
      tpu.vector_store %arg5[%swap3A_243, %swap3A_244], %select_n3A_45 {strides = array<i32>} : memref<512x2048xf32, #tpu.memory_space<vmem>>, vector<128x384xf32>,
    } else {
    }
    %eq3A_53 = arith.constant 2 : i32
    %eq3A_54 = arith.cmpi eq, %arg1, %eq3A_53 : i32
    %convert_element_type3A_55 = arith.extui %eq3A_54 : i1 to i32
    %cond3A_56 = arith.constant 0 : i32
    %cond3A_57 = arith.cmpi ne, %convert_element_type3A_55, %cond3A_56 : i32
    scf.if %cond3A_57 {
      %swap3A_243 = arith.constant 0 : index
      %swap3A_244 = arith.constant 896 : index
      %swap3A_245 = vector.load %arg5[%swap3A_243, %swap3A_244] : memref<512x2048xf32, #tpu.memory_space<vmem>>, vector<128x384xf32>
      tpu.vector_store %arg5[%swap3A_243, %swap3A_244], %select_n3A_45 {strides = array<i32>} : memref<512x2048xf32, #tpu.memory_space<vmem>>, vector<128x384xf32>,
    } else {
    }
    %eq3A_58 = arith.constant 3 : i32
    %eq3A_59 = arith.cmpi eq, %arg1, %eq3A_58 : i32
    %convert_element_type3A_60 = arith.extui %eq3A_59 : i1 to i32
    %cond3A_61 = arith.constant 0 : i32
    %cond3A_62 = arith.cmpi ne, %convert_element_type3A_60, %cond3A_61 : i32
    scf.if %cond3A_62 {
      %swap3A_243 = arith.constant 0 : index
      %swap3A_244 = arith.constant 1408 : index
      %swap3A_245 = vector.load %arg5[%swap3A_243, %swap3A_244] : memref<512x2048xf32, #tpu.memory_space<vmem>>, vector<128x384xf32>
      tpu.vector_store %arg5[%swap3A_243, %swap3A_244], %select_n3A_45 {strides = array<i32>} : memref<512x2048xf32, #tpu.memory_space<vmem>>, vector<128x384xf32>,
    } else {
    }
    %mul3A_63 = arith.constant 4 : i32
    %mul3A_64 = arith.muli %mul3A_63, %arg1 : i32
    %add3A_65 = arith.constant 1 : i32
    %add3A_66 = arith.addi %mul3A_64, %add3A_65 : i32
    %mul3A_67 = arith.constant 16 : i32
    %mul3A_68 = arith.muli %arg0, %mul3A_67 : i32
    %add3A_69 = arith.addi %mul3A_68, %add3A_66 : i32
    %mul3A_70 = arith.constant 128 : i32
    %mul3A_71 = arith.muli %add3A_66, %mul3A_70 : i32
    %sub3A_72 = arith.constant 128 : i32
    %sub3A_73 = arith.subi %mul3A_71, %sub3A_72 : i32
    %jit3A_74 = arith.constant 0 : i32
    %jit3A_75 = arith.constant 1664 : i32
    %max3A_76 = arith.maxsi %jit3A_74, %sub3A_73 : i32
    %min3A_77 = arith.minsi %jit3A_75, %max3A_76 : i32
    %mul3A_78 = arith.constant 128 : i32
    %mul3A_79 = arith.muli %add3A_66, %mul3A_78 : i32
    %iota3A_80 = tpu.iota {dimensions = array<i32: 0>} : vector<128x384xi32>
    %add3A_81 = vector.broadcast %mul3A_79 : i32 to vector<128x384xi32>
    %add3A_82 = arith.addi %add3A_81, %iota3A_80 : vector<128x384xi32>
    %iota3A_83 = tpu.iota {dimensions = array<i32: 1>} : vector<128x384xi32>
    %add3A_84 = vector.broadcast %min3A_77 : i32 to vector<128x384xi32>
    %add3A_85 = arith.addi %add3A_84, %iota3A_83 : vector<128x384xi32>
    %sub3A_86 = arith.subi %add3A_85, %add3A_82 : vector<128x384xi32>
    %mul3A_87 = arith.constant 128 : i32
    %mul3A_88 = arith.muli %add3A_69, %mul3A_87 : i32
    %multiple_of3A_89 = tpu.assume_multiple %mul3A_88, 128 : i32
    %get3A_90 = arith.index_cast %multiple_of3A_89 : i32 to index
    %get3A_91 = arith.constant 0 : index
    %get3A_92 = vector.load %arg4[%get3A_90, %get3A_91] : memref<12288x384xf32, #tpu.memory_space<vmem>>, vector<128x384xf32>
    %le3A_93 = arith.constant -128 : i32
    %le3A_94 = vector.broadcast %le3A_93 : i32 to vector<128x384xi32>
    %le3A_95 = arith.cmpi sle, %sub3A_86, %le3A_94 : vector<128x384xi32>
    %ge3A_96 = arith.constant 128 : i32
    %ge3A_97 = vector.broadcast %ge3A_96 : i32 to vector<128x384xi32>
    %ge3A_98 = arith.cmpi sge, %sub3A_86, %ge3A_97 : vector<128x384xi32>
    %broadcast_in_dim3A_99 = vector.broadcast %get3A_5 : f32 to vector<128x384xf32>
    %select_n3A_100 = arith.select %ge3A_98, %broadcast_in_dim3A_99, %get3A_92 : vector<128x384xi1>, vector<128x384xf32>
    %broadcast_in_dim3A_101 = vector.broadcast %get3A_1 : f32 to vector<128x384xf32>
    %select_n3A_102 = arith.select %le3A_95, %broadcast_in_dim3A_101, %select_n3A_100 : vector<128x384xi1>, vector<128x384xf32>
    %eq3A_103 = arith.constant 0 : i32
    %eq3A_104 = arith.cmpi eq, %arg1, %eq3A_103 : i32
    %convert_element_type3A_105 = arith.extui %eq3A_104 : i1 to i32
    %cond3A_106 = arith.constant 0 : i32
    %cond3A_107 = arith.cmpi ne, %convert_element_type3A_105, %cond3A_106 : i32
    scf.if %cond3A_107 {
      %swap3A_243 = arith.constant 128 : index
      %swap3A_244 = arith.constant 0 : index
      %swap3A_245 = vector.load %arg5[%swap3A_243, %swap3A_244] : memref<512x2048xf32, #tpu.memory_space<vmem>>, vector<128x384xf32>
      tpu.vector_store %arg5[%swap3A_243, %swap3A_244], %select_n3A_102 {strides = array<i32>} : memref<512x2048xf32, #tpu.memory_space<vmem>>, vector<128x384xf32>,
    } else {
    }
    %eq3A_108 = arith.constant 1 : i32
    %eq3A_109 = arith.cmpi eq, %arg1, %eq3A_108 : i32
    %convert_element_type3A_110 = arith.extui %eq3A_109 : i1 to i32
    %cond3A_111 = arith.constant 0 : i32
    %cond3A_112 = arith.cmpi ne, %convert_element_type3A_110, %cond3A_111 : i32
    scf.if %cond3A_112 {
      %swap3A_243 = arith.constant 128 : index
      %swap3A_244 = arith.constant 512 : index
      %swap3A_245 = vector.load %arg5[%swap3A_243, %swap3A_244] : memref<512x2048xf32, #tpu.memory_space<vmem>>, vector<128x384xf32>
      tpu.vector_store %arg5[%swap3A_243, %swap3A_244], %select_n3A_102 {strides = array<i32>} : memref<512x2048xf32, #tpu.memory_space<vmem>>, vector<128x384xf32>,
    } else {
    }
    %eq3A_113 = arith.constant 2 : i32
    %eq3A_114 = arith.cmpi eq, %arg1, %eq3A_113 : i32
    %convert_element_type3A_115 = arith.extui %eq3A_114 : i1 to i32
    %cond3A_116 = arith.constant 0 : i32
    %cond3A_117 = arith.cmpi ne, %convert_element_type3A_115, %cond3A_116 : i32
    scf.if %cond3A_117 {
      %swap3A_243 = arith.constant 128 : index
      %swap3A_244 = arith.constant 1024 : index
      %swap3A_245 = vector.load %arg5[%swap3A_243, %swap3A_244] : memref<512x2048xf32, #tpu.memory_space<vmem>>, vector<128x384xf32>
      tpu.vector_store %arg5[%swap3A_243, %swap3A_244], %select_n3A_102 {strides = array<i32>} : memref<512x2048xf32, #tpu.memory_space<vmem>>, vector<128x384xf32>,
    } else {
    }
    %eq3A_118 = arith.constant 3 : i32
    %eq3A_119 = arith.cmpi eq, %arg1, %eq3A_118 : i32
    %convert_element_type3A_120 = arith.extui %eq3A_119 : i1 to i32
    %cond3A_121 = arith.constant 0 : i32
    %cond3A_122 = arith.cmpi ne, %convert_element_type3A_120, %cond3A_121 : i32
    scf.if %cond3A_122 {
      %swap3A_243 = arith.constant 128 : index
      %swap3A_244 = arith.constant 1536 : index
      %swap3A_245 = vector.load %arg5[%swap3A_243, %swap3A_244] : memref<512x2048xf32, #tpu.memory_space<vmem>>, vector<128x384xf32>
      tpu.vector_store %arg5[%swap3A_243, %swap3A_244], %select_n3A_102 {strides = array<i32>} : memref<512x2048xf32, #tpu.memory_space<vmem>>, vector<128x384xf32>,
    } else {
    }
    %mul3A_123 = arith.constant 4 : i32
    %mul3A_124 = arith.muli %mul3A_123, %arg1 : i32
    %add3A_125 = arith.constant 2 : i32
    %add3A_126 = arith.addi %mul3A_124, %add3A_125 : i32
    %mul3A_127 = arith.constant 16 : i32
    %mul3A_128 = arith.muli %arg0, %mul3A_127 : i32
    %add3A_129 = arith.addi %mul3A_128, %add3A_126 : i32
    %mul3A_130 = arith.constant 128 : i32
    %mul3A_131 = arith.muli %add3A_126, %mul3A_130 : i32
    %sub3A_132 = arith.constant 128 : i32
    %sub3A_133 = arith.subi %mul3A_131, %sub3A_132 : i32
    %jit3A_134 = arith.constant 0 : i32
    %jit3A_135 = arith.constant 1664 : i32
    %max3A_136 = arith.maxsi %jit3A_134, %sub3A_133 : i32
    %min3A_137 = arith.minsi %jit3A_135, %max3A_136 : i32
    %mul3A_138 = arith.constant 128 : i32
    %mul3A_139 = arith.muli %add3A_126, %mul3A_138 : i32
    %iota3A_140 = tpu.iota {dimensions = array<i32: 0>} : vector<128x384xi32>
    %add3A_141 = vector.broadcast %mul3A_139 : i32 to vector<128x384xi32>
    %add3A_142 = arith.addi %add3A_141, %iota3A_140 : vector<128x384xi32>
    %iota3A_143 = tpu.iota {dimensions = array<i32: 1>} : vector<128x384xi32>
    %add3A_144 = vector.broadcast %min3A_137 : i32 to vector<128x384xi32>
    %add3A_145 = arith.addi %add3A_144, %iota3A_143 : vector<128x384xi32>
    %sub3A_146 = arith.subi %add3A_145, %add3A_142 : vector<128x384xi32>
    %mul3A_147 = arith.constant 128 : i32
    %mul3A_148 = arith.muli %add3A_129, %mul3A_147 : i32
    %multiple_of3A_149 = tpu.assume_multiple %mul3A_148, 128 : i32
    %get3A_150 = arith.index_cast %multiple_of3A_149 : i32 to index
    %get3A_151 = arith.constant 0 : index
    %get3A_152 = vector.load %arg4[%get3A_150, %get3A_151] : memref<12288x384xf32, #tpu.memory_space<vmem>>, vector<128x384xf32>
    %le3A_153 = arith.constant -128 : i32
    %le3A_154 = vector.broadcast %le3A_153 : i32 to vector<128x384xi32>
    %le3A_155 = arith.cmpi sle, %sub3A_146, %le3A_154 : vector<128x384xi32>
    %ge3A_156 = arith.constant 128 : i32
    %ge3A_157 = vector.broadcast %ge3A_156 : i32 to vector<128x384xi32>
    %ge3A_158 = arith.cmpi sge, %sub3A_146, %ge3A_157 : vector<128x384xi32>
    %broadcast_in_dim3A_159 = vector.broadcast %get3A_5 : f32 to vector<128x384xf32>
    %select_n3A_160 = arith.select %ge3A_158, %broadcast_in_dim3A_159, %get3A_152 : vector<128x384xi1>, vector<128x384xf32>
    %broadcast_in_dim3A_161 = vector.broadcast %get3A_1 : f32 to vector<128x384xf32>
    %select_n3A_162 = arith.select %le3A_155, %broadcast_in_dim3A_161, %select_n3A_160 : vector<128x384xi1>, vector<128x384xf32>
    %eq3A_163 = arith.constant 0 : i32
    %eq3A_164 = arith.cmpi eq, %arg1, %eq3A_163 : i32
    %convert_element_type3A_165 = arith.extui %eq3A_164 : i1 to i32
    %cond3A_166 = arith.constant 0 : i32
    %cond3A_167 = arith.cmpi ne, %convert_element_type3A_165, %cond3A_166 : i32
    scf.if %cond3A_167 {
      %swap3A_243 = arith.constant 256 : index
      %swap3A_244 = arith.constant 128 : index
      %swap3A_245 = vector.load %arg5[%swap3A_243, %swap3A_244] : memref<512x2048xf32, #tpu.memory_space<vmem>>, vector<128x384xf32>
      tpu.vector_store %arg5[%swap3A_243, %swap3A_244], %select_n3A_162 {strides = array<i32>} : memref<512x2048xf32, #tpu.memory_space<vmem>>, vector<128x384xf32>,
    } else {
    }
    %eq3A_168 = arith.constant 1 : i32
    %eq3A_169 = arith.cmpi eq, %arg1, %eq3A_168 : i32
    %convert_element_type3A_170 = arith.extui %eq3A_169 : i1 to i32
    %cond3A_171 = arith.constant 0 : i32
    %cond3A_172 = arith.cmpi ne, %convert_element_type3A_170, %cond3A_171 : i32
    scf.if %cond3A_172 {
      %swap3A_243 = arith.constant 256 : index
      %swap3A_244 = arith.constant 640 : index
      %swap3A_245 = vector.load %arg5[%swap3A_243, %swap3A_244] : memref<512x2048xf32, #tpu.memory_space<vmem>>, vector<128x384xf32>
      tpu.vector_store %arg5[%swap3A_243, %swap3A_244], %select_n3A_162 {strides = array<i32>} : memref<512x2048xf32, #tpu.memory_space<vmem>>, vector<128x384xf32>,
    } else {
    }
    %eq3A_173 = arith.constant 2 : i32
    %eq3A_174 = arith.cmpi eq, %arg1, %eq3A_173 : i32
    %convert_element_type3A_175 = arith.extui %eq3A_174 : i1 to i32
    %cond3A_176 = arith.constant 0 : i32
    %cond3A_177 = arith.cmpi ne, %convert_element_type3A_175, %cond3A_176 : i32
    scf.if %cond3A_177 {
      %swap3A_243 = arith.constant 256 : index
      %swap3A_244 = arith.constant 1152 : index
      %swap3A_245 = vector.load %arg5[%swap3A_243, %swap3A_244] : memref<512x2048xf32, #tpu.memory_space<vmem>>, vector<128x384xf32>
      tpu.vector_store %arg5[%swap3A_243, %swap3A_244], %select_n3A_162 {strides = array<i32>} : memref<512x2048xf32, #tpu.memory_space<vmem>>, vector<128x384xf32>,
    } else {
    }
    %eq3A_178 = arith.constant 3 : i32
    %eq3A_179 = arith.cmpi eq, %arg1, %eq3A_178 : i32
    %convert_element_type3A_180 = arith.extui %eq3A_179 : i1 to i32
    %cond3A_181 = arith.constant 0 : i32
    %cond3A_182 = arith.cmpi ne, %convert_element_type3A_180, %cond3A_181 : i32
    scf.if %cond3A_182 {
      %swap3A_243 = arith.constant 256 : index
      %swap3A_244 = arith.constant 1664 : index
      %swap3A_245 = vector.load %arg5[%swap3A_243, %swap3A_244] : memref<512x2048xf32, #tpu.memory_space<vmem>>, vector<128x384xf32>
      tpu.vector_store %arg5[%swap3A_243, %swap3A_244], %select_n3A_162 {strides = array<i32>} : memref<512x2048xf32, #tpu.memory_space<vmem>>, vector<128x384xf32>,
    } else {
    }
    %mul3A_183 = arith.constant 4 : i32
    %mul3A_184 = arith.muli %mul3A_183, %arg1 : i32
    %add3A_185 = arith.constant 3 : i32
    %add3A_186 = arith.addi %mul3A_184, %add3A_185 : i32
    %mul3A_187 = arith.constant 16 : i32
    %mul3A_188 = arith.muli %arg0, %mul3A_187 : i32
    %add3A_189 = arith.addi %mul3A_188, %add3A_186 : i32
    %mul3A_190 = arith.constant 128 : i32
    %mul3A_191 = arith.muli %add3A_186, %mul3A_190 : i32
    %sub3A_192 = arith.constant 128 : i32
    %sub3A_193 = arith.subi %mul3A_191, %sub3A_192 : i32
    %jit3A_194 = arith.constant 0 : i32
    %jit3A_195 = arith.constant 1664 : i32
    %max3A_196 = arith.maxsi %jit3A_194, %sub3A_193 : i32
    %min3A_197 = arith.minsi %jit3A_195, %max3A_196 : i32
    %mul3A_198 = arith.constant 128 : i32
    %mul3A_199 = arith.muli %add3A_186, %mul3A_198 : i32
    %iota3A_200 = tpu.iota {dimensions = array<i32: 0>} : vector<128x384xi32>
    %add3A_201 = vector.broadcast %mul3A_199 : i32 to vector<128x384xi32>
    %add3A_202 = arith.addi %add3A_201, %iota3A_200 : vector<128x384xi32>
    %iota3A_203 = tpu.iota {dimensions = array<i32: 1>} : vector<128x384xi32>
    %add3A_204 = vector.broadcast %min3A_197 : i32 to vector<128x384xi32>
    %add3A_205 = arith.addi %add3A_204, %iota3A_203 : vector<128x384xi32>
    %sub3A_206 = arith.subi %add3A_205, %add3A_202 : vector<128x384xi32>
    %mul3A_207 = arith.constant 128 : i32
    %mul3A_208 = arith.muli %add3A_189, %mul3A_207 : i32
    %multiple_of3A_209 = tpu.assume_multiple %mul3A_208, 128 : i32
    %get3A_210 = arith.index_cast %multiple_of3A_209 : i32 to index
    %get3A_211 = arith.constant 0 : index
    %get3A_212 = vector.load %arg4[%get3A_210, %get3A_211] : memref<12288x384xf32, #tpu.memory_space<vmem>>, vector<128x384xf32>
    %le3A_213 = arith.constant -128 : i32
    %le3A_214 = vector.broadcast %le3A_213 : i32 to vector<128x384xi32>
    %le3A_215 = arith.cmpi sle, %sub3A_206, %le3A_214 : vector<128x384xi32>
    %ge3A_216 = arith.constant 128 : i32
    %ge3A_217 = vector.broadcast %ge3A_216 : i32 to vector<128x384xi32>
    %ge3A_218 = arith.cmpi sge, %sub3A_206, %ge3A_217 : vector<128x384xi32>
    %broadcast_in_dim3A_219 = vector.broadcast %get3A_5 : f32 to vector<128x384xf32>
    %select_n3A_220 = arith.select %ge3A_218, %broadcast_in_dim3A_219, %get3A_212 : vector<128x384xi1>, vector<128x384xf32>
    %broadcast_in_dim3A_221 = vector.broadcast %get3A_1 : f32 to vector<128x384xf32>
    %select_n3A_222 = arith.select %le3A_215, %broadcast_in_dim3A_221, %select_n3A_220 : vector<128x384xi1>, vector<128x384xf32>
    %eq3A_223 = arith.constant 0 : i32
    %eq3A_224 = arith.cmpi eq, %arg1, %eq3A_223 : i32
    %convert_element_type3A_225 = arith.extui %eq3A_224 : i1 to i32
    %cond3A_226 = arith.constant 0 : i32
    %cond3A_227 = arith.cmpi ne, %convert_element_type3A_225, %cond3A_226 : i32
    scf.if %cond3A_227 {
      %swap3A_243 = arith.constant 384 : index
      %swap3A_244 = arith.constant 256 : index
      %swap3A_245 = vector.load %arg5[%swap3A_243, %swap3A_244] : memref<512x2048xf32, #tpu.memory_space<vmem>>, vector<128x384xf32>
      tpu.vector_store %arg5[%swap3A_243, %swap3A_244], %select_n3A_222 {strides = array<i32>} : memref<512x2048xf32, #tpu.memory_space<vmem>>, vector<128x384xf32>,
    } else {
    }
    %eq3A_228 = arith.constant 1 : i32
    %eq3A_229 = arith.cmpi eq, %arg1, %eq3A_228 : i32
    %convert_element_type3A_230 = arith.extui %eq3A_229 : i1 to i32
    %cond3A_231 = arith.constant 0 : i32
    %cond3A_232 = arith.cmpi ne, %convert_element_type3A_230, %cond3A_231 : i32
    scf.if %cond3A_232 {
      %swap3A_243 = arith.constant 384 : index
      %swap3A_244 = arith.constant 768 : index
      %swap3A_245 = vector.load %arg5[%swap3A_243, %swap3A_244] : memref<512x2048xf32, #tpu.memory_space<vmem>>, vector<128x384xf32>
      tpu.vector_store %arg5[%swap3A_243, %swap3A_244], %select_n3A_222 {strides = array<i32>} : memref<512x2048xf32, #tpu.memory_space<vmem>>, vector<128x384xf32>,
    } else {
    }
    %eq3A_233 = arith.constant 2 : i32
    %eq3A_234 = arith.cmpi eq, %arg1, %eq3A_233 : i32
    %convert_element_type3A_235 = arith.extui %eq3A_234 : i1 to i32
    %cond3A_236 = arith.constant 0 : i32
    %cond3A_237 = arith.cmpi ne, %convert_element_type3A_235, %cond3A_236 : i32
    scf.if %cond3A_237 {
      %swap3A_243 = arith.constant 384 : index
      %swap3A_244 = arith.constant 1280 : index
      %swap3A_245 = vector.load %arg5[%swap3A_243, %swap3A_244] : memref<512x2048xf32, #tpu.memory_space<vmem>>, vector<128x384xf32>
      tpu.vector_store %arg5[%swap3A_243, %swap3A_244], %select_n3A_222 {strides = array<i32>} : memref<512x2048xf32, #tpu.memory_space<vmem>>, vector<128x384xf32>,
    } else {
    }
    %eq3A_238 = arith.constant 3 : i32
    %eq3A_239 = arith.cmpi eq, %arg1, %eq3A_238 : i32
    %convert_element_type3A_240 = arith.extui %eq3A_239 : i1 to i32
    %cond3A_241 = arith.constant 0 : i32
    %cond3A_242 = arith.cmpi ne, %convert_element_type3A_240, %cond3A_241 : i32
    scf.if %cond3A_242 {
      %swap3A_243 = arith.constant 384 : index
      %swap3A_244 = arith.constant 1664 : index
      %swap3A_245 = vector.load %arg5[%swap3A_243, %swap3A_244] : memref<512x2048xf32, #tpu.memory_space<vmem>>, vector<128x384xf32>
      tpu.vector_store %arg5[%swap3A_243, %swap3A_244], %select_n3A_222 {strides = array<i32>} : memref<512x2048xf32, #tpu.memory_space<vmem>>, vector<128x384xf32>,
    } else {
    }
    return
  }
  func.func @transform_0(%arg0: i32, %arg1: i32) -> i32 {
    %c0_i32 = arith.constant 0 : i32
    %c0_i32_0 = arith.constant 0 : i32
    return %c0_i32 : i32
  }
  func.func @transform_1(%arg0: i32, %arg1: i32) -> i32 {
    %c0_i32 = arith.constant 0 : i32
    %c0_i32_0 = arith.constant 0 : i32
    return %c0_i32 : i32
  }
  func.func @transform_2(%arg0: i32, %arg1: i32) -> (i32, i32) {
    %c0_i32 = arith.constant 0 : i32
    %c0_i32_0 = arith.constant 0 : i32
    %c0_i32_1 = arith.constant 0 : i32
    return %c0_i32, %c0_i32_0 : i32, i32
  }
  func.func @transform_3(%arg0: i32, %arg1: i32) -> (i32, i32) {
    %add3A = arith.constant 0 : i32
    %add3A_0 = arith.addi %add3A, %arg0 : i32
    %mul3A = arith.constant 4 : i32
    %mul3A_1 = arith.muli %add3A_0, %mul3A : i32
    %add3A_2 = arith.addi %mul3A_1, %arg1 : i32
    %c0_i32 = arith.constant 0 : i32
    %c0_i32_3 = arith.constant 0 : i32
    return %add3A_2, %c0_i32 : i32, i32
  }
}

module attributes {stable_mosaic.version = 14 : i64} {
  func.func @_lambda_(%arg0: i32, %arg1: i32, %arg2: memref<12xf32, #tpu.memory_space<smem>>, %arg3: memref<12xf32, #tpu.memory_space<smem>>, %arg4: memref<12288x384xf32, #tpu.memory_space<vmem>>, %arg5: memref<24576x2048xf32, #tpu.memory_space<any>>, %arg6: memref<512x2048xf32, #tpu.memory_space<vmem>>) attributes {dimension_semantics = [#tpu.dimension_semantics<arbitrary>, #tpu.dimension_semantics<arbitrary>], iteration_bounds = array<i64: 6, 4>, scalar_prefetch = 0 : i64, scratch_operands = 0 : i64, tpu.core_type = #tpu.core_type<tc>, window_params = [{transform_indices = @transform_0, window_bounds = array<i64: 12>}, {transform_indices = @transform_1, window_bounds = array<i64: 12>}, {pipeline_mode = #tpu.pipeline_mode<synchronous>, transform_indices = @transform_2, window_bounds = array<i64: 12288, 384>}, {}, {transform_indices = @transform_4, window_bounds = array<i64: 512, 2048>}]} {
    %add3A = arith.constant 6 : i32
    %add3A_0 = arith.addi %add3A, %arg0 : i32
    %get3A = arith.index_cast %add3A_0 : i32 to index
    %get3A_1 = memref.load %arg2[%get3A] : memref<12xf32, #tpu.memory_space<smem>>
    %add3A_2 = arith.constant 6 : i32
    %add3A_3 = arith.addi %add3A_2, %arg0 : i32
    %get3A_4 = arith.index_cast %add3A_3 : i32 to index
    %get3A_5 = memref.load %arg3[%get3A_4] : memref<12xf32, #tpu.memory_space<smem>>
    %mul3A = arith.constant 512 : i32
    %mul3A_6 = arith.muli %arg1, %mul3A : i32
    %iota3A = tpu.iota {dimensions = array<i32: 0>} : vector<512x2048xi32>
    %add3A_7 = vector.broadcast %mul3A_6 : i32 to vector<512x2048xi32>
    %add3A_8 = arith.addi %add3A_7, %iota3A : vector<512x2048xi32>
    %iota3A_9 = tpu.iota {dimensions = array<i32: 1>} : vector<512x2048xi32>
    %lt3A = arith.cmpi slt, %iota3A_9, %add3A_8 : vector<512x2048xi32>
    %broadcast_in_dim3A = vector.broadcast %get3A_1 : f32 to vector<512x2048xf32>
    %broadcast_in_dim3A_10 = vector.broadcast %get3A_5 : f32 to vector<512x2048xf32>
    %select_n3A = arith.select %lt3A, %broadcast_in_dim3A, %broadcast_in_dim3A_10 : vector<512x2048xi1>, vector<512x2048xf32>
    %swap3A = arith.constant 0 : index
    %swap3A_11 = arith.constant 0 : index
    %swap3A_12 = vector.load %arg6[%swap3A, %swap3A_11] : memref<512x2048xf32, #tpu.memory_space<vmem>>, vector<512x2048xf32>
    tpu.vector_store %arg6[%swap3A, %swap3A_11], %select_n3A {strides = array<i32>} : memref<512x2048xf32, #tpu.memory_space<vmem>>, vector<512x2048xf32>,
    %mul3A_13 = arith.constant 4 : i32
    %mul3A_14 = arith.muli %mul3A_13, %arg1 : i32
    %add3A_15 = arith.constant 0 : i32
    %add3A_16 = arith.addi %mul3A_14, %add3A_15 : i32
    %mul3A_17 = arith.constant 16 : i32
    %mul3A_18 = arith.muli %arg0, %mul3A_17 : i32
    %add3A_19 = arith.addi %mul3A_18, %add3A_16 : i32
    %mul3A_20 = arith.constant 128 : i32
    %mul3A_21 = arith.muli %add3A_16, %mul3A_20 : i32
    %sub3A = arith.constant 128 : i32
    %sub3A_22 = arith.subi %mul3A_21, %sub3A : i32
    %jit3A = arith.constant 0 : i32
    %jit3A_23 = arith.constant 1664 : i32
    %max3A = arith.maxsi %jit3A, %sub3A_22 : i32
    %min3A = arith.minsi %jit3A_23, %max3A : i32
    %mul3A_24 = arith.constant 128 : i32
    %mul3A_25 = arith.muli %add3A_16, %mul3A_24 : i32
    %iota3A_26 = tpu.iota {dimensions = array<i32: 0>} : vector<128x384xi32>
    %add3A_27 = vector.broadcast %mul3A_25 : i32 to vector<128x384xi32>
    %add3A_28 = arith.addi %add3A_27, %iota3A_26 : vector<128x384xi32>
    %iota3A_29 = tpu.iota {dimensions = array<i32: 1>} : vector<128x384xi32>
    %add3A_30 = vector.broadcast %min3A : i32 to vector<128x384xi32>
    %add3A_31 = arith.addi %add3A_30, %iota3A_29 : vector<128x384xi32>
    %sub3A_32 = arith.subi %add3A_31, %add3A_28 : vector<128x384xi32>
    %mul3A_33 = arith.constant 128 : i32
    %mul3A_34 = arith.muli %add3A_19, %mul3A_33 : i32
    %multiple_of3A = tpu.assume_multiple %mul3A_34, 128 : i32
    %get3A_35 = arith.index_cast %multiple_of3A : i32 to index
    %get3A_36 = arith.constant 0 : index
    %get3A_37 = vector.load %arg4[%get3A_35, %get3A_36] : memref<12288x384xf32, #tpu.memory_space<vmem>>, vector<128x384xf32>
    %le3A = arith.constant -128 : i32
    %le3A_38 = vector.broadcast %le3A : i32 to vector<128x384xi32>
    %le3A_39 = arith.cmpi sle, %sub3A_32, %le3A_38 : vector<128x384xi32>
    %ge3A = arith.constant 128 : i32
    %ge3A_40 = vector.broadcast %ge3A : i32 to vector<128x384xi32>
    %ge3A_41 = arith.cmpi sge, %sub3A_32, %ge3A_40 : vector<128x384xi32>
    %broadcast_in_dim3A_42 = vector.broadcast %get3A_5 : f32 to vector<128x384xf32>
    %select_n3A_43 = arith.select %ge3A_41, %broadcast_in_dim3A_42, %get3A_37 : vector<128x384xi1>, vector<128x384xf32>
    %broadcast_in_dim3A_44 = vector.broadcast %get3A_1 : f32 to vector<128x384xf32>
    %select_n3A_45 = arith.select %le3A_39, %broadcast_in_dim3A_44, %select_n3A_43 : vector<128x384xi1>, vector<128x384xf32>
    %eq3A = arith.constant 0 : i32
    %eq3A_46 = arith.cmpi eq, %arg1, %eq3A : i32
    %convert_element_type3A = arith.extui %eq3A_46 : i1 to i32
    %cond3A = arith.constant 0 : i32
    %cond3A_47 = arith.cmpi ne, %convert_element_type3A, %cond3A : i32
    scf.if %cond3A_47 {
      %swap3A_243 = arith.constant 0 : index
      %swap3A_244 = arith.constant 0 : index
      %swap3A_245 = vector.load %arg6[%swap3A_243, %swap3A_244] : memref<512x2048xf32, #tpu.memory_space<vmem>>, vector<128x384xf32>
      tpu.vector_store %arg6[%swap3A_243, %swap3A_244], %select_n3A_45 {strides = array<i32>} : memref<512x2048xf32, #tpu.memory_space<vmem>>, vector<128x384xf32>,
    } else {
    }
    %eq3A_48 = arith.constant 1 : i32
    %eq3A_49 = arith.cmpi eq, %arg1, %eq3A_48 : i32
    %convert_element_type3A_50 = arith.extui %eq3A_49 : i1 to i32
    %cond3A_51 = arith.constant 0 : i32
    %cond3A_52 = arith.cmpi ne, %convert_element_type3A_50, %cond3A_51 : i32
    scf.if %cond3A_52 {
      %swap3A_243 = arith.constant 0 : index
      %swap3A_244 = arith.constant 384 : index
      %swap3A_245 = vector.load %arg6[%swap3A_243, %swap3A_244] : memref<512x2048xf32, #tpu.memory_space<vmem>>, vector<128x384xf32>
      tpu.vector_store %arg6[%swap3A_243, %swap3A_244], %select_n3A_45 {strides = array<i32>} : memref<512x2048xf32, #tpu.memory_space<vmem>>, vector<128x384xf32>,
    } else {
    }
    %eq3A_53 = arith.constant 2 : i32
    %eq3A_54 = arith.cmpi eq, %arg1, %eq3A_53 : i32
    %convert_element_type3A_55 = arith.extui %eq3A_54 : i1 to i32
    %cond3A_56 = arith.constant 0 : i32
    %cond3A_57 = arith.cmpi ne, %convert_element_type3A_55, %cond3A_56 : i32
    scf.if %cond3A_57 {
      %swap3A_243 = arith.constant 0 : index
      %swap3A_244 = arith.constant 896 : index
      %swap3A_245 = vector.load %arg6[%swap3A_243, %swap3A_244] : memref<512x2048xf32, #tpu.memory_space<vmem>>, vector<128x384xf32>
      tpu.vector_store %arg6[%swap3A_243, %swap3A_244], %select_n3A_45 {strides = array<i32>} : memref<512x2048xf32, #tpu.memory_space<vmem>>, vector<128x384xf32>,
    } else {
    }
    %eq3A_58 = arith.constant 3 : i32
    %eq3A_59 = arith.cmpi eq, %arg1, %eq3A_58 : i32
    %convert_element_type3A_60 = arith.extui %eq3A_59 : i1 to i32
    %cond3A_61 = arith.constant 0 : i32
    %cond3A_62 = arith.cmpi ne, %convert_element_type3A_60, %cond3A_61 : i32
    scf.if %cond3A_62 {
      %swap3A_243 = arith.constant 0 : index
      %swap3A_244 = arith.constant 1408 : index
      %swap3A_245 = vector.load %arg6[%swap3A_243, %swap3A_244] : memref<512x2048xf32, #tpu.memory_space<vmem>>, vector<128x384xf32>
      tpu.vector_store %arg6[%swap3A_243, %swap3A_244], %select_n3A_45 {strides = array<i32>} : memref<512x2048xf32, #tpu.memory_space<vmem>>, vector<128x384xf32>,
    } else {
    }
    %mul3A_63 = arith.constant 4 : i32
    %mul3A_64 = arith.muli %mul3A_63, %arg1 : i32
    %add3A_65 = arith.constant 1 : i32
    %add3A_66 = arith.addi %mul3A_64, %add3A_65 : i32
    %mul3A_67 = arith.constant 16 : i32
    %mul3A_68 = arith.muli %arg0, %mul3A_67 : i32
    %add3A_69 = arith.addi %mul3A_68, %add3A_66 : i32
    %mul3A_70 = arith.constant 128 : i32
    %mul3A_71 = arith.muli %add3A_66, %mul3A_70 : i32
    %sub3A_72 = arith.constant 128 : i32
    %sub3A_73 = arith.subi %mul3A_71, %sub3A_72 : i32
    %jit3A_74 = arith.constant 0 : i32
    %jit3A_75 = arith.constant 1664 : i32
    %max3A_76 = arith.maxsi %jit3A_74, %sub3A_73 : i32
    %min3A_77 = arith.minsi %jit3A_75, %max3A_76 : i32
    %mul3A_78 = arith.constant 128 : i32
    %mul3A_79 = arith.muli %add3A_66, %mul3A_78 : i32
    %iota3A_80 = tpu.iota {dimensions = array<i32: 0>} : vector<128x384xi32>
    %add3A_81 = vector.broadcast %mul3A_79 : i32 to vector<128x384xi32>
    %add3A_82 = arith.addi %add3A_81, %iota3A_80 : vector<128x384xi32>
    %iota3A_83 = tpu.iota {dimensions = array<i32: 1>} : vector<128x384xi32>
    %add3A_84 = vector.broadcast %min3A_77 : i32 to vector<128x384xi32>
    %add3A_85 = arith.addi %add3A_84, %iota3A_83 : vector<128x384xi32>
    %sub3A_86 = arith.subi %add3A_85, %add3A_82 : vector<128x384xi32>
    %mul3A_87 = arith.constant 128 : i32
    %mul3A_88 = arith.muli %add3A_69, %mul3A_87 : i32
    %multiple_of3A_89 = tpu.assume_multiple %mul3A_88, 128 : i32
    %get3A_90 = arith.index_cast %multiple_of3A_89 : i32 to index
    %get3A_91 = arith.constant 0 : index
    %get3A_92 = vector.load %arg4[%get3A_90, %get3A_91] : memref<12288x384xf32, #tpu.memory_space<vmem>>, vector<128x384xf32>
    %le3A_93 = arith.constant -128 : i32
    %le3A_94 = vector.broadcast %le3A_93 : i32 to vector<128x384xi32>
    %le3A_95 = arith.cmpi sle, %sub3A_86, %le3A_94 : vector<128x384xi32>
    %ge3A_96 = arith.constant 128 : i32
    %ge3A_97 = vector.broadcast %ge3A_96 : i32 to vector<128x384xi32>
    %ge3A_98 = arith.cmpi sge, %sub3A_86, %ge3A_97 : vector<128x384xi32>
    %broadcast_in_dim3A_99 = vector.broadcast %get3A_5 : f32 to vector<128x384xf32>
    %select_n3A_100 = arith.select %ge3A_98, %broadcast_in_dim3A_99, %get3A_92 : vector<128x384xi1>, vector<128x384xf32>
    %broadcast_in_dim3A_101 = vector.broadcast %get3A_1 : f32 to vector<128x384xf32>
    %select_n3A_102 = arith.select %le3A_95, %broadcast_in_dim3A_101, %select_n3A_100 : vector<128x384xi1>, vector<128x384xf32>
    %eq3A_103 = arith.constant 0 : i32
    %eq3A_104 = arith.cmpi eq, %arg1, %eq3A_103 : i32
    %convert_element_type3A_105 = arith.extui %eq3A_104 : i1 to i32
    %cond3A_106 = arith.constant 0 : i32
    %cond3A_107 = arith.cmpi ne, %convert_element_type3A_105, %cond3A_106 : i32
    scf.if %cond3A_107 {
      %swap3A_243 = arith.constant 128 : index
      %swap3A_244 = arith.constant 0 : index
      %swap3A_245 = vector.load %arg6[%swap3A_243, %swap3A_244] : memref<512x2048xf32, #tpu.memory_space<vmem>>, vector<128x384xf32>
      tpu.vector_store %arg6[%swap3A_243, %swap3A_244], %select_n3A_102 {strides = array<i32>} : memref<512x2048xf32, #tpu.memory_space<vmem>>, vector<128x384xf32>,
    } else {
    }
    %eq3A_108 = arith.constant 1 : i32
    %eq3A_109 = arith.cmpi eq, %arg1, %eq3A_108 : i32
    %convert_element_type3A_110 = arith.extui %eq3A_109 : i1 to i32
    %cond3A_111 = arith.constant 0 : i32
    %cond3A_112 = arith.cmpi ne, %convert_element_type3A_110, %cond3A_111 : i32
    scf.if %cond3A_112 {
      %swap3A_243 = arith.constant 128 : index
      %swap3A_244 = arith.constant 512 : index
      %swap3A_245 = vector.load %arg6[%swap3A_243, %swap3A_244] : memref<512x2048xf32, #tpu.memory_space<vmem>>, vector<128x384xf32>
      tpu.vector_store %arg6[%swap3A_243, %swap3A_244], %select_n3A_102 {strides = array<i32>} : memref<512x2048xf32, #tpu.memory_space<vmem>>, vector<128x384xf32>,
    } else {
    }
    %eq3A_113 = arith.constant 2 : i32
    %eq3A_114 = arith.cmpi eq, %arg1, %eq3A_113 : i32
    %convert_element_type3A_115 = arith.extui %eq3A_114 : i1 to i32
    %cond3A_116 = arith.constant 0 : i32
    %cond3A_117 = arith.cmpi ne, %convert_element_type3A_115, %cond3A_116 : i32
    scf.if %cond3A_117 {
      %swap3A_243 = arith.constant 128 : index
      %swap3A_244 = arith.constant 1024 : index
      %swap3A_245 = vector.load %arg6[%swap3A_243, %swap3A_244] : memref<512x2048xf32, #tpu.memory_space<vmem>>, vector<128x384xf32>
      tpu.vector_store %arg6[%swap3A_243, %swap3A_244], %select_n3A_102 {strides = array<i32>} : memref<512x2048xf32, #tpu.memory_space<vmem>>, vector<128x384xf32>,
    } else {
    }
    %eq3A_118 = arith.constant 3 : i32
    %eq3A_119 = arith.cmpi eq, %arg1, %eq3A_118 : i32
    %convert_element_type3A_120 = arith.extui %eq3A_119 : i1 to i32
    %cond3A_121 = arith.constant 0 : i32
    %cond3A_122 = arith.cmpi ne, %convert_element_type3A_120, %cond3A_121 : i32
    scf.if %cond3A_122 {
      %swap3A_243 = arith.constant 128 : index
      %swap3A_244 = arith.constant 1536 : index
      %swap3A_245 = vector.load %arg6[%swap3A_243, %swap3A_244] : memref<512x2048xf32, #tpu.memory_space<vmem>>, vector<128x384xf32>
      tpu.vector_store %arg6[%swap3A_243, %swap3A_244], %select_n3A_102 {strides = array<i32>} : memref<512x2048xf32, #tpu.memory_space<vmem>>, vector<128x384xf32>,
    } else {
    }
    %mul3A_123 = arith.constant 4 : i32
    %mul3A_124 = arith.muli %mul3A_123, %arg1 : i32
    %add3A_125 = arith.constant 2 : i32
    %add3A_126 = arith.addi %mul3A_124, %add3A_125 : i32
    %mul3A_127 = arith.constant 16 : i32
    %mul3A_128 = arith.muli %arg0, %mul3A_127 : i32
    %add3A_129 = arith.addi %mul3A_128, %add3A_126 : i32
    %mul3A_130 = arith.constant 128 : i32
    %mul3A_131 = arith.muli %add3A_126, %mul3A_130 : i32
    %sub3A_132 = arith.constant 128 : i32
    %sub3A_133 = arith.subi %mul3A_131, %sub3A_132 : i32
    %jit3A_134 = arith.constant 0 : i32
    %jit3A_135 = arith.constant 1664 : i32
    %max3A_136 = arith.maxsi %jit3A_134, %sub3A_133 : i32
    %min3A_137 = arith.minsi %jit3A_135, %max3A_136 : i32
    %mul3A_138 = arith.constant 128 : i32
    %mul3A_139 = arith.muli %add3A_126, %mul3A_138 : i32
    %iota3A_140 = tpu.iota {dimensions = array<i32: 0>} : vector<128x384xi32>
    %add3A_141 = vector.broadcast %mul3A_139 : i32 to vector<128x384xi32>
    %add3A_142 = arith.addi %add3A_141, %iota3A_140 : vector<128x384xi32>
    %iota3A_143 = tpu.iota {dimensions = array<i32: 1>} : vector<128x384xi32>
    %add3A_144 = vector.broadcast %min3A_137 : i32 to vector<128x384xi32>
    %add3A_145 = arith.addi %add3A_144, %iota3A_143 : vector<128x384xi32>
    %sub3A_146 = arith.subi %add3A_145, %add3A_142 : vector<128x384xi32>
    %mul3A_147 = arith.constant 128 : i32
    %mul3A_148 = arith.muli %add3A_129, %mul3A_147 : i32
    %multiple_of3A_149 = tpu.assume_multiple %mul3A_148, 128 : i32
    %get3A_150 = arith.index_cast %multiple_of3A_149 : i32 to index
    %get3A_151 = arith.constant 0 : index
    %get3A_152 = vector.load %arg4[%get3A_150, %get3A_151] : memref<12288x384xf32, #tpu.memory_space<vmem>>, vector<128x384xf32>
    %le3A_153 = arith.constant -128 : i32
    %le3A_154 = vector.broadcast %le3A_153 : i32 to vector<128x384xi32>
    %le3A_155 = arith.cmpi sle, %sub3A_146, %le3A_154 : vector<128x384xi32>
    %ge3A_156 = arith.constant 128 : i32
    %ge3A_157 = vector.broadcast %ge3A_156 : i32 to vector<128x384xi32>
    %ge3A_158 = arith.cmpi sge, %sub3A_146, %ge3A_157 : vector<128x384xi32>
    %broadcast_in_dim3A_159 = vector.broadcast %get3A_5 : f32 to vector<128x384xf32>
    %select_n3A_160 = arith.select %ge3A_158, %broadcast_in_dim3A_159, %get3A_152 : vector<128x384xi1>, vector<128x384xf32>
    %broadcast_in_dim3A_161 = vector.broadcast %get3A_1 : f32 to vector<128x384xf32>
    %select_n3A_162 = arith.select %le3A_155, %broadcast_in_dim3A_161, %select_n3A_160 : vector<128x384xi1>, vector<128x384xf32>
    %eq3A_163 = arith.constant 0 : i32
    %eq3A_164 = arith.cmpi eq, %arg1, %eq3A_163 : i32
    %convert_element_type3A_165 = arith.extui %eq3A_164 : i1 to i32
    %cond3A_166 = arith.constant 0 : i32
    %cond3A_167 = arith.cmpi ne, %convert_element_type3A_165, %cond3A_166 : i32
    scf.if %cond3A_167 {
      %swap3A_243 = arith.constant 256 : index
      %swap3A_244 = arith.constant 128 : index
      %swap3A_245 = vector.load %arg6[%swap3A_243, %swap3A_244] : memref<512x2048xf32, #tpu.memory_space<vmem>>, vector<128x384xf32>
      tpu.vector_store %arg6[%swap3A_243, %swap3A_244], %select_n3A_162 {strides = array<i32>} : memref<512x2048xf32, #tpu.memory_space<vmem>>, vector<128x384xf32>,
    } else {
    }
    %eq3A_168 = arith.constant 1 : i32
    %eq3A_169 = arith.cmpi eq, %arg1, %eq3A_168 : i32
    %convert_element_type3A_170 = arith.extui %eq3A_169 : i1 to i32
    %cond3A_171 = arith.constant 0 : i32
    %cond3A_172 = arith.cmpi ne, %convert_element_type3A_170, %cond3A_171 : i32
    scf.if %cond3A_172 {
      %swap3A_243 = arith.constant 256 : index
      %swap3A_244 = arith.constant 640 : index
      %swap3A_245 = vector.load %arg6[%swap3A_243, %swap3A_244] : memref<512x2048xf32, #tpu.memory_space<vmem>>, vector<128x384xf32>
      tpu.vector_store %arg6[%swap3A_243, %swap3A_244], %select_n3A_162 {strides = array<i32>} : memref<512x2048xf32, #tpu.memory_space<vmem>>, vector<128x384xf32>,
    } else {
    }
    %eq3A_173 = arith.constant 2 : i32
    %eq3A_174 = arith.cmpi eq, %arg1, %eq3A_173 : i32
    %convert_element_type3A_175 = arith.extui %eq3A_174 : i1 to i32
    %cond3A_176 = arith.constant 0 : i32
    %cond3A_177 = arith.cmpi ne, %convert_element_type3A_175, %cond3A_176 : i32
    scf.if %cond3A_177 {
      %swap3A_243 = arith.constant 256 : index
      %swap3A_244 = arith.constant 1152 : index
      %swap3A_245 = vector.load %arg6[%swap3A_243, %swap3A_244] : memref<512x2048xf32, #tpu.memory_space<vmem>>, vector<128x384xf32>
      tpu.vector_store %arg6[%swap3A_243, %swap3A_244], %select_n3A_162 {strides = array<i32>} : memref<512x2048xf32, #tpu.memory_space<vmem>>, vector<128x384xf32>,
    } else {
    }
    %eq3A_178 = arith.constant 3 : i32
    %eq3A_179 = arith.cmpi eq, %arg1, %eq3A_178 : i32
    %convert_element_type3A_180 = arith.extui %eq3A_179 : i1 to i32
    %cond3A_181 = arith.constant 0 : i32
    %cond3A_182 = arith.cmpi ne, %convert_element_type3A_180, %cond3A_181 : i32
    scf.if %cond3A_182 {
      %swap3A_243 = arith.constant 256 : index
      %swap3A_244 = arith.constant 1664 : index
      %swap3A_245 = vector.load %arg6[%swap3A_243, %swap3A_244] : memref<512x2048xf32, #tpu.memory_space<vmem>>, vector<128x384xf32>
      tpu.vector_store %arg6[%swap3A_243, %swap3A_244], %select_n3A_162 {strides = array<i32>} : memref<512x2048xf32, #tpu.memory_space<vmem>>, vector<128x384xf32>,
    } else {
    }
    %mul3A_183 = arith.constant 4 : i32
    %mul3A_184 = arith.muli %mul3A_183, %arg1 : i32
    %add3A_185 = arith.constant 3 : i32
    %add3A_186 = arith.addi %mul3A_184, %add3A_185 : i32
    %mul3A_187 = arith.constant 16 : i32
    %mul3A_188 = arith.muli %arg0, %mul3A_187 : i32
    %add3A_189 = arith.addi %mul3A_188, %add3A_186 : i32
    %mul3A_190 = arith.constant 128 : i32
    %mul3A_191 = arith.muli %add3A_186, %mul3A_190 : i32
    %sub3A_192 = arith.constant 128 : i32
    %sub3A_193 = arith.subi %mul3A_191, %sub3A_192 : i32
    %jit3A_194 = arith.constant 0 : i32
    %jit3A_195 = arith.constant 1664 : i32
    %max3A_196 = arith.maxsi %jit3A_194, %sub3A_193 : i32
    %min3A_197 = arith.minsi %jit3A_195, %max3A_196 : i32
    %mul3A_198 = arith.constant 128 : i32
    %mul3A_199 = arith.muli %add3A_186, %mul3A_198 : i32
    %iota3A_200 = tpu.iota {dimensions = array<i32: 0>} : vector<128x384xi32>
    %add3A_201 = vector.broadcast %mul3A_199 : i32 to vector<128x384xi32>
    %add3A_202 = arith.addi %add3A_201, %iota3A_200 : vector<128x384xi32>
    %iota3A_203 = tpu.iota {dimensions = array<i32: 1>} : vector<128x384xi32>
    %add3A_204 = vector.broadcast %min3A_197 : i32 to vector<128x384xi32>
    %add3A_205 = arith.addi %add3A_204, %iota3A_203 : vector<128x384xi32>
    %sub3A_206 = arith.subi %add3A_205, %add3A_202 : vector<128x384xi32>
    %mul3A_207 = arith.constant 128 : i32
    %mul3A_208 = arith.muli %add3A_189, %mul3A_207 : i32
    %multiple_of3A_209 = tpu.assume_multiple %mul3A_208, 128 : i32
    %get3A_210 = arith.index_cast %multiple_of3A_209 : i32 to index
    %get3A_211 = arith.constant 0 : index
    %get3A_212 = vector.load %arg4[%get3A_210, %get3A_211] : memref<12288x384xf32, #tpu.memory_space<vmem>>, vector<128x384xf32>
    %le3A_213 = arith.constant -128 : i32
    %le3A_214 = vector.broadcast %le3A_213 : i32 to vector<128x384xi32>
    %le3A_215 = arith.cmpi sle, %sub3A_206, %le3A_214 : vector<128x384xi32>
    %ge3A_216 = arith.constant 128 : i32
    %ge3A_217 = vector.broadcast %ge3A_216 : i32 to vector<128x384xi32>
    %ge3A_218 = arith.cmpi sge, %sub3A_206, %ge3A_217 : vector<128x384xi32>
    %broadcast_in_dim3A_219 = vector.broadcast %get3A_5 : f32 to vector<128x384xf32>
    %select_n3A_220 = arith.select %ge3A_218, %broadcast_in_dim3A_219, %get3A_212 : vector<128x384xi1>, vector<128x384xf32>
    %broadcast_in_dim3A_221 = vector.broadcast %get3A_1 : f32 to vector<128x384xf32>
    %select_n3A_222 = arith.select %le3A_215, %broadcast_in_dim3A_221, %select_n3A_220 : vector<128x384xi1>, vector<128x384xf32>
    %eq3A_223 = arith.constant 0 : i32
    %eq3A_224 = arith.cmpi eq, %arg1, %eq3A_223 : i32
    %convert_element_type3A_225 = arith.extui %eq3A_224 : i1 to i32
    %cond3A_226 = arith.constant 0 : i32
    %cond3A_227 = arith.cmpi ne, %convert_element_type3A_225, %cond3A_226 : i32
    scf.if %cond3A_227 {
      %swap3A_243 = arith.constant 384 : index
      %swap3A_244 = arith.constant 256 : index
      %swap3A_245 = vector.load %arg6[%swap3A_243, %swap3A_244] : memref<512x2048xf32, #tpu.memory_space<vmem>>, vector<128x384xf32>
      tpu.vector_store %arg6[%swap3A_243, %swap3A_244], %select_n3A_222 {strides = array<i32>} : memref<512x2048xf32, #tpu.memory_space<vmem>>, vector<128x384xf32>,
    } else {
    }
    %eq3A_228 = arith.constant 1 : i32
    %eq3A_229 = arith.cmpi eq, %arg1, %eq3A_228 : i32
    %convert_element_type3A_230 = arith.extui %eq3A_229 : i1 to i32
    %cond3A_231 = arith.constant 0 : i32
    %cond3A_232 = arith.cmpi ne, %convert_element_type3A_230, %cond3A_231 : i32
    scf.if %cond3A_232 {
      %swap3A_243 = arith.constant 384 : index
      %swap3A_244 = arith.constant 768 : index
      %swap3A_245 = vector.load %arg6[%swap3A_243, %swap3A_244] : memref<512x2048xf32, #tpu.memory_space<vmem>>, vector<128x384xf32>
      tpu.vector_store %arg6[%swap3A_243, %swap3A_244], %select_n3A_222 {strides = array<i32>} : memref<512x2048xf32, #tpu.memory_space<vmem>>, vector<128x384xf32>,
    } else {
    }
    %eq3A_233 = arith.constant 2 : i32
    %eq3A_234 = arith.cmpi eq, %arg1, %eq3A_233 : i32
    %convert_element_type3A_235 = arith.extui %eq3A_234 : i1 to i32
    %cond3A_236 = arith.constant 0 : i32
    %cond3A_237 = arith.cmpi ne, %convert_element_type3A_235, %cond3A_236 : i32
    scf.if %cond3A_237 {
      %swap3A_243 = arith.constant 384 : index
      %swap3A_244 = arith.constant 1280 : index
      %swap3A_245 = vector.load %arg6[%swap3A_243, %swap3A_244] : memref<512x2048xf32, #tpu.memory_space<vmem>>, vector<128x384xf32>
      tpu.vector_store %arg6[%swap3A_243, %swap3A_244], %select_n3A_222 {strides = array<i32>} : memref<512x2048xf32, #tpu.memory_space<vmem>>, vector<128x384xf32>,
    } else {
    }
    %eq3A_238 = arith.constant 3 : i32
    %eq3A_239 = arith.cmpi eq, %arg1, %eq3A_238 : i32
    %convert_element_type3A_240 = arith.extui %eq3A_239 : i1 to i32
    %cond3A_241 = arith.constant 0 : i32
    %cond3A_242 = arith.cmpi ne, %convert_element_type3A_240, %cond3A_241 : i32
    scf.if %cond3A_242 {
      %swap3A_243 = arith.constant 384 : index
      %swap3A_244 = arith.constant 1664 : index
      %swap3A_245 = vector.load %arg6[%swap3A_243, %swap3A_244] : memref<512x2048xf32, #tpu.memory_space<vmem>>, vector<128x384xf32>
      tpu.vector_store %arg6[%swap3A_243, %swap3A_244], %select_n3A_222 {strides = array<i32>} : memref<512x2048xf32, #tpu.memory_space<vmem>>, vector<128x384xf32>,
    } else {
    }
    return
  }
  func.func @transform_0(%arg0: i32, %arg1: i32) -> i32 {
    %c0_i32 = arith.constant 0 : i32
    %c0_i32_0 = arith.constant 0 : i32
    return %c0_i32 : i32
  }
  func.func @transform_1(%arg0: i32, %arg1: i32) -> i32 {
    %c0_i32 = arith.constant 0 : i32
    %c0_i32_0 = arith.constant 0 : i32
    return %c0_i32 : i32
  }
  func.func @transform_2(%arg0: i32, %arg1: i32) -> (i32, i32) {
    %c0_i32 = arith.constant 0 : i32
    %c0_i32_0 = arith.constant 0 : i32
    %c0_i32_1 = arith.constant 0 : i32
    return %c0_i32, %c0_i32_0 : i32, i32
  }
  func.func @transform_4(%arg0: i32, %arg1: i32) -> (i32, i32) {
    %add3A = arith.constant 6 : i32
    %add3A_0 = arith.addi %add3A, %arg0 : i32
    %mul3A = arith.constant 4 : i32
    %mul3A_1 = arith.muli %add3A_0, %mul3A : i32
    %add3A_2 = arith.addi %mul3A_1, %arg1 : i32
    %c0_i32 = arith.constant 0 : i32
    %c0_i32_3 = arith.constant 0 : i32
    return %add3A_2, %c0_i32 : i32, i32
  }
}

</mosaic_0001>

<sc_bundles>
// kernel: _run.6.cloned.1.call-start
scs
__scs_entry_jumppad:
0x0: {  	(pc) =	sbr.rel $0x88, $3  }
0x1: {  	(tag) =	ssettag $0x0;
	lr =	simm.s32 $0x1  }
0x2: {  	[smem:$0x3FA0] =	sst lr;
	_ =	strace $0xD0000000  }
0x3: {  	_ = 	snop  }
0x4: {  	_ = 	snop  }
0x5: {  	_ = 	snop  }
0x6: {  	_ = 	snop  }
0x7: {  	_ = 	snop  }
__scs_overlays_trampoline_lowered:
0x8: {  	[smem:$0x3FAF] =	sst s0  }
0x9: {  	[smem:$0x3FB0] =	sst s1  }
0xa: {  	[smem:$0x3FB1] =	sst s2  }
0xb: {  	[smem:$0x3FB2] =	sst s3  }
0xc: {  	[smem:$0x3FB3] =	sst s4  }
0xd: {  	[smem:$0x3FB4] =	sst s5  }
0xe: {  	[smem:$0x3FB5] =	sst s6  }
0xf: {  	[smem:$0x3FB6] =	sst s7  }
0x10: {  	[smem:$0x3FB7] =	sst s8  }
0x11: {  	[smem:$0x3FB8] =	sst s9;
	s0 =	simm.s32 @!p0 $0x0  }
0x12: {  	s1 =	sld [smem:$0x3F9E];
	s0 =	simm.s32 @p0 $0x1  }
0x13: {  	[smem:$0x3FB9] =	sst s0;
	s0 =	simm.s32 @!p1 $0x0  }
0x14: {  	s2 =	sld [smem:$0x3F9D];
	s0 =	simm.s32 @p1 $0x1  }
0x15: {  	[smem:$0x3FBA] =	sst s0;
	s0 =	simm.s32 @!p2 $0x0  }
0x16: {  	s3 =	sld [smem:$0x3FDB];
	s0 =	simm.s32 @p2 $0x1  }
0x17: {  	s4 =	simm.s32 $0x1BF5;
	[smem:$0x3FBC] =	sst s0  }
0x18: {  	s0 =	sld [smem:$0x3F9F];
	_ =	swait.ge [sflag:s4], $0x0  }
0x19: {  	s7 =	sld [smem:$0x3FA0]  }
0x1a: {  	s8 =	sadd.s32 $0xFFFFE003, lr  }
0x1b: {  	s9 =	sadd.s32 $0xFFFFFEF7, lr;
	s5 =	simm.s32 $0xFFFFFFFF;
	p2 =	slt.u32 s8, $0xFFFFF086  }
0x1c: {  	p1 =	slt.u32 s9, $0xF7A;
	s5 =	simm.s32 @!p2 $0x0  }
0x1d: {  	s5 =	simm.s32 @p1 $0x1;
	p0 =	seq.s32 s7, s2  }
0x1e: {  	s7 =	smul.u32 @!p0 $0xF7A, s2;
	p2 =	seq.s32 @!p0 s5, $0x0  }
0x1f: {  	s9 =	smul.u32 $0xF7A, s1;
	s8 =	simm.s32 @!p0 $0x1BF5;
	p2 =	por !p2, p0  }
0x20: {  	[sflag:s8] =	ssyncset.s32 @!p0 $0xFFFFF086;
	s6 =	sadd.s32 @!p0 s3, s7;
	s7 =	simm.s32 @!p0 $0x108  }
0x21: {  	s3 =	sadd.s32 s3, s9;
	s6 =	sadd.s32 @!p0 $0x88, s6;
	s7 =	simm.s32 @p2 $0x1082  }
0x22: {  	[simem:s7], [sflag:s8] =	dma.local @!p0 [hbm:s6], $0xF7A  }
0x23: {  	s9 =	sor.u32 $0xD0000000, s2;
	s6 =	simm.s32 $0x108;
	_ =	swait.ge @!p0 [sflag:s8], $0x0  }
0x24: {  	s3 =	sadd.s32 $0x88, s3;
	s6 =	simm.s32 @!p1 $0x1082;
	[sflag:s4] =	ssyncset.s32 $0xFFFFF086  }
0x25: {  	[simem:s6], [sflag:s4] =	dma.local [hbm:s3], $0xF7A  }
0x26: {  	[smem:$0x3FA0] =	sst s1;
	(tag) =	ssettag s2;
	_ =	strace s9  }
0x27: {  	s1 =	sld [smem:$0x3FB0]  }
0x28: {  	s2 =	sld [smem:$0x3FB1]  }
0x29: {  	s4 =	sld [smem:$0x3FB3]  }
0x2a: {  	p0 =	seq.s32 s5, $0x0;
	s5 =	sld [smem:$0x3FB4]  }
0x2b: {  	s6 =	sld [smem:$0x3FB5]  }
0x2c: {  	s7 =	sld [smem:$0x3FB6]  }
0x2d: {  	s3 =	simm.s32 $0x108;
	s8 =	sld [smem:$0x3FB7]  }
0x2e: {  	s3 =	simm.s32 @!p0 $0x1082;
	s9 =	sld [smem:$0x3FB8]  }
0x2f: {  	lr =	sadd.s32 s0, s3;
	s0 =	sld [smem:$0x3FAF]  }
0x30: {  	s3 =	sld [smem:$0x3FB2]  }
0x31: {  	[smem:$0x3FBB] =	sst s10  }
0x32: {  	s10 =	sld [smem:$0x3FB9];
	_ =	sdelay $0x3  }
0x33: {  	p0 =	seq.s32 s10, $0x1;
	s10 =	sld [smem:$0x3FBB];
	_ =	sdelay $0x3  }
0x34: {  	[smem:$0x3FBB] =	sst s10  }
0x35: {  	s10 =	sld [smem:$0x3FBA];
	_ =	sdelay $0x3  }
0x36: {  	p1 =	seq.s32 s10, $0x1;
	s10 =	sld [smem:$0x3FBB];
	_ =	sdelay $0x3  }
0x37: {  	[smem:$0x3FBB] =	sst s10  }
0x38: {  	s10 =	sld [smem:$0x3FBC]  }
0x39: {  	_ = 	snop;
	(pc) =	sbr.ind lr, $3  }
0x3a: {  	_ = 	snop  }
0x3b: {  	_ = 	snop  }
0x3c: {  	p2 =	seq.s32 s10, $0x1;
	s10 =	sld [smem:$0x3FBB]  }
0x3d: {  	_ =	shalt  }
0x3e: {  	_ =	shalt  }
0x3f: {  	_ =	shalt  }
0x40: {  	_ =	shalt  }
0x41: {  	_ =	shalt  }
0x42: {  	_ =	shalt  }
0x43: {  	_ =	shalt  }
0x44: {  	_ =	shalt  }
0x45: {  	_ =	shalt  }
0x46: {  	_ =	shalt  }
0x47: {  	_ =	shalt  }
0x48: {  	_ =	shalt  }
0x49: {  	_ =	shalt  }
0x4a: {  	_ =	shalt  }
0x4b: {  	_ =	shalt  }
0x4c: {  	_ =	shalt  }
0x4d: {  	_ =	shalt  }
0x4e: {  	_ =	shalt  }
0x4f: {  	_ =	shalt  }
0x50: {  	_ =	shalt  }
0x51: {  	_ =	shalt  }
0x52: {  	_ =	shalt  }
0x53: {  	_ =	shalt  }
0x54: {  	_ =	shalt  }
0x55: {  	_ =	shalt  }
0x56: {  	_ =	shalt  }
0x57: {  	_ =	shalt  }
0x58: {  	_ =	shalt  }
0x59: {  	_ =	shalt  }
0x5a: {  	_ =	shalt  }
0x5b: {  	_ =	shalt  }
0x5c: {  	_ =	shalt  }
0x5d: {  	_ =	shalt  }
0x5e: {  	_ =	shalt  }
0x5f: {  	_ =	shalt  }
0x60: {  	_ =	shalt  }
0x61: {  	_ =	shalt  }
0x62: {  	_ =	shalt  }
0x63: {  	_ =	shalt  }
0x64: {  	_ =	shalt  }
0x65: {  	_ =	shalt  }
0x66: {  	_ =	shalt  }
0x67: {  	_ =	shalt  }
0x68: {  	_ =	shalt  }
0x69: {  	_ =	shalt  }
0x6a: {  	_ =	shalt  }
0x6b: {  	_ =	shalt  }
0x6c: {  	_ =	shalt  }
0x6d: {  	_ =	shalt  }
0x6e: {  	_ =	shalt  }
0x6f: {  	_ =	shalt  }
0x70: {  	_ =	shalt  }
0x71: {  	_ =	shalt  }
0x72: {  	_ =	shalt  }
0x73: {  	_ =	shalt  }
0x74: {  	_ =	shalt  }
0x75: {  	_ =	shalt  }
0x76: {  	_ =	shalt  }
0x77: {  	_ =	shalt  }
0x78: {  	_ =	shalt  }
0x79: {  	_ =	shalt  }
0x7a: {  	_ =	shalt  }
0x7b: {  	_ =	shalt  }
0x7c: {  	_ =	shalt  }
0x7d: {  	_ =	shalt  }
0x7e: {  	_ =	shalt  }
0x7f: {  	_ =	shalt  }
0x80: {  	_ =	shalt  }
0x81: {  	_ =	shalt  }
0x82: {  	_ =	shalt  }
0x83: {  	_ =	shalt  }
0x84: {  	_ =	shalt  }
0x85: {  	_ =	shalt  }
0x86: {  	_ =	shalt  }
0x87: {  	_ =	shalt  }
.Lfunc_end0:
.L_simem_size_0:
called_computation_lowered:
.L_overlay_start_0:
0x88: {  	s2 =	sld [smem:$0x3FD9]  }
0x89: {  	s3 =	sld [smem:$0x3FFE];
	_ =	sdelay $0x1  }
0x8a: {  	s1 =	srdreg.scid  }
0x8b: {  	s0 =	sand.u32 $0x1, s1  }
0x8c: {  	s16 =	sshll.u32 s0, $0xA;
	s2 =	sadd.s32 s3, s2  }
0x8d: {  	s2 =	sadd.s32 s2, s16  }
0x8e: {  	[smem:$0x3FC7] =	sst s2  }
0x8f: {  	_ = 	snop  }
0x90: {  	(tm) =	ssettm $0x1  }
0x91: {  	s17 =	sld [smem:$0x3FFB];
	_ =	sdelay $0x3  }
0x92: {  	_ =	strace s17  }
0x93: {  	s2 =	sld [smem:$0x3FFC];
	_ =	sdelay $0x3  }
0x94: {  	_ =	strace s2  }
0x95: {  	s2 =	sld [smem:$0x3FFD];
	_ =	sdelay $0x3  }
0x96: {  	_ =	strace s2  }
0x97: {  	_ =	strace $0x8FFFFFFF  }
0x98: {  	s18 =	sld [smem:$0x3FDB];
	_ =	sdelay $0x1  }
0x99: {  	s19 =	simm.s32 $_scs_section_size  }
0x9a: {  	s4 =	simm.s32 $_size__tile_overlayer_lowered;
	s5 =	simm.s32 $_tile_overlayer_lowered  }
0x9b: {  	s22 =	simm.s32 $0x1BFF;
	s21 =	sshll.u32 s5, $0x1;
	s2 =	sadd.s32 s19, s18  }
0x9c: {  	s6 =	simm.s32 $0x0;
	s20 =	sshll.u32 s4, $0x1;
	s4 =	sadd.s32 s21, s2  }
0x9d: {  	[timem:s6], [sflag:s22] =	dma.local [hbm:s4], s20  }
0x9e: {  	_ =	swait.ge [sflag:s22], s20  }
0x9f: {  	s3 =	ssub.s32 $0x0, s20;
	[sflag:s22] =	ssyncset.done $0x0  }
0xa0: {  	[sflag:s22] =	ssyncadd.s32 s3;
	_ =	sdelay $0x1  }
0xa1: {  	s23 =	simm.s32 $0x1B8B  }
0xa2: {  	_ =	swait.ge [sflag:s23], $0x1  }
0xa3: {  	[sflag:s23] =	ssyncset.done $0x0  }
0xa4: {  	s25 =	simm.s32 $0x1B8E;
	s24 =	sld [smem:$0x3FFE];
	[sflag:s23] =	ssyncadd.s32 $0xFFFFFFFF  }
0xa5: {  	s26 =	simm.s32 $execute0_lowered;
	[smem:$0x3FD2] =	sst s25  }
0xa6: {  	s4 =	sshll.u32 s26, $0x1;
	_ =	strace $0x80000046;
	[dreg:$0x1] =	wrdreg $0xFFFFFFFF  }
0xa7: {  	s28 =	simm.s32 $_size_execute0_lowered;
	s2 =	sadd.s32 s2, s4;
	[dreg:$0x0] =	wrdreg $0x0  }
0xa8: {  	s4 =	sshll.u32 s28, $0x1;
	[dreg:$0x2] =	wrdreg s2  }
0xa9: {  	[dreg:$0x3] =	wrdreg s4  }
0xaa: {  	[dreg:$0x4] =	wrdreg $0xC0  }
0xab: {  	_ =	task [dreg:s6], $0x5FFFF  }
0xac: {  	[dreg:$0x1] =	wrdreg $0xFFFFFFFF  }
0xad: {  	[dreg:$0x0] =	wrdreg $0x60  }
0xae: {  	[dreg:$0x2] =	wrdreg s24  }
0xaf: {  	[dreg:$0x3] =	wrdreg $0x9  }
0xb0: {  	_ =	task.clear_ibuf [dreg:s6], $0x4FFFF;
	_ =	strace $0x90000046  }
0xb1: {  	s29 =	simm.s32 $0x9;
	_ =	strace $0x80000048  }
0xb2: {  	_ =	swait.ge [sflag:s29], $0x1  }
0xb3: {  	[sflag:s29] =	ssyncadd.s32 $0xFFFFFFFF  }
0xb4: {  	_ =	strace $0x90000048  }
0xb5: {  	_ =	sfence  }
0xb6: {  	s30 =	sld [smem:$0x0];
	_ =	sdelay $0x2  }
0xb7: {  	s31 =	sshll.u32 s1, $0xD;
	s1 =	sshrl.u32 s1, $0x2  }
0xb8: {  	s3 =	sand.u32 $0x4000, s31;
	s1 =	sadd.s32 s1, s30  }
0xb9: {  	s0 =	sor.u32 s3, s0;
	s1 =	sshll.u32 s1, $0x11  }
0xba: {  	s0 =	sor.u32 s1, s0  }
0xbb: {  	s0 =	sadd.s32 $0x8F2B, s0  }
0xbc: {  	[sflag:s0] =	ssyncadd.remote.s32 $0x1  }
0xbd: {  	_ =	sfence.sel $0xFFFF  }
0xbe: {  	[dreg:$0x0] =	wrdreg $0xFFFFFFFF;
	(pc) =	sbr.abs _section_cstart, $3  }
0xbf: {  	[dreg:$0x1] =	wrdreg $0xFFFFFFFF  }
0xc0: {  	_ =	task.clear_ibuf [dreg:s6], $0x2FFFF;
	_ =	strace $0x9FFFFFFF  }
0xc1: {  	(tm) =	ssettm $0x7FFFFFFF  }
tec
execute0_lowered:
.L_overlay_start_1:
0x0: {  	(tag) =	ssettag $0x1  }
0x1: {  	s1 =	srdreg.scid;
	s0 =	stileid.u32  }
0x2: {  	s5 =	rddreg [dreg:$0x0];
	s2 =	simm.s32 $0x0;
	s13 =	simm.s32 $0xF20  }
0x3: {  	s14 =	simm.s32 $0x1B40;
	s15 =	simm.s32 $0x1;
	s16 =	simm.s32 $0x2  }
0x4: {  	s6 =	sand.u32 $0x1, s1;
	s3 =	sshll.u32 s0, $0x1;
	s1 =	rddreg [dreg:$0x1]  }
0x5: {  	s17 =	simm.s32 $0x0;
	[smem:$0x7FF] =	sst s2;
	s3 =	sor.u32 s6, s3  }
0x6: {  	s4 =	sadd.s32 $0x400, s5;
	s5 =	sadd.s32 $0x600, s5;
	s9 =	sshll.u32 s3, $0x3  }
0x7: {  	_ =	strace $0x80000047;
	s8 =	ssub.s32 $0x2, s6;
	s7 =	sadd.s32 $0xFFFFFF88, s9  }
.Ltmp0:
0x8: {  	s30 =	sshrl.u32 s8, $0x1;
	s10 =	sand.u32 $0xFFFFFFF0, s7;
	(pc) =	sbr.rel .LBB2_1-.Ltmp0, $4  }
0x9: {  	s11 =	smul.u32 $0x180, s3;
	s31 =	sand.u32 $0xF0, s9;
	p0 =	sgt.s32 s10, $0x0  }
0xa: {  	s12 =	ssub.s32 s8, s30;
	s6 =	smax.u32 s31, $0x80;
	s10 =	simm.s32 @!p0 $0x0  }
0xb: {  	v0 =	vlaneseq.u32;
	s7 =	ssub.s32 s6, s9;
	s8 =	smin.u32 s10, $0x70;
	s10 =	sadd.s32 s5, s11  }
0xc: {  	v0 =	vadd.s32 $0xFFFFF801, v0;
	s11 =	smax.u32 s12, $0x1;
	s12 =	simm.s32 $0x3;
	s9 =	ssub.s32 s8, s9  }
.LBB2_9:
0xd: {  	s17 =	sadd.s32 $0x1, s17  }
0xe: {  	_ =	swait.ge [sflag:s15], $0xC00;
	p0 =	sne.s32 s17, s11  }
.Ltmp1:
0xf: {  	[sflag:s15] =	ssyncset.done $0x0;
	(pc) =	sbr.rel @!p0 .LBB2_10-.Ltmp1, $4  }
0x10: {  	[sflag:s15] =	ssyncadd.s32 $0xFFFFF400  }
0x11: {  	_ =	swait.ge [sflag:s16], $0xC00  }
0x12: {  	[sflag:s16] =	ssyncset.done $0x0  }
0x13: {  	[sflag:s16] =	ssyncadd.s32 $0xFFFFF400  }
.LBB2_1:
0x14: {  	s18 =	simm.s32 $0x680  }
0x15: {  	v1 =	vadd.s32 s18, v0  }
0x16: {  	vm0 =	vgt.s32 v1, $0xFFFFFF80  }
0x17: {  	v1 =	vnsel vm0, $0xFFFFFF80, v1  }
0x18: {  	vm0 =	vlt.s32 v1, $0x80  }
0x19: {  	v1 =	vnsel vm0, $0x80, v1  }
0x1a: {  	s30 =	simm.s32 $0x690;
	v1 =	vadd.s32 $0x80, v1  }
0x1b: {  	[tilespmem:s2], [sflag:$0x3] =	stream.linear.gather [hbm4b:s4+s2], $0xC10, $0x38;
	v2 =	vadd.s32 s30, v0;
	[tilespmem:$0x2760] =	vst v63  }
0x1c: {  	_ =	swait.ge [sflag:s12], $0xC10;
	vm14 =	vgt.s32 v2, $0xFFFFFF80  }
0x1d: {  	[sflag:s12] =	ssyncset.done $0x0;
	v2 =	vnsel vm14, $0xFFFFFF80, v2  }
0x1e: {  	[sflag:s12] =	ssyncadd.s32 $0xFFFFF3F0;
	vm0 =	vlt.s32 v2, $0x80  }
0x1f: {  	v2 =	vnsel vm0, $0x80, v2;
	v1 =	vld.idx.msk [tilespmem:v1+s2+$0x0], $0xffff  }
0x20: {  	s31 =	simm.s32 $0x6A0;
	v2 =	vadd.s32 $0x80, v2  }
0x21: {  	v3 =	vadd.s32 s31, v0  }
0x22: {  	vm15 =	vgt.s32 v3, $0xFFFFFF80  }
0x23: {  	s18 =	simm.s32 $0xC10;
	v3 =	vnsel vm15, $0xFFFFFF80, v3  }
0x24: {  	vm0 =	vlt.s32 v3, $0x80;
	[tilespmem:s18+$0x0] =	vst v1  }
0x25: {  	v3 =	vnsel vm0, $0x80, v3;
	v1 =	vld.idx.msk [tilespmem:v2+s2+$0x0], $0xffff  }
0x26: {  	v2 =	vadd.s32 $0x80, v3  }
0x27: {  	s19 =	simm.s32 $0x6B0  }
0x28: {  	v3 =	vadd.s32 s19, v0;
	s19 =	simm.s32 $0x6C0  }
.LBB2_2:
0x29: {  	p0 =	sne.s32 s19, $0x980;
	vm0 =	vgt.s32 v3, $0xFFFFFF80;
	s18 =	sadd.s32 $0x10, s18  }
0x2a: {  	v3 =	vnsel vm0, $0xFFFFFF80, v3;
	[tilespmem:s18+$0x0] =	vst v1  }
.Ltmp2:
0x2b: {  	vm0 =	vlt.s32 v3, $0x80;
	v1 =	vld.idx.msk [tilespmem:v2+s2+$0x0], $0xffff;
	(pc) =	sbr.rel @p0 .LBB2_2-.Ltmp2, $3  }
0x2c: {  	v2 =	vnsel vm0, $0x80, v3  }
0x2d: {  	v2 =	vadd.s32 $0x80, v2;
	_ =	sdelay $0x1  }
0x2e: {  	v3 =	vadd.s32 s19, v0;
	s19 =	sadd.s32 $0x10, s19  }
0x2f: {  	_ = 	snop  }
0x30: {  	vm0 =	vgt.s32 v3, $0xFFFFFF80  }
0x31: {  	s18 =	sadd.s32 $0x10, s18;
	v3 =	vnsel vm0, $0xFFFFFF80, v3  }
0x32: {  	[tilespmem:s18+$0x0] =	vst v1;
	vm0 =	vlt.s32 v3, $0x80  }
0x33: {  	v1 =	vld.idx.msk [tilespmem:v2+s2+$0x0], $0xffff;
	v2 =	vnsel vm0, $0x80, v3  }
0x34: {  	v2 =	vadd.s32 $0x80, v2;
	_ =	sdelay $0x2  }
0x35: {  	s18 =	sadd.s32 $0x10, s18  }
0x36: {  	[tilespmem:s18+$0x0] =	vst v1  }
0x37: {  	v1 =	vld.idx.msk [tilespmem:v2+s2+$0x0], $0xffff;
	_ =	sdelay $0x3  }
0x38: {  	s18 =	sadd.s32 $0x10, s18  }
0x39: {  	[tilespmem:s18+$0x0] =	vst v1  }
0x3a: {  	v1 =	vld [tilespmem:s7+$0xD0F];
	_ =	sdelay $0x4  }
0x3b: {  	[tilespmem:s6+$0xEA0] =	vst v1  }
0x3c: {  	v1 =	vld [tilespmem:s7+$0xD1F];
	_ =	sdelay $0x4  }
0x3d: {  	[tilespmem:s6+$0xEB0] =	vst v1  }
0x3e: {  	v1 =	vld [tilespmem:s7+$0xD2F];
	_ =	sdelay $0x4  }
0x3f: {  	[tilespmem:s6+$0xEC0] =	vst v1  }
0x40: {  	v1 =	vld [tilespmem:s7+$0xD3F];
	_ =	sdelay $0x4  }
0x41: {  	[tilespmem:s6+$0xED0] =	vst v1  }
0x42: {  	v1 =	vld [tilespmem:s7+$0xD4F];
	_ =	sdelay $0x4  }
0x43: {  	[tilespmem:s6+$0xEE0] =	vst v1  }
0x44: {  	v1 =	vld [tilespmem:s7+$0xD5F];
	_ =	sdelay $0x4  }
0x45: {  	[tilespmem:s6+$0xEF0] =	vst v1  }
0x46: {  	v1 =	vld [tilespmem:s7+$0xD6F];
	_ =	sdelay $0x4  }
0x47: {  	[tilespmem:s6+$0xF00] =	vst v1  }
0x48: {  	v1 =	vld [tilespmem:s7+$0xD7F];
	_ =	sdelay $0x4  }
0x49: {  	[tilespmem:s6+$0xF10] =	vst v1  }
0x4a: {  	v1 =	vld [tilespmem:s7+$0xD8F];
	_ =	sdelay $0x4  }
0x4b: {  	[tilespmem:s6+$0xF20] =	vst v1  }
0x4c: {  	v1 =	vld [tilespmem:s7+$0xD9F];
	_ =	sdelay $0x4  }
0x4d: {  	[tilespmem:s6+$0xF30] =	vst v1  }
0x4e: {  	v1 =	vld [tilespmem:s7+$0xDAF];
	_ =	sdelay $0x4  }
0x4f: {  	[tilespmem:s6+$0xF40] =	vst v1  }
0x50: {  	v1 =	vld [tilespmem:s7+$0xDBF];
	_ =	sdelay $0x4  }
0x51: {  	[tilespmem:s6+$0xF50] =	vst v1  }
0x52: {  	v1 =	vld [tilespmem:s7+$0xDCF];
	_ =	sdelay $0x4  }
0x53: {  	[tilespmem:s6+$0xF60] =	vst v1  }
0x54: {  	v1 =	vld [tilespmem:s7+$0xDDF];
	_ =	sdelay $0x4  }
0x55: {  	[tilespmem:s6+$0xF70] =	vst v1  }
0x56: {  	v1 =	vld [tilespmem:s7+$0xDEF];
	_ =	sdelay $0x4  }
0x57: {  	[tilespmem:s6+$0xF80] =	vst v1  }
0x58: {  	v1 =	vld [tilespmem:s7+$0xDFF];
	_ =	sdelay $0x4  }
0x59: {  	[tilespmem:s6+$0xF90] =	vst v1  }
0x5a: {  	v1 =	vld [tilespmem:s7+$0xE0F];
	_ =	sdelay $0x4  }
0x5b: {  	[tilespmem:s6+$0xFA0] =	vst v1  }
0x5c: {  	v1 =	vld [tilespmem:s7+$0xD0E];
	_ =	sdelay $0x4  }
0x5d: {  	[tilespmem:s6+$0x1020] =	vst v1  }
0x5e: {  	v1 =	vld [tilespmem:s7+$0xD1E];
	_ =	sdelay $0x4  }
0x5f: {  	[tilespmem:s6+$0x1030] =	vst v1  }
0x60: {  	v1 =	vld [tilespmem:s7+$0xD2E];
	_ =	sdelay $0x4  }
0x61: {  	[tilespmem:s6+$0x1040] =	vst v1  }
0x62: {  	v1 =	vld [tilespmem:s7+$0xD3E];
	_ =	sdelay $0x4  }
0x63: {  	[tilespmem:s6+$0x1050] =	vst v1  }
0x64: {  	v1 =	vld [tilespmem:s7+$0xD4E];
	_ =	sdelay $0x4  }
0x65: {  	[tilespmem:s6+$0x1060] =	vst v1  }
0x66: {  	v1 =	vld [tilespmem:s7+$0xD5E];
	_ =	sdelay $0x4  }
0x67: {  	[tilespmem:s6+$0x1070] =	vst v1  }
0x68: {  	v1 =	vld [tilespmem:s7+$0xD6E];
	_ =	sdelay $0x4  }
0x69: {  	[tilespmem:s6+$0x1080] =	vst v1  }
0x6a: {  	v1 =	vld [tilespmem:s7+$0xD7E];
	_ =	sdelay $0x4  }
0x6b: {  	[tilespmem:s6+$0x1090] =	vst v1  }
0x6c: {  	v1 =	vld [tilespmem:s7+$0xD8E];
	_ =	sdelay $0x4  }
0x6d: {  	[tilespmem:s6+$0x10A0] =	vst v1  }
0x6e: {  	v1 =	vld [tilespmem:s7+$0xD9E];
	_ =	sdelay $0x4  }
0x6f: {  	[tilespmem:s6+$0x10B0] =	vst v1  }
0x70: {  	v1 =	vld [tilespmem:s7+$0xDAE];
	_ =	sdelay $0x4  }
0x71: {  	[tilespmem:s6+$0x10C0] =	vst v1  }
0x72: {  	v1 =	vld [tilespmem:s7+$0xDBE];
	_ =	sdelay $0x4  }
0x73: {  	[tilespmem:s6+$0x10D0] =	vst v1  }
0x74: {  	v1 =	vld [tilespmem:s7+$0xDCE];
	_ =	sdelay $0x4  }
0x75: {  	[tilespmem:s6+$0x10E0] =	vst v1  }
0x76: {  	v1 =	vld [tilespmem:s7+$0xDDE];
	_ =	sdelay $0x4  }
0x77: {  	[tilespmem:s6+$0x10F0] =	vst v1  }
0x78: {  	v1 =	vld [tilespmem:s7+$0xDEE];
	_ =	sdelay $0x4  }
0x79: {  	[tilespmem:s6+$0x1100] =	vst v1  }
0x7a: {  	v1 =	vld [tilespmem:s7+$0xDFE];
	_ =	sdelay $0x4  }
0x7b: {  	[tilespmem:s6+$0x1110] =	vst v1  }
0x7c: {  	v1 =	vld [tilespmem:s7+$0xE0E];
	_ =	sdelay $0x4  }
0x7d: {  	[tilespmem:s6+$0x1120] =	vst v1  }
0x7e: {  	v1 =	vld [tilespmem:s7+$0xD0D];
	_ =	sdelay $0x4  }
0x7f: {  	[tilespmem:s6+$0x11A0] =	vst v1  }
0x80: {  	v1 =	vld [tilespmem:s7+$0xD1D];
	_ =	sdelay $0x4  }
0x81: {  	[tilespmem:s6+$0x11B0] =	vst v1  }
0x82: {  	v1 =	vld [tilespmem:s7+$0xD2D];
	_ =	sdelay $0x4  }
0x83: {  	[tilespmem:s6+$0x11C0] =	vst v1  }
0x84: {  	v1 =	vld [tilespmem:s7+$0xD3D];
	_ =	sdelay $0x4  }
0x85: {  	[tilespmem:s6+$0x11D0] =	vst v1  }
0x86: {  	v1 =	vld [tilespmem:s7+$0xD4D];
	_ =	sdelay $0x4  }
0x87: {  	[tilespmem:s6+$0x11E0] =	vst v1  }
0x88: {  	v1 =	vld [tilespmem:s7+$0xD5D];
	_ =	sdelay $0x4  }
0x89: {  	[tilespmem:s6+$0x11F0] =	vst v1  }
0x8a: {  	v1 =	vld [tilespmem:s7+$0xD6D];
	_ =	sdelay $0x4  }
0x8b: {  	[tilespmem:s6+$0x1200] =	vst v1  }
0x8c: {  	v1 =	vld [tilespmem:s7+$0xD7D];
	_ =	sdelay $0x4  }
0x8d: {  	[tilespmem:s6+$0x1210] =	vst v1  }
0x8e: {  	v1 =	vld [tilespmem:s7+$0xD8D];
	_ =	sdelay $0x4  }
0x8f: {  	[tilespmem:s6+$0x1220] =	vst v1  }
0x90: {  	v1 =	vld [tilespmem:s7+$0xD9D];
	_ =	sdelay $0x4  }
0x91: {  	[tilespmem:s6+$0x1230] =	vst v1  }
0x92: {  	v1 =	vld [tilespmem:s7+$0xDAD];
	_ =	sdelay $0x4  }
0x93: {  	[tilespmem:s6+$0x1240] =	vst v1  }
0x94: {  	v1 =	vld [tilespmem:s7+$0xDBD];
	_ =	sdelay $0x4  }
0x95: {  	[tilespmem:s6+$0x1250] =	vst v1  }
0x96: {  	v1 =	vld [tilespmem:s7+$0xDCD];
	_ =	sdelay $0x4  }
0x97: {  	[tilespmem:s6+$0x1260] =	vst v1  }
0x98: {  	v1 =	vld [tilespmem:s7+$0xDDD];
	_ =	sdelay $0x4  }
0x99: {  	[tilespmem:s6+$0x1270] =	vst v1  }
0x9a: {  	v1 =	vld [tilespmem:s7+$0xDED];
	_ =	sdelay $0x4  }
0x9b: {  	[tilespmem:s6+$0x1280] =	vst v1  }
0x9c: {  	v1 =	vld [tilespmem:s7+$0xDFD];
	_ =	sdelay $0x4  }
0x9d: {  	[tilespmem:s6+$0x1290] =	vst v1  }
0x9e: {  	v1 =	vld [tilespmem:s7+$0xE0D];
	_ =	sdelay $0x4  }
0x9f: {  	[tilespmem:s6+$0x12A0] =	vst v1  }
0xa0: {  	v1 =	vld [tilespmem:s7+$0xD0C];
	_ =	sdelay $0x4  }
0xa1: {  	[tilespmem:s6+$0x1320] =	vst v1  }
0xa2: {  	v1 =	vld [tilespmem:s7+$0xD1C];
	_ =	sdelay $0x4  }
0xa3: {  	[tilespmem:s6+$0x1330] =	vst v1  }
0xa4: {  	v1 =	vld [tilespmem:s7+$0xD2C];
	_ =	sdelay $0x4  }
0xa5: {  	[tilespmem:s6+$0x1340] =	vst v1  }
0xa6: {  	v1 =	vld [tilespmem:s7+$0xD3C];
	_ =	sdelay $0x4  }
0xa7: {  	[tilespmem:s6+$0x1350] =	vst v1  }
0xa8: {  	v1 =	vld [tilespmem:s7+$0xD4C];
	_ =	sdelay $0x4  }
0xa9: {  	[tilespmem:s6+$0x1360] =	vst v1  }
0xaa: {  	v1 =	vld [tilespmem:s7+$0xD5C];
	_ =	sdelay $0x4  }
0xab: {  	[tilespmem:s6+$0x1370] =	vst v1  }
0xac: {  	v1 =	vld [tilespmem:s7+$0xD6C];
	_ =	sdelay $0x4  }
0xad: {  	[tilespmem:s6+$0x1380] =	vst v1  }
0xae: {  	v1 =	vld [tilespmem:s7+$0xD7C];
	_ =	sdelay $0x4  }
0xaf: {  	[tilespmem:s6+$0x1390] =	vst v1  }
0xb0: {  	v1 =	vld [tilespmem:s7+$0xD8C];
	_ =	sdelay $0x4  }
0xb1: {  	[tilespmem:s6+$0x13A0] =	vst v1  }
0xb2: {  	v1 =	vld [tilespmem:s7+$0xD9C];
	_ =	sdelay $0x4  }
0xb3: {  	[tilespmem:s6+$0x13B0] =	vst v1  }
0xb4: {  	v1 =	vld [tilespmem:s7+$0xDAC];
	_ =	sdelay $0x4  }
0xb5: {  	[tilespmem:s6+$0x13C0] =	vst v1  }
0xb6: {  	v1 =	vld [tilespmem:s7+$0xDBC];
	_ =	sdelay $0x4  }
0xb7: {  	[tilespmem:s6+$0x13D0] =	vst v1  }
0xb8: {  	v1 =	vld [tilespmem:s7+$0xDCC];
	_ =	sdelay $0x4  }
0xb9: {  	[tilespmem:s6+$0x13E0] =	vst v1  }
0xba: {  	v1 =	vld [tilespmem:s7+$0xDDC];
	_ =	sdelay $0x4  }
0xbb: {  	[tilespmem:s6+$0x13F0] =	vst v1  }
0xbc: {  	v1 =	vld [tilespmem:s7+$0xDEC];
	_ =	sdelay $0x4  }
0xbd: {  	[tilespmem:s6+$0x1400] =	vst v1  }
0xbe: {  	v1 =	vld [tilespmem:s7+$0xDFC];
	_ =	sdelay $0x4  }
0xbf: {  	[tilespmem:s6+$0x1410] =	vst v1  }
0xc0: {  	v1 =	vld [tilespmem:s7+$0xE0C];
	_ =	sdelay $0x4  }
0xc1: {  	[tilespmem:s6+$0x1420] =	vst v1  }
0xc2: {  	v1 =	vld [tilespmem:s7+$0xD0B];
	_ =	sdelay $0x4  }
0xc3: {  	[tilespmem:s6+$0x14A0] =	vst v1  }
0xc4: {  	v1 =	vld [tilespmem:s7+$0xD1B];
	_ =	sdelay $0x4  }
0xc5: {  	[tilespmem:s6+$0x14B0] =	vst v1  }
0xc6: {  	v1 =	vld [tilespmem:s7+$0xD2B];
	_ =	sdelay $0x4  }
0xc7: {  	[tilespmem:s6+$0x14C0] =	vst v1  }
0xc8: {  	v1 =	vld [tilespmem:s7+$0xD3B];
	_ =	sdelay $0x4  }
0xc9: {  	[tilespmem:s6+$0x14D0] =	vst v1  }
0xca: {  	v1 =	vld [tilespmem:s7+$0xD4B];
	_ =	sdelay $0x4  }
0xcb: {  	[tilespmem:s6+$0x14E0] =	vst v1  }
0xcc: {  	v1 =	vld [tilespmem:s7+$0xD5B];
	_ =	sdelay $0x4  }
0xcd: {  	[tilespmem:s6+$0x14F0] =	vst v1  }
0xce: {  	v1 =	vld [tilespmem:s7+$0xD6B];
	_ =	sdelay $0x4  }
0xcf: {  	[tilespmem:s6+$0x1500] =	vst v1  }
0xd0: {  	v1 =	vld [tilespmem:s7+$0xD7B];
	_ =	sdelay $0x4  }
0xd1: {  	[tilespmem:s6+$0x1510] =	vst v1  }
0xd2: {  	v1 =	vld [tilespmem:s7+$0xD8B];
	_ =	sdelay $0x4  }
0xd3: {  	[tilespmem:s6+$0x1520] =	vst v1  }
0xd4: {  	v1 =	vld [tilespmem:s7+$0xD9B];
	_ =	sdelay $0x4  }
0xd5: {  	[tilespmem:s6+$0x1530] =	vst v1  }
0xd6: {  	v1 =	vld [tilespmem:s7+$0xDAB];
	_ =	sdelay $0x4  }
0xd7: {  	[tilespmem:s6+$0x1540] =	vst v1  }
0xd8: {  	v1 =	vld [tilespmem:s7+$0xDBB];
	_ =	sdelay $0x4  }
0xd9: {  	[tilespmem:s6+$0x1550] =	vst v1  }
0xda: {  	v1 =	vld [tilespmem:s7+$0xDCB];
	_ =	sdelay $0x4  }
0xdb: {  	[tilespmem:s6+$0x1560] =	vst v1  }
0xdc: {  	v1 =	vld [tilespmem:s7+$0xDDB];
	_ =	sdelay $0x4  }
0xdd: {  	[tilespmem:s6+$0x1570] =	vst v1  }
0xde: {  	v1 =	vld [tilespmem:s7+$0xDEB];
	_ =	sdelay $0x4  }
0xdf: {  	[tilespmem:s6+$0x1580] =	vst v1  }
0xe0: {  	v1 =	vld [tilespmem:s7+$0xDFB];
	_ =	sdelay $0x4  }
0xe1: {  	[tilespmem:s6+$0x1590] =	vst v1  }
0xe2: {  	v1 =	vld [tilespmem:s7+$0xE0B];
	_ =	sdelay $0x4  }
0xe3: {  	[tilespmem:s6+$0x15A0] =	vst v1  }
0xe4: {  	v1 =	vld [tilespmem:s7+$0xD0A];
	_ =	sdelay $0x4  }
0xe5: {  	[tilespmem:s6+$0x1620] =	vst v1  }
0xe6: {  	v1 =	vld [tilespmem:s7+$0xD1A];
	_ =	sdelay $0x4  }
0xe7: {  	[tilespmem:s6+$0x1630] =	vst v1  }
0xe8: {  	v1 =	vld [tilespmem:s7+$0xD2A];
	_ =	sdelay $0x4  }
0xe9: {  	[tilespmem:s6+$0x1640] =	vst v1  }
0xea: {  	v1 =	vld [tilespmem:s7+$0xD3A];
	_ =	sdelay $0x4  }
0xeb: {  	[tilespmem:s6+$0x1650] =	vst v1  }
0xec: {  	v1 =	vld [tilespmem:s7+$0xD4A];
	_ =	sdelay $0x4  }
0xed: {  	[tilespmem:s6+$0x1660] =	vst v1  }
0xee: {  	v1 =	vld [tilespmem:s7+$0xD5A];
	_ =	sdelay $0x4  }
0xef: {  	[tilespmem:s6+$0x1670] =	vst v1  }
0xf0: {  	v1 =	vld [tilespmem:s7+$0xD6A];
	_ =	sdelay $0x4  }
0xf1: {  	[tilespmem:s6+$0x1680] =	vst v1  }
0xf2: {  	v1 =	vld [tilespmem:s7+$0xD7A];
	_ =	sdelay $0x4  }
0xf3: {  	[tilespmem:s6+$0x1690] =	vst v1  }
0xf4: {  	v1 =	vld [tilespmem:s7+$0xD8A];
	_ =	sdelay $0x4  }
0xf5: {  	[tilespmem:s6+$0x16A0] =	vst v1  }
0xf6: {  	v1 =	vld [tilespmem:s7+$0xD9A];
	_ =	sdelay $0x4  }
0xf7: {  	[tilespmem:s6+$0x16B0] =	vst v1  }
0xf8: {  	v1 =	vld [tilespmem:s7+$0xDAA];
	_ =	sdelay $0x4  }
0xf9: {  	[tilespmem:s6+$0x16C0] =	vst v1  }
0xfa: {  	v1 =	vld [tilespmem:s7+$0xDBA];
	_ =	sdelay $0x4  }
0xfb: {  	[tilespmem:s6+$0x16D0] =	vst v1  }
0xfc: {  	v1 =	vld [tilespmem:s7+$0xDCA];
	_ =	sdelay $0x4  }
0xfd: {  	[tilespmem:s6+$0x16E0] =	vst v1  }
0xfe: {  	v1 =	vld [tilespmem:s7+$0xDDA];
	_ =	sdelay $0x4  }
0xff: {  	[tilespmem:s6+$0x16F0] =	vst v1  }
0x100: {  	v1 =	vld [tilespmem:s7+$0xDEA];
	_ =	sdelay $0x4  }
0x101: {  	[tilespmem:s6+$0x1700] =	vst v1  }
0x102: {  	v1 =	vld [tilespmem:s7+$0xDFA];
	_ =	sdelay $0x4  }
0x103: {  	[tilespmem:s6+$0x1710] =	vst v1  }
0x104: {  	v1 =	vld [tilespmem:s7+$0xE0A];
	_ =	sdelay $0x4  }
0x105: {  	[tilespmem:s6+$0x1720] =	vst v1  }
0x106: {  	v1 =	vld [tilespmem:s7+$0xD09];
	_ =	sdelay $0x4  }
0x107: {  	[tilespmem:s6+$0x17A0] =	vst v1  }
0x108: {  	v1 =	vld [tilespmem:s7+$0xD19];
	_ =	sdelay $0x4  }
0x109: {  	[tilespmem:s6+$0x17B0] =	vst v1  }
0x10a: {  	v1 =	vld [tilespmem:s7+$0xD29];
	_ =	sdelay $0x4  }
0x10b: {  	[tilespmem:s6+$0x17C0] =	vst v1  }
0x10c: {  	v1 =	vld [tilespmem:s7+$0xD39];
	_ =	sdelay $0x4  }
0x10d: {  	[tilespmem:s6+$0x17D0] =	vst v1  }
0x10e: {  	v1 =	vld [tilespmem:s7+$0xD49];
	_ =	sdelay $0x4  }
0x10f: {  	[tilespmem:s6+$0x17E0] =	vst v1  }
0x110: {  	v1 =	vld [tilespmem:s7+$0xD59];
	_ =	sdelay $0x4  }
0x111: {  	[tilespmem:s6+$0x17F0] =	vst v1  }
0x112: {  	v1 =	vld [tilespmem:s7+$0xD69];
	_ =	sdelay $0x4  }
0x113: {  	[tilespmem:s6+$0x1800] =	vst v1  }
0x114: {  	v1 =	vld [tilespmem:s7+$0xD79];
	_ =	sdelay $0x4  }
0x115: {  	[tilespmem:s6+$0x1810] =	vst v1  }
0x116: {  	v1 =	vld [tilespmem:s7+$0xD89];
	_ =	sdelay $0x4  }
0x117: {  	[tilespmem:s6+$0x1820] =	vst v1  }
0x118: {  	v1 =	vld [tilespmem:s7+$0xD99];
	_ =	sdelay $0x4  }
0x119: {  	[tilespmem:s6+$0x1830] =	vst v1  }
0x11a: {  	v1 =	vld [tilespmem:s7+$0xDA9];
	_ =	sdelay $0x4  }
0x11b: {  	[tilespmem:s6+$0x1840] =	vst v1  }
0x11c: {  	v1 =	vld [tilespmem:s7+$0xDB9];
	_ =	sdelay $0x4  }
0x11d: {  	[tilespmem:s6+$0x1850] =	vst v1  }
0x11e: {  	v1 =	vld [tilespmem:s7+$0xDC9];
	_ =	sdelay $0x4  }
0x11f: {  	[tilespmem:s6+$0x1860] =	vst v1  }
0x120: {  	v1 =	vld [tilespmem:s7+$0xDD9];
	_ =	sdelay $0x4  }
0x121: {  	[tilespmem:s6+$0x1870] =	vst v1  }
0x122: {  	v1 =	vld [tilespmem:s7+$0xDE9];
	_ =	sdelay $0x4  }
0x123: {  	[tilespmem:s6+$0x1880] =	vst v1  }
0x124: {  	v1 =	vld [tilespmem:s7+$0xDF9];
	_ =	sdelay $0x4  }
0x125: {  	[tilespmem:s6+$0x1890] =	vst v1  }
0x126: {  	v1 =	vld [tilespmem:s7+$0xE09];
	_ =	sdelay $0x4  }
0x127: {  	[tilespmem:s6+$0x18A0] =	vst v1  }
0x128: {  	v1 =	vld [tilespmem:s9+$0xD88];
	_ =	sdelay $0x4  }
0x129: {  	[tilespmem:s8+$0x19A0] =	vst v1  }
0x12a: {  	v1 =	vld [tilespmem:s9+$0xD98];
	_ =	sdelay $0x4  }
0x12b: {  	[tilespmem:s8+$0x19B0] =	vst v1  }
0x12c: {  	v1 =	vld [tilespmem:s9+$0xDA8];
	_ =	sdelay $0x4  }
0x12d: {  	[tilespmem:s8+$0x19C0] =	vst v1  }
0x12e: {  	v1 =	vld [tilespmem:s9+$0xDB8];
	_ =	sdelay $0x4  }
0x12f: {  	[tilespmem:s8+$0x19D0] =	vst v1  }
0x130: {  	v1 =	vld [tilespmem:s9+$0xDC8];
	_ =	sdelay $0x4  }
0x131: {  	[tilespmem:s8+$0x19E0] =	vst v1  }
0x132: {  	v1 =	vld [tilespmem:s9+$0xDD8];
	_ =	sdelay $0x4  }
0x133: {  	[tilespmem:s8+$0x19F0] =	vst v1  }
0x134: {  	v1 =	vld [tilespmem:s9+$0xDE8];
	_ =	sdelay $0x4  }
0x135: {  	[tilespmem:s8+$0x1A00] =	vst v1  }
0x136: {  	v1 =	vld [tilespmem:s9+$0xDF8];
	_ =	sdelay $0x4  }
0x137: {  	[tilespmem:s8+$0x1A10] =	vst v1  }
0x138: {  	v1 =	vld [tilespmem:s9+$0xE08];
	_ =	sdelay $0x4  }
0x139: {  	[tilespmem:s8+$0x1A20] =	vst v1  }
0x13a: {  	v1 =	vld [tilespmem:s9+$0xE18];
	_ =	sdelay $0x4  }
0x13b: {  	[tilespmem:s8+$0x1A30] =	vst v1  }
0x13c: {  	v1 =	vld [tilespmem:s9+$0xE28];
	_ =	sdelay $0x4  }
0x13d: {  	[tilespmem:s8+$0x1A40] =	vst v1  }
0x13e: {  	v1 =	vld [tilespmem:s9+$0xE38];
	_ =	sdelay $0x4  }
0x13f: {  	[tilespmem:s8+$0x1A50] =	vst v1  }
0x140: {  	v1 =	vld [tilespmem:s9+$0xE48];
	_ =	sdelay $0x4  }
0x141: {  	[tilespmem:s8+$0x1A60] =	vst v1  }
0x142: {  	v1 =	vld [tilespmem:s9+$0xE58];
	_ =	sdelay $0x4  }
0x143: {  	[tilespmem:s8+$0x1A70] =	vst v1  }
0x144: {  	v1 =	vld [tilespmem:s9+$0xE68];
	_ =	sdelay $0x4  }
0x145: {  	[tilespmem:s8+$0x1A80] =	vst v1  }
0x146: {  	v1 =	vld [tilespmem:s9+$0xE78];
	_ =	sdelay $0x4  }
0x147: {  	[tilespmem:s8+$0x1A90] =	vst v1  }
0x148: {  	v1 =	vld [tilespmem:s9+$0xE88];
	_ =	sdelay $0x1  }
.Ltmp3:
0x149: {  	_ = 	snop;
	(pc) =	sbr.rel .LBB2_4-.Ltmp3, $3  }
0x14a: {  	_ =	sdelay $0x1  }
0x14b: {  	s18 =	simm.s32 $0x0;
	[tilespmem:s8+$0x1AA0] =	vst v1  }
0x14c: {  	[hbm4b:s10+s18] =	stream.linear.scatter [tilespmem:s13], [sflag:$0x1], $0xC00, $0x38;
	[tilespmem:$0x2760] =	vst v63  }
.LBB2_8:
0x14d: {  	s19 =	smin.u32 s19, $0x2F  }
0x14e: {  	s20 =	sshll.u32 s19, $0x5  }
0x14f: {  	s20 =	sand.u32 $0xE0, s20  }
0x150: {  	s20 =	sor.u32 s3, s20  }
0x151: {  	s20 =	sshll.u32 s20, $0x3  }
0x152: {  	s21 =	sand.u32 $0x780, s20  }
0x153: {  	s21 =	smax.u32 s21, $0x80  }
0x154: {  	s22 =	smin.u32 s21, $0x700  }
0x155: {  	s23 =	ssub.s32 s20, s22  }
0x156: {  	s21 =	sand.u32 $0xFFFFFFF0, s23  }
0x157: {  	p0 =	sgt.s32 s21, $0x0  }
0x158: {  	s21 =	simm.s32 @!p0 $0x0  }
0x159: {  	s22 =	ssub.s32 s22, s20;
	s21 =	smin.u32 s21, $0x70  }
0x15a: {  	_ =	swait.ge [sflag:s15], $0xC00;
	s24 =	sadd.s32 s21, s22  }
0x15b: {  	[sflag:s15] =	ssyncset.done $0x0;
	s25 =	sadd.s32 $0xFF, s24  }
0x15c: {  	[sflag:s15] =	ssyncadd.s32 $0xFFFFF400;
	s25 =	sor.u32 $0x7, s25  }
0x15d: {  	v1 =	vld [tilespmem:s25+$0xC10];
	_ =	sdelay $0x4  }
0x15e: {  	[tilespmem:s21+$0xF20] =	vst v1  }
0x15f: {  	v1 =	vld [tilespmem:s25+$0xC20];
	_ =	sdelay $0x4  }
0x160: {  	[tilespmem:s21+$0xF30] =	vst v1  }
0x161: {  	v1 =	vld [tilespmem:s25+$0xC30];
	_ =	sdelay $0x4  }
0x162: {  	[tilespmem:s21+$0xF40] =	vst v1  }
0x163: {  	v1 =	vld [tilespmem:s25+$0xC40];
	_ =	sdelay $0x4  }
0x164: {  	[tilespmem:s21+$0xF50] =	vst v1  }
0x165: {  	v1 =	vld [tilespmem:s25+$0xC50];
	_ =	sdelay $0x4  }
0x166: {  	[tilespmem:s21+$0xF60] =	vst v1  }
0x167: {  	v1 =	vld [tilespmem:s25+$0xC60];
	_ =	sdelay $0x4  }
0x168: {  	[tilespmem:s21+$0xF70] =	vst v1  }
0x169: {  	v1 =	vld [tilespmem:s25+$0xC70];
	_ =	sdelay $0x4  }
0x16a: {  	[tilespmem:s21+$0xF80] =	vst v1  }
0x16b: {  	v1 =	vld [tilespmem:s25+$0xC80];
	_ =	sdelay $0x4  }
0x16c: {  	[tilespmem:s21+$0xF90] =	vst v1  }
0x16d: {  	v1 =	vld [tilespmem:s25+$0xC90];
	_ =	sdelay $0x4  }
0x16e: {  	[tilespmem:s21+$0xFA0] =	vst v1  }
0x16f: {  	v1 =	vld [tilespmem:s25+$0xCA0];
	_ =	sdelay $0x4  }
0x170: {  	[tilespmem:s21+$0xFB0] =	vst v1  }
0x171: {  	v1 =	vld [tilespmem:s25+$0xCB0];
	_ =	sdelay $0x4  }
0x172: {  	[tilespmem:s21+$0xFC0] =	vst v1  }
0x173: {  	v1 =	vld [tilespmem:s25+$0xCC0];
	_ =	sdelay $0x4  }
0x174: {  	[tilespmem:s21+$0xFD0] =	vst v1  }
0x175: {  	v1 =	vld [tilespmem:s25+$0xCD0];
	_ =	sdelay $0x4  }
0x176: {  	[tilespmem:s21+$0xFE0] =	vst v1  }
0x177: {  	v1 =	vld [tilespmem:s25+$0xCE0];
	_ =	sdelay $0x4  }
0x178: {  	[tilespmem:s21+$0xFF0] =	vst v1  }
0x179: {  	v1 =	vld [tilespmem:s25+$0xCF0];
	_ =	sdelay $0x4  }
0x17a: {  	[tilespmem:s21+$0x1000] =	vst v1  }
0x17b: {  	v1 =	vld [tilespmem:s25+$0xD00];
	_ =	sdelay $0x4  }
0x17c: {  	[tilespmem:s21+$0x1010] =	vst v1  }
0x17d: {  	v1 =	vld [tilespmem:s25+$0xD10];
	_ =	sdelay $0x3  }
0x17e: {  	s31 =	sadd.s32 $0xFE, s24  }
0x17f: {  	s25 =	sand.u32 $0xFFFFFFF8, s31;
	[tilespmem:s21+$0x1020] =	vst v1  }
0x180: {  	v1 =	vld [tilespmem:s25+$0xC16];
	_ =	sdelay $0x4  }
0x181: {  	[tilespmem:s21+$0x10A0] =	vst v1  }
0x182: {  	v1 =	vld [tilespmem:s25+$0xC26];
	_ =	sdelay $0x4  }
0x183: {  	[tilespmem:s21+$0x10B0] =	vst v1  }
0x184: {  	v1 =	vld [tilespmem:s25+$0xC36];
	_ =	sdelay $0x4  }
0x185: {  	[tilespmem:s21+$0x10C0] =	vst v1  }
0x186: {  	v1 =	vld [tilespmem:s25+$0xC46];
	_ =	sdelay $0x4  }
0x187: {  	[tilespmem:s21+$0x10D0] =	vst v1  }
0x188: {  	v1 =	vld [tilespmem:s25+$0xC56];
	_ =	sdelay $0x4  }
0x189: {  	[tilespmem:s21+$0x10E0] =	vst v1  }
0x18a: {  	v1 =	vld [tilespmem:s25+$0xC66];
	_ =	sdelay $0x4  }
0x18b: {  	[tilespmem:s21+$0x10F0] =	vst v1  }
0x18c: {  	v1 =	vld [tilespmem:s25+$0xC76];
	_ =	sdelay $0x4  }
0x18d: {  	[tilespmem:s21+$0x1100] =	vst v1  }
0x18e: {  	v1 =	vld [tilespmem:s25+$0xC86];
	_ =	sdelay $0x4  }
0x18f: {  	[tilespmem:s21+$0x1110] =	vst v1  }
0x190: {  	v1 =	vld [tilespmem:s25+$0xC96];
	_ =	sdelay $0x4  }
0x191: {  	[tilespmem:s21+$0x1120] =	vst v1  }
0x192: {  	v1 =	vld [tilespmem:s25+$0xCA6];
	_ =	sdelay $0x4  }
0x193: {  	[tilespmem:s21+$0x1130] =	vst v1  }
0x194: {  	v1 =	vld [tilespmem:s25+$0xCB6];
	_ =	sdelay $0x4  }
0x195: {  	[tilespmem:s21+$0x1140] =	vst v1  }
0x196: {  	v1 =	vld [tilespmem:s25+$0xCC6];
	_ =	sdelay $0x4  }
0x197: {  	[tilespmem:s21+$0x1150] =	vst v1  }
0x198: {  	v1 =	vld [tilespmem:s25+$0xCD6];
	_ =	sdelay $0x4  }
0x199: {  	[tilespmem:s21+$0x1160] =	vst v1  }
0x19a: {  	v1 =	vld [tilespmem:s25+$0xCE6];
	_ =	sdelay $0x4  }
0x19b: {  	[tilespmem:s21+$0x1170] =	vst v1  }
0x19c: {  	v1 =	vld [tilespmem:s25+$0xCF6];
	_ =	sdelay $0x4  }
0x19d: {  	[tilespmem:s21+$0x1180] =	vst v1  }
0x19e: {  	v1 =	vld [tilespmem:s25+$0xD06];
	_ =	sdelay $0x4  }
0x19f: {  	[tilespmem:s21+$0x1190] =	vst v1  }
0x1a0: {  	v1 =	vld [tilespmem:s25+$0xD16];
	_ =	sdelay $0x3  }
0x1a1: {  	s26 =	sadd.s32 $0xFD, s24  }
0x1a2: {  	s25 =	sand.u32 $0xFFFFFFF8, s26;
	[tilespmem:s21+$0x11A0] =	vst v1  }
0x1a3: {  	v1 =	vld [tilespmem:s25+$0xC15];
	_ =	sdelay $0x4  }
0x1a4: {  	[tilespmem:s21+$0x1220] =	vst v1  }
0x1a5: {  	v1 =	vld [tilespmem:s25+$0xC25];
	_ =	sdelay $0x4  }
0x1a6: {  	[tilespmem:s21+$0x1230] =	vst v1  }
0x1a7: {  	v1 =	vld [tilespmem:s25+$0xC35];
	_ =	sdelay $0x4  }
0x1a8: {  	[tilespmem:s21+$0x1240] =	vst v1  }
0x1a9: {  	v1 =	vld [tilespmem:s25+$0xC45];
	_ =	sdelay $0x4  }
0x1aa: {  	[tilespmem:s21+$0x1250] =	vst v1  }
0x1ab: {  	v1 =	vld [tilespmem:s25+$0xC55];
	_ =	sdelay $0x4  }
0x1ac: {  	[tilespmem:s21+$0x1260] =	vst v1  }
0x1ad: {  	v1 =	vld [tilespmem:s25+$0xC65];
	_ =	sdelay $0x4  }
0x1ae: {  	[tilespmem:s21+$0x1270] =	vst v1  }
0x1af: {  	v1 =	vld [tilespmem:s25+$0xC75];
	_ =	sdelay $0x4  }
0x1b0: {  	[tilespmem:s21+$0x1280] =	vst v1  }
0x1b1: {  	v1 =	vld [tilespmem:s25+$0xC85];
	_ =	sdelay $0x4  }
0x1b2: {  	[tilespmem:s21+$0x1290] =	vst v1  }
0x1b3: {  	v1 =	vld [tilespmem:s25+$0xC95];
	_ =	sdelay $0x4  }
0x1b4: {  	[tilespmem:s21+$0x12A0] =	vst v1  }
0x1b5: {  	v1 =	vld [tilespmem:s25+$0xCA5];
	_ =	sdelay $0x4  }
0x1b6: {  	[tilespmem:s21+$0x12B0] =	vst v1  }
0x1b7: {  	v1 =	vld [tilespmem:s25+$0xCB5];
	_ =	sdelay $0x4  }
0x1b8: {  	[tilespmem:s21+$0x12C0] =	vst v1  }
0x1b9: {  	v1 =	vld [tilespmem:s25+$0xCC5];
	_ =	sdelay $0x4  }
0x1ba: {  	[tilespmem:s21+$0x12D0] =	vst v1  }
0x1bb: {  	v1 =	vld [tilespmem:s25+$0xCD5];
	_ =	sdelay $0x4  }
0x1bc: {  	[tilespmem:s21+$0x12E0] =	vst v1  }
0x1bd: {  	v1 =	vld [tilespmem:s25+$0xCE5];
	_ =	sdelay $0x4  }
0x1be: {  	[tilespmem:s21+$0x12F0] =	vst v1  }
0x1bf: {  	v1 =	vld [tilespmem:s25+$0xCF5];
	_ =	sdelay $0x4  }
0x1c0: {  	[tilespmem:s21+$0x1300] =	vst v1  }
0x1c1: {  	v1 =	vld [tilespmem:s25+$0xD05];
	_ =	sdelay $0x4  }
0x1c2: {  	[tilespmem:s21+$0x1310] =	vst v1  }
0x1c3: {  	v1 =	vld [tilespmem:s25+$0xD15];
	_ =	sdelay $0x3  }
0x1c4: {  	s28 =	sadd.s32 $0xFC, s24  }
0x1c5: {  	s25 =	sand.u32 $0xFFFFFFF8, s28;
	[tilespmem:s21+$0x1320] =	vst v1  }
0x1c6: {  	v1 =	vld [tilespmem:s25+$0xC14];
	_ =	sdelay $0x4  }
0x1c7: {  	[tilespmem:s21+$0x13A0] =	vst v1  }
0x1c8: {  	v1 =	vld [tilespmem:s25+$0xC24];
	_ =	sdelay $0x4  }
0x1c9: {  	[tilespmem:s21+$0x13B0] =	vst v1  }
0x1ca: {  	v1 =	vld [tilespmem:s25+$0xC34];
	_ =	sdelay $0x4  }
0x1cb: {  	[tilespmem:s21+$0x13C0] =	vst v1  }
0x1cc: {  	v1 =	vld [tilespmem:s25+$0xC44];
	_ =	sdelay $0x4  }
0x1cd: {  	[tilespmem:s21+$0x13D0] =	vst v1  }
0x1ce: {  	v1 =	vld [tilespmem:s25+$0xC54];
	_ =	sdelay $0x4  }
0x1cf: {  	[tilespmem:s21+$0x13E0] =	vst v1  }
0x1d0: {  	v1 =	vld [tilespmem:s25+$0xC64];
	_ =	sdelay $0x4  }
0x1d1: {  	[tilespmem:s21+$0x13F0] =	vst v1  }
0x1d2: {  	v1 =	vld [tilespmem:s25+$0xC74];
	_ =	sdelay $0x4  }
0x1d3: {  	[tilespmem:s21+$0x1400] =	vst v1  }
0x1d4: {  	v1 =	vld [tilespmem:s25+$0xC84];
	_ =	sdelay $0x4  }
0x1d5: {  	[tilespmem:s21+$0x1410] =	vst v1  }
0x1d6: {  	v1 =	vld [tilespmem:s25+$0xC94];
	_ =	sdelay $0x4  }
0x1d7: {  	[tilespmem:s21+$0x1420] =	vst v1  }
0x1d8: {  	v1 =	vld [tilespmem:s25+$0xCA4];
	_ =	sdelay $0x4  }
0x1d9: {  	[tilespmem:s21+$0x1430] =	vst v1  }
0x1da: {  	v1 =	vld [tilespmem:s25+$0xCB4];
	_ =	sdelay $0x4  }
0x1db: {  	[tilespmem:s21+$0x1440] =	vst v1  }
0x1dc: {  	v1 =	vld [tilespmem:s25+$0xCC4];
	_ =	sdelay $0x4  }
0x1dd: {  	[tilespmem:s21+$0x1450] =	vst v1  }
0x1de: {  	v1 =	vld [tilespmem:s25+$0xCD4];
	_ =	sdelay $0x4  }
0x1df: {  	[tilespmem:s21+$0x1460] =	vst v1  }
0x1e0: {  	v1 =	vld [tilespmem:s25+$0xCE4];
	_ =	sdelay $0x4  }
0x1e1: {  	[tilespmem:s21+$0x1470] =	vst v1  }
0x1e2: {  	v1 =	vld [tilespmem:s25+$0xCF4];
	_ =	sdelay $0x4  }
0x1e3: {  	[tilespmem:s21+$0x1480] =	vst v1  }
0x1e4: {  	v1 =	vld [tilespmem:s25+$0xD04];
	_ =	sdelay $0x4  }
0x1e5: {  	[tilespmem:s21+$0x1490] =	vst v1  }
0x1e6: {  	v1 =	vld [tilespmem:s25+$0xD14];
	_ =	sdelay $0x3  }
0x1e7: {  	s29 =	sadd.s32 $0xFB, s24  }
0x1e8: {  	s25 =	sand.u32 $0xFFFFFFF8, s29;
	[tilespmem:s21+$0x14A0] =	vst v1  }
0x1e9: {  	v1 =	vld [tilespmem:s25+$0xC13];
	_ =	sdelay $0x4  }
0x1ea: {  	[tilespmem:s21+$0x1520] =	vst v1  }
0x1eb: {  	v1 =	vld [tilespmem:s25+$0xC23];
	_ =	sdelay $0x4  }
0x1ec: {  	[tilespmem:s21+$0x1530] =	vst v1  }
0x1ed: {  	v1 =	vld [tilespmem:s25+$0xC33];
	_ =	sdelay $0x4  }
0x1ee: {  	[tilespmem:s21+$0x1540] =	vst v1  }
0x1ef: {  	v1 =	vld [tilespmem:s25+$0xC43];
	_ =	sdelay $0x4  }
0x1f0: {  	[tilespmem:s21+$0x1550] =	vst v1  }
0x1f1: {  	v1 =	vld [tilespmem:s25+$0xC53];
	_ =	sdelay $0x4  }
0x1f2: {  	[tilespmem:s21+$0x1560] =	vst v1  }
0x1f3: {  	v1 =	vld [tilespmem:s25+$0xC63];
	_ =	sdelay $0x4  }
0x1f4: {  	[tilespmem:s21+$0x1570] =	vst v1  }
0x1f5: {  	v1 =	vld [tilespmem:s25+$0xC73];
	_ =	sdelay $0x4  }
0x1f6: {  	[tilespmem:s21+$0x1580] =	vst v1  }
0x1f7: {  	v1 =	vld [tilespmem:s25+$0xC83];
	_ =	sdelay $0x4  }
0x1f8: {  	[tilespmem:s21+$0x1590] =	vst v1  }
0x1f9: {  	v1 =	vld [tilespmem:s25+$0xC93];
	_ =	sdelay $0x4  }
0x1fa: {  	[tilespmem:s21+$0x15A0] =	vst v1  }
0x1fb: {  	v1 =	vld [tilespmem:s25+$0xCA3];
	_ =	sdelay $0x4  }
0x1fc: {  	[tilespmem:s21+$0x15B0] =	vst v1  }
0x1fd: {  	v1 =	vld [tilespmem:s25+$0xCB3];
	_ =	sdelay $0x4  }
0x1fe: {  	[tilespmem:s21+$0x15C0] =	vst v1  }
0x1ff: {  	v1 =	vld [tilespmem:s25+$0xCC3];
	_ =	sdelay $0x4  }
0x200: {  	[tilespmem:s21+$0x15D0] =	vst v1  }
0x201: {  	v1 =	vld [tilespmem:s25+$0xCD3];
	_ =	sdelay $0x4  }
0x202: {  	[tilespmem:s21+$0x15E0] =	vst v1  }
0x203: {  	v1 =	vld [tilespmem:s25+$0xCE3];
	_ =	sdelay $0x4  }
0x204: {  	[tilespmem:s21+$0x15F0] =	vst v1  }
0x205: {  	v1 =	vld [tilespmem:s25+$0xCF3];
	_ =	sdelay $0x4  }
0x206: {  	[tilespmem:s21+$0x1600] =	vst v1  }
0x207: {  	v1 =	vld [tilespmem:s25+$0xD03];
	_ =	sdelay $0x4  }
0x208: {  	[tilespmem:s21+$0x1610] =	vst v1  }
0x209: {  	v1 =	vld [tilespmem:s25+$0xD13];
	_ =	sdelay $0x3  }
0x20a: {  	s30 =	sadd.s32 $0xFA, s24  }
0x20b: {  	s25 =	sand.u32 $0xFFFFFFF8, s30;
	[tilespmem:s21+$0x1620] =	vst v1  }
0x20c: {  	v1 =	vld [tilespmem:s25+$0xC12];
	_ =	sdelay $0x4  }
0x20d: {  	[tilespmem:s21+$0x16A0] =	vst v1  }
0x20e: {  	v1 =	vld [tilespmem:s25+$0xC22];
	_ =	sdelay $0x4  }
0x20f: {  	[tilespmem:s21+$0x16B0] =	vst v1  }
0x210: {  	v1 =	vld [tilespmem:s25+$0xC32];
	_ =	sdelay $0x4  }
0x211: {  	[tilespmem:s21+$0x16C0] =	vst v1  }
0x212: {  	v1 =	vld [tilespmem:s25+$0xC42];
	_ =	sdelay $0x4  }
0x213: {  	[tilespmem:s21+$0x16D0] =	vst v1  }
0x214: {  	v1 =	vld [tilespmem:s25+$0xC52];
	_ =	sdelay $0x4  }
0x215: {  	[tilespmem:s21+$0x16E0] =	vst v1  }
0x216: {  	v1 =	vld [tilespmem:s25+$0xC62];
	_ =	sdelay $0x4  }
0x217: {  	[tilespmem:s21+$0x16F0] =	vst v1  }
0x218: {  	v1 =	vld [tilespmem:s25+$0xC72];
	_ =	sdelay $0x4  }
0x219: {  	[tilespmem:s21+$0x1700] =	vst v1  }
0x21a: {  	v1 =	vld [tilespmem:s25+$0xC82];
	_ =	sdelay $0x4  }
0x21b: {  	[tilespmem:s21+$0x1710] =	vst v1  }
0x21c: {  	v1 =	vld [tilespmem:s25+$0xC92];
	_ =	sdelay $0x4  }
0x21d: {  	[tilespmem:s21+$0x1720] =	vst v1  }
0x21e: {  	v1 =	vld [tilespmem:s25+$0xCA2];
	_ =	sdelay $0x4  }
0x21f: {  	[tilespmem:s21+$0x1730] =	vst v1  }
0x220: {  	v1 =	vld [tilespmem:s25+$0xCB2];
	_ =	sdelay $0x4  }
0x221: {  	[tilespmem:s21+$0x1740] =	vst v1  }
0x222: {  	v1 =	vld [tilespmem:s25+$0xCC2];
	_ =	sdelay $0x4  }
0x223: {  	[tilespmem:s21+$0x1750] =	vst v1  }
0x224: {  	v1 =	vld [tilespmem:s25+$0xCD2];
	_ =	sdelay $0x4  }
0x225: {  	[tilespmem:s21+$0x1760] =	vst v1  }
0x226: {  	v1 =	vld [tilespmem:s25+$0xCE2];
	_ =	sdelay $0x4  }
0x227: {  	[tilespmem:s21+$0x1770] =	vst v1  }
0x228: {  	v1 =	vld [tilespmem:s25+$0xCF2];
	_ =	sdelay $0x4  }
0x229: {  	[tilespmem:s21+$0x1780] =	vst v1  }
0x22a: {  	v1 =	vld [tilespmem:s25+$0xD02];
	_ =	sdelay $0x4  }
0x22b: {  	[tilespmem:s21+$0x1790] =	vst v1  }
0x22c: {  	v1 =	vld [tilespmem:s25+$0xD12];
	_ =	sdelay $0x3  }
0x22d: {  	s24 =	sadd.s32 $0xF9, s24  }
0x22e: {  	s24 =	sand.u32 $0xFFFFFFF8, s24;
	[tilespmem:s21+$0x17A0] =	vst v1  }
0x22f: {  	v1 =	vld [tilespmem:s24+$0xC11];
	_ =	sdelay $0x4  }
0x230: {  	[tilespmem:s21+$0x1820] =	vst v1  }
0x231: {  	v1 =	vld [tilespmem:s24+$0xC21];
	_ =	sdelay $0x4  }
0x232: {  	[tilespmem:s21+$0x1830] =	vst v1  }
0x233: {  	v1 =	vld [tilespmem:s24+$0xC31];
	_ =	sdelay $0x4  }
0x234: {  	[tilespmem:s21+$0x1840] =	vst v1  }
0x235: {  	v1 =	vld [tilespmem:s24+$0xC41];
	_ =	sdelay $0x4  }
0x236: {  	[tilespmem:s21+$0x1850] =	vst v1  }
0x237: {  	v1 =	vld [tilespmem:s24+$0xC51];
	_ =	sdelay $0x4  }
0x238: {  	[tilespmem:s21+$0x1860] =	vst v1  }
0x239: {  	v1 =	vld [tilespmem:s24+$0xC61];
	_ =	sdelay $0x4  }
0x23a: {  	[tilespmem:s21+$0x1870] =	vst v1  }
0x23b: {  	v1 =	vld [tilespmem:s24+$0xC71];
	_ =	sdelay $0x4  }
0x23c: {  	[tilespmem:s21+$0x1880] =	vst v1  }
0x23d: {  	v1 =	vld [tilespmem:s24+$0xC81];
	_ =	sdelay $0x4  }
0x23e: {  	[tilespmem:s21+$0x1890] =	vst v1  }
0x23f: {  	v1 =	vld [tilespmem:s24+$0xC91];
	_ =	sdelay $0x4  }
0x240: {  	[tilespmem:s21+$0x18A0] =	vst v1  }
0x241: {  	v1 =	vld [tilespmem:s24+$0xCA1];
	_ =	sdelay $0x4  }
0x242: {  	[tilespmem:s21+$0x18B0] =	vst v1  }
0x243: {  	v1 =	vld [tilespmem:s24+$0xCB1];
	_ =	sdelay $0x4  }
0x244: {  	[tilespmem:s21+$0x18C0] =	vst v1  }
0x245: {  	v1 =	vld [tilespmem:s24+$0xCC1];
	_ =	sdelay $0x4  }
0x246: {  	[tilespmem:s21+$0x18D0] =	vst v1  }
0x247: {  	v1 =	vld [tilespmem:s24+$0xCD1];
	_ =	sdelay $0x4  }
0x248: {  	[tilespmem:s21+$0x18E0] =	vst v1  }
0x249: {  	v1 =	vld [tilespmem:s24+$0xCE1];
	_ =	sdelay $0x4  }
0x24a: {  	[tilespmem:s21+$0x18F0] =	vst v1  }
0x24b: {  	v1 =	vld [tilespmem:s24+$0xCF1];
	_ =	sdelay $0x4  }
0x24c: {  	[tilespmem:s21+$0x1900] =	vst v1  }
0x24d: {  	v1 =	vld [tilespmem:s24+$0xD01];
	_ =	sdelay $0x4  }
0x24e: {  	[tilespmem:s21+$0x1910] =	vst v1  }
0x24f: {  	s23 =	sadd.s32 $0x8, s23;
	v1 =	vld [tilespmem:s24+$0xD11]  }
0x250: {  	s23 =	sand.u32 $0xFFFFFFF0, s23  }
0x251: {  	p0 =	sgt.s32 s23, $0x0  }
0x252: {  	s23 =	simm.s32 @!p0 $0x0  }
0x253: {  	s23 =	smin.u32 s23, $0x70  }
0x254: {  	s31 =	sadd.s32 s22, s23;
	[tilespmem:s21+$0x1920] =	vst v1  }
0x255: {  	v1 =	vld [tilespmem:s31+$0xD08];
	_ =	sdelay $0x4  }
0x256: {  	[tilespmem:s23+$0x19A0] =	vst v1  }
0x257: {  	v1 =	vld [tilespmem:s31+$0xD18];
	_ =	sdelay $0x4  }
0x258: {  	[tilespmem:s23+$0x19B0] =	vst v1  }
0x259: {  	v1 =	vld [tilespmem:s31+$0xD28];
	_ =	sdelay $0x4  }
0x25a: {  	[tilespmem:s23+$0x19C0] =	vst v1  }
0x25b: {  	v1 =	vld [tilespmem:s31+$0xD38];
	_ =	sdelay $0x4  }
0x25c: {  	[tilespmem:s23+$0x19D0] =	vst v1  }
0x25d: {  	v1 =	vld [tilespmem:s31+$0xD48];
	_ =	sdelay $0x4  }
0x25e: {  	[tilespmem:s23+$0x19E0] =	vst v1  }
0x25f: {  	v1 =	vld [tilespmem:s31+$0xD58];
	_ =	sdelay $0x4  }
0x260: {  	[tilespmem:s23+$0x19F0] =	vst v1  }
0x261: {  	v1 =	vld [tilespmem:s31+$0xD68];
	_ =	sdelay $0x4  }
0x262: {  	[tilespmem:s23+$0x1A00] =	vst v1  }
0x263: {  	v1 =	vld [tilespmem:s31+$0xD78];
	_ =	sdelay $0x4  }
0x264: {  	[tilespmem:s23+$0x1A10] =	vst v1  }
0x265: {  	v1 =	vld [tilespmem:s31+$0xD88];
	_ =	sdelay $0x4  }
0x266: {  	[tilespmem:s23+$0x1A20] =	vst v1  }
0x267: {  	v1 =	vld [tilespmem:s31+$0xD98];
	_ =	sdelay $0x4  }
0x268: {  	[tilespmem:s23+$0x1A30] =	vst v1  }
0x269: {  	v1 =	vld [tilespmem:s31+$0xDA8];
	_ =	sdelay $0x4  }
0x26a: {  	[tilespmem:s23+$0x1A40] =	vst v1  }
0x26b: {  	v1 =	vld [tilespmem:s31+$0xDB8];
	_ =	sdelay $0x4  }
0x26c: {  	[tilespmem:s23+$0x1A50] =	vst v1  }
0x26d: {  	v1 =	vld [tilespmem:s31+$0xDC8];
	_ =	sdelay $0x4  }
0x26e: {  	[tilespmem:s23+$0x1A60] =	vst v1  }
0x26f: {  	v1 =	vld [tilespmem:s31+$0xDD8];
	_ =	sdelay $0x4  }
0x270: {  	[tilespmem:s23+$0x1A70] =	vst v1  }
0x271: {  	v1 =	vld [tilespmem:s31+$0xDE8];
	_ =	sdelay $0x4  }
0x272: {  	[tilespmem:s23+$0x1A80] =	vst v1  }
0x273: {  	v1 =	vld [tilespmem:s31+$0xDF8];
	_ =	sdelay $0x4  }
0x274: {  	[tilespmem:s23+$0x1A90] =	vst v1  }
0x275: {  	s18 =	sadd.s32 $0x1, s18;
	s19 =	sshll.u32 s19, $0x8;
	v1 =	vld [tilespmem:s31+$0xE08]  }
0x276: {  	s19 =	sand.u32 $0x3800, s19;
	p0 =	sne.s32 s18, $0x18  }
.Ltmp4:
0x277: {  	s19 =	sor.u32 s19, s20;
	(pc) =	sbr.rel @!p0 .LBB2_9-.Ltmp4, $3  }
0x278: {  	s19 =	smul.u32 $0x30, s19;
	_ =	sdelay $0x1  }
0x279: {  	s19 =	sadd.s32 s5, s19;
	[tilespmem:s23+$0x1AA0] =	vst v1  }
0x27a: {  	[hbm4b:s19+s2] =	stream.linear.scatter [tilespmem:s13], [sflag:$0x1], $0xC00, $0x38;
	[tilespmem:$0x2760] =	vst v63  }
.LBB2_4:
0x27b: {  	s19 =	sshll.u32 s18, $0x6  }
0x27c: {  	s19 =	sand.u32 $0xC0, s19  }
0x27d: {  	s19 =	sor.u32 s19, s3  }
0x27e: {  	s22 =	sshll.u32 s19, $0x3  }
0x27f: {  	s19 =	sor.u32 $0x100, s22  }
0x280: {  	s20 =	sand.u32 $0x780, s19  }
0x281: {  	s23 =	smin.u32 s20, $0x700  }
0x282: {  	s20 =	ssub.s32 s19, s23  }
0x283: {  	p0 =	seq.s32 s18, $0x0;
	s21 =	sand.u32 $0xFFFFFFF0, s20  }
0x284: {  	s24 =	simm.s32 @!p0 $0x2;
	p1 =	sgt.s32 s21, $0x0  }
0x285: {  	_ =	swait.ge @!p0 [sflag:s24], $0xC00;
	s21 =	simm.s32 @!p1 $0x0  }
0x286: {  	[sflag:s24] =	ssyncset.done @!p0 $0x0;
	s22 =	ssub.s32 s23, s22;
	s21 =	smin.u32 s21, $0x70  }
0x287: {  	[sflag:s24] =	ssyncadd.s32 @!p0 $0xFFFFF400;
	s23 =	sadd.s32 s21, s22  }
0x288: {  	v1 =	vld [tilespmem:s23+$0xC0F];
	_ =	sdelay $0x4  }
0x289: {  	[tilespmem:s21+$0x1B40] =	vst v1  }
0x28a: {  	v1 =	vld [tilespmem:s23+$0xC1F];
	_ =	sdelay $0x4  }
0x28b: {  	[tilespmem:s21+$0x1B50] =	vst v1  }
0x28c: {  	v1 =	vld [tilespmem:s23+$0xC2F];
	_ =	sdelay $0x4  }
0x28d: {  	[tilespmem:s21+$0x1B60] =	vst v1  }
0x28e: {  	v1 =	vld [tilespmem:s23+$0xC3F];
	_ =	sdelay $0x4  }
0x28f: {  	[tilespmem:s21+$0x1B70] =	vst v1  }
0x290: {  	v1 =	vld [tilespmem:s23+$0xC4F];
	_ =	sdelay $0x4  }
0x291: {  	[tilespmem:s21+$0x1B80] =	vst v1  }
0x292: {  	v1 =	vld [tilespmem:s23+$0xC5F];
	_ =	sdelay $0x4  }
0x293: {  	[tilespmem:s21+$0x1B90] =	vst v1  }
0x294: {  	v1 =	vld [tilespmem:s23+$0xC6F];
	_ =	sdelay $0x4  }
0x295: {  	[tilespmem:s21+$0x1BA0] =	vst v1  }
0x296: {  	v1 =	vld [tilespmem:s23+$0xC7F];
	_ =	sdelay $0x4  }
0x297: {  	[tilespmem:s21+$0x1BB0] =	vst v1  }
0x298: {  	v1 =	vld [tilespmem:s23+$0xC8F];
	_ =	sdelay $0x4  }
0x299: {  	[tilespmem:s21+$0x1BC0] =	vst v1  }
0x29a: {  	v1 =	vld [tilespmem:s23+$0xC9F];
	_ =	sdelay $0x4  }
0x29b: {  	[tilespmem:s21+$0x1BD0] =	vst v1  }
0x29c: {  	v1 =	vld [tilespmem:s23+$0xCAF];
	_ =	sdelay $0x4  }
0x29d: {  	[tilespmem:s21+$0x1BE0] =	vst v1  }
0x29e: {  	v1 =	vld [tilespmem:s23+$0xCBF];
	_ =	sdelay $0x4  }
0x29f: {  	[tilespmem:s21+$0x1BF0] =	vst v1  }
0x2a0: {  	v1 =	vld [tilespmem:s23+$0xCCF];
	_ =	sdelay $0x4  }
0x2a1: {  	[tilespmem:s21+$0x1C00] =	vst v1  }
0x2a2: {  	v1 =	vld [tilespmem:s23+$0xCDF];
	_ =	sdelay $0x4  }
0x2a3: {  	[tilespmem:s21+$0x1C10] =	vst v1  }
0x2a4: {  	v1 =	vld [tilespmem:s23+$0xCEF];
	_ =	sdelay $0x4  }
0x2a5: {  	[tilespmem:s21+$0x1C20] =	vst v1  }
0x2a6: {  	v1 =	vld [tilespmem:s23+$0xCFF];
	_ =	sdelay $0x4  }
0x2a7: {  	[tilespmem:s21+$0x1C30] =	vst v1  }
0x2a8: {  	v1 =	vld [tilespmem:s23+$0xD0F];
	_ =	sdelay $0x3  }
0x2a9: {  	s22 =	sadd.s32 $0xC08, s22  }
0x2aa: {  	s25 =	sadd.s32 s21, s22;
	[tilespmem:s21+$0x1C40] =	vst v1  }
0x2ab: {  	v1 =	vld [tilespmem:s25+$0x6];
	_ =	sdelay $0x4  }
0x2ac: {  	[tilespmem:s21+$0x1CC0] =	vst v1  }
0x2ad: {  	v1 =	vld [tilespmem:s25+$0x16];
	_ =	sdelay $0x4  }
0x2ae: {  	[tilespmem:s21+$0x1CD0] =	vst v1  }
0x2af: {  	v1 =	vld [tilespmem:s25+$0x26];
	_ =	sdelay $0x4  }
0x2b0: {  	[tilespmem:s21+$0x1CE0] =	vst v1  }
0x2b1: {  	v1 =	vld [tilespmem:s25+$0x36];
	_ =	sdelay $0x4  }
0x2b2: {  	[tilespmem:s21+$0x1CF0] =	vst v1  }
0x2b3: {  	v1 =	vld [tilespmem:s25+$0x46];
	_ =	sdelay $0x4  }
0x2b4: {  	[tilespmem:s21+$0x1D00] =	vst v1  }
0x2b5: {  	v1 =	vld [tilespmem:s25+$0x56];
	_ =	sdelay $0x4  }
0x2b6: {  	[tilespmem:s21+$0x1D10] =	vst v1  }
0x2b7: {  	v1 =	vld [tilespmem:s25+$0x66];
	_ =	sdelay $0x4  }
0x2b8: {  	[tilespmem:s21+$0x1D20] =	vst v1  }
0x2b9: {  	v1 =	vld [tilespmem:s25+$0x76];
	_ =	sdelay $0x4  }
0x2ba: {  	[tilespmem:s21+$0x1D30] =	vst v1  }
0x2bb: {  	v1 =	vld [tilespmem:s25+$0x86];
	_ =	sdelay $0x4  }
0x2bc: {  	[tilespmem:s21+$0x1D40] =	vst v1  }
0x2bd: {  	v1 =	vld [tilespmem:s25+$0x96];
	_ =	sdelay $0x4  }
0x2be: {  	[tilespmem:s21+$0x1D50] =	vst v1  }
0x2bf: {  	v1 =	vld [tilespmem:s25+$0xA6];
	_ =	sdelay $0x4  }
0x2c0: {  	[tilespmem:s21+$0x1D60] =	vst v1  }
0x2c1: {  	v1 =	vld [tilespmem:s25+$0xB6];
	_ =	sdelay $0x4  }
0x2c2: {  	[tilespmem:s21+$0x1D70] =	vst v1  }
0x2c3: {  	v1 =	vld [tilespmem:s25+$0xC6];
	_ =	sdelay $0x4  }
0x2c4: {  	[tilespmem:s21+$0x1D80] =	vst v1  }
0x2c5: {  	v1 =	vld [tilespmem:s25+$0xD6];
	_ =	sdelay $0x4  }
0x2c6: {  	[tilespmem:s21+$0x1D90] =	vst v1  }
0x2c7: {  	v1 =	vld [tilespmem:s25+$0xE6];
	_ =	sdelay $0x4  }
0x2c8: {  	[tilespmem:s21+$0x1DA0] =	vst v1  }
0x2c9: {  	v1 =	vld [tilespmem:s25+$0xF6];
	_ =	sdelay $0x4  }
0x2ca: {  	[tilespmem:s21+$0x1DB0] =	vst v1  }
0x2cb: {  	v1 =	vld [tilespmem:s25+$0x106];
	_ =	sdelay $0x4  }
0x2cc: {  	[tilespmem:s21+$0x1DC0] =	vst v1  }
0x2cd: {  	v1 =	vld [tilespmem:s25+$0x5];
	_ =	sdelay $0x4  }
0x2ce: {  	[tilespmem:s21+$0x1E40] =	vst v1  }
0x2cf: {  	v1 =	vld [tilespmem:s25+$0x15];
	_ =	sdelay $0x4  }
0x2d0: {  	[tilespmem:s21+$0x1E50] =	vst v1  }
0x2d1: {  	v1 =	vld [tilespmem:s25+$0x25];
	_ =	sdelay $0x4  }
0x2d2: {  	[tilespmem:s21+$0x1E60] =	vst v1  }
0x2d3: {  	v1 =	vld [tilespmem:s25+$0x35];
	_ =	sdelay $0x4  }
0x2d4: {  	[tilespmem:s21+$0x1E70] =	vst v1  }
0x2d5: {  	v1 =	vld [tilespmem:s25+$0x45];
	_ =	sdelay $0x4  }
0x2d6: {  	[tilespmem:s21+$0x1E80] =	vst v1  }
0x2d7: {  	v1 =	vld [tilespmem:s25+$0x55];
	_ =	sdelay $0x4  }
0x2d8: {  	[tilespmem:s21+$0x1E90] =	vst v1  }
0x2d9: {  	v1 =	vld [tilespmem:s25+$0x65];
	_ =	sdelay $0x4  }
0x2da: {  	[tilespmem:s21+$0x1EA0] =	vst v1  }
0x2db: {  	v1 =	vld [tilespmem:s25+$0x75];
	_ =	sdelay $0x4  }
0x2dc: {  	[tilespmem:s21+$0x1EB0] =	vst v1  }
0x2dd: {  	v1 =	vld [tilespmem:s25+$0x85];
	_ =	sdelay $0x4  }
0x2de: {  	[tilespmem:s21+$0x1EC0] =	vst v1  }
0x2df: {  	v1 =	vld [tilespmem:s25+$0x95];
	_ =	sdelay $0x4  }
0x2e0: {  	[tilespmem:s21+$0x1ED0] =	vst v1  }
0x2e1: {  	v1 =	vld [tilespmem:s25+$0xA5];
	_ =	sdelay $0x4  }
0x2e2: {  	[tilespmem:s21+$0x1EE0] =	vst v1  }
0x2e3: {  	v1 =	vld [tilespmem:s25+$0xB5];
	_ =	sdelay $0x4  }
0x2e4: {  	[tilespmem:s21+$0x1EF0] =	vst v1  }
0x2e5: {  	v1 =	vld [tilespmem:s25+$0xC5];
	_ =	sdelay $0x4  }
0x2e6: {  	[tilespmem:s21+$0x1F00] =	vst v1  }
0x2e7: {  	v1 =	vld [tilespmem:s25+$0xD5];
	_ =	sdelay $0x4  }
0x2e8: {  	[tilespmem:s21+$0x1F10] =	vst v1  }
0x2e9: {  	v1 =	vld [tilespmem:s25+$0xE5];
	_ =	sdelay $0x4  }
0x2ea: {  	[tilespmem:s21+$0x1F20] =	vst v1  }
0x2eb: {  	v1 =	vld [tilespmem:s25+$0xF5];
	_ =	sdelay $0x4  }
0x2ec: {  	[tilespmem:s21+$0x1F30] =	vst v1  }
0x2ed: {  	v1 =	vld [tilespmem:s25+$0x105];
	_ =	sdelay $0x4  }
0x2ee: {  	[tilespmem:s21+$0x1F40] =	vst v1  }
0x2ef: {  	v1 =	vld [tilespmem:s25+$0x4];
	_ =	sdelay $0x4  }
0x2f0: {  	[tilespmem:s21+$0x1FC0] =	vst v1  }
0x2f1: {  	v1 =	vld [tilespmem:s25+$0x14];
	_ =	sdelay $0x4  }
0x2f2: {  	[tilespmem:s21+$0x1FD0] =	vst v1  }
0x2f3: {  	v1 =	vld [tilespmem:s25+$0x24];
	_ =	sdelay $0x4  }
0x2f4: {  	[tilespmem:s21+$0x1FE0] =	vst v1  }
0x2f5: {  	v1 =	vld [tilespmem:s25+$0x34];
	_ =	sdelay $0x4  }
0x2f6: {  	[tilespmem:s21+$0x1FF0] =	vst v1  }
0x2f7: {  	v1 =	vld [tilespmem:s25+$0x44];
	_ =	sdelay $0x4  }
0x2f8: {  	[tilespmem:s21+$0x2000] =	vst v1  }
0x2f9: {  	v1 =	vld [tilespmem:s25+$0x54];
	_ =	sdelay $0x4  }
0x2fa: {  	[tilespmem:s21+$0x2010] =	vst v1  }
0x2fb: {  	v1 =	vld [tilespmem:s25+$0x64];
	_ =	sdelay $0x4  }
0x2fc: {  	[tilespmem:s21+$0x2020] =	vst v1  }
0x2fd: {  	v1 =	vld [tilespmem:s25+$0x74];
	_ =	sdelay $0x4  }
0x2fe: {  	[tilespmem:s21+$0x2030] =	vst v1  }
0x2ff: {  	v1 =	vld [tilespmem:s25+$0x84];
	_ =	sdelay $0x4  }
0x300: {  	[tilespmem:s21+$0x2040] =	vst v1  }
0x301: {  	v1 =	vld [tilespmem:s25+$0x94];
	_ =	sdelay $0x4  }
0x302: {  	[tilespmem:s21+$0x2050] =	vst v1  }
0x303: {  	v1 =	vld [tilespmem:s25+$0xA4];
	_ =	sdelay $0x4  }
0x304: {  	[tilespmem:s21+$0x2060] =	vst v1  }
0x305: {  	v1 =	vld [tilespmem:s25+$0xB4];
	_ =	sdelay $0x4  }
0x306: {  	[tilespmem:s21+$0x2070] =	vst v1  }
0x307: {  	v1 =	vld [tilespmem:s25+$0xC4];
	_ =	sdelay $0x4  }
0x308: {  	[tilespmem:s21+$0x2080] =	vst v1  }
0x309: {  	v1 =	vld [tilespmem:s25+$0xD4];
	_ =	sdelay $0x4  }
0x30a: {  	[tilespmem:s21+$0x2090] =	vst v1  }
0x30b: {  	v1 =	vld [tilespmem:s25+$0xE4];
	_ =	sdelay $0x4  }
0x30c: {  	[tilespmem:s21+$0x20A0] =	vst v1  }
0x30d: {  	v1 =	vld [tilespmem:s25+$0xF4];
	_ =	sdelay $0x4  }
0x30e: {  	[tilespmem:s21+$0x20B0] =	vst v1  }
0x30f: {  	v1 =	vld [tilespmem:s25+$0x104];
	_ =	sdelay $0x4  }
0x310: {  	[tilespmem:s21+$0x20C0] =	vst v1  }
0x311: {  	v1 =	vld [tilespmem:s25+$0x3];
	_ =	sdelay $0x4  }
0x312: {  	[tilespmem:s21+$0x2140] =	vst v1  }
0x313: {  	v1 =	vld [tilespmem:s25+$0x13];
	_ =	sdelay $0x4  }
0x314: {  	[tilespmem:s21+$0x2150] =	vst v1  }
0x315: {  	v1 =	vld [tilespmem:s25+$0x23];
	_ =	sdelay $0x4  }
0x316: {  	[tilespmem:s21+$0x2160] =	vst v1  }
0x317: {  	v1 =	vld [tilespmem:s25+$0x33];
	_ =	sdelay $0x4  }
0x318: {  	[tilespmem:s21+$0x2170] =	vst v1  }
0x319: {  	v1 =	vld [tilespmem:s25+$0x43];
	_ =	sdelay $0x4  }
0x31a: {  	[tilespmem:s21+$0x2180] =	vst v1  }
0x31b: {  	v1 =	vld [tilespmem:s25+$0x53];
	_ =	sdelay $0x4  }
0x31c: {  	[tilespmem:s21+$0x2190] =	vst v1  }
0x31d: {  	v1 =	vld [tilespmem:s25+$0x63];
	_ =	sdelay $0x4  }
0x31e: {  	[tilespmem:s21+$0x21A0] =	vst v1  }
0x31f: {  	v1 =	vld [tilespmem:s25+$0x73];
	_ =	sdelay $0x4  }
0x320: {  	[tilespmem:s21+$0x21B0] =	vst v1  }
0x321: {  	v1 =	vld [tilespmem:s25+$0x83];
	_ =	sdelay $0x4  }
0x322: {  	[tilespmem:s21+$0x21C0] =	vst v1  }
0x323: {  	v1 =	vld [tilespmem:s25+$0x93];
	_ =	sdelay $0x4  }
0x324: {  	[tilespmem:s21+$0x21D0] =	vst v1  }
0x325: {  	v1 =	vld [tilespmem:s25+$0xA3];
	_ =	sdelay $0x4  }
0x326: {  	[tilespmem:s21+$0x21E0] =	vst v1  }
0x327: {  	v1 =	vld [tilespmem:s25+$0xB3];
	_ =	sdelay $0x4  }
0x328: {  	[tilespmem:s21+$0x21F0] =	vst v1  }
0x329: {  	v1 =	vld [tilespmem:s25+$0xC3];
	_ =	sdelay $0x4  }
0x32a: {  	[tilespmem:s21+$0x2200] =	vst v1  }
0x32b: {  	v1 =	vld [tilespmem:s25+$0xD3];
	_ =	sdelay $0x4  }
0x32c: {  	[tilespmem:s21+$0x2210] =	vst v1  }
0x32d: {  	v1 =	vld [tilespmem:s25+$0xE3];
	_ =	sdelay $0x4  }
0x32e: {  	[tilespmem:s21+$0x2220] =	vst v1  }
0x32f: {  	v1 =	vld [tilespmem:s25+$0xF3];
	_ =	sdelay $0x4  }
0x330: {  	[tilespmem:s21+$0x2230] =	vst v1  }
0x331: {  	v1 =	vld [tilespmem:s25+$0x103];
	_ =	sdelay $0x4  }
0x332: {  	[tilespmem:s21+$0x2240] =	vst v1  }
0x333: {  	v1 =	vld [tilespmem:s25+$0x2];
	_ =	sdelay $0x4  }
0x334: {  	[tilespmem:s21+$0x22C0] =	vst v1  }
0x335: {  	v1 =	vld [tilespmem:s25+$0x12];
	_ =	sdelay $0x4  }
0x336: {  	[tilespmem:s21+$0x22D0] =	vst v1  }
0x337: {  	v1 =	vld [tilespmem:s25+$0x22];
	_ =	sdelay $0x4  }
0x338: {  	[tilespmem:s21+$0x22E0] =	vst v1  }
0x339: {  	v1 =	vld [tilespmem:s25+$0x32];
	_ =	sdelay $0x4  }
0x33a: {  	[tilespmem:s21+$0x22F0] =	vst v1  }
0x33b: {  	v1 =	vld [tilespmem:s25+$0x42];
	_ =	sdelay $0x4  }
0x33c: {  	[tilespmem:s21+$0x2300] =	vst v1  }
0x33d: {  	v1 =	vld [tilespmem:s25+$0x52];
	_ =	sdelay $0x4  }
0x33e: {  	[tilespmem:s21+$0x2310] =	vst v1  }
0x33f: {  	v1 =	vld [tilespmem:s25+$0x62];
	_ =	sdelay $0x4  }
0x340: {  	[tilespmem:s21+$0x2320] =	vst v1  }
0x341: {  	v1 =	vld [tilespmem:s25+$0x72];
	_ =	sdelay $0x4  }
0x342: {  	[tilespmem:s21+$0x2330] =	vst v1  }
0x343: {  	v1 =	vld [tilespmem:s25+$0x82];
	_ =	sdelay $0x4  }
0x344: {  	[tilespmem:s21+$0x2340] =	vst v1  }
0x345: {  	v1 =	vld [tilespmem:s25+$0x92];
	_ =	sdelay $0x4  }
0x346: {  	[tilespmem:s21+$0x2350] =	vst v1  }
0x347: {  	v1 =	vld [tilespmem:s25+$0xA2];
	_ =	sdelay $0x4  }
0x348: {  	[tilespmem:s21+$0x2360] =	vst v1  }
0x349: {  	v1 =	vld [tilespmem:s25+$0xB2];
	_ =	sdelay $0x4  }
0x34a: {  	[tilespmem:s21+$0x2370] =	vst v1  }
0x34b: {  	v1 =	vld [tilespmem:s25+$0xC2];
	_ =	sdelay $0x4  }
0x34c: {  	[tilespmem:s21+$0x2380] =	vst v1  }
0x34d: {  	v1 =	vld [tilespmem:s25+$0xD2];
	_ =	sdelay $0x4  }
0x34e: {  	[tilespmem:s21+$0x2390] =	vst v1  }
0x34f: {  	v1 =	vld [tilespmem:s25+$0xE2];
	_ =	sdelay $0x4  }
0x350: {  	[tilespmem:s21+$0x23A0] =	vst v1  }
0x351: {  	v1 =	vld [tilespmem:s25+$0xF2];
	_ =	sdelay $0x4  }
0x352: {  	[tilespmem:s21+$0x23B0] =	vst v1  }
0x353: {  	v1 =	vld [tilespmem:s25+$0x102];
	_ =	sdelay $0x4  }
0x354: {  	[tilespmem:s21+$0x23C0] =	vst v1  }
0x355: {  	v1 =	vld [tilespmem:s25+$0x1];
	_ =	sdelay $0x4  }
0x356: {  	[tilespmem:s21+$0x2440] =	vst v1  }
0x357: {  	v1 =	vld [tilespmem:s25+$0x11];
	_ =	sdelay $0x4  }
0x358: {  	[tilespmem:s21+$0x2450] =	vst v1  }
0x359: {  	v1 =	vld [tilespmem:s25+$0x21];
	_ =	sdelay $0x4  }
0x35a: {  	[tilespmem:s21+$0x2460] =	vst v1  }
0x35b: {  	v1 =	vld [tilespmem:s25+$0x31];
	_ =	sdelay $0x4  }
0x35c: {  	[tilespmem:s21+$0x2470] =	vst v1  }
0x35d: {  	v1 =	vld [tilespmem:s25+$0x41];
	_ =	sdelay $0x4  }
0x35e: {  	[tilespmem:s21+$0x2480] =	vst v1  }
0x35f: {  	v1 =	vld [tilespmem:s25+$0x51];
	_ =	sdelay $0x4  }
0x360: {  	[tilespmem:s21+$0x2490] =	vst v1  }
0x361: {  	v1 =	vld [tilespmem:s25+$0x61];
	_ =	sdelay $0x4  }
0x362: {  	[tilespmem:s21+$0x24A0] =	vst v1  }
0x363: {  	v1 =	vld [tilespmem:s25+$0x71];
	_ =	sdelay $0x4  }
0x364: {  	[tilespmem:s21+$0x24B0] =	vst v1  }
0x365: {  	v1 =	vld [tilespmem:s25+$0x81];
	_ =	sdelay $0x4  }
0x366: {  	[tilespmem:s21+$0x24C0] =	vst v1  }
0x367: {  	v1 =	vld [tilespmem:s25+$0x91];
	_ =	sdelay $0x4  }
0x368: {  	[tilespmem:s21+$0x24D0] =	vst v1  }
0x369: {  	v1 =	vld [tilespmem:s25+$0xA1];
	_ =	sdelay $0x4  }
0x36a: {  	[tilespmem:s21+$0x24E0] =	vst v1  }
0x36b: {  	v1 =	vld [tilespmem:s25+$0xB1];
	_ =	sdelay $0x4  }
0x36c: {  	[tilespmem:s21+$0x24F0] =	vst v1  }
0x36d: {  	v1 =	vld [tilespmem:s25+$0xC1];
	_ =	sdelay $0x4  }
0x36e: {  	[tilespmem:s21+$0x2500] =	vst v1  }
0x36f: {  	v1 =	vld [tilespmem:s25+$0xD1];
	_ =	sdelay $0x4  }
0x370: {  	[tilespmem:s21+$0x2510] =	vst v1  }
0x371: {  	v1 =	vld [tilespmem:s25+$0xE1];
	_ =	sdelay $0x4  }
0x372: {  	[tilespmem:s21+$0x2520] =	vst v1  }
0x373: {  	v1 =	vld [tilespmem:s25+$0xF1];
	_ =	sdelay $0x4  }
0x374: {  	[tilespmem:s21+$0x2530] =	vst v1  }
0x375: {  	s20 =	sadd.s32 $0x8, s20;
	v1 =	vld [tilespmem:s25+$0x101]  }
0x376: {  	s20 =	sand.u32 $0xFFFFFFF0, s20  }
0x377: {  	p0 =	sgt.s32 s20, $0x0  }
0x378: {  	s20 =	simm.s32 @!p0 $0x0  }
0x379: {  	s20 =	smin.u32 s20, $0x70  }
0x37a: {  	s26 =	sadd.s32 s20, s22;
	[tilespmem:s21+$0x2540] =	vst v1  }
0x37b: {  	v1 =	vld [tilespmem:s26+$0x0];
	_ =	sdelay $0x4  }
0x37c: {  	[tilespmem:s20+$0x25C0] =	vst v1  }
0x37d: {  	v1 =	vld [tilespmem:s26+$0x10];
	_ =	sdelay $0x4  }
0x37e: {  	[tilespmem:s20+$0x25D0] =	vst v1  }
0x37f: {  	v1 =	vld [tilespmem:s26+$0x20];
	_ =	sdelay $0x4  }
0x380: {  	[tilespmem:s20+$0x25E0] =	vst v1  }
0x381: {  	v1 =	vld [tilespmem:s26+$0x30];
	_ =	sdelay $0x4  }
0x382: {  	[tilespmem:s20+$0x25F0] =	vst v1  }
0x383: {  	v1 =	vld [tilespmem:s26+$0x40];
	_ =	sdelay $0x4  }
0x384: {  	[tilespmem:s20+$0x2600] =	vst v1  }
0x385: {  	v1 =	vld [tilespmem:s26+$0x50];
	_ =	sdelay $0x4  }
0x386: {  	[tilespmem:s20+$0x2610] =	vst v1  }
0x387: {  	v1 =	vld [tilespmem:s26+$0x60];
	_ =	sdelay $0x4  }
0x388: {  	[tilespmem:s20+$0x2620] =	vst v1  }
0x389: {  	v1 =	vld [tilespmem:s26+$0x70];
	_ =	sdelay $0x4  }
0x38a: {  	[tilespmem:s20+$0x2630] =	vst v1  }
0x38b: {  	v1 =	vld [tilespmem:s26+$0x80];
	_ =	sdelay $0x4  }
0x38c: {  	[tilespmem:s20+$0x2640] =	vst v1  }
0x38d: {  	v1 =	vld [tilespmem:s26+$0x90];
	_ =	sdelay $0x4  }
0x38e: {  	[tilespmem:s20+$0x2650] =	vst v1  }
0x38f: {  	v1 =	vld [tilespmem:s26+$0xA0];
	_ =	sdelay $0x4  }
0x390: {  	[tilespmem:s20+$0x2660] =	vst v1  }
0x391: {  	v1 =	vld [tilespmem:s26+$0xB0];
	_ =	sdelay $0x4  }
0x392: {  	[tilespmem:s20+$0x2670] =	vst v1  }
0x393: {  	v1 =	vld [tilespmem:s26+$0xC0];
	_ =	sdelay $0x4  }
0x394: {  	[tilespmem:s20+$0x2680] =	vst v1  }
0x395: {  	v1 =	vld [tilespmem:s26+$0xD0];
	_ =	sdelay $0x4  }
0x396: {  	[tilespmem:s20+$0x2690] =	vst v1  }
0x397: {  	v1 =	vld [tilespmem:s26+$0xE0];
	_ =	sdelay $0x4  }
0x398: {  	[tilespmem:s20+$0x26A0] =	vst v1  }
0x399: {  	v1 =	vld [tilespmem:s26+$0xF0];
	_ =	sdelay $0x1  }
0x39a: {  	s28 =	sshll.u32 s18, $0x9  }
0x39b: {  	s21 =	sand.u32 $0x3800, s28  }
0x39c: {  	s29 =	sshll.u32 s18, $0x1;
	s19 =	sor.u32 s21, s19  }
0x39d: {  	s21 =	smul.u32 $0x30, s19;
	s19 =	sadd.s32 $0x2, s29;
	[tilespmem:s20+$0x26B0] =	vst v1  }
0x39e: {  	s31 =	sand.u32 $0x6, s19;
	v1 =	vld [tilespmem:s26+$0x100]  }
0x39f: {  	p0 =	sne.s32 s31, $0x0  }
.Ltmp5:
0x3a0: {  	_ = 	snop;
	(pc) =	sbr.rel @p0 .LBB2_8-.Ltmp5, $3  }
0x3a1: {  	_ =	sdelay $0x1  }
0x3a2: {  	s30 =	sadd.s32 s5, s21;
	[tilespmem:s20+$0x26C0] =	vst v1  }
0x3a3: {  	[hbm4b:s30+s2] =	stream.linear.scatter [tilespmem:s14], [sflag:$0x2], $0xC00, $0x38;
	[tilespmem:$0x2760] =	vst v63  }
0x3a4: {  	s20 =	sshrl.u32 s19, $0x3  }
0x3a5: {  	s20 =	smin.u32 s20, $0x5  }
0x3a6: {  	s21 =	simm.s32 $0x680;
	s20 =	smul.u32 $0x101, s20  }
0x3a7: {  	v1 =	vadd.s32 s21, v0  }
0x3a8: {  	vm0 =	vgt.s32 v1, $0xFFFFFF80;
	v2 =	vmov s20  }
0x3a9: {  	v3 =	vnsel vm0, $0xFFFFFF80, v1;
	v2 =	vadd.s32 $0x80, v2  }
0x3aa: {  	vm0 =	vlt.s32 v3, $0x80;
	v1 =	vbroadcast v2, $0x0  }
0x3ab: {  	v2 =	vnsel vm0, $0x80, v3  }
0x3ac: {  	s29 =	simm.s32 $0x690;
	v2 =	vadd.s32 v1, v2  }
0x3ad: {  	v3 =	vadd.s32 s29, v0  }
0x3ae: {  	vm14 =	vgt.s32 v3, $0xFFFFFF80  }
0x3af: {  	v3 =	vnsel vm14, $0xFFFFFF80, v3  }
0x3b0: {  	vm0 =	vlt.s32 v3, $0x80  }
0x3b1: {  	v3 =	vnsel vm0, $0x80, v3;
	v2 =	vld.idx.msk [tilespmem:v2+s2+$0x0], $0xffff  }
0x3b2: {  	s30 =	simm.s32 $0x6A0;
	v3 =	vadd.s32 v1, v3  }
0x3b3: {  	v4 =	vadd.s32 s30, v0  }
0x3b4: {  	vm15 =	vgt.s32 v4, $0xFFFFFF80  }
0x3b5: {  	v4 =	vnsel vm15, $0xFFFFFF80, v4;
	s20 =	simm.s32 $0xC10  }
0x3b6: {  	vm0 =	vlt.s32 v4, $0x80;
	[tilespmem:s20+$0x0] =	vst v2  }
0x3b7: {  	v4 =	vnsel vm0, $0x80, v4;
	v2 =	vld.idx.msk [tilespmem:v3+s2+$0x0], $0xffff  }
0x3b8: {  	v3 =	vadd.s32 v1, v4  }
0x3b9: {  	s31 =	simm.s32 $0x6B0  }
0x3ba: {  	s21 =	simm.s32 $0x6C0;
	v4 =	vadd.s32 s31, v0  }
.LBB2_6:
0x3bb: {  	p0 =	sne.s32 s21, $0x980;
	vm0 =	vgt.s32 v4, $0xFFFFFF80;
	s20 =	sadd.s32 $0x10, s20  }
0x3bc: {  	v4 =	vnsel vm0, $0xFFFFFF80, v4;
	[tilespmem:s20+$0x0] =	vst v2  }
.Ltmp6:
0x3bd: {  	vm0 =	vlt.s32 v4, $0x80;
	v2 =	vld.idx.msk [tilespmem:v3+s2+$0x0], $0xffff;
	(pc) =	sbr.rel @p0 .LBB2_6-.Ltmp6, $3  }
0x3be: {  	v3 =	vnsel vm0, $0x80, v4  }
0x3bf: {  	v3 =	vadd.s32 v1, v3;
	_ =	sdelay $0x1  }
0x3c0: {  	v4 =	vadd.s32 s21, v0;
	s21 =	sadd.s32 $0x10, s21  }
0x3c1: {  	_ = 	snop  }
0x3c2: {  	vm0 =	vgt.s32 v4, $0xFFFFFF80  }
0x3c3: {  	s20 =	sadd.s32 $0x10, s20;
	v4 =	vnsel vm0, $0xFFFFFF80, v4  }
0x3c4: {  	[tilespmem:s20+$0x0] =	vst v2;
	vm0 =	vlt.s32 v4, $0x80  }
0x3c5: {  	v2 =	vld.idx.msk [tilespmem:v3+s2+$0x0], $0xffff;
	v3 =	vnsel vm0, $0x80, v4  }
0x3c6: {  	v1 =	vadd.s32 v1, v3;
	_ =	sdelay $0x2  }
0x3c7: {  	s20 =	sadd.s32 $0x10, s20  }
0x3c8: {  	[tilespmem:s20+$0x0] =	vst v2  }
0x3c9: {  	v1 =	vld.idx.msk [tilespmem:v1+s2+$0x0], $0xffff  }
.Ltmp7:
0x3ca: {  	_ = 	snop;
	(pc) =	sbr.rel .LBB2_8-.Ltmp7, $3  }
0x3cb: {  	_ =	sdelay $0x1  }
0x3cc: {  	s20 =	sadd.s32 $0x10, s20  }
0x3cd: {  	[tilespmem:s20+$0x0] =	vst v1  }
.LBB2_10:
0x3ce: {  	_ =	sfence.sel $0x180000  }
0x3cf: {  	[bflag:$0x0] =	sbarrier.arrive $0xFFFF  }
0x3d0: {  	p0 =	sne.s32 s0, $0x0;
	_ =	strace $0x90000047  }
0x3d1: {  	s0 =	sadd.s32 @!p0 $0x100000, s1;
	[bflag:$0x2] =	sbarrier.arrive $0xFFFF  }
0x3d2: {  	[sflag:s0] =	ssyncadd.tile.s32 @!p0 $0x1;
	_ =	shalt  }
.Lfunc_end2:
_tile_overlayer_lowered:
.L_overlay_start_2:
0x3d3: {  	(tag) =	ssettag $0x2  }
0x3d4: {  	s0 =	rddreg [dreg:$0x0];
	s2 =	stileid.u32  }
0x3d5: {  	s1 =	rddreg [dreg:$0x1];
	p0 =	sne.s32 s2, $0x0  }
0x3d6: {  	s3 =	rddreg [dreg:$0x2];
	[bflag:$0x3] =	sbarrier.arrive $0xFFFF;
	s2 =	simm.s32 @!p0 $0x1C03  }
0x3d7: {  	[timem:s3], [sflag:s2] =	dma.local @!p0 [hbm:s0], s1  }
0x3d8: {  	s0 =	simm.s32 @!p0 $0x3  }
0x3d9: {  	_ =	swait.ge @!p0 [sflag:s0], s1  }
0x3da: {  	s1 =	ssub.s32 @!p0 $0x0, s1;
	[sflag:s0] =	ssyncset.done @!p0 $0x0  }
0x3db: {  	[sflag:s0] =	ssyncadd.s32 @!p0 s1  }
0x3dc: {  	[bflag:$0x3] =	sbarrier.arrive $0xFFFF  }
0x3dd: {  	_ =	shalt  }

// kernel: _run.9.cloned.1.call-start
scs
__scs_entry_jumppad:
0x0: {  	(pc) =	sbr.rel $0x88, $3  }
0x1: {  	(tag) =	ssettag $0x0;
	lr =	simm.s32 $0x1  }
0x2: {  	[smem:$0x3FA0] =	sst lr;
	_ =	strace $0xD0000000  }
0x3: {  	_ = 	snop  }
0x4: {  	_ = 	snop  }
0x5: {  	_ = 	snop  }
0x6: {  	_ = 	snop  }
0x7: {  	_ = 	snop  }
__scs_overlays_trampoline_lowered:
0x8: {  	[smem:$0x3FAF] =	sst s0  }
0x9: {  	[smem:$0x3FB0] =	sst s1  }
0xa: {  	[smem:$0x3FB1] =	sst s2  }
0xb: {  	[smem:$0x3FB2] =	sst s3  }
0xc: {  	[smem:$0x3FB3] =	sst s4  }
0xd: {  	[smem:$0x3FB4] =	sst s5  }
0xe: {  	[smem:$0x3FB5] =	sst s6  }
0xf: {  	[smem:$0x3FB6] =	sst s7  }
0x10: {  	[smem:$0x3FB7] =	sst s8  }
0x11: {  	[smem:$0x3FB8] =	sst s9;
	s0 =	simm.s32 @!p0 $0x0  }
0x12: {  	s1 =	sld [smem:$0x3F9E];
	s0 =	simm.s32 @p0 $0x1  }
0x13: {  	[smem:$0x3FB9] =	sst s0;
	s0 =	simm.s32 @!p1 $0x0  }
0x14: {  	s2 =	sld [smem:$0x3F9D];
	s0 =	simm.s32 @p1 $0x1  }
0x15: {  	[smem:$0x3FBA] =	sst s0;
	s0 =	simm.s32 @!p2 $0x0  }
0x16: {  	s3 =	sld [smem:$0x3FDB];
	s0 =	simm.s32 @p2 $0x1  }
0x17: {  	s4 =	simm.s32 $0x1BF5;
	[smem:$0x3FBC] =	sst s0  }
0x18: {  	s0 =	sld [smem:$0x3F9F];
	_ =	swait.ge [sflag:s4], $0x0  }
0x19: {  	s7 =	sld [smem:$0x3FA0]  }
0x1a: {  	s8 =	sadd.s32 $0xFFFFE003, lr  }
0x1b: {  	s9 =	sadd.s32 $0xFFFFFEF7, lr;
	s5 =	simm.s32 $0xFFFFFFFF;
	p2 =	slt.u32 s8, $0xFFFFF086  }
0x1c: {  	p1 =	slt.u32 s9, $0xF7A;
	s5 =	simm.s32 @!p2 $0x0  }
0x1d: {  	s5 =	simm.s32 @p1 $0x1;
	p0 =	seq.s32 s7, s2  }
0x1e: {  	s7 =	smul.u32 @!p0 $0xF7A, s2;
	p2 =	seq.s32 @!p0 s5, $0x0  }
0x1f: {  	s9 =	smul.u32 $0xF7A, s1;
	s8 =	simm.s32 @!p0 $0x1BF5;
	p2 =	por !p2, p0  }
0x20: {  	[sflag:s8] =	ssyncset.s32 @!p0 $0xFFFFF086;
	s6 =	sadd.s32 @!p0 s3, s7;
	s7 =	simm.s32 @!p0 $0x108  }
0x21: {  	s3 =	sadd.s32 s3, s9;
	s6 =	sadd.s32 @!p0 $0x88, s6;
	s7 =	simm.s32 @p2 $0x1082  }
0x22: {  	[simem:s7], [sflag:s8] =	dma.local @!p0 [hbm:s6], $0xF7A  }
0x23: {  	s9 =	sor.u32 $0xD0000000, s2;
	s6 =	simm.s32 $0x108;
	_ =	swait.ge @!p0 [sflag:s8], $0x0  }
0x24: {  	s3 =	sadd.s32 $0x88, s3;
	s6 =	simm.s32 @!p1 $0x1082;
	[sflag:s4] =	ssyncset.s32 $0xFFFFF086  }
0x25: {  	[simem:s6], [sflag:s4] =	dma.local [hbm:s3], $0xF7A  }
0x26: {  	[smem:$0x3FA0] =	sst s1;
	(tag) =	ssettag s2;
	_ =	strace s9  }
0x27: {  	s1 =	sld [smem:$0x3FB0]  }
0x28: {  	s2 =	sld [smem:$0x3FB1]  }
0x29: {  	s4 =	sld [smem:$0x3FB3]  }
0x2a: {  	p0 =	seq.s32 s5, $0x0;
	s5 =	sld [smem:$0x3FB4]  }
0x2b: {  	s6 =	sld [smem:$0x3FB5]  }
0x2c: {  	s7 =	sld [smem:$0x3FB6]  }
0x2d: {  	s3 =	simm.s32 $0x108;
	s8 =	sld [smem:$0x3FB7]  }
0x2e: {  	s3 =	simm.s32 @!p0 $0x1082;
	s9 =	sld [smem:$0x3FB8]  }
0x2f: {  	lr =	sadd.s32 s0, s3;
	s0 =	sld [smem:$0x3FAF]  }
0x30: {  	s3 =	sld [smem:$0x3FB2]  }
0x31: {  	[smem:$0x3FBB] =	sst s10  }
0x32: {  	s10 =	sld [smem:$0x3FB9];
	_ =	sdelay $0x3  }
0x33: {  	p0 =	seq.s32 s10, $0x1;
	s10 =	sld [smem:$0x3FBB];
	_ =	sdelay $0x3  }
0x34: {  	[smem:$0x3FBB] =	sst s10  }
0x35: {  	s10 =	sld [smem:$0x3FBA];
	_ =	sdelay $0x3  }
0x36: {  	p1 =	seq.s32 s10, $0x1;
	s10 =	sld [smem:$0x3FBB];
	_ =	sdelay $0x3  }
0x37: {  	[smem:$0x3FBB] =	sst s10  }
0x38: {  	s10 =	sld [smem:$0x3FBC]  }
0x39: {  	_ = 	snop;
	(pc) =	sbr.ind lr, $3  }
0x3a: {  	_ = 	snop  }
0x3b: {  	_ = 	snop  }
0x3c: {  	p2 =	seq.s32 s10, $0x1;
	s10 =	sld [smem:$0x3FBB]  }
0x3d: {  	_ =	shalt  }
0x3e: {  	_ =	shalt  }
0x3f: {  	_ =	shalt  }
0x40: {  	_ =	shalt  }
0x41: {  	_ =	shalt  }
0x42: {  	_ =	shalt  }
0x43: {  	_ =	shalt  }
0x44: {  	_ =	shalt  }
0x45: {  	_ =	shalt  }
0x46: {  	_ =	shalt  }
0x47: {  	_ =	shalt  }
0x48: {  	_ =	shalt  }
0x49: {  	_ =	shalt  }
0x4a: {  	_ =	shalt  }
0x4b: {  	_ =	shalt  }
0x4c: {  	_ =	shalt  }
0x4d: {  	_ =	shalt  }
0x4e: {  	_ =	shalt  }
0x4f: {  	_ =	shalt  }
0x50: {  	_ =	shalt  }
0x51: {  	_ =	shalt  }
0x52: {  	_ =	shalt  }
0x53: {  	_ =	shalt  }
0x54: {  	_ =	shalt  }
0x55: {  	_ =	shalt  }
0x56: {  	_ =	shalt  }
0x57: {  	_ =	shalt  }
0x58: {  	_ =	shalt  }
0x59: {  	_ =	shalt  }
0x5a: {  	_ =	shalt  }
0x5b: {  	_ =	shalt  }
0x5c: {  	_ =	shalt  }
0x5d: {  	_ =	shalt  }
0x5e: {  	_ =	shalt  }
0x5f: {  	_ =	shalt  }
0x60: {  	_ =	shalt  }
0x61: {  	_ =	shalt  }
0x62: {  	_ =	shalt  }
0x63: {  	_ =	shalt  }
0x64: {  	_ =	shalt  }
0x65: {  	_ =	shalt  }
0x66: {  	_ =	shalt  }
0x67: {  	_ =	shalt  }
0x68: {  	_ =	shalt  }
0x69: {  	_ =	shalt  }
0x6a: {  	_ =	shalt  }
0x6b: {  	_ =	shalt  }
0x6c: {  	_ =	shalt  }
0x6d: {  	_ =	shalt  }
0x6e: {  	_ =	shalt  }
0x6f: {  	_ =	shalt  }
0x70: {  	_ =	shalt  }
0x71: {  	_ =	shalt  }
0x72: {  	_ =	shalt  }
0x73: {  	_ =	shalt  }
0x74: {  	_ =	shalt  }
0x75: {  	_ =	shalt  }
0x76: {  	_ =	shalt  }
0x77: {  	_ =	shalt  }
0x78: {  	_ =	shalt  }
0x79: {  	_ =	shalt  }
0x7a: {  	_ =	shalt  }
0x7b: {  	_ =	shalt  }
0x7c: {  	_ =	shalt  }
0x7d: {  	_ =	shalt  }
0x7e: {  	_ =	shalt  }
0x7f: {  	_ =	shalt  }
0x80: {  	_ =	shalt  }
0x81: {  	_ =	shalt  }
0x82: {  	_ =	shalt  }
0x83: {  	_ =	shalt  }
0x84: {  	_ =	shalt  }
0x85: {  	_ =	shalt  }
0x86: {  	_ =	shalt  }
0x87: {  	_ =	shalt  }
.Lfunc_end0:
.L_simem_size_0:
called_computation.1_lowered:
.L_overlay_start_0:
0x88: {  	s2 =	sld [smem:$0x3FD9]  }
0x89: {  	s3 =	sld [smem:$0x3FFE];
	_ =	sdelay $0x1  }
0x8a: {  	s1 =	srdreg.scid  }
0x8b: {  	s0 =	sand.u32 $0x1, s1  }
0x8c: {  	s17 =	sshll.u32 s0, $0xA;
	s2 =	sadd.s32 s3, s2  }
0x8d: {  	s2 =	sadd.s32 s2, s17  }
0x8e: {  	[smem:$0x3FC7] =	sst s2  }
0x8f: {  	_ = 	snop  }
0x90: {  	s18 =	sld [smem:$0x3FD0];
	(tm) =	ssettm $0x1  }
0x91: {  	s19 =	sld [smem:$0x3FFB];
	_ =	sdelay $0x3  }
0x92: {  	_ =	strace s19  }
0x93: {  	s2 =	sld [smem:$0x3FFC];
	_ =	sdelay $0x3  }
0x94: {  	_ =	strace s2  }
0x95: {  	s2 =	sld [smem:$0x3FFD];
	_ =	sdelay $0x3  }
0x96: {  	_ =	strace s2  }
0x97: {  	_ =	strace $0x8FFFFFFF  }
0x98: {  	s20 =	sld [smem:$0x3FDB];
	_ =	sdelay $0x1  }
0x99: {  	s4 =	simm.s32 $_scs_section_size  }
0x9a: {  	s5 =	simm.s32 $_size__tile_overlayer_lowered;
	s6 =	simm.s32 $_tile_overlayer_lowered  }
0x9b: {  	s7 =	simm.s32 $0x1BFF;
	s21 =	sshll.u32 s6, $0x1;
	s4 =	sadd.s32 s4, s20  }
0x9c: {  	s22 =	simm.s32 $0x0;
	s5 =	sshll.u32 s5, $0x1;
	s6 =	sadd.s32 s21, s4  }
0x9d: {  	[timem:s22], [sflag:s7] =	dma.local [hbm:s6], s5  }
0x9e: {  	_ =	swait.ge [sflag:s7], s5  }
0x9f: {  	s5 =	ssub.s32 $0x0, s5;
	[sflag:s7] =	ssyncset.done $0x0  }
0xa0: {  	[sflag:s7] =	ssyncadd.s32 s5;
	_ =	sdelay $0x1  }
0xa1: {  	s23 =	simm.s32 $0x1B8B  }
0xa2: {  	_ =	swait.ge [sflag:s23], $0x1  }
0xa3: {  	[sflag:s23] =	ssyncset.done $0x0  }
0xa4: {  	[sflag:s23] =	ssyncadd.s32 $0xFFFFFFFF  }
0xa5: {  	s5 =	sld [smem:$0x0]  }
0xa6: {  	s6 =	sand.u32 $0xFFFFFFFE, s1  }
0xa7: {  	p0 =	sne.s32 s1, s6  }
0xa8: {  	s6 =	sshll.u32 @p0 s6, $0xE  }
0xa9: {  	s6 =	sadd.s32 @p0 $0x11B8D, s6;
	s7 =	sshll.u32 @p0 s5, $0x11  }
0xaa: {  	s6 =	sor.u32 @p0 s7, s6  }
0xab: {  	[sflag:s6] =	ssyncadd.remote.s32 @p0 $0x1;
	_ =	sdelay $0x1  }
0xac: {  	s6 =	simm.s32 @p0 $0x1B8D  }
0xad: {  	_ =	swait.eq @p0 [sflag:s6], $0x1  }
0xae: {  	[sflag:s6] =	ssyncadd.s32 @p0 $0xFFFFFFFF  }
0xaf: {  	s7 =	sshll.u32 @!p0 s1, $0xE  }
0xb0: {  	s7 =	sor.u32 @!p0 $0x4000, s7;
	s6 =	simm.s32 @!p0 $0x1B8D  }
0xb1: {  	s5 =	sshll.u32 @!p0 s5, $0x11;
	s7 =	sadd.s32 @!p0 $0x11B8D, s7;
	_ =	swait.eq @!p0 [sflag:s6], $0x1  }
0xb2: {  	s5 =	sor.u32 @!p0 s5, s7;
	[sflag:s6] =	ssyncadd.s32 @!p0 $0xFFFFFFFF  }
0xb3: {  	s25 =	simm.s32 $0x1B8E;
	s24 =	sld [smem:$0x3FFE];
	[sflag:s5] =	ssyncadd.remote.s32 @!p0 $0x1  }
0xb4: {  	s26 =	simm.s32 $execute0_lowered;
	[smem:$0x3FD2] =	sst s25  }
0xb5: {  	s6 =	sshll.u32 s26, $0x1;
	_ =	strace $0x80000049;
	[dreg:$0x1] =	wrdreg $0xFFFFFFFF  }
0xb6: {  	s28 =	simm.s32 $_size_execute0_lowered;
	s4 =	sadd.s32 s4, s6;
	[dreg:$0x0] =	wrdreg $0x0  }
0xb7: {  	s6 =	sshll.u32 s28, $0x1;
	[dreg:$0x2] =	wrdreg s4  }
0xb8: {  	[dreg:$0x3] =	wrdreg s6  }
0xb9: {  	[dreg:$0x4] =	wrdreg $0xC0  }
0xba: {  	_ =	task [dreg:s22], $0x5FFFF  }
0xbb: {  	[dreg:$0x1] =	wrdreg $0xFFFFFFFF  }
0xbc: {  	[dreg:$0x0] =	wrdreg $0x60  }
0xbd: {  	[dreg:$0x2] =	wrdreg s24  }
0xbe: {  	[dreg:$0x3] =	wrdreg s18  }
0xbf: {  	[dreg:$0x4] =	wrdreg $0xA  }
0xc0: {  	_ =	task.clear_ibuf [dreg:s22], $0x5FFFF;
	_ =	strace $0x90000049  }
0xc1: {  	s29 =	simm.s32 $0xA;
	_ =	strace $0x8000004B  }
0xc2: {  	_ =	swait.ge [sflag:s29], $0x1  }
0xc3: {  	[sflag:s29] =	ssyncadd.s32 $0xFFFFFFFF  }
0xc4: {  	_ =	strace $0x9000004B  }
0xc5: {  	_ =	sfence  }
0xc6: {  	s30 =	sld [smem:$0x0];
	_ =	sdelay $0x2  }
0xc7: {  	s31 =	sshll.u32 s1, $0xD;
	s1 =	sshrl.u32 s1, $0x2  }
0xc8: {  	s4 =	sand.u32 $0x4000, s31;
	s1 =	sadd.s32 s1, s30  }
0xc9: {  	s0 =	sor.u32 s4, s0;
	s1 =	sshll.u32 s1, $0x11  }
0xca: {  	s0 =	sor.u32 s1, s0  }
0xcb: {  	s0 =	sadd.s32 $0x8F2B, s0  }
0xcc: {  	[sflag:s0] =	ssyncadd.remote.s32 $0x1  }
0xcd: {  	_ =	sfence.sel $0xFFFF  }
0xce: {  	[dreg:$0x0] =	wrdreg $0xFFFFFFFF;
	(pc) =	sbr.abs _section_cstart, $3  }
0xcf: {  	[dreg:$0x1] =	wrdreg $0xFFFFFFFF  }
0xd0: {  	_ =	task.clear_ibuf [dreg:s22], $0x2FFFF;
	_ =	strace $0x9FFFFFFF  }
0xd1: {  	(tm) =	ssettm $0x7FFFFFFF  }
tec
execute0_lowered:
.L_overlay_start_1:
0x0: {  	(tag) =	ssettag $0x1  }
0x1: {  	s5 =	rddreg [dreg:$0x0];
	s1 =	srdreg.scid  }
0x2: {  	s0 =	stileid.u32;
	s2 =	rddreg [dreg:$0x1];
	s3 =	simm.s32 $0x0  }
0x3: {  	s13 =	simm.s32 $0xF20;
	s14 =	simm.s32 $0x1B40;
	s15 =	simm.s32 $0x1  }
0x4: {  	s16 =	simm.s32 $0x2;
	s6 =	sand.u32 $0x1, s1;
	s4 =	sshll.u32 s0, $0x1  }
0x5: {  	s17 =	simm.s32 $0x0;
	s1 =	rddreg [dreg:$0x2];
	s4 =	sor.u32 s6, s4  }
0x6: {  	[smem:$0x7FF] =	sst s3;
	s5 =	sadd.s32 $0x400, s5;
	s9 =	sshll.u32 s4, $0x3  }
0x7: {  	_ =	strace $0x8000004A;
	s8 =	ssub.s32 $0x2, s6;
	s7 =	sadd.s32 $0xFFFFFF88, s9  }
.Ltmp0:
0x8: {  	s30 =	sshrl.u32 s8, $0x1;
	s10 =	sand.u32 $0xFFFFFFF0, s7;
	(pc) =	sbr.rel .LBB2_1-.Ltmp0, $4  }
0x9: {  	s11 =	smul.u32 $0x180, s4;
	s31 =	sand.u32 $0xF0, s9;
	p0 =	sgt.s32 s10, $0x0  }
0xa: {  	s12 =	ssub.s32 s8, s30;
	s6 =	smax.u32 s31, $0x80;
	s10 =	simm.s32 @!p0 $0x0  }
0xb: {  	v0 =	vlaneseq.u32;
	s7 =	ssub.s32 s6, s9;
	s8 =	smin.u32 s10, $0x70;
	s10 =	sadd.s32 s2, s11  }
0xc: {  	v0 =	vadd.s32 $0xFFFFF801, v0;
	s11 =	smax.u32 s12, $0x1;
	s12 =	simm.s32 $0x3;
	s9 =	ssub.s32 s8, s9  }
.LBB2_9:
0xd: {  	s17 =	sadd.s32 $0x1, s17  }
0xe: {  	_ =	swait.ge [sflag:s15], $0xC00;
	p0 =	sne.s32 s17, s11  }
.Ltmp1:
0xf: {  	[sflag:s15] =	ssyncset.done $0x0;
	(pc) =	sbr.rel @!p0 .LBB2_10-.Ltmp1, $4  }
0x10: {  	[sflag:s15] =	ssyncadd.s32 $0xFFFFF400  }
0x11: {  	_ =	swait.ge [sflag:s16], $0xC00  }
0x12: {  	[sflag:s16] =	ssyncset.done $0x0  }
0x13: {  	[sflag:s16] =	ssyncadd.s32 $0xFFFFF400  }
.LBB2_1:
0x14: {  	s18 =	simm.s32 $0x680  }
0x15: {  	v1 =	vadd.s32 s18, v0  }
0x16: {  	vm0 =	vgt.s32 v1, $0xFFFFFF80  }
0x17: {  	v1 =	vnsel vm0, $0xFFFFFF80, v1  }
0x18: {  	vm0 =	vlt.s32 v1, $0x80  }
0x19: {  	v1 =	vnsel vm0, $0x80, v1  }
0x1a: {  	s30 =	simm.s32 $0x690;
	v1 =	vadd.s32 $0x686, v1  }
0x1b: {  	[tilespmem:s3], [sflag:$0x3] =	stream.linear.gather [hbm4b:s5+s3], $0xC10, $0x38;
	v2 =	vadd.s32 s30, v0;
	[tilespmem:$0x2760] =	vst v63  }
0x1c: {  	_ =	swait.ge [sflag:s12], $0xC10;
	vm14 =	vgt.s32 v2, $0xFFFFFF80  }
0x1d: {  	[sflag:s12] =	ssyncset.done $0x0;
	v2 =	vnsel vm14, $0xFFFFFF80, v2  }
0x1e: {  	[sflag:s12] =	ssyncadd.s32 $0xFFFFF3F0;
	vm0 =	vlt.s32 v2, $0x80  }
0x1f: {  	v2 =	vnsel vm0, $0x80, v2;
	v1 =	vld.idx.msk [tilespmem:v1+s3+$0x0], $0xffff  }
0x20: {  	s31 =	simm.s32 $0x6A0;
	v2 =	vadd.s32 $0x686, v2  }
0x21: {  	v3 =	vadd.s32 s31, v0  }
0x22: {  	vm15 =	vgt.s32 v3, $0xFFFFFF80  }
0x23: {  	s18 =	simm.s32 $0xC10;
	v3 =	vnsel vm15, $0xFFFFFF80, v3  }
0x24: {  	vm0 =	vlt.s32 v3, $0x80;
	[tilespmem:s18+$0x0] =	vst v1  }
0x25: {  	v3 =	vnsel vm0, $0x80, v3;
	v1 =	vld.idx.msk [tilespmem:v2+s3+$0x0], $0xffff  }
0x26: {  	v2 =	vadd.s32 $0x686, v3  }
0x27: {  	s19 =	simm.s32 $0x6B0  }
0x28: {  	v3 =	vadd.s32 s19, v0;
	s19 =	simm.s32 $0x6C0  }
.LBB2_2:
0x29: {  	p0 =	sne.s32 s19, $0x980;
	vm0 =	vgt.s32 v3, $0xFFFFFF80;
	s18 =	sadd.s32 $0x10, s18  }
0x2a: {  	v3 =	vnsel vm0, $0xFFFFFF80, v3;
	[tilespmem:s18+$0x0] =	vst v1  }
.Ltmp2:
0x2b: {  	vm0 =	vlt.s32 v3, $0x80;
	v1 =	vld.idx.msk [tilespmem:v2+s3+$0x0], $0xffff;
	(pc) =	sbr.rel @p0 .LBB2_2-.Ltmp2, $3  }
0x2c: {  	v2 =	vnsel vm0, $0x80, v3  }
0x2d: {  	v2 =	vadd.s32 $0x686, v2;
	_ =	sdelay $0x1  }
0x2e: {  	v3 =	vadd.s32 s19, v0;
	s19 =	sadd.s32 $0x10, s19  }
0x2f: {  	_ = 	snop  }
0x30: {  	vm0 =	vgt.s32 v3, $0xFFFFFF80  }
0x31: {  	s18 =	sadd.s32 $0x10, s18;
	v3 =	vnsel vm0, $0xFFFFFF80, v3  }
0x32: {  	[tilespmem:s18+$0x0] =	vst v1;
	vm0 =	vlt.s32 v3, $0x80  }
0x33: {  	v1 =	vld.idx.msk [tilespmem:v2+s3+$0x0], $0xffff;
	v2 =	vnsel vm0, $0x80, v3  }
0x34: {  	v2 =	vadd.s32 $0x686, v2;
	_ =	sdelay $0x2  }
0x35: {  	s18 =	sadd.s32 $0x10, s18  }
0x36: {  	[tilespmem:s18+$0x0] =	vst v1  }
0x37: {  	v1 =	vld.idx.msk [tilespmem:v2+s3+$0x0], $0xffff;
	_ =	sdelay $0x3  }
0x38: {  	s18 =	sadd.s32 $0x10, s18  }
0x39: {  	[tilespmem:s18+$0x0] =	vst v1  }
0x3a: {  	v1 =	vld [tilespmem:s7+$0xD0F];
	_ =	sdelay $0x4  }
0x3b: {  	[tilespmem:s6+$0xEA0] =	vst v1  }
0x3c: {  	v1 =	vld [tilespmem:s7+$0xD1F];
	_ =	sdelay $0x4  }
0x3d: {  	[tilespmem:s6+$0xEB0] =	vst v1  }
0x3e: {  	v1 =	vld [tilespmem:s7+$0xD2F];
	_ =	sdelay $0x4  }
0x3f: {  	[tilespmem:s6+$0xEC0] =	vst v1  }
0x40: {  	v1 =	vld [tilespmem:s7+$0xD3F];
	_ =	sdelay $0x4  }
0x41: {  	[tilespmem:s6+$0xED0] =	vst v1  }
0x42: {  	v1 =	vld [tilespmem:s7+$0xD4F];
	_ =	sdelay $0x4  }
0x43: {  	[tilespmem:s6+$0xEE0] =	vst v1  }
0x44: {  	v1 =	vld [tilespmem:s7+$0xD5F];
	_ =	sdelay $0x4  }
0x45: {  	[tilespmem:s6+$0xEF0] =	vst v1  }
0x46: {  	v1 =	vld [tilespmem:s7+$0xD6F];
	_ =	sdelay $0x4  }
0x47: {  	[tilespmem:s6+$0xF00] =	vst v1  }
0x48: {  	v1 =	vld [tilespmem:s7+$0xD7F];
	_ =	sdelay $0x4  }
0x49: {  	[tilespmem:s6+$0xF10] =	vst v1  }
0x4a: {  	v1 =	vld [tilespmem:s7+$0xD8F];
	_ =	sdelay $0x4  }
0x4b: {  	[tilespmem:s6+$0xF20] =	vst v1  }
0x4c: {  	v1 =	vld [tilespmem:s7+$0xD9F];
	_ =	sdelay $0x4  }
0x4d: {  	[tilespmem:s6+$0xF30] =	vst v1  }
0x4e: {  	v1 =	vld [tilespmem:s7+$0xDAF];
	_ =	sdelay $0x4  }
0x4f: {  	[tilespmem:s6+$0xF40] =	vst v1  }
0x50: {  	v1 =	vld [tilespmem:s7+$0xDBF];
	_ =	sdelay $0x4  }
0x51: {  	[tilespmem:s6+$0xF50] =	vst v1  }
0x52: {  	v1 =	vld [tilespmem:s7+$0xDCF];
	_ =	sdelay $0x4  }
0x53: {  	[tilespmem:s6+$0xF60] =	vst v1  }
0x54: {  	v1 =	vld [tilespmem:s7+$0xDDF];
	_ =	sdelay $0x4  }
0x55: {  	[tilespmem:s6+$0xF70] =	vst v1  }
0x56: {  	v1 =	vld [tilespmem:s7+$0xDEF];
	_ =	sdelay $0x4  }
0x57: {  	[tilespmem:s6+$0xF80] =	vst v1  }
0x58: {  	v1 =	vld [tilespmem:s7+$0xDFF];
	_ =	sdelay $0x4  }
0x59: {  	[tilespmem:s6+$0xF90] =	vst v1  }
0x5a: {  	v1 =	vld [tilespmem:s7+$0xE0F];
	_ =	sdelay $0x4  }
0x5b: {  	[tilespmem:s6+$0xFA0] =	vst v1  }
0x5c: {  	v1 =	vld [tilespmem:s7+$0xD0E];
	_ =	sdelay $0x4  }
0x5d: {  	[tilespmem:s6+$0x1020] =	vst v1  }
0x5e: {  	v1 =	vld [tilespmem:s7+$0xD1E];
	_ =	sdelay $0x4  }
0x5f: {  	[tilespmem:s6+$0x1030] =	vst v1  }
0x60: {  	v1 =	vld [tilespmem:s7+$0xD2E];
	_ =	sdelay $0x4  }
0x61: {  	[tilespmem:s6+$0x1040] =	vst v1  }
0x62: {  	v1 =	vld [tilespmem:s7+$0xD3E];
	_ =	sdelay $0x4  }
0x63: {  	[tilespmem:s6+$0x1050] =	vst v1  }
0x64: {  	v1 =	vld [tilespmem:s7+$0xD4E];
	_ =	sdelay $0x4  }
0x65: {  	[tilespmem:s6+$0x1060] =	vst v1  }
0x66: {  	v1 =	vld [tilespmem:s7+$0xD5E];
	_ =	sdelay $0x4  }
0x67: {  	[tilespmem:s6+$0x1070] =	vst v1  }
0x68: {  	v1 =	vld [tilespmem:s7+$0xD6E];
	_ =	sdelay $0x4  }
0x69: {  	[tilespmem:s6+$0x1080] =	vst v1  }
0x6a: {  	v1 =	vld [tilespmem:s7+$0xD7E];
	_ =	sdelay $0x4  }
0x6b: {  	[tilespmem:s6+$0x1090] =	vst v1  }
0x6c: {  	v1 =	vld [tilespmem:s7+$0xD8E];
	_ =	sdelay $0x4  }
0x6d: {  	[tilespmem:s6+$0x10A0] =	vst v1  }
0x6e: {  	v1 =	vld [tilespmem:s7+$0xD9E];
	_ =	sdelay $0x4  }
0x6f: {  	[tilespmem:s6+$0x10B0] =	vst v1  }
0x70: {  	v1 =	vld [tilespmem:s7+$0xDAE];
	_ =	sdelay $0x4  }
0x71: {  	[tilespmem:s6+$0x10C0] =	vst v1  }
0x72: {  	v1 =	vld [tilespmem:s7+$0xDBE];
	_ =	sdelay $0x4  }
0x73: {  	[tilespmem:s6+$0x10D0] =	vst v1  }
0x74: {  	v1 =	vld [tilespmem:s7+$0xDCE];
	_ =	sdelay $0x4  }
0x75: {  	[tilespmem:s6+$0x10E0] =	vst v1  }
0x76: {  	v1 =	vld [tilespmem:s7+$0xDDE];
	_ =	sdelay $0x4  }
0x77: {  	[tilespmem:s6+$0x10F0] =	vst v1  }
0x78: {  	v1 =	vld [tilespmem:s7+$0xDEE];
	_ =	sdelay $0x4  }
0x79: {  	[tilespmem:s6+$0x1100] =	vst v1  }
0x7a: {  	v1 =	vld [tilespmem:s7+$0xDFE];
	_ =	sdelay $0x4  }
0x7b: {  	[tilespmem:s6+$0x1110] =	vst v1  }
0x7c: {  	v1 =	vld [tilespmem:s7+$0xE0E];
	_ =	sdelay $0x4  }
0x7d: {  	[tilespmem:s6+$0x1120] =	vst v1  }
0x7e: {  	v1 =	vld [tilespmem:s7+$0xD0D];
	_ =	sdelay $0x4  }
0x7f: {  	[tilespmem:s6+$0x11A0] =	vst v1  }
0x80: {  	v1 =	vld [tilespmem:s7+$0xD1D];
	_ =	sdelay $0x4  }
0x81: {  	[tilespmem:s6+$0x11B0] =	vst v1  }
0x82: {  	v1 =	vld [tilespmem:s7+$0xD2D];
	_ =	sdelay $0x4  }
0x83: {  	[tilespmem:s6+$0x11C0] =	vst v1  }
0x84: {  	v1 =	vld [tilespmem:s7+$0xD3D];
	_ =	sdelay $0x4  }
0x85: {  	[tilespmem:s6+$0x11D0] =	vst v1  }
0x86: {  	v1 =	vld [tilespmem:s7+$0xD4D];
	_ =	sdelay $0x4  }
0x87: {  	[tilespmem:s6+$0x11E0] =	vst v1  }
0x88: {  	v1 =	vld [tilespmem:s7+$0xD5D];
	_ =	sdelay $0x4  }
0x89: {  	[tilespmem:s6+$0x11F0] =	vst v1  }
0x8a: {  	v1 =	vld [tilespmem:s7+$0xD6D];
	_ =	sdelay $0x4  }
0x8b: {  	[tilespmem:s6+$0x1200] =	vst v1  }
0x8c: {  	v1 =	vld [tilespmem:s7+$0xD7D];
	_ =	sdelay $0x4  }
0x8d: {  	[tilespmem:s6+$0x1210] =	vst v1  }
0x8e: {  	v1 =	vld [tilespmem:s7+$0xD8D];
	_ =	sdelay $0x4  }
0x8f: {  	[tilespmem:s6+$0x1220] =	vst v1  }
0x90: {  	v1 =	vld [tilespmem:s7+$0xD9D];
	_ =	sdelay $0x4  }
0x91: {  	[tilespmem:s6+$0x1230] =	vst v1  }
0x92: {  	v1 =	vld [tilespmem:s7+$0xDAD];
	_ =	sdelay $0x4  }
0x93: {  	[tilespmem:s6+$0x1240] =	vst v1  }
0x94: {  	v1 =	vld [tilespmem:s7+$0xDBD];
	_ =	sdelay $0x4  }
0x95: {  	[tilespmem:s6+$0x1250] =	vst v1  }
0x96: {  	v1 =	vld [tilespmem:s7+$0xDCD];
	_ =	sdelay $0x4  }
0x97: {  	[tilespmem:s6+$0x1260] =	vst v1  }
0x98: {  	v1 =	vld [tilespmem:s7+$0xDDD];
	_ =	sdelay $0x4  }
0x99: {  	[tilespmem:s6+$0x1270] =	vst v1  }
0x9a: {  	v1 =	vld [tilespmem:s7+$0xDED];
	_ =	sdelay $0x4  }
0x9b: {  	[tilespmem:s6+$0x1280] =	vst v1  }
0x9c: {  	v1 =	vld [tilespmem:s7+$0xDFD];
	_ =	sdelay $0x4  }
0x9d: {  	[tilespmem:s6+$0x1290] =	vst v1  }
0x9e: {  	v1 =	vld [tilespmem:s7+$0xE0D];
	_ =	sdelay $0x4  }
0x9f: {  	[tilespmem:s6+$0x12A0] =	vst v1  }
0xa0: {  	v1 =	vld [tilespmem:s7+$0xD0C];
	_ =	sdelay $0x4  }
0xa1: {  	[tilespmem:s6+$0x1320] =	vst v1  }
0xa2: {  	v1 =	vld [tilespmem:s7+$0xD1C];
	_ =	sdelay $0x4  }
0xa3: {  	[tilespmem:s6+$0x1330] =	vst v1  }
0xa4: {  	v1 =	vld [tilespmem:s7+$0xD2C];
	_ =	sdelay $0x4  }
0xa5: {  	[tilespmem:s6+$0x1340] =	vst v1  }
0xa6: {  	v1 =	vld [tilespmem:s7+$0xD3C];
	_ =	sdelay $0x4  }
0xa7: {  	[tilespmem:s6+$0x1350] =	vst v1  }
0xa8: {  	v1 =	vld [tilespmem:s7+$0xD4C];
	_ =	sdelay $0x4  }
0xa9: {  	[tilespmem:s6+$0x1360] =	vst v1  }
0xaa: {  	v1 =	vld [tilespmem:s7+$0xD5C];
	_ =	sdelay $0x4  }
0xab: {  	[tilespmem:s6+$0x1370] =	vst v1  }
0xac: {  	v1 =	vld [tilespmem:s7+$0xD6C];
	_ =	sdelay $0x4  }
0xad: {  	[tilespmem:s6+$0x1380] =	vst v1  }
0xae: {  	v1 =	vld [tilespmem:s7+$0xD7C];
	_ =	sdelay $0x4  }
0xaf: {  	[tilespmem:s6+$0x1390] =	vst v1  }
0xb0: {  	v1 =	vld [tilespmem:s7+$0xD8C];
	_ =	sdelay $0x4  }
0xb1: {  	[tilespmem:s6+$0x13A0] =	vst v1  }
0xb2: {  	v1 =	vld [tilespmem:s7+$0xD9C];
	_ =	sdelay $0x4  }
0xb3: {  	[tilespmem:s6+$0x13B0] =	vst v1  }
0xb4: {  	v1 =	vld [tilespmem:s7+$0xDAC];
	_ =	sdelay $0x4  }
0xb5: {  	[tilespmem:s6+$0x13C0] =	vst v1  }
0xb6: {  	v1 =	vld [tilespmem:s7+$0xDBC];
	_ =	sdelay $0x4  }
0xb7: {  	[tilespmem:s6+$0x13D0] =	vst v1  }
0xb8: {  	v1 =	vld [tilespmem:s7+$0xDCC];
	_ =	sdelay $0x4  }
0xb9: {  	[tilespmem:s6+$0x13E0] =	vst v1  }
0xba: {  	v1 =	vld [tilespmem:s7+$0xDDC];
	_ =	sdelay $0x4  }
0xbb: {  	[tilespmem:s6+$0x13F0] =	vst v1  }
0xbc: {  	v1 =	vld [tilespmem:s7+$0xDEC];
	_ =	sdelay $0x4  }
0xbd: {  	[tilespmem:s6+$0x1400] =	vst v1  }
0xbe: {  	v1 =	vld [tilespmem:s7+$0xDFC];
	_ =	sdelay $0x4  }
0xbf: {  	[tilespmem:s6+$0x1410] =	vst v1  }
0xc0: {  	v1 =	vld [tilespmem:s7+$0xE0C];
	_ =	sdelay $0x4  }
0xc1: {  	[tilespmem:s6+$0x1420] =	vst v1  }
0xc2: {  	v1 =	vld [tilespmem:s7+$0xD0B];
	_ =	sdelay $0x4  }
0xc3: {  	[tilespmem:s6+$0x14A0] =	vst v1  }
0xc4: {  	v1 =	vld [tilespmem:s7+$0xD1B];
	_ =	sdelay $0x4  }
0xc5: {  	[tilespmem:s6+$0x14B0] =	vst v1  }
0xc6: {  	v1 =	vld [tilespmem:s7+$0xD2B];
	_ =	sdelay $0x4  }
0xc7: {  	[tilespmem:s6+$0x14C0] =	vst v1  }
0xc8: {  	v1 =	vld [tilespmem:s7+$0xD3B];
	_ =	sdelay $0x4  }
0xc9: {  	[tilespmem:s6+$0x14D0] =	vst v1  }
0xca: {  	v1 =	vld [tilespmem:s7+$0xD4B];
	_ =	sdelay $0x4  }
0xcb: {  	[tilespmem:s6+$0x14E0] =	vst v1  }
0xcc: {  	v1 =	vld [tilespmem:s7+$0xD5B];
	_ =	sdelay $0x4  }
0xcd: {  	[tilespmem:s6+$0x14F0] =	vst v1  }
0xce: {  	v1 =	vld [tilespmem:s7+$0xD6B];
	_ =	sdelay $0x4  }
0xcf: {  	[tilespmem:s6+$0x1500] =	vst v1  }
0xd0: {  	v1 =	vld [tilespmem:s7+$0xD7B];
	_ =	sdelay $0x4  }
0xd1: {  	[tilespmem:s6+$0x1510] =	vst v1  }
0xd2: {  	v1 =	vld [tilespmem:s7+$0xD8B];
	_ =	sdelay $0x4  }
0xd3: {  	[tilespmem:s6+$0x1520] =	vst v1  }
0xd4: {  	v1 =	vld [tilespmem:s7+$0xD9B];
	_ =	sdelay $0x4  }
0xd5: {  	[tilespmem:s6+$0x1530] =	vst v1  }
0xd6: {  	v1 =	vld [tilespmem:s7+$0xDAB];
	_ =	sdelay $0x4  }
0xd7: {  	[tilespmem:s6+$0x1540] =	vst v1  }
0xd8: {  	v1 =	vld [tilespmem:s7+$0xDBB];
	_ =	sdelay $0x4  }
0xd9: {  	[tilespmem:s6+$0x1550] =	vst v1  }
0xda: {  	v1 =	vld [tilespmem:s7+$0xDCB];
	_ =	sdelay $0x4  }
0xdb: {  	[tilespmem:s6+$0x1560] =	vst v1  }
0xdc: {  	v1 =	vld [tilespmem:s7+$0xDDB];
	_ =	sdelay $0x4  }
0xdd: {  	[tilespmem:s6+$0x1570] =	vst v1  }
0xde: {  	v1 =	vld [tilespmem:s7+$0xDEB];
	_ =	sdelay $0x4  }
0xdf: {  	[tilespmem:s6+$0x1580] =	vst v1  }
0xe0: {  	v1 =	vld [tilespmem:s7+$0xDFB];
	_ =	sdelay $0x4  }
0xe1: {  	[tilespmem:s6+$0x1590] =	vst v1  }
0xe2: {  	v1 =	vld [tilespmem:s7+$0xE0B];
	_ =	sdelay $0x4  }
0xe3: {  	[tilespmem:s6+$0x15A0] =	vst v1  }
0xe4: {  	v1 =	vld [tilespmem:s7+$0xD0A];
	_ =	sdelay $0x4  }
0xe5: {  	[tilespmem:s6+$0x1620] =	vst v1  }
0xe6: {  	v1 =	vld [tilespmem:s7+$0xD1A];
	_ =	sdelay $0x4  }
0xe7: {  	[tilespmem:s6+$0x1630] =	vst v1  }
0xe8: {  	v1 =	vld [tilespmem:s7+$0xD2A];
	_ =	sdelay $0x4  }
0xe9: {  	[tilespmem:s6+$0x1640] =	vst v1  }
0xea: {  	v1 =	vld [tilespmem:s7+$0xD3A];
	_ =	sdelay $0x4  }
0xeb: {  	[tilespmem:s6+$0x1650] =	vst v1  }
0xec: {  	v1 =	vld [tilespmem:s7+$0xD4A];
	_ =	sdelay $0x4  }
0xed: {  	[tilespmem:s6+$0x1660] =	vst v1  }
0xee: {  	v1 =	vld [tilespmem:s7+$0xD5A];
	_ =	sdelay $0x4  }
0xef: {  	[tilespmem:s6+$0x1670] =	vst v1  }
0xf0: {  	v1 =	vld [tilespmem:s7+$0xD6A];
	_ =	sdelay $0x4  }
0xf1: {  	[tilespmem:s6+$0x1680] =	vst v1  }
0xf2: {  	v1 =	vld [tilespmem:s7+$0xD7A];
	_ =	sdelay $0x4  }
0xf3: {  	[tilespmem:s6+$0x1690] =	vst v1  }
0xf4: {  	v1 =	vld [tilespmem:s7+$0xD8A];
	_ =	sdelay $0x4  }
0xf5: {  	[tilespmem:s6+$0x16A0] =	vst v1  }
0xf6: {  	v1 =	vld [tilespmem:s7+$0xD9A];
	_ =	sdelay $0x4  }
0xf7: {  	[tilespmem:s6+$0x16B0] =	vst v1  }
0xf8: {  	v1 =	vld [tilespmem:s7+$0xDAA];
	_ =	sdelay $0x4  }
0xf9: {  	[tilespmem:s6+$0x16C0] =	vst v1  }
0xfa: {  	v1 =	vld [tilespmem:s7+$0xDBA];
	_ =	sdelay $0x4  }
0xfb: {  	[tilespmem:s6+$0x16D0] =	vst v1  }
0xfc: {  	v1 =	vld [tilespmem:s7+$0xDCA];
	_ =	sdelay $0x4  }
0xfd: {  	[tilespmem:s6+$0x16E0] =	vst v1  }
0xfe: {  	v1 =	vld [tilespmem:s7+$0xDDA];
	_ =	sdelay $0x4  }
0xff: {  	[tilespmem:s6+$0x16F0] =	vst v1  }
0x100: {  	v1 =	vld [tilespmem:s7+$0xDEA];
	_ =	sdelay $0x4  }
0x101: {  	[tilespmem:s6+$0x1700] =	vst v1  }
0x102: {  	v1 =	vld [tilespmem:s7+$0xDFA];
	_ =	sdelay $0x4  }
0x103: {  	[tilespmem:s6+$0x1710] =	vst v1  }
0x104: {  	v1 =	vld [tilespmem:s7+$0xE0A];
	_ =	sdelay $0x4  }
0x105: {  	[tilespmem:s6+$0x1720] =	vst v1  }
0x106: {  	v1 =	vld [tilespmem:s7+$0xD09];
	_ =	sdelay $0x4  }
0x107: {  	[tilespmem:s6+$0x17A0] =	vst v1  }
0x108: {  	v1 =	vld [tilespmem:s7+$0xD19];
	_ =	sdelay $0x4  }
0x109: {  	[tilespmem:s6+$0x17B0] =	vst v1  }
0x10a: {  	v1 =	vld [tilespmem:s7+$0xD29];
	_ =	sdelay $0x4  }
0x10b: {  	[tilespmem:s6+$0x17C0] =	vst v1  }
0x10c: {  	v1 =	vld [tilespmem:s7+$0xD39];
	_ =	sdelay $0x4  }
0x10d: {  	[tilespmem:s6+$0x17D0] =	vst v1  }
0x10e: {  	v1 =	vld [tilespmem:s7+$0xD49];
	_ =	sdelay $0x4  }
0x10f: {  	[tilespmem:s6+$0x17E0] =	vst v1  }
0x110: {  	v1 =	vld [tilespmem:s7+$0xD59];
	_ =	sdelay $0x4  }
0x111: {  	[tilespmem:s6+$0x17F0] =	vst v1  }
0x112: {  	v1 =	vld [tilespmem:s7+$0xD69];
	_ =	sdelay $0x4  }
0x113: {  	[tilespmem:s6+$0x1800] =	vst v1  }
0x114: {  	v1 =	vld [tilespmem:s7+$0xD79];
	_ =	sdelay $0x4  }
0x115: {  	[tilespmem:s6+$0x1810] =	vst v1  }
0x116: {  	v1 =	vld [tilespmem:s7+$0xD89];
	_ =	sdelay $0x4  }
0x117: {  	[tilespmem:s6+$0x1820] =	vst v1  }
0x118: {  	v1 =	vld [tilespmem:s7+$0xD99];
	_ =	sdelay $0x4  }
0x119: {  	[tilespmem:s6+$0x1830] =	vst v1  }
0x11a: {  	v1 =	vld [tilespmem:s7+$0xDA9];
	_ =	sdelay $0x4  }
0x11b: {  	[tilespmem:s6+$0x1840] =	vst v1  }
0x11c: {  	v1 =	vld [tilespmem:s7+$0xDB9];
	_ =	sdelay $0x4  }
0x11d: {  	[tilespmem:s6+$0x1850] =	vst v1  }
0x11e: {  	v1 =	vld [tilespmem:s7+$0xDC9];
	_ =	sdelay $0x4  }
0x11f: {  	[tilespmem:s6+$0x1860] =	vst v1  }
0x120: {  	v1 =	vld [tilespmem:s7+$0xDD9];
	_ =	sdelay $0x4  }
0x121: {  	[tilespmem:s6+$0x1870] =	vst v1  }
0x122: {  	v1 =	vld [tilespmem:s7+$0xDE9];
	_ =	sdelay $0x4  }
0x123: {  	[tilespmem:s6+$0x1880] =	vst v1  }
0x124: {  	v1 =	vld [tilespmem:s7+$0xDF9];
	_ =	sdelay $0x4  }
0x125: {  	[tilespmem:s6+$0x1890] =	vst v1  }
0x126: {  	v1 =	vld [tilespmem:s7+$0xE09];
	_ =	sdelay $0x4  }
0x127: {  	[tilespmem:s6+$0x18A0] =	vst v1  }
0x128: {  	v1 =	vld [tilespmem:s9+$0xD88];
	_ =	sdelay $0x4  }
0x129: {  	[tilespmem:s8+$0x19A0] =	vst v1  }
0x12a: {  	v1 =	vld [tilespmem:s9+$0xD98];
	_ =	sdelay $0x4  }
0x12b: {  	[tilespmem:s8+$0x19B0] =	vst v1  }
0x12c: {  	v1 =	vld [tilespmem:s9+$0xDA8];
	_ =	sdelay $0x4  }
0x12d: {  	[tilespmem:s8+$0x19C0] =	vst v1  }
0x12e: {  	v1 =	vld [tilespmem:s9+$0xDB8];
	_ =	sdelay $0x4  }
0x12f: {  	[tilespmem:s8+$0x19D0] =	vst v1  }
0x130: {  	v1 =	vld [tilespmem:s9+$0xDC8];
	_ =	sdelay $0x4  }
0x131: {  	[tilespmem:s8+$0x19E0] =	vst v1  }
0x132: {  	v1 =	vld [tilespmem:s9+$0xDD8];
	_ =	sdelay $0x4  }
0x133: {  	[tilespmem:s8+$0x19F0] =	vst v1  }
0x134: {  	v1 =	vld [tilespmem:s9+$0xDE8];
	_ =	sdelay $0x4  }
0x135: {  	[tilespmem:s8+$0x1A00] =	vst v1  }
0x136: {  	v1 =	vld [tilespmem:s9+$0xDF8];
	_ =	sdelay $0x4  }
0x137: {  	[tilespmem:s8+$0x1A10] =	vst v1  }
0x138: {  	v1 =	vld [tilespmem:s9+$0xE08];
	_ =	sdelay $0x4  }
0x139: {  	[tilespmem:s8+$0x1A20] =	vst v1  }
0x13a: {  	v1 =	vld [tilespmem:s9+$0xE18];
	_ =	sdelay $0x4  }
0x13b: {  	[tilespmem:s8+$0x1A30] =	vst v1  }
0x13c: {  	v1 =	vld [tilespmem:s9+$0xE28];
	_ =	sdelay $0x4  }
0x13d: {  	[tilespmem:s8+$0x1A40] =	vst v1  }
0x13e: {  	v1 =	vld [tilespmem:s9+$0xE38];
	_ =	sdelay $0x4  }
0x13f: {  	[tilespmem:s8+$0x1A50] =	vst v1  }
0x140: {  	v1 =	vld [tilespmem:s9+$0xE48];
	_ =	sdelay $0x4  }
0x141: {  	[tilespmem:s8+$0x1A60] =	vst v1  }
0x142: {  	v1 =	vld [tilespmem:s9+$0xE58];
	_ =	sdelay $0x4  }
0x143: {  	[tilespmem:s8+$0x1A70] =	vst v1  }
0x144: {  	v1 =	vld [tilespmem:s9+$0xE68];
	_ =	sdelay $0x4  }
0x145: {  	[tilespmem:s8+$0x1A80] =	vst v1  }
0x146: {  	v1 =	vld [tilespmem:s9+$0xE78];
	_ =	sdelay $0x4  }
0x147: {  	[tilespmem:s8+$0x1A90] =	vst v1  }
0x148: {  	v1 =	vld [tilespmem:s9+$0xE88];
	_ =	sdelay $0x1  }
.Ltmp3:
0x149: {  	_ = 	snop;
	(pc) =	sbr.rel .LBB2_4-.Ltmp3, $3  }
0x14a: {  	_ =	sdelay $0x1  }
0x14b: {  	s18 =	simm.s32 $0x0;
	[tilespmem:s8+$0x1AA0] =	vst v1  }
0x14c: {  	[hbm4b:s10+s18] =	stream.linear.scatter [tilespmem:s13], [sflag:$0x1], $0xC00, $0x38;
	[tilespmem:$0x2760] =	vst v63  }
.LBB2_8:
0x14d: {  	s19 =	smin.u32 s19, $0x2F  }
0x14e: {  	s20 =	sshll.u32 s19, $0x5  }
0x14f: {  	s20 =	sand.u32 $0xE0, s20  }
0x150: {  	s20 =	sor.u32 s4, s20  }
0x151: {  	s20 =	sshll.u32 s20, $0x3  }
0x152: {  	s21 =	sand.u32 $0x780, s20  }
0x153: {  	s21 =	smax.u32 s21, $0x80  }
0x154: {  	s22 =	smin.u32 s21, $0x700  }
0x155: {  	s23 =	ssub.s32 s20, s22  }
0x156: {  	s21 =	sand.u32 $0xFFFFFFF0, s23  }
0x157: {  	p0 =	sgt.s32 s21, $0x0  }
0x158: {  	s21 =	simm.s32 @!p0 $0x0  }
0x159: {  	s22 =	ssub.s32 s22, s20;
	s21 =	smin.u32 s21, $0x70  }
0x15a: {  	_ =	swait.ge [sflag:s15], $0xC00;
	s24 =	sadd.s32 s21, s22  }
0x15b: {  	[sflag:s15] =	ssyncset.done $0x0;
	s25 =	sadd.s32 $0xFF, s24  }
0x15c: {  	[sflag:s15] =	ssyncadd.s32 $0xFFFFF400;
	s25 =	sor.u32 $0x7, s25  }
0x15d: {  	v1 =	vld [tilespmem:s25+$0xC10];
	_ =	sdelay $0x4  }
0x15e: {  	[tilespmem:s21+$0xF20] =	vst v1  }
0x15f: {  	v1 =	vld [tilespmem:s25+$0xC20];
	_ =	sdelay $0x4  }
0x160: {  	[tilespmem:s21+$0xF30] =	vst v1  }
0x161: {  	v1 =	vld [tilespmem:s25+$0xC30];
	_ =	sdelay $0x4  }
0x162: {  	[tilespmem:s21+$0xF40] =	vst v1  }
0x163: {  	v1 =	vld [tilespmem:s25+$0xC40];
	_ =	sdelay $0x4  }
0x164: {  	[tilespmem:s21+$0xF50] =	vst v1  }
0x165: {  	v1 =	vld [tilespmem:s25+$0xC50];
	_ =	sdelay $0x4  }
0x166: {  	[tilespmem:s21+$0xF60] =	vst v1  }
0x167: {  	v1 =	vld [tilespmem:s25+$0xC60];
	_ =	sdelay $0x4  }
0x168: {  	[tilespmem:s21+$0xF70] =	vst v1  }
0x169: {  	v1 =	vld [tilespmem:s25+$0xC70];
	_ =	sdelay $0x4  }
0x16a: {  	[tilespmem:s21+$0xF80] =	vst v1  }
0x16b: {  	v1 =	vld [tilespmem:s25+$0xC80];
	_ =	sdelay $0x4  }
0x16c: {  	[tilespmem:s21+$0xF90] =	vst v1  }
0x16d: {  	v1 =	vld [tilespmem:s25+$0xC90];
	_ =	sdelay $0x4  }
0x16e: {  	[tilespmem:s21+$0xFA0] =	vst v1  }
0x16f: {  	v1 =	vld [tilespmem:s25+$0xCA0];
	_ =	sdelay $0x4  }
0x170: {  	[tilespmem:s21+$0xFB0] =	vst v1  }
0x171: {  	v1 =	vld [tilespmem:s25+$0xCB0];
	_ =	sdelay $0x4  }
0x172: {  	[tilespmem:s21+$0xFC0] =	vst v1  }
0x173: {  	v1 =	vld [tilespmem:s25+$0xCC0];
	_ =	sdelay $0x4  }
0x174: {  	[tilespmem:s21+$0xFD0] =	vst v1  }
0x175: {  	v1 =	vld [tilespmem:s25+$0xCD0];
	_ =	sdelay $0x4  }
0x176: {  	[tilespmem:s21+$0xFE0] =	vst v1  }
0x177: {  	v1 =	vld [tilespmem:s25+$0xCE0];
	_ =	sdelay $0x4  }
0x178: {  	[tilespmem:s21+$0xFF0] =	vst v1  }
0x179: {  	v1 =	vld [tilespmem:s25+$0xCF0];
	_ =	sdelay $0x4  }
0x17a: {  	[tilespmem:s21+$0x1000] =	vst v1  }
0x17b: {  	v1 =	vld [tilespmem:s25+$0xD00];
	_ =	sdelay $0x4  }
0x17c: {  	[tilespmem:s21+$0x1010] =	vst v1  }
0x17d: {  	v1 =	vld [tilespmem:s25+$0xD10];
	_ =	sdelay $0x3  }
0x17e: {  	s31 =	sadd.s32 $0xFE, s24  }
0x17f: {  	s25 =	sand.u32 $0xFFFFFFF8, s31;
	[tilespmem:s21+$0x1020] =	vst v1  }
0x180: {  	v1 =	vld [tilespmem:s25+$0xC16];
	_ =	sdelay $0x4  }
0x181: {  	[tilespmem:s21+$0x10A0] =	vst v1  }
0x182: {  	v1 =	vld [tilespmem:s25+$0xC26];
	_ =	sdelay $0x4  }
0x183: {  	[tilespmem:s21+$0x10B0] =	vst v1  }
0x184: {  	v1 =	vld [tilespmem:s25+$0xC36];
	_ =	sdelay $0x4  }
0x185: {  	[tilespmem:s21+$0x10C0] =	vst v1  }
0x186: {  	v1 =	vld [tilespmem:s25+$0xC46];
	_ =	sdelay $0x4  }
0x187: {  	[tilespmem:s21+$0x10D0] =	vst v1  }
0x188: {  	v1 =	vld [tilespmem:s25+$0xC56];
	_ =	sdelay $0x4  }
0x189: {  	[tilespmem:s21+$0x10E0] =	vst v1  }
0x18a: {  	v1 =	vld [tilespmem:s25+$0xC66];
	_ =	sdelay $0x4  }
0x18b: {  	[tilespmem:s21+$0x10F0] =	vst v1  }
0x18c: {  	v1 =	vld [tilespmem:s25+$0xC76];
	_ =	sdelay $0x4  }
0x18d: {  	[tilespmem:s21+$0x1100] =	vst v1  }
0x18e: {  	v1 =	vld [tilespmem:s25+$0xC86];
	_ =	sdelay $0x4  }
0x18f: {  	[tilespmem:s21+$0x1110] =	vst v1  }
0x190: {  	v1 =	vld [tilespmem:s25+$0xC96];
	_ =	sdelay $0x4  }
0x191: {  	[tilespmem:s21+$0x1120] =	vst v1  }
0x192: {  	v1 =	vld [tilespmem:s25+$0xCA6];
	_ =	sdelay $0x4  }
0x193: {  	[tilespmem:s21+$0x1130] =	vst v1  }
0x194: {  	v1 =	vld [tilespmem:s25+$0xCB6];
	_ =	sdelay $0x4  }
0x195: {  	[tilespmem:s21+$0x1140] =	vst v1  }
0x196: {  	v1 =	vld [tilespmem:s25+$0xCC6];
	_ =	sdelay $0x4  }
0x197: {  	[tilespmem:s21+$0x1150] =	vst v1  }
0x198: {  	v1 =	vld [tilespmem:s25+$0xCD6];
	_ =	sdelay $0x4  }
0x199: {  	[tilespmem:s21+$0x1160] =	vst v1  }
0x19a: {  	v1 =	vld [tilespmem:s25+$0xCE6];
	_ =	sdelay $0x4  }
0x19b: {  	[tilespmem:s21+$0x1170] =	vst v1  }
0x19c: {  	v1 =	vld [tilespmem:s25+$0xCF6];
	_ =	sdelay $0x4  }
0x19d: {  	[tilespmem:s21+$0x1180] =	vst v1  }
0x19e: {  	v1 =	vld [tilespmem:s25+$0xD06];
	_ =	sdelay $0x4  }
0x19f: {  	[tilespmem:s21+$0x1190] =	vst v1  }
0x1a0: {  	v1 =	vld [tilespmem:s25+$0xD16];
	_ =	sdelay $0x3  }
0x1a1: {  	s26 =	sadd.s32 $0xFD, s24  }
0x1a2: {  	s25 =	sand.u32 $0xFFFFFFF8, s26;
	[tilespmem:s21+$0x11A0] =	vst v1  }
0x1a3: {  	v1 =	vld [tilespmem:s25+$0xC15];
	_ =	sdelay $0x4  }
0x1a4: {  	[tilespmem:s21+$0x1220] =	vst v1  }
0x1a5: {  	v1 =	vld [tilespmem:s25+$0xC25];
	_ =	sdelay $0x4  }
0x1a6: {  	[tilespmem:s21+$0x1230] =	vst v1  }
0x1a7: {  	v1 =	vld [tilespmem:s25+$0xC35];
	_ =	sdelay $0x4  }
0x1a8: {  	[tilespmem:s21+$0x1240] =	vst v1  }
0x1a9: {  	v1 =	vld [tilespmem:s25+$0xC45];
	_ =	sdelay $0x4  }
0x1aa: {  	[tilespmem:s21+$0x1250] =	vst v1  }
0x1ab: {  	v1 =	vld [tilespmem:s25+$0xC55];
	_ =	sdelay $0x4  }
0x1ac: {  	[tilespmem:s21+$0x1260] =	vst v1  }
0x1ad: {  	v1 =	vld [tilespmem:s25+$0xC65];
	_ =	sdelay $0x4  }
0x1ae: {  	[tilespmem:s21+$0x1270] =	vst v1  }
0x1af: {  	v1 =	vld [tilespmem:s25+$0xC75];
	_ =	sdelay $0x4  }
0x1b0: {  	[tilespmem:s21+$0x1280] =	vst v1  }
0x1b1: {  	v1 =	vld [tilespmem:s25+$0xC85];
	_ =	sdelay $0x4  }
0x1b2: {  	[tilespmem:s21+$0x1290] =	vst v1  }
0x1b3: {  	v1 =	vld [tilespmem:s25+$0xC95];
	_ =	sdelay $0x4  }
0x1b4: {  	[tilespmem:s21+$0x12A0] =	vst v1  }
0x1b5: {  	v1 =	vld [tilespmem:s25+$0xCA5];
	_ =	sdelay $0x4  }
0x1b6: {  	[tilespmem:s21+$0x12B0] =	vst v1  }
0x1b7: {  	v1 =	vld [tilespmem:s25+$0xCB5];
	_ =	sdelay $0x4  }
0x1b8: {  	[tilespmem:s21+$0x12C0] =	vst v1  }
0x1b9: {  	v1 =	vld [tilespmem:s25+$0xCC5];
	_ =	sdelay $0x4  }
0x1ba: {  	[tilespmem:s21+$0x12D0] =	vst v1  }
0x1bb: {  	v1 =	vld [tilespmem:s25+$0xCD5];
	_ =	sdelay $0x4  }
0x1bc: {  	[tilespmem:s21+$0x12E0] =	vst v1  }
0x1bd: {  	v1 =	vld [tilespmem:s25+$0xCE5];
	_ =	sdelay $0x4  }
0x1be: {  	[tilespmem:s21+$0x12F0] =	vst v1  }
0x1bf: {  	v1 =	vld [tilespmem:s25+$0xCF5];
	_ =	sdelay $0x4  }
0x1c0: {  	[tilespmem:s21+$0x1300] =	vst v1  }
0x1c1: {  	v1 =	vld [tilespmem:s25+$0xD05];
	_ =	sdelay $0x4  }
0x1c2: {  	[tilespmem:s21+$0x1310] =	vst v1  }
0x1c3: {  	v1 =	vld [tilespmem:s25+$0xD15];
	_ =	sdelay $0x3  }
0x1c4: {  	s28 =	sadd.s32 $0xFC, s24  }
0x1c5: {  	s25 =	sand.u32 $0xFFFFFFF8, s28;
	[tilespmem:s21+$0x1320] =	vst v1  }
0x1c6: {  	v1 =	vld [tilespmem:s25+$0xC14];
	_ =	sdelay $0x4  }
0x1c7: {  	[tilespmem:s21+$0x13A0] =	vst v1  }
0x1c8: {  	v1 =	vld [tilespmem:s25+$0xC24];
	_ =	sdelay $0x4  }
0x1c9: {  	[tilespmem:s21+$0x13B0] =	vst v1  }
0x1ca: {  	v1 =	vld [tilespmem:s25+$0xC34];
	_ =	sdelay $0x4  }
0x1cb: {  	[tilespmem:s21+$0x13C0] =	vst v1  }
0x1cc: {  	v1 =	vld [tilespmem:s25+$0xC44];
	_ =	sdelay $0x4  }
0x1cd: {  	[tilespmem:s21+$0x13D0] =	vst v1  }
0x1ce: {  	v1 =	vld [tilespmem:s25+$0xC54];
	_ =	sdelay $0x4  }
0x1cf: {  	[tilespmem:s21+$0x13E0] =	vst v1  }
0x1d0: {  	v1 =	vld [tilespmem:s25+$0xC64];
	_ =	sdelay $0x4  }
0x1d1: {  	[tilespmem:s21+$0x13F0] =	vst v1  }
0x1d2: {  	v1 =	vld [tilespmem:s25+$0xC74];
	_ =	sdelay $0x4  }
0x1d3: {  	[tilespmem:s21+$0x1400] =	vst v1  }
0x1d4: {  	v1 =	vld [tilespmem:s25+$0xC84];
	_ =	sdelay $0x4  }
0x1d5: {  	[tilespmem:s21+$0x1410] =	vst v1  }
0x1d6: {  	v1 =	vld [tilespmem:s25+$0xC94];
	_ =	sdelay $0x4  }
0x1d7: {  	[tilespmem:s21+$0x1420] =	vst v1  }
0x1d8: {  	v1 =	vld [tilespmem:s25+$0xCA4];
	_ =	sdelay $0x4  }
0x1d9: {  	[tilespmem:s21+$0x1430] =	vst v1  }
0x1da: {  	v1 =	vld [tilespmem:s25+$0xCB4];
	_ =	sdelay $0x4  }
0x1db: {  	[tilespmem:s21+$0x1440] =	vst v1  }
0x1dc: {  	v1 =	vld [tilespmem:s25+$0xCC4];
	_ =	sdelay $0x4  }
0x1dd: {  	[tilespmem:s21+$0x1450] =	vst v1  }
0x1de: {  	v1 =	vld [tilespmem:s25+$0xCD4];
	_ =	sdelay $0x4  }
0x1df: {  	[tilespmem:s21+$0x1460] =	vst v1  }
0x1e0: {  	v1 =	vld [tilespmem:s25+$0xCE4];
	_ =	sdelay $0x4  }
0x1e1: {  	[tilespmem:s21+$0x1470] =	vst v1  }
0x1e2: {  	v1 =	vld [tilespmem:s25+$0xCF4];
	_ =	sdelay $0x4  }
0x1e3: {  	[tilespmem:s21+$0x1480] =	vst v1  }
0x1e4: {  	v1 =	vld [tilespmem:s25+$0xD04];
	_ =	sdelay $0x4  }
0x1e5: {  	[tilespmem:s21+$0x1490] =	vst v1  }
0x1e6: {  	v1 =	vld [tilespmem:s25+$0xD14];
	_ =	sdelay $0x3  }
0x1e7: {  	s29 =	sadd.s32 $0xFB, s24  }
0x1e8: {  	s25 =	sand.u32 $0xFFFFFFF8, s29;
	[tilespmem:s21+$0x14A0] =	vst v1  }
0x1e9: {  	v1 =	vld [tilespmem:s25+$0xC13];
	_ =	sdelay $0x4  }
0x1ea: {  	[tilespmem:s21+$0x1520] =	vst v1  }
0x1eb: {  	v1 =	vld [tilespmem:s25+$0xC23];
	_ =	sdelay $0x4  }
0x1ec: {  	[tilespmem:s21+$0x1530] =	vst v1  }
0x1ed: {  	v1 =	vld [tilespmem:s25+$0xC33];
	_ =	sdelay $0x4  }
0x1ee: {  	[tilespmem:s21+$0x1540] =	vst v1  }
0x1ef: {  	v1 =	vld [tilespmem:s25+$0xC43];
	_ =	sdelay $0x4  }
0x1f0: {  	[tilespmem:s21+$0x1550] =	vst v1  }
0x1f1: {  	v1 =	vld [tilespmem:s25+$0xC53];
	_ =	sdelay $0x4  }
0x1f2: {  	[tilespmem:s21+$0x1560] =	vst v1  }
0x1f3: {  	v1 =	vld [tilespmem:s25+$0xC63];
	_ =	sdelay $0x4  }
0x1f4: {  	[tilespmem:s21+$0x1570] =	vst v1  }
0x1f5: {  	v1 =	vld [tilespmem:s25+$0xC73];
	_ =	sdelay $0x4  }
0x1f6: {  	[tilespmem:s21+$0x1580] =	vst v1  }
0x1f7: {  	v1 =	vld [tilespmem:s25+$0xC83];
	_ =	sdelay $0x4  }
0x1f8: {  	[tilespmem:s21+$0x1590] =	vst v1  }
0x1f9: {  	v1 =	vld [tilespmem:s25+$0xC93];
	_ =	sdelay $0x4  }
0x1fa: {  	[tilespmem:s21+$0x15A0] =	vst v1  }
0x1fb: {  	v1 =	vld [tilespmem:s25+$0xCA3];
	_ =	sdelay $0x4  }
0x1fc: {  	[tilespmem:s21+$0x15B0] =	vst v1  }
0x1fd: {  	v1 =	vld [tilespmem:s25+$0xCB3];
	_ =	sdelay $0x4  }
0x1fe: {  	[tilespmem:s21+$0x15C0] =	vst v1  }
0x1ff: {  	v1 =	vld [tilespmem:s25+$0xCC3];
	_ =	sdelay $0x4  }
0x200: {  	[tilespmem:s21+$0x15D0] =	vst v1  }
0x201: {  	v1 =	vld [tilespmem:s25+$0xCD3];
	_ =	sdelay $0x4  }
0x202: {  	[tilespmem:s21+$0x15E0] =	vst v1  }
0x203: {  	v1 =	vld [tilespmem:s25+$0xCE3];
	_ =	sdelay $0x4  }
0x204: {  	[tilespmem:s21+$0x15F0] =	vst v1  }
0x205: {  	v1 =	vld [tilespmem:s25+$0xCF3];
	_ =	sdelay $0x4  }
0x206: {  	[tilespmem:s21+$0x1600] =	vst v1  }
0x207: {  	v1 =	vld [tilespmem:s25+$0xD03];
	_ =	sdelay $0x4  }
0x208: {  	[tilespmem:s21+$0x1610] =	vst v1  }
0x209: {  	v1 =	vld [tilespmem:s25+$0xD13];
	_ =	sdelay $0x3  }
0x20a: {  	s30 =	sadd.s32 $0xFA, s24  }
0x20b: {  	s25 =	sand.u32 $0xFFFFFFF8, s30;
	[tilespmem:s21+$0x1620] =	vst v1  }
0x20c: {  	v1 =	vld [tilespmem:s25+$0xC12];
	_ =	sdelay $0x4  }
0x20d: {  	[tilespmem:s21+$0x16A0] =	vst v1  }
0x20e: {  	v1 =	vld [tilespmem:s25+$0xC22];
	_ =	sdelay $0x4  }
0x20f: {  	[tilespmem:s21+$0x16B0] =	vst v1  }
0x210: {  	v1 =	vld [tilespmem:s25+$0xC32];
	_ =	sdelay $0x4  }
0x211: {  	[tilespmem:s21+$0x16C0] =	vst v1  }
0x212: {  	v1 =	vld [tilespmem:s25+$0xC42];
	_ =	sdelay $0x4  }
0x213: {  	[tilespmem:s21+$0x16D0] =	vst v1  }
0x214: {  	v1 =	vld [tilespmem:s25+$0xC52];
	_ =	sdelay $0x4  }
0x215: {  	[tilespmem:s21+$0x16E0] =	vst v1  }
0x216: {  	v1 =	vld [tilespmem:s25+$0xC62];
	_ =	sdelay $0x4  }
0x217: {  	[tilespmem:s21+$0x16F0] =	vst v1  }
0x218: {  	v1 =	vld [tilespmem:s25+$0xC72];
	_ =	sdelay $0x4  }
0x219: {  	[tilespmem:s21+$0x1700] =	vst v1  }
0x21a: {  	v1 =	vld [tilespmem:s25+$0xC82];
	_ =	sdelay $0x4  }
0x21b: {  	[tilespmem:s21+$0x1710] =	vst v1  }
0x21c: {  	v1 =	vld [tilespmem:s25+$0xC92];
	_ =	sdelay $0x4  }
0x21d: {  	[tilespmem:s21+$0x1720] =	vst v1  }
0x21e: {  	v1 =	vld [tilespmem:s25+$0xCA2];
	_ =	sdelay $0x4  }
0x21f: {  	[tilespmem:s21+$0x1730] =	vst v1  }
0x220: {  	v1 =	vld [tilespmem:s25+$0xCB2];
	_ =	sdelay $0x4  }
0x221: {  	[tilespmem:s21+$0x1740] =	vst v1  }
0x222: {  	v1 =	vld [tilespmem:s25+$0xCC2];
	_ =	sdelay $0x4  }
0x223: {  	[tilespmem:s21+$0x1750] =	vst v1  }
0x224: {  	v1 =	vld [tilespmem:s25+$0xCD2];
	_ =	sdelay $0x4  }
0x225: {  	[tilespmem:s21+$0x1760] =	vst v1  }
0x226: {  	v1 =	vld [tilespmem:s25+$0xCE2];
	_ =	sdelay $0x4  }
0x227: {  	[tilespmem:s21+$0x1770] =	vst v1  }
0x228: {  	v1 =	vld [tilespmem:s25+$0xCF2];
	_ =	sdelay $0x4  }
0x229: {  	[tilespmem:s21+$0x1780] =	vst v1  }
0x22a: {  	v1 =	vld [tilespmem:s25+$0xD02];
	_ =	sdelay $0x4  }
0x22b: {  	[tilespmem:s21+$0x1790] =	vst v1  }
0x22c: {  	v1 =	vld [tilespmem:s25+$0xD12];
	_ =	sdelay $0x3  }
0x22d: {  	s24 =	sadd.s32 $0xF9, s24  }
0x22e: {  	s24 =	sand.u32 $0xFFFFFFF8, s24;
	[tilespmem:s21+$0x17A0] =	vst v1  }
0x22f: {  	v1 =	vld [tilespmem:s24+$0xC11];
	_ =	sdelay $0x4  }
0x230: {  	[tilespmem:s21+$0x1820] =	vst v1  }
0x231: {  	v1 =	vld [tilespmem:s24+$0xC21];
	_ =	sdelay $0x4  }
0x232: {  	[tilespmem:s21+$0x1830] =	vst v1  }
0x233: {  	v1 =	vld [tilespmem:s24+$0xC31];
	_ =	sdelay $0x4  }
0x234: {  	[tilespmem:s21+$0x1840] =	vst v1  }
0x235: {  	v1 =	vld [tilespmem:s24+$0xC41];
	_ =	sdelay $0x4  }
0x236: {  	[tilespmem:s21+$0x1850] =	vst v1  }
0x237: {  	v1 =	vld [tilespmem:s24+$0xC51];
	_ =	sdelay $0x4  }
0x238: {  	[tilespmem:s21+$0x1860] =	vst v1  }
0x239: {  	v1 =	vld [tilespmem:s24+$0xC61];
	_ =	sdelay $0x4  }
0x23a: {  	[tilespmem:s21+$0x1870] =	vst v1  }
0x23b: {  	v1 =	vld [tilespmem:s24+$0xC71];
	_ =	sdelay $0x4  }
0x23c: {  	[tilespmem:s21+$0x1880] =	vst v1  }
0x23d: {  	v1 =	vld [tilespmem:s24+$0xC81];
	_ =	sdelay $0x4  }
0x23e: {  	[tilespmem:s21+$0x1890] =	vst v1  }
0x23f: {  	v1 =	vld [tilespmem:s24+$0xC91];
	_ =	sdelay $0x4  }
0x240: {  	[tilespmem:s21+$0x18A0] =	vst v1  }
0x241: {  	v1 =	vld [tilespmem:s24+$0xCA1];
	_ =	sdelay $0x4  }
0x242: {  	[tilespmem:s21+$0x18B0] =	vst v1  }
0x243: {  	v1 =	vld [tilespmem:s24+$0xCB1];
	_ =	sdelay $0x4  }
0x244: {  	[tilespmem:s21+$0x18C0] =	vst v1  }
0x245: {  	v1 =	vld [tilespmem:s24+$0xCC1];
	_ =	sdelay $0x4  }
0x246: {  	[tilespmem:s21+$0x18D0] =	vst v1  }
0x247: {  	v1 =	vld [tilespmem:s24+$0xCD1];
	_ =	sdelay $0x4  }
0x248: {  	[tilespmem:s21+$0x18E0] =	vst v1  }
0x249: {  	v1 =	vld [tilespmem:s24+$0xCE1];
	_ =	sdelay $0x4  }
0x24a: {  	[tilespmem:s21+$0x18F0] =	vst v1  }
0x24b: {  	v1 =	vld [tilespmem:s24+$0xCF1];
	_ =	sdelay $0x4  }
0x24c: {  	[tilespmem:s21+$0x1900] =	vst v1  }
0x24d: {  	v1 =	vld [tilespmem:s24+$0xD01];
	_ =	sdelay $0x4  }
0x24e: {  	[tilespmem:s21+$0x1910] =	vst v1  }
0x24f: {  	s23 =	sadd.s32 $0x8, s23;
	v1 =	vld [tilespmem:s24+$0xD11]  }
0x250: {  	s23 =	sand.u32 $0xFFFFFFF0, s23  }
0x251: {  	p0 =	sgt.s32 s23, $0x0  }
0x252: {  	s23 =	simm.s32 @!p0 $0x0  }
0x253: {  	s23 =	smin.u32 s23, $0x70  }
0x254: {  	s31 =	sadd.s32 s22, s23;
	[tilespmem:s21+$0x1920] =	vst v1  }
0x255: {  	v1 =	vld [tilespmem:s31+$0xD08];
	_ =	sdelay $0x4  }
0x256: {  	[tilespmem:s23+$0x19A0] =	vst v1  }
0x257: {  	v1 =	vld [tilespmem:s31+$0xD18];
	_ =	sdelay $0x4  }
0x258: {  	[tilespmem:s23+$0x19B0] =	vst v1  }
0x259: {  	v1 =	vld [tilespmem:s31+$0xD28];
	_ =	sdelay $0x4  }
0x25a: {  	[tilespmem:s23+$0x19C0] =	vst v1  }
0x25b: {  	v1 =	vld [tilespmem:s31+$0xD38];
	_ =	sdelay $0x4  }
0x25c: {  	[tilespmem:s23+$0x19D0] =	vst v1  }
0x25d: {  	v1 =	vld [tilespmem:s31+$0xD48];
	_ =	sdelay $0x4  }
0x25e: {  	[tilespmem:s23+$0x19E0] =	vst v1  }
0x25f: {  	v1 =	vld [tilespmem:s31+$0xD58];
	_ =	sdelay $0x4  }
0x260: {  	[tilespmem:s23+$0x19F0] =	vst v1  }
0x261: {  	v1 =	vld [tilespmem:s31+$0xD68];
	_ =	sdelay $0x4  }
0x262: {  	[tilespmem:s23+$0x1A00] =	vst v1  }
0x263: {  	v1 =	vld [tilespmem:s31+$0xD78];
	_ =	sdelay $0x4  }
0x264: {  	[tilespmem:s23+$0x1A10] =	vst v1  }
0x265: {  	v1 =	vld [tilespmem:s31+$0xD88];
	_ =	sdelay $0x4  }
0x266: {  	[tilespmem:s23+$0x1A20] =	vst v1  }
0x267: {  	v1 =	vld [tilespmem:s31+$0xD98];
	_ =	sdelay $0x4  }
0x268: {  	[tilespmem:s23+$0x1A30] =	vst v1  }
0x269: {  	v1 =	vld [tilespmem:s31+$0xDA8];
	_ =	sdelay $0x4  }
0x26a: {  	[tilespmem:s23+$0x1A40] =	vst v1  }
0x26b: {  	v1 =	vld [tilespmem:s31+$0xDB8];
	_ =	sdelay $0x4  }
0x26c: {  	[tilespmem:s23+$0x1A50] =	vst v1  }
0x26d: {  	v1 =	vld [tilespmem:s31+$0xDC8];
	_ =	sdelay $0x4  }
0x26e: {  	[tilespmem:s23+$0x1A60] =	vst v1  }
0x26f: {  	v1 =	vld [tilespmem:s31+$0xDD8];
	_ =	sdelay $0x4  }
0x270: {  	[tilespmem:s23+$0x1A70] =	vst v1  }
0x271: {  	v1 =	vld [tilespmem:s31+$0xDE8];
	_ =	sdelay $0x4  }
0x272: {  	[tilespmem:s23+$0x1A80] =	vst v1  }
0x273: {  	v1 =	vld [tilespmem:s31+$0xDF8];
	_ =	sdelay $0x4  }
0x274: {  	[tilespmem:s23+$0x1A90] =	vst v1  }
0x275: {  	s18 =	sadd.s32 $0x1, s18;
	s19 =	sshll.u32 s19, $0x8;
	v1 =	vld [tilespmem:s31+$0xE08]  }
0x276: {  	s19 =	sand.u32 $0x3800, s19;
	p0 =	sne.s32 s18, $0x18  }
.Ltmp4:
0x277: {  	s19 =	sor.u32 s19, s20;
	(pc) =	sbr.rel @!p0 .LBB2_9-.Ltmp4, $3  }
0x278: {  	s19 =	smul.u32 $0x30, s19;
	_ =	sdelay $0x1  }
0x279: {  	s19 =	sadd.s32 s2, s19;
	[tilespmem:s23+$0x1AA0] =	vst v1  }
0x27a: {  	[hbm4b:s19+s3] =	stream.linear.scatter [tilespmem:s13], [sflag:$0x1], $0xC00, $0x38;
	[tilespmem:$0x2760] =	vst v63  }
.LBB2_4:
0x27b: {  	s19 =	sshll.u32 s18, $0x6  }
0x27c: {  	s19 =	sand.u32 $0xC0, s19  }
0x27d: {  	s19 =	sor.u32 s19, s4  }
0x27e: {  	s22 =	sshll.u32 s19, $0x3  }
0x27f: {  	s19 =	sor.u32 $0x100, s22  }
0x280: {  	s20 =	sand.u32 $0x780, s19  }
0x281: {  	s23 =	smin.u32 s20, $0x700  }
0x282: {  	s20 =	ssub.s32 s19, s23  }
0x283: {  	p0 =	seq.s32 s18, $0x0;
	s21 =	sand.u32 $0xFFFFFFF0, s20  }
0x284: {  	s24 =	simm.s32 @!p0 $0x2;
	p1 =	sgt.s32 s21, $0x0  }
0x285: {  	_ =	swait.ge @!p0 [sflag:s24], $0xC00;
	s21 =	simm.s32 @!p1 $0x0  }
0x286: {  	[sflag:s24] =	ssyncset.done @!p0 $0x0;
	s22 =	ssub.s32 s23, s22;
	s21 =	smin.u32 s21, $0x70  }
0x287: {  	[sflag:s24] =	ssyncadd.s32 @!p0 $0xFFFFF400;
	s23 =	sadd.s32 s21, s22  }
0x288: {  	v1 =	vld [tilespmem:s23+$0xC0F];
	_ =	sdelay $0x4  }
0x289: {  	[tilespmem:s21+$0x1B40] =	vst v1  }
0x28a: {  	v1 =	vld [tilespmem:s23+$0xC1F];
	_ =	sdelay $0x4  }
0x28b: {  	[tilespmem:s21+$0x1B50] =	vst v1  }
0x28c: {  	v1 =	vld [tilespmem:s23+$0xC2F];
	_ =	sdelay $0x4  }
0x28d: {  	[tilespmem:s21+$0x1B60] =	vst v1  }
0x28e: {  	v1 =	vld [tilespmem:s23+$0xC3F];
	_ =	sdelay $0x4  }
0x28f: {  	[tilespmem:s21+$0x1B70] =	vst v1  }
0x290: {  	v1 =	vld [tilespmem:s23+$0xC4F];
	_ =	sdelay $0x4  }
0x291: {  	[tilespmem:s21+$0x1B80] =	vst v1  }
0x292: {  	v1 =	vld [tilespmem:s23+$0xC5F];
	_ =	sdelay $0x4  }
0x293: {  	[tilespmem:s21+$0x1B90] =	vst v1  }
0x294: {  	v1 =	vld [tilespmem:s23+$0xC6F];
	_ =	sdelay $0x4  }
0x295: {  	[tilespmem:s21+$0x1BA0] =	vst v1  }
0x296: {  	v1 =	vld [tilespmem:s23+$0xC7F];
	_ =	sdelay $0x4  }
0x297: {  	[tilespmem:s21+$0x1BB0] =	vst v1  }
0x298: {  	v1 =	vld [tilespmem:s23+$0xC8F];
	_ =	sdelay $0x4  }
0x299: {  	[tilespmem:s21+$0x1BC0] =	vst v1  }
0x29a: {  	v1 =	vld [tilespmem:s23+$0xC9F];
	_ =	sdelay $0x4  }
0x29b: {  	[tilespmem:s21+$0x1BD0] =	vst v1  }
0x29c: {  	v1 =	vld [tilespmem:s23+$0xCAF];
	_ =	sdelay $0x4  }
0x29d: {  	[tilespmem:s21+$0x1BE0] =	vst v1  }
0x29e: {  	v1 =	vld [tilespmem:s23+$0xCBF];
	_ =	sdelay $0x4  }
0x29f: {  	[tilespmem:s21+$0x1BF0] =	vst v1  }
0x2a0: {  	v1 =	vld [tilespmem:s23+$0xCCF];
	_ =	sdelay $0x4  }
0x2a1: {  	[tilespmem:s21+$0x1C00] =	vst v1  }
0x2a2: {  	v1 =	vld [tilespmem:s23+$0xCDF];
	_ =	sdelay $0x4  }
0x2a3: {  	[tilespmem:s21+$0x1C10] =	vst v1  }
0x2a4: {  	v1 =	vld [tilespmem:s23+$0xCEF];
	_ =	sdelay $0x4  }
0x2a5: {  	[tilespmem:s21+$0x1C20] =	vst v1  }
0x2a6: {  	v1 =	vld [tilespmem:s23+$0xCFF];
	_ =	sdelay $0x4  }
0x2a7: {  	[tilespmem:s21+$0x1C30] =	vst v1  }
0x2a8: {  	v1 =	vld [tilespmem:s23+$0xD0F];
	_ =	sdelay $0x3  }
0x2a9: {  	s22 =	sadd.s32 $0xC08, s22  }
0x2aa: {  	s25 =	sadd.s32 s21, s22;
	[tilespmem:s21+$0x1C40] =	vst v1  }
0x2ab: {  	v1 =	vld [tilespmem:s25+$0x6];
	_ =	sdelay $0x4  }
0x2ac: {  	[tilespmem:s21+$0x1CC0] =	vst v1  }
0x2ad: {  	v1 =	vld [tilespmem:s25+$0x16];
	_ =	sdelay $0x4  }
0x2ae: {  	[tilespmem:s21+$0x1CD0] =	vst v1  }
0x2af: {  	v1 =	vld [tilespmem:s25+$0x26];
	_ =	sdelay $0x4  }
0x2b0: {  	[tilespmem:s21+$0x1CE0] =	vst v1  }
0x2b1: {  	v1 =	vld [tilespmem:s25+$0x36];
	_ =	sdelay $0x4  }
0x2b2: {  	[tilespmem:s21+$0x1CF0] =	vst v1  }
0x2b3: {  	v1 =	vld [tilespmem:s25+$0x46];
	_ =	sdelay $0x4  }
0x2b4: {  	[tilespmem:s21+$0x1D00] =	vst v1  }
0x2b5: {  	v1 =	vld [tilespmem:s25+$0x56];
	_ =	sdelay $0x4  }
0x2b6: {  	[tilespmem:s21+$0x1D10] =	vst v1  }
0x2b7: {  	v1 =	vld [tilespmem:s25+$0x66];
	_ =	sdelay $0x4  }
0x2b8: {  	[tilespmem:s21+$0x1D20] =	vst v1  }
0x2b9: {  	v1 =	vld [tilespmem:s25+$0x76];
	_ =	sdelay $0x4  }
0x2ba: {  	[tilespmem:s21+$0x1D30] =	vst v1  }
0x2bb: {  	v1 =	vld [tilespmem:s25+$0x86];
	_ =	sdelay $0x4  }
0x2bc: {  	[tilespmem:s21+$0x1D40] =	vst v1  }
0x2bd: {  	v1 =	vld [tilespmem:s25+$0x96];
	_ =	sdelay $0x4  }
0x2be: {  	[tilespmem:s21+$0x1D50] =	vst v1  }
0x2bf: {  	v1 =	vld [tilespmem:s25+$0xA6];
	_ =	sdelay $0x4  }
0x2c0: {  	[tilespmem:s21+$0x1D60] =	vst v1  }
0x2c1: {  	v1 =	vld [tilespmem:s25+$0xB6];
	_ =	sdelay $0x4  }
0x2c2: {  	[tilespmem:s21+$0x1D70] =	vst v1  }
0x2c3: {  	v1 =	vld [tilespmem:s25+$0xC6];
	_ =	sdelay $0x4  }
0x2c4: {  	[tilespmem:s21+$0x1D80] =	vst v1  }
0x2c5: {  	v1 =	vld [tilespmem:s25+$0xD6];
	_ =	sdelay $0x4  }
0x2c6: {  	[tilespmem:s21+$0x1D90] =	vst v1  }
0x2c7: {  	v1 =	vld [tilespmem:s25+$0xE6];
	_ =	sdelay $0x4  }
0x2c8: {  	[tilespmem:s21+$0x1DA0] =	vst v1  }
0x2c9: {  	v1 =	vld [tilespmem:s25+$0xF6];
	_ =	sdelay $0x4  }
0x2ca: {  	[tilespmem:s21+$0x1DB0] =	vst v1  }
0x2cb: {  	v1 =	vld [tilespmem:s25+$0x106];
	_ =	sdelay $0x4  }
0x2cc: {  	[tilespmem:s21+$0x1DC0] =	vst v1  }
0x2cd: {  	v1 =	vld [tilespmem:s25+$0x5];
	_ =	sdelay $0x4  }
0x2ce: {  	[tilespmem:s21+$0x1E40] =	vst v1  }
0x2cf: {  	v1 =	vld [tilespmem:s25+$0x15];
	_ =	sdelay $0x4  }
0x2d0: {  	[tilespmem:s21+$0x1E50] =	vst v1  }
0x2d1: {  	v1 =	vld [tilespmem:s25+$0x25];
	_ =	sdelay $0x4  }
0x2d2: {  	[tilespmem:s21+$0x1E60] =	vst v1  }
0x2d3: {  	v1 =	vld [tilespmem:s25+$0x35];
	_ =	sdelay $0x4  }
0x2d4: {  	[tilespmem:s21+$0x1E70] =	vst v1  }
0x2d5: {  	v1 =	vld [tilespmem:s25+$0x45];
	_ =	sdelay $0x4  }
0x2d6: {  	[tilespmem:s21+$0x1E80] =	vst v1  }
0x2d7: {  	v1 =	vld [tilespmem:s25+$0x55];
	_ =	sdelay $0x4  }
0x2d8: {  	[tilespmem:s21+$0x1E90] =	vst v1  }
0x2d9: {  	v1 =	vld [tilespmem:s25+$0x65];
	_ =	sdelay $0x4  }
0x2da: {  	[tilespmem:s21+$0x1EA0] =	vst v1  }
0x2db: {  	v1 =	vld [tilespmem:s25+$0x75];
	_ =	sdelay $0x4  }
0x2dc: {  	[tilespmem:s21+$0x1EB0] =	vst v1  }
0x2dd: {  	v1 =	vld [tilespmem:s25+$0x85];
	_ =	sdelay $0x4  }
0x2de: {  	[tilespmem:s21+$0x1EC0] =	vst v1  }
0x2df: {  	v1 =	vld [tilespmem:s25+$0x95];
	_ =	sdelay $0x4  }
0x2e0: {  	[tilespmem:s21+$0x1ED0] =	vst v1  }
0x2e1: {  	v1 =	vld [tilespmem:s25+$0xA5];
	_ =	sdelay $0x4  }
0x2e2: {  	[tilespmem:s21+$0x1EE0] =	vst v1  }
0x2e3: {  	v1 =	vld [tilespmem:s25+$0xB5];
	_ =	sdelay $0x4  }
0x2e4: {  	[tilespmem:s21+$0x1EF0] =	vst v1  }
0x2e5: {  	v1 =	vld [tilespmem:s25+$0xC5];
	_ =	sdelay $0x4  }
0x2e6: {  	[tilespmem:s21+$0x1F00] =	vst v1  }
0x2e7: {  	v1 =	vld [tilespmem:s25+$0xD5];
	_ =	sdelay $0x4  }
0x2e8: {  	[tilespmem:s21+$0x1F10] =	vst v1  }
0x2e9: {  	v1 =	vld [tilespmem:s25+$0xE5];
	_ =	sdelay $0x4  }
0x2ea: {  	[tilespmem:s21+$0x1F20] =	vst v1  }
0x2eb: {  	v1 =	vld [tilespmem:s25+$0xF5];
	_ =	sdelay $0x4  }
0x2ec: {  	[tilespmem:s21+$0x1F30] =	vst v1  }
0x2ed: {  	v1 =	vld [tilespmem:s25+$0x105];
	_ =	sdelay $0x4  }
0x2ee: {  	[tilespmem:s21+$0x1F40] =	vst v1  }
0x2ef: {  	v1 =	vld [tilespmem:s25+$0x4];
	_ =	sdelay $0x4  }
0x2f0: {  	[tilespmem:s21+$0x1FC0] =	vst v1  }
0x2f1: {  	v1 =	vld [tilespmem:s25+$0x14];
	_ =	sdelay $0x4  }
0x2f2: {  	[tilespmem:s21+$0x1FD0] =	vst v1  }
0x2f3: {  	v1 =	vld [tilespmem:s25+$0x24];
	_ =	sdelay $0x4  }
0x2f4: {  	[tilespmem:s21+$0x1FE0] =	vst v1  }
0x2f5: {  	v1 =	vld [tilespmem:s25+$0x34];
	_ =	sdelay $0x4  }
0x2f6: {  	[tilespmem:s21+$0x1FF0] =	vst v1  }
0x2f7: {  	v1 =	vld [tilespmem:s25+$0x44];
	_ =	sdelay $0x4  }
0x2f8: {  	[tilespmem:s21+$0x2000] =	vst v1  }
0x2f9: {  	v1 =	vld [tilespmem:s25+$0x54];
	_ =	sdelay $0x4  }
0x2fa: {  	[tilespmem:s21+$0x2010] =	vst v1  }
0x2fb: {  	v1 =	vld [tilespmem:s25+$0x64];
	_ =	sdelay $0x4  }
0x2fc: {  	[tilespmem:s21+$0x2020] =	vst v1  }
0x2fd: {  	v1 =	vld [tilespmem:s25+$0x74];
	_ =	sdelay $0x4  }
0x2fe: {  	[tilespmem:s21+$0x2030] =	vst v1  }
0x2ff: {  	v1 =	vld [tilespmem:s25+$0x84];
	_ =	sdelay $0x4  }
0x300: {  	[tilespmem:s21+$0x2040] =	vst v1  }
0x301: {  	v1 =	vld [tilespmem:s25+$0x94];
	_ =	sdelay $0x4  }
0x302: {  	[tilespmem:s21+$0x2050] =	vst v1  }
0x303: {  	v1 =	vld [tilespmem:s25+$0xA4];
	_ =	sdelay $0x4  }
0x304: {  	[tilespmem:s21+$0x2060] =	vst v1  }
0x305: {  	v1 =	vld [tilespmem:s25+$0xB4];
	_ =	sdelay $0x4  }
0x306: {  	[tilespmem:s21+$0x2070] =	vst v1  }
0x307: {  	v1 =	vld [tilespmem:s25+$0xC4];
	_ =	sdelay $0x4  }
0x308: {  	[tilespmem:s21+$0x2080] =	vst v1  }
0x309: {  	v1 =	vld [tilespmem:s25+$0xD4];
	_ =	sdelay $0x4  }
0x30a: {  	[tilespmem:s21+$0x2090] =	vst v1  }
0x30b: {  	v1 =	vld [tilespmem:s25+$0xE4];
	_ =	sdelay $0x4  }
0x30c: {  	[tilespmem:s21+$0x20A0] =	vst v1  }
0x30d: {  	v1 =	vld [tilespmem:s25+$0xF4];
	_ =	sdelay $0x4  }
0x30e: {  	[tilespmem:s21+$0x20B0] =	vst v1  }
0x30f: {  	v1 =	vld [tilespmem:s25+$0x104];
	_ =	sdelay $0x4  }
0x310: {  	[tilespmem:s21+$0x20C0] =	vst v1  }
0x311: {  	v1 =	vld [tilespmem:s25+$0x3];
	_ =	sdelay $0x4  }
0x312: {  	[tilespmem:s21+$0x2140] =	vst v1  }
0x313: {  	v1 =	vld [tilespmem:s25+$0x13];
	_ =	sdelay $0x4  }
0x314: {  	[tilespmem:s21+$0x2150] =	vst v1  }
0x315: {  	v1 =	vld [tilespmem:s25+$0x23];
	_ =	sdelay $0x4  }
0x316: {  	[tilespmem:s21+$0x2160] =	vst v1  }
0x317: {  	v1 =	vld [tilespmem:s25+$0x33];
	_ =	sdelay $0x4  }
0x318: {  	[tilespmem:s21+$0x2170] =	vst v1  }
0x319: {  	v1 =	vld [tilespmem:s25+$0x43];
	_ =	sdelay $0x4  }
0x31a: {  	[tilespmem:s21+$0x2180] =	vst v1  }
0x31b: {  	v1 =	vld [tilespmem:s25+$0x53];
	_ =	sdelay $0x4  }
0x31c: {  	[tilespmem:s21+$0x2190] =	vst v1  }
0x31d: {  	v1 =	vld [tilespmem:s25+$0x63];
	_ =	sdelay $0x4  }
0x31e: {  	[tilespmem:s21+$0x21A0] =	vst v1  }
0x31f: {  	v1 =	vld [tilespmem:s25+$0x73];
	_ =	sdelay $0x4  }
0x320: {  	[tilespmem:s21+$0x21B0] =	vst v1  }
0x321: {  	v1 =	vld [tilespmem:s25+$0x83];
	_ =	sdelay $0x4  }
0x322: {  	[tilespmem:s21+$0x21C0] =	vst v1  }
0x323: {  	v1 =	vld [tilespmem:s25+$0x93];
	_ =	sdelay $0x4  }
0x324: {  	[tilespmem:s21+$0x21D0] =	vst v1  }
0x325: {  	v1 =	vld [tilespmem:s25+$0xA3];
	_ =	sdelay $0x4  }
0x326: {  	[tilespmem:s21+$0x21E0] =	vst v1  }
0x327: {  	v1 =	vld [tilespmem:s25+$0xB3];
	_ =	sdelay $0x4  }
0x328: {  	[tilespmem:s21+$0x21F0] =	vst v1  }
0x329: {  	v1 =	vld [tilespmem:s25+$0xC3];
	_ =	sdelay $0x4  }
0x32a: {  	[tilespmem:s21+$0x2200] =	vst v1  }
0x32b: {  	v1 =	vld [tilespmem:s25+$0xD3];
	_ =	sdelay $0x4  }
0x32c: {  	[tilespmem:s21+$0x2210] =	vst v1  }
0x32d: {  	v1 =	vld [tilespmem:s25+$0xE3];
	_ =	sdelay $0x4  }
0x32e: {  	[tilespmem:s21+$0x2220] =	vst v1  }
0x32f: {  	v1 =	vld [tilespmem:s25+$0xF3];
	_ =	sdelay $0x4  }
0x330: {  	[tilespmem:s21+$0x2230] =	vst v1  }
0x331: {  	v1 =	vld [tilespmem:s25+$0x103];
	_ =	sdelay $0x4  }
0x332: {  	[tilespmem:s21+$0x2240] =	vst v1  }
0x333: {  	v1 =	vld [tilespmem:s25+$0x2];
	_ =	sdelay $0x4  }
0x334: {  	[tilespmem:s21+$0x22C0] =	vst v1  }
0x335: {  	v1 =	vld [tilespmem:s25+$0x12];
	_ =	sdelay $0x4  }
0x336: {  	[tilespmem:s21+$0x22D0] =	vst v1  }
0x337: {  	v1 =	vld [tilespmem:s25+$0x22];
	_ =	sdelay $0x4  }
0x338: {  	[tilespmem:s21+$0x22E0] =	vst v1  }
0x339: {  	v1 =	vld [tilespmem:s25+$0x32];
	_ =	sdelay $0x4  }
0x33a: {  	[tilespmem:s21+$0x22F0] =	vst v1  }
0x33b: {  	v1 =	vld [tilespmem:s25+$0x42];
	_ =	sdelay $0x4  }
0x33c: {  	[tilespmem:s21+$0x2300] =	vst v1  }
0x33d: {  	v1 =	vld [tilespmem:s25+$0x52];
	_ =	sdelay $0x4  }
0x33e: {  	[tilespmem:s21+$0x2310] =	vst v1  }
0x33f: {  	v1 =	vld [tilespmem:s25+$0x62];
	_ =	sdelay $0x4  }
0x340: {  	[tilespmem:s21+$0x2320] =	vst v1  }
0x341: {  	v1 =	vld [tilespmem:s25+$0x72];
	_ =	sdelay $0x4  }
0x342: {  	[tilespmem:s21+$0x2330] =	vst v1  }
0x343: {  	v1 =	vld [tilespmem:s25+$0x82];
	_ =	sdelay $0x4  }
0x344: {  	[tilespmem:s21+$0x2340] =	vst v1  }
0x345: {  	v1 =	vld [tilespmem:s25+$0x92];
	_ =	sdelay $0x4  }
0x346: {  	[tilespmem:s21+$0x2350] =	vst v1  }
0x347: {  	v1 =	vld [tilespmem:s25+$0xA2];
	_ =	sdelay $0x4  }
0x348: {  	[tilespmem:s21+$0x2360] =	vst v1  }
0x349: {  	v1 =	vld [tilespmem:s25+$0xB2];
	_ =	sdelay $0x4  }
0x34a: {  	[tilespmem:s21+$0x2370] =	vst v1  }
0x34b: {  	v1 =	vld [tilespmem:s25+$0xC2];
	_ =	sdelay $0x4  }
0x34c: {  	[tilespmem:s21+$0x2380] =	vst v1  }
0x34d: {  	v1 =	vld [tilespmem:s25+$0xD2];
	_ =	sdelay $0x4  }
0x34e: {  	[tilespmem:s21+$0x2390] =	vst v1  }
0x34f: {  	v1 =	vld [tilespmem:s25+$0xE2];
	_ =	sdelay $0x4  }
0x350: {  	[tilespmem:s21+$0x23A0] =	vst v1  }
0x351: {  	v1 =	vld [tilespmem:s25+$0xF2];
	_ =	sdelay $0x4  }
0x352: {  	[tilespmem:s21+$0x23B0] =	vst v1  }
0x353: {  	v1 =	vld [tilespmem:s25+$0x102];
	_ =	sdelay $0x4  }
0x354: {  	[tilespmem:s21+$0x23C0] =	vst v1  }
0x355: {  	v1 =	vld [tilespmem:s25+$0x1];
	_ =	sdelay $0x4  }
0x356: {  	[tilespmem:s21+$0x2440] =	vst v1  }
0x357: {  	v1 =	vld [tilespmem:s25+$0x11];
	_ =	sdelay $0x4  }
0x358: {  	[tilespmem:s21+$0x2450] =	vst v1  }
0x359: {  	v1 =	vld [tilespmem:s25+$0x21];
	_ =	sdelay $0x4  }
0x35a: {  	[tilespmem:s21+$0x2460] =	vst v1  }
0x35b: {  	v1 =	vld [tilespmem:s25+$0x31];
	_ =	sdelay $0x4  }
0x35c: {  	[tilespmem:s21+$0x2470] =	vst v1  }
0x35d: {  	v1 =	vld [tilespmem:s25+$0x41];
	_ =	sdelay $0x4  }
0x35e: {  	[tilespmem:s21+$0x2480] =	vst v1  }
0x35f: {  	v1 =	vld [tilespmem:s25+$0x51];
	_ =	sdelay $0x4  }
0x360: {  	[tilespmem:s21+$0x2490] =	vst v1  }
0x361: {  	v1 =	vld [tilespmem:s25+$0x61];
	_ =	sdelay $0x4  }
0x362: {  	[tilespmem:s21+$0x24A0] =	vst v1  }
0x363: {  	v1 =	vld [tilespmem:s25+$0x71];
	_ =	sdelay $0x4  }
0x364: {  	[tilespmem:s21+$0x24B0] =	vst v1  }
0x365: {  	v1 =	vld [tilespmem:s25+$0x81];
	_ =	sdelay $0x4  }
0x366: {  	[tilespmem:s21+$0x24C0] =	vst v1  }
0x367: {  	v1 =	vld [tilespmem:s25+$0x91];
	_ =	sdelay $0x4  }
0x368: {  	[tilespmem:s21+$0x24D0] =	vst v1  }
0x369: {  	v1 =	vld [tilespmem:s25+$0xA1];
	_ =	sdelay $0x4  }
0x36a: {  	[tilespmem:s21+$0x24E0] =	vst v1  }
0x36b: {  	v1 =	vld [tilespmem:s25+$0xB1];
	_ =	sdelay $0x4  }
0x36c: {  	[tilespmem:s21+$0x24F0] =	vst v1  }
0x36d: {  	v1 =	vld [tilespmem:s25+$0xC1];
	_ =	sdelay $0x4  }
0x36e: {  	[tilespmem:s21+$0x2500] =	vst v1  }
0x36f: {  	v1 =	vld [tilespmem:s25+$0xD1];
	_ =	sdelay $0x4  }
0x370: {  	[tilespmem:s21+$0x2510] =	vst v1  }
0x371: {  	v1 =	vld [tilespmem:s25+$0xE1];
	_ =	sdelay $0x4  }
0x372: {  	[tilespmem:s21+$0x2520] =	vst v1  }
0x373: {  	v1 =	vld [tilespmem:s25+$0xF1];
	_ =	sdelay $0x4  }
0x374: {  	[tilespmem:s21+$0x2530] =	vst v1  }
0x375: {  	s20 =	sadd.s32 $0x8, s20;
	v1 =	vld [tilespmem:s25+$0x101]  }
0x376: {  	s20 =	sand.u32 $0xFFFFFFF0, s20  }
0x377: {  	p0 =	sgt.s32 s20, $0x0  }
0x378: {  	s20 =	simm.s32 @!p0 $0x0  }
0x379: {  	s20 =	smin.u32 s20, $0x70  }
0x37a: {  	s26 =	sadd.s32 s20, s22;
	[tilespmem:s21+$0x2540] =	vst v1  }
0x37b: {  	v1 =	vld [tilespmem:s26+$0x0];
	_ =	sdelay $0x4  }
0x37c: {  	[tilespmem:s20+$0x25C0] =	vst v1  }
0x37d: {  	v1 =	vld [tilespmem:s26+$0x10];
	_ =	sdelay $0x4  }
0x37e: {  	[tilespmem:s20+$0x25D0] =	vst v1  }
0x37f: {  	v1 =	vld [tilespmem:s26+$0x20];
	_ =	sdelay $0x4  }
0x380: {  	[tilespmem:s20+$0x25E0] =	vst v1  }
0x381: {  	v1 =	vld [tilespmem:s26+$0x30];
	_ =	sdelay $0x4  }
0x382: {  	[tilespmem:s20+$0x25F0] =	vst v1  }
0x383: {  	v1 =	vld [tilespmem:s26+$0x40];
	_ =	sdelay $0x4  }
0x384: {  	[tilespmem:s20+$0x2600] =	vst v1  }
0x385: {  	v1 =	vld [tilespmem:s26+$0x50];
	_ =	sdelay $0x4  }
0x386: {  	[tilespmem:s20+$0x2610] =	vst v1  }
0x387: {  	v1 =	vld [tilespmem:s26+$0x60];
	_ =	sdelay $0x4  }
0x388: {  	[tilespmem:s20+$0x2620] =	vst v1  }
0x389: {  	v1 =	vld [tilespmem:s26+$0x70];
	_ =	sdelay $0x4  }
0x38a: {  	[tilespmem:s20+$0x2630] =	vst v1  }
0x38b: {  	v1 =	vld [tilespmem:s26+$0x80];
	_ =	sdelay $0x4  }
0x38c: {  	[tilespmem:s20+$0x2640] =	vst v1  }
0x38d: {  	v1 =	vld [tilespmem:s26+$0x90];
	_ =	sdelay $0x4  }
0x38e: {  	[tilespmem:s20+$0x2650] =	vst v1  }
0x38f: {  	v1 =	vld [tilespmem:s26+$0xA0];
	_ =	sdelay $0x4  }
0x390: {  	[tilespmem:s20+$0x2660] =	vst v1  }
0x391: {  	v1 =	vld [tilespmem:s26+$0xB0];
	_ =	sdelay $0x4  }
0x392: {  	[tilespmem:s20+$0x2670] =	vst v1  }
0x393: {  	v1 =	vld [tilespmem:s26+$0xC0];
	_ =	sdelay $0x4  }
0x394: {  	[tilespmem:s20+$0x2680] =	vst v1  }
0x395: {  	v1 =	vld [tilespmem:s26+$0xD0];
	_ =	sdelay $0x4  }
0x396: {  	[tilespmem:s20+$0x2690] =	vst v1  }
0x397: {  	v1 =	vld [tilespmem:s26+$0xE0];
	_ =	sdelay $0x4  }
0x398: {  	[tilespmem:s20+$0x26A0] =	vst v1  }
0x399: {  	v1 =	vld [tilespmem:s26+$0xF0];
	_ =	sdelay $0x1  }
0x39a: {  	s28 =	sshll.u32 s18, $0x9  }
0x39b: {  	s21 =	sand.u32 $0x3800, s28  }
0x39c: {  	s29 =	sshll.u32 s18, $0x1;
	s19 =	sor.u32 s21, s19  }
0x39d: {  	s21 =	smul.u32 $0x30, s19;
	s19 =	sadd.s32 $0x2, s29;
	[tilespmem:s20+$0x26B0] =	vst v1  }
0x39e: {  	s31 =	sand.u32 $0x6, s19;
	v1 =	vld [tilespmem:s26+$0x100]  }
0x39f: {  	p0 =	sne.s32 s31, $0x0  }
.Ltmp5:
0x3a0: {  	_ = 	snop;
	(pc) =	sbr.rel @p0 .LBB2_8-.Ltmp5, $3  }
0x3a1: {  	_ =	sdelay $0x1  }
0x3a2: {  	s30 =	sadd.s32 s2, s21;
	[tilespmem:s20+$0x26C0] =	vst v1  }
0x3a3: {  	[hbm4b:s30+s3] =	stream.linear.scatter [tilespmem:s14], [sflag:$0x2], $0xC00, $0x38;
	[tilespmem:$0x2760] =	vst v63  }
0x3a4: {  	s20 =	sshrl.u32 s19, $0x3  }
0x3a5: {  	s20 =	smin.u32 s20, $0x5  }
0x3a6: {  	s20 =	smul.u32 $0x101, s20  }
0x3a7: {  	s21 =	simm.s32 $0x680  }
0x3a8: {  	v1 =	vadd.s32 s21, v0;
	s20 =	sadd.s32 $0x606, s20  }
0x3a9: {  	vm0 =	vgt.s32 v1, $0xFFFFFF80;
	v2 =	vmov s20  }
0x3aa: {  	v3 =	vnsel vm0, $0xFFFFFF80, v1;
	v2 =	vadd.s32 $0x80, v2  }
0x3ab: {  	vm0 =	vlt.s32 v3, $0x80;
	v1 =	vbroadcast v2, $0x0  }
0x3ac: {  	v2 =	vnsel vm0, $0x80, v3  }
0x3ad: {  	s29 =	simm.s32 $0x690;
	v2 =	vadd.s32 v1, v2  }
0x3ae: {  	v3 =	vadd.s32 s29, v0  }
0x3af: {  	vm14 =	vgt.s32 v3, $0xFFFFFF80  }
0x3b0: {  	v3 =	vnsel vm14, $0xFFFFFF80, v3  }
0x3b1: {  	vm0 =	vlt.s32 v3, $0x80  }
0x3b2: {  	v3 =	vnsel vm0, $0x80, v3;
	v2 =	vld.idx.msk [tilespmem:v2+s3+$0x0], $0xffff  }
0x3b3: {  	s30 =	simm.s32 $0x6A0;
	v3 =	vadd.s32 v1, v3  }
0x3b4: {  	v4 =	vadd.s32 s30, v0  }
0x3b5: {  	vm15 =	vgt.s32 v4, $0xFFFFFF80  }
0x3b6: {  	v4 =	vnsel vm15, $0xFFFFFF80, v4;
	s20 =	simm.s32 $0xC10  }
0x3b7: {  	vm0 =	vlt.s32 v4, $0x80;
	[tilespmem:s20+$0x0] =	vst v2  }
0x3b8: {  	v4 =	vnsel vm0, $0x80, v4;
	v2 =	vld.idx.msk [tilespmem:v3+s3+$0x0], $0xffff  }
0x3b9: {  	v3 =	vadd.s32 v1, v4  }
0x3ba: {  	s31 =	simm.s32 $0x6B0  }
0x3bb: {  	s21 =	simm.s32 $0x6C0;
	v4 =	vadd.s32 s31, v0  }
.LBB2_6:
0x3bc: {  	p0 =	sne.s32 s21, $0x980;
	vm0 =	vgt.s32 v4, $0xFFFFFF80;
	s20 =	sadd.s32 $0x10, s20  }
0x3bd: {  	v4 =	vnsel vm0, $0xFFFFFF80, v4;
	[tilespmem:s20+$0x0] =	vst v2  }
.Ltmp6:
0x3be: {  	vm0 =	vlt.s32 v4, $0x80;
	v2 =	vld.idx.msk [tilespmem:v3+s3+$0x0], $0xffff;
	(pc) =	sbr.rel @p0 .LBB2_6-.Ltmp6, $3  }
0x3bf: {  	v3 =	vnsel vm0, $0x80, v4  }
0x3c0: {  	v3 =	vadd.s32 v1, v3;
	_ =	sdelay $0x1  }
0x3c1: {  	v4 =	vadd.s32 s21, v0;
	s21 =	sadd.s32 $0x10, s21  }
0x3c2: {  	_ = 	snop  }
0x3c3: {  	vm0 =	vgt.s32 v4, $0xFFFFFF80  }
0x3c4: {  	s20 =	sadd.s32 $0x10, s20;
	v4 =	vnsel vm0, $0xFFFFFF80, v4  }
0x3c5: {  	[tilespmem:s20+$0x0] =	vst v2;
	vm0 =	vlt.s32 v4, $0x80  }
0x3c6: {  	v2 =	vld.idx.msk [tilespmem:v3+s3+$0x0], $0xffff;
	v3 =	vnsel vm0, $0x80, v4  }
0x3c7: {  	v1 =	vadd.s32 v1, v3;
	_ =	sdelay $0x2  }
0x3c8: {  	s20 =	sadd.s32 $0x10, s20  }
0x3c9: {  	[tilespmem:s20+$0x0] =	vst v2  }
0x3ca: {  	v1 =	vld.idx.msk [tilespmem:v1+s3+$0x0], $0xffff  }
.Ltmp7:
0x3cb: {  	_ = 	snop;
	(pc) =	sbr.rel .LBB2_8-.Ltmp7, $3  }
0x3cc: {  	_ =	sdelay $0x1  }
0x3cd: {  	s20 =	sadd.s32 $0x10, s20  }
0x3ce: {  	[tilespmem:s20+$0x0] =	vst v1  }
.LBB2_10:
0x3cf: {  	_ =	sfence.sel $0x180000  }
0x3d0: {  	[bflag:$0x0] =	sbarrier.arrive $0xFFFF  }
0x3d1: {  	p0 =	sne.s32 s0, $0x0;
	_ =	strace $0x9000004A  }
0x3d2: {  	s0 =	sadd.s32 @!p0 $0x100000, s1;
	[bflag:$0x2] =	sbarrier.arrive $0xFFFF  }
0x3d3: {  	[sflag:s0] =	ssyncadd.tile.s32 @!p0 $0x1;
	_ =	shalt  }
.Lfunc_end2:
_tile_overlayer_lowered:
.L_overlay_start_2:
0x3d4: {  	(tag) =	ssettag $0x2  }
0x3d5: {  	s0 =	rddreg [dreg:$0x0];
	s2 =	stileid.u32  }
0x3d6: {  	s1 =	rddreg [dreg:$0x1];
	p0 =	sne.s32 s2, $0x0  }
0x3d7: {  	s3 =	rddreg [dreg:$0x2];
	[bflag:$0x3] =	sbarrier.arrive $0xFFFF;
	s2 =	simm.s32 @!p0 $0x1C03  }
0x3d8: {  	[timem:s3], [sflag:s2] =	dma.local @!p0 [hbm:s0], s1  }
0x3d9: {  	s0 =	simm.s32 @!p0 $0x3  }
0x3da: {  	_ =	swait.ge @!p0 [sflag:s0], s1  }
0x3db: {  	s1 =	ssub.s32 @!p0 $0x0, s1;
	[sflag:s0] =	ssyncset.done @!p0 $0x0  }
0x3dc: {  	[sflag:s0] =	ssyncadd.s32 @!p0 s1  }
0x3dd: {  	[bflag:$0x3] =	sbarrier.arrive $0xFFFF  }
0x3de: {  	_ =	shalt  }

</sc_bundles>
